<compile_context>
chip_gen: v7x
topology: tpu7x:2x2x1
jax: 0.10.2.dev20260603
libtpu: 0.0.44.dev20260713+nightly
codegen_flags: <defaults>
</compile_context>

<pallas_src>
import functools

import jax
import jax.numpy as jnp
from jax import lax
from jax.experimental import pallas as pl
from jax.experimental.pallas import tpu as pltpu
from jax.experimental.pallas import tpu_sc as plsc

N = 10000
E = 320000
D = 128
H = 16

NC, NS, L = 2, 16, 16
NW = NC * NS
EPW = E // NW
CH = 80
CPW = EPW // CH
K = 5
G = CPW // K
NPAD = 10240
RPT = NPAD // NS
PK = NPAD * H // 128
PKN = N * H // 128

_f32 = jnp.float32


def _sc_mesh():
    return plsc.VectorSubcoreMesh(
        core_axis_name="c", subcore_axis_name="s", num_cores=NC, num_subcores=NS
    )


def _deg_body(ei_hbm, deg_hbm, deg_sh, dst_v, one_v, zero_v, dsem):
    cid = lax.axis_index("c")
    sid = lax.axis_index("s")
    wid = cid * NS + sid

    def fill_zero(i, carry):
        zero_v[pl.ds(i * L, L)] = jnp.zeros((L,), _f32)
        return carry
    lax.fori_loop(0, RPT // L, fill_zero, 0)
    pltpu.sync_copy(zero_v, deg_sh.at[pl.ds(sid * RPT, RPT)])

    def fill_ones(i, carry):
        one_v[pl.ds(i * L, L)] = jnp.ones((L,), _f32)
        return carry
    lax.fori_loop(0, CH // L, fill_ones, 0)

    pltpu.sync_copy(ei_hbm.at[pl.ds(E + wid * EPW, EPW)], dst_v)
    plsc.subcore_barrier()

    def group(jj, carry):
        for b in range(K):
            j = jj * K + b
            pltpu.async_copy(one_v, deg_sh.at[dst_v.at[pl.ds(j * CH, CH)]],
                             dsem, add=True)
        for b in range(K):
            pltpu.make_async_copy(deg_hbm.at[0, pl.ds(0, CH)], one_v,
                                  dsem).wait()
        return carry
    lax.fori_loop(0, G, group, 0)

    plsc.subcore_barrier()
    pltpu.sync_copy(deg_sh.at[pl.ds(sid * RPT, RPT)],
                    deg_hbm.at[cid, pl.ds(sid * RPT, RPT)])


def _deg_call(ei1d):
    fn = pl.kernel(
        _deg_body,
        out_type=jax.ShapeDtypeStruct((NC, NPAD), _f32),
        mesh=_sc_mesh(),
        compiler_params=pltpu.CompilerParams(use_tc_tiling_on_sc=False,
                                              needs_layout_passes=False),
        scratch_types=[
            pltpu.VMEM_SHARED((NPAD,), _f32),
            pltpu.VMEM((EPW,), jnp.int32),
            pltpu.VMEM((CH,), _f32),
            pltpu.VMEM((RPT,), _f32),
            pltpu.SemaphoreType.DMA,
        ],
    )
    return fn(ei1d)


def _fill_zero(zero_v):
    def body(i, carry):
        for u in range(8):
            zero_v[i * 8 + u] = jnp.zeros((L,), _f32)
        return carry
    lax.fori_loop(0, RPT // 8, body, 0)


def _edge_pipeline(g_sh, acc_sh, src_v, dst_v, msg_v, dummy_hbm, gsem, ssem):
    for b in range(K):
        pltpu.async_copy(g_sh.at[src_v.at[pl.ds(b * CH, CH)]], msg_v.at[b],
                         gsem)

    def group(jj, carry):
        s = (jj % 2) * K
        sn = ((jj + 1) % 2) * K

        @pl.when(jj > 0)
        def _drain_prev():
            for b in range(K):
                pltpu.make_async_copy(dummy_hbm.at[pl.ds(0, CH)],
                                      msg_v.at[sn + b], ssem).wait()

        @pl.when(jj < G - 1)
        def _prefetch_next():
            for b in range(K):
                jn = (jj + 1) * K + b
                pltpu.async_copy(g_sh.at[src_v.at[pl.ds(jn * CH, CH)]],
                                 msg_v.at[sn + b], gsem)

        for b in range(K):
            j = jj * K + b
            pltpu.make_async_copy(dummy_hbm.at[pl.ds(0, CH)], msg_v.at[s + b],
                                  gsem).wait()
            pltpu.async_copy(msg_v.at[s + b],
                             acc_sh.at[dst_v.at[pl.ds(j * CH, CH)]], ssem,
                             add=True)
        return carry
    lax.fori_loop(0, G, group, 0)

    for b in range(K):
        pltpu.make_async_copy(dummy_hbm.at[pl.ds(0, CH)], msg_v.at[b],
                              ssem).wait()


def _msg_body(h_hbm, deg_hbm, ei_hbm, acc_hbm, gp_hbm, disp_hbm,
              g_sh, acc_sh, src_v, dst_v, msg_v, zero_v,
              hbuf, dpbuf, dg0, dg1, disb, gsem, ssem):
    cid = lax.axis_index("c")
    sid = lax.axis_index("s")
    wid = cid * NS + sid

    pltpu.async_copy(h_hbm.at[pl.ds(sid * RPT, RPT)], hbuf, gsem)
    pltpu.async_copy(deg_hbm.at[0, pl.ds(sid * RPT, RPT)], dg0, gsem)
    pltpu.async_copy(deg_hbm.at[1, pl.ds(sid * RPT, RPT)], dg1, gsem)
    pltpu.async_copy(ei_hbm.at[pl.ds(wid * EPW, EPW)], src_v, gsem)
    pltpu.async_copy(ei_hbm.at[pl.ds(E + wid * EPW, EPW)], dst_v, gsem)
    _fill_zero(zero_v)
    pltpu.make_async_copy(h_hbm.at[pl.ds(sid * RPT, RPT)], hbuf, gsem).wait()
    pltpu.make_async_copy(deg_hbm.at[0, pl.ds(sid * RPT, RPT)], dg0,
                          gsem).wait()
    pltpu.make_async_copy(deg_hbm.at[1, pl.ds(sid * RPT, RPT)], dg1,
                          gsem).wait()
    pltpu.make_async_copy(ei_hbm.at[pl.ds(wid * EPW, EPW)], src_v, gsem).wait()
    pltpu.make_async_copy(ei_hbm.at[pl.ds(E + wid * EPW, EPW)], dst_v,
                          gsem).wait()
    pltpu.sync_copy(zero_v, acc_sh.at[pl.ds(sid * RPT, RPT)])

    def rsq(i, carry):
        d = dg0[pl.ds(i * L, L)] + dg1[pl.ds(i * L, L)] + 1.0
        yi = jnp.int32(0x5F3759DF) - (plsc.bitcast(d, jnp.int32) >> 1)
        y = plsc.bitcast(yi, _f32)
        hd = 0.5 * d
        y = y * (1.5 - hd * y * y)
        y = y * (1.5 - hd * y * y)
        y = y * (1.5 - hd * y * y)
        disb[pl.ds(i * L, L)] = y
        return carry
    lax.fori_loop(0, RPT // L, rsq, 0)

    dnums = lax.GatherDimensionNumbers(
        offset_dims=(), collapsed_slice_dims=(0,), start_index_map=(0,))

    def mkdis(i, carry):
        dv16 = disb[pl.ds(i * L, L)]
        for k in range(L):
            idx = jnp.full((L, 1), k, jnp.int32)
            dpv = lax.gather(dv16, idx, dnums, (1,),
                             mode=lax.GatherScatterMode.PROMISE_IN_BOUNDS)
            r = i * L + k
            dpbuf[r] = dpv
            hbuf[r] = hbuf[r] * dpv
        return carry
    lax.fori_loop(0, RPT // L, mkdis, 0)

    pltpu.sync_copy(hbuf, g_sh.at[pl.ds(sid * RPT, RPT)])
    pltpu.sync_copy(hbuf, gp_hbm.at[pl.ds(sid * RPT, RPT)])
    pltpu.sync_copy(dpbuf, disp_hbm.at[pl.ds(sid * RPT, RPT)])
    plsc.subcore_barrier()

    _edge_pipeline(g_sh, acc_sh, src_v, dst_v, msg_v, gp_hbm, gsem, ssem)

    plsc.subcore_barrier()
    pltpu.sync_copy(acc_sh.at[pl.ds(sid * RPT, RPT)],
                    acc_hbm.at[cid, pl.ds(sid * RPT, RPT)])


def _msg_call(h, deg, ei1d):
    fn = pl.kernel(
        _msg_body,
        out_type=(
            jax.ShapeDtypeStruct((NC, NPAD, H), _f32),
            jax.ShapeDtypeStruct((NPAD, H), _f32),
            jax.ShapeDtypeStruct((NPAD, H), _f32),
        ),
        mesh=_sc_mesh(),
        compiler_params=pltpu.CompilerParams(use_tc_tiling_on_sc=False,
                                              needs_layout_passes=False),
        scratch_types=[
            pltpu.VMEM_SHARED((NPAD, H), _f32),
            pltpu.VMEM_SHARED((NPAD, H), _f32),
            pltpu.VMEM((EPW,), jnp.int32),
            pltpu.VMEM((EPW,), jnp.int32),
            pltpu.VMEM((2 * K, CH, H), _f32),
            pltpu.VMEM((RPT, H), _f32),
            pltpu.VMEM((RPT, H), _f32),
            pltpu.VMEM((RPT, H), _f32),
            pltpu.VMEM((RPT,), _f32),
            pltpu.VMEM((RPT,), _f32),
            pltpu.VMEM((RPT,), _f32),
            pltpu.SemaphoreType.DMA,
            pltpu.SemaphoreType.DMA,
        ],
    )
    return fn(h, deg, ei1d)


def _msg_plain_body(g_hbm, ei_hbm, acc_hbm,
                    g_sh, acc_sh, src_v, dst_v, msg_v, zero_v, gsem, ssem):
    cid = lax.axis_index("c")
    sid = lax.axis_index("s")
    wid = cid * NS + sid

    pltpu.async_copy(g_hbm.at[pl.ds(sid * RPT, RPT)],
                     g_sh.at[pl.ds(sid * RPT, RPT)], gsem)
    pltpu.async_copy(ei_hbm.at[pl.ds(wid * EPW, EPW)], src_v, gsem)
    pltpu.async_copy(ei_hbm.at[pl.ds(E + wid * EPW, EPW)], dst_v, gsem)
    _fill_zero(zero_v)
    pltpu.make_async_copy(g_hbm.at[pl.ds(sid * RPT, RPT)],
                          g_sh.at[pl.ds(sid * RPT, RPT)], gsem).wait()
    pltpu.make_async_copy(ei_hbm.at[pl.ds(wid * EPW, EPW)], src_v, gsem).wait()
    pltpu.make_async_copy(ei_hbm.at[pl.ds(E + wid * EPW, EPW)], dst_v,
                          gsem).wait()
    pltpu.sync_copy(zero_v, acc_sh.at[pl.ds(sid * RPT, RPT)])
    plsc.subcore_barrier()

    _edge_pipeline(g_sh, acc_sh, src_v, dst_v, msg_v, g_hbm, gsem, ssem)

    plsc.subcore_barrier()
    pltpu.sync_copy(acc_sh.at[pl.ds(sid * RPT, RPT)],
                    acc_hbm.at[cid, pl.ds(sid * RPT, RPT)])


def _msg_plain_call(g, ei1d):
    fn = pl.kernel(
        _msg_plain_body,
        out_type=jax.ShapeDtypeStruct((NC, NPAD, H), _f32),
        mesh=_sc_mesh(),
        compiler_params=pltpu.CompilerParams(use_tc_tiling_on_sc=False,
                                              needs_layout_passes=False),
        scratch_types=[
            pltpu.VMEM_SHARED((NPAD, H), _f32),
            pltpu.VMEM_SHARED((NPAD, H), _f32),
            pltpu.VMEM((EPW,), jnp.int32),
            pltpu.VMEM((EPW,), jnp.int32),
            pltpu.VMEM((2 * K, CH, H), _f32),
            pltpu.VMEM((RPT, H), _f32),
            pltpu.SemaphoreType.DMA,
            pltpu.SemaphoreType.DMA,
        ],
    )
    return fn(g, ei1d)


def _blockdiag(m, reps):
    r, c = m.shape
    rows = []
    for j in range(reps):
        parts = []
        if j > 0:
            parts.append(jnp.zeros((r, c * j), _f32))
        parts.append(m)
        if j < reps - 1:
            parts.append(jnp.zeros((r, c * (reps - 1 - j)), _f32))
        rows.append(jnp.concatenate(parts, axis=1) if len(parts) > 1 else m)
    return jnp.concatenate(rows, axis=0)


def _k1a_body(x_ref, w1_ref, h_ref):
    w1bd = _blockdiag(w1_ref[...], 128 // H)
    h = jnp.dot(x_ref[...], w1bd, preferred_element_type=_f32)
    h_ref[pl.ds(0, PKN), :] = h


def _k1a(x8, W1):
    return pl.pallas_call(
        _k1a_body,
        out_shape=jax.ShapeDtypeStruct((PK, 128), _f32),
    )(x8, W1)


def _k2_body(acc_ref, g1_ref, dis_ref, b1_ref, w2_ref, g2_ref):
    b1t = jnp.concatenate([b1_ref[...]] * (128 // H), axis=1)
    w2bd = _blockdiag(w2_ref[...], 128 // H)
    dis = dis_ref[...]
    z = dis * (acc_ref[0] + acc_ref[1] + g1_ref[...]) + b1t
    a1 = jnp.maximum(z, 0.0)
    h2 = jnp.dot(a1, w2bd, preferred_element_type=_f32)
    g2_ref[...] = h2 * dis


def _k2(acc1, g1p, disp, b1, W2):
    return pl.pallas_call(
        _k2_body,
        out_shape=jax.ShapeDtypeStruct((PK, 128), _f32),
    )(acc1, g1p, disp, b1, W2)


def _k3_body(acc_ref, g2_ref, dis_ref, b2_ref, out_ref):
    b2t = jnp.concatenate([b2_ref[...]] * (128 // H), axis=1)
    s = acc_ref[0, :PKN, :] + acc_ref[1, :PKN, :] + g2_ref[:PKN, :]
    out_ref[...] = dis_ref[:PKN, :] * s + b2t


def _k3(acc2, g2p, disp, b2):
    return pl.pallas_call(
        _k3_body,
        out_shape=jax.ShapeDtypeStruct((PKN, 128), _f32),
    )(acc2, g2p, disp, b2)


def kernel(x, edge_index, W1, b1, W2, b2):
    ei1d = edge_index.astype(jnp.int32).reshape(-1)

    x8 = x.reshape(PKN, 8 * D)
    h1p = _k1a(x8, W1)
    deg = _deg_call(ei1d)
    acc1, g1p, dis1 = _msg_call(h1p.reshape(NPAD, H), deg, ei1d)
    g2p = _k2(acc1.reshape(NC, PK, 128), g1p.reshape(PK, 128),
              dis1.reshape(PK, 128), b1.reshape(1, H), W2)
    acc2 = _msg_plain_call(g2p.reshape(NPAD, H), ei1d)
    outp = _k3(acc2.reshape(NC, PK, 128), g2p,
               dis1.reshape(PK, 128), b2.reshape(1, H))
    return outp.reshape(N, H)

# --- scband reference (transcript-rebuilt; emitter-appended) ---
"""Pipeline reference for scband-gcn-58394375356710 (READ-ONLY COPY).

The authoritative reference and input builder live on the scoring server;
editing this copy changes nothing except your own understanding.
"""

import jax, jax.numpy as jnp
import numpy as np

N_NODES = 10000
N_EDGES = 320000
D_FEAT = 128
HIDDEN = 16
N_CLASSES = 16


def setup_inputs(seed: int = 0) -> dict:
    key = jax.random.key(seed)
    k1, k2, k3, k4, k5, k6 = jax.random.split(key, 6)
    x = jax.random.normal(k1, (N_NODES, D_FEAT), dtype=jnp.float32)
    edge_index = jax.random.randint(k2, (2, N_EDGES), 0, N_NODES, dtype=jnp.int64)
    # GCNConv layer 1: in=D_FEAT, out=HIDDEN (glorot-style init)
    W1 = jax.random.normal(k3, (D_FEAT, HIDDEN), dtype=jnp.float32) * (1.0 / np.sqrt(D_FEAT))
    b1 = jnp.zeros((HIDDEN,), dtype=jnp.float32)
    # GCNConv layer 2: in=HIDDEN, out=N_CLASSES
    W2 = jax.random.normal(k4, (HIDDEN, N_CLASSES), dtype=jnp.float32) * (1.0 / np.sqrt(HIDDEN))
    b2 = jnp.zeros((N_CLASSES,), dtype=jnp.float32)
    return {"x": x, "edge_index": edge_index, "W1": W1, "b1": b1, "W2": W2, "b2": b2}


def _gcn_conv(x, edge_index, W, b, num_nodes):
    # linear transform first (as in torch_geometric GCNConv)
    h = x @ W
    src = edge_index[0]
    dst = edge_index[1]
    # add self-loops
    loop = jnp.arange(num_nodes, dtype=edge_index.dtype)
    src = jnp.concatenate([src, loop])
    dst = jnp.concatenate([dst, loop])
    # symmetric normalization D^{-1/2} (A+I) D^{-1/2}
    deg = jnp.zeros((num_nodes,), dtype=h.dtype).at[dst].add(1.0)
    deg_inv_sqrt = jnp.where(deg > 0, 1.0 / jnp.sqrt(deg), 0.0)
    norm = deg_inv_sqrt[src] * deg_inv_sqrt[dst]
    # gather messages from src, scale, scatter-add into dst
    msg = h[src] * norm[:, None]
    out = jax.ops.segment_sum(msg, dst, num_segments=num_nodes)
    return out + b


def reference(x, edge_index, W1, b1, W2, b2):
    h = _gcn_conv(x, edge_index, W1, b1, N_NODES)
    h = jax.nn.relu(h)
    # dropout p=0.5 is identity in eval mode (training=False)
    out = _gcn_conv(h, edge_index, W2, b2, N_NODES)
    return out

if __name__ == "__main__":
    import jax
    _d = setup_inputs()
    print(jax.jit(kernel)(*tuple(_d.values())))

</pallas_src>

<mosaic_0001>
#map = affine_map<(d0, d1) -> (0)>
#map1 = affine_map<(d0, d1) -> (0, 0)>
module attributes {stable_mosaic.version = 14 : i64} {
  func.func @_deg_body(%arg0: i32, %arg1: i32, %arg2: memref<640000xi32, #tpu.memory_space<hbm>>, %arg3: memref<2x10240xf32, #tpu.memory_space<hbm>>, %arg4: memref<10240xf32, #tpu.memory_space<vmem_shared>>, %arg5: memref<10000xi32, #tpu.memory_space<vmem>>, %arg6: memref<80xf32, #tpu.memory_space<vmem>>, %arg7: memref<640xf32, #tpu.memory_space<vmem>>, %arg8: memref<!tpu.dma_semaphore, #tpu.memory_space<semaphore_mem>>) attributes {dimension_semantics = [#tpu.dimension_semantics<core_parallel>, #tpu.dimension_semantics<subcore_parallel>], iteration_bounds = array<i64: 2, 16>, scalar_prefetch = 0 : i64, scratch_operands = 5 : i64, tpu.core_type = #tpu.core_type<sc_vector_subcore>, window_params = [{transform_indices = #map}, {transform_indices = #map1}]} {
    %mul3A = arith.constant 16 : i32
    %mul3A_0 = arith.muli %arg0, %mul3A : i32
    %add3A = arith.addi %mul3A_0, %arg1 : i32
    %scan3A = arith.constant 0 : i32
    %scan3A_1 = arith.constant 0 : i32
    %scan3A_2 = arith.constant 40 : i32
    %scan3A_3 = arith.addi %scan3A_1, %scan3A_2 : i32
    %scan3A_4 = arith.constant 1 : i32
    scf.for %scan3A_29 = %scan3A_1 to %scan3A_3 step %scan3A_4  : i32 {
      %broadcast_in_dim3A = arith.constant 0.000000e+00 : f32
      %broadcast_in_dim3A_30 = vector.broadcast %broadcast_in_dim3A : f32 to vector<16xf32>
      %mul3A_31 = arith.constant 16 : i32
      %mul3A_32 = arith.muli %scan3A_29, %mul3A_31 : i32
      %swap3A = arith.index_cast %mul3A_32 : i32 to index
      %swap3A_33 = tpu.vector_load %arg7[%swap3A] {strides = array<i32>} : memref<640xf32, #tpu.memory_space<vmem>>, vector<16xf32>,
      tpu.vector_store %arg7[%swap3A], %broadcast_in_dim3A_30 {strides = array<i32>} : memref<640xf32, #tpu.memory_space<vmem>>, vector<16xf32>,
    }
    %scan3A_5 = arith.constant 40 : i32
    %mul3A_6 = arith.constant 640 : i32
    %mul3A_7 = arith.muli %arg1, %mul3A_6 : i32
    "tpu.region"() ({
      %run_scoped3A = tpu.sem_alloc : memref<!tpu.dma_semaphore, #tpu.memory_space<semaphore_mem>>
      %dma_start3A = tpu.memref_slice %arg4[%mul3A_7] : memref<10240xf32, #tpu.memory_space<vmem_shared>> -> memref<640xf32, #tpu.memory_space<vmem_shared>>
      %dma_start3A_29 = tpu.memref_slice %arg4[%mul3A_7] : memref<10240xf32, #tpu.memory_space<vmem_shared>> -> memref<640xf32, #tpu.memory_space<vmem_shared>>
      tpu.enqueue_dma source(%arg7 : memref<640xf32, #tpu.memory_space<vmem>>) target(%dma_start3A_29 : memref<640xf32, #tpu.memory_space<vmem_shared>>) target_semaphore(%run_scoped3A : memref<!tpu.dma_semaphore, #tpu.memory_space<semaphore_mem>>)
      %dma_wait3A = tpu.memref_slice %arg4[%mul3A_7] : memref<10240xf32, #tpu.memory_space<vmem_shared>> -> memref<640xf32, #tpu.memory_space<vmem_shared>>
      %dma_wait3A_30 = tpu.memref_slice %arg4[%mul3A_7] : memref<10240xf32, #tpu.memory_space<vmem_shared>> -> memref<640xf32, #tpu.memory_space<vmem_shared>>
      tpu.wait_dma2 semaphore(%run_scoped3A : memref<!tpu.dma_semaphore, #tpu.memory_space<semaphore_mem>>) src(%arg7 : memref<640xf32, #tpu.memory_space<vmem>>) dst(%dma_wait3A_30 : memref<640xf32, #tpu.memory_space<vmem_shared>>)
      tpu.yield
    }) : () -> ()
    %scan3A_8 = arith.constant 0 : i32
    %scan3A_9 = arith.constant 0 : i32
    %scan3A_10 = arith.constant 5 : i32
    %scan3A_11 = arith.addi %scan3A_9, %scan3A_10 : i32
    %scan3A_12 = arith.constant 1 : i32
    scf.for %scan3A_29 = %scan3A_9 to %scan3A_11 step %scan3A_12  : i32 {
      %broadcast_in_dim3A = arith.constant 1.000000e+00 : f32
      %broadcast_in_dim3A_30 = vector.broadcast %broadcast_in_dim3A : f32 to vector<16xf32>
      %mul3A_31 = arith.constant 16 : i32
      %mul3A_32 = arith.muli %scan3A_29, %mul3A_31 : i32
      %swap3A = arith.index_cast %mul3A_32 : i32 to index
      %swap3A_33 = tpu.vector_load %arg6[%swap3A] {strides = array<i32>} : memref<80xf32, #tpu.memory_space<vmem>>, vector<16xf32>,
      tpu.vector_store %arg6[%swap3A], %broadcast_in_dim3A_30 {strides = array<i32>} : memref<80xf32, #tpu.memory_space<vmem>>, vector<16xf32>,
    }
    %scan3A_13 = arith.constant 5 : i32
    %mul3A_14 = arith.constant 10000 : i32
    %mul3A_15 = arith.muli %add3A, %mul3A_14 : i32
    %add3A_16 = arith.constant 320000 : i32
    %add3A_17 = arith.addi %add3A_16, %mul3A_15 : i32
    "tpu.region"() ({
      %run_scoped3A = tpu.sem_alloc : memref<!tpu.dma_semaphore, #tpu.memory_space<semaphore_mem>>
      %dma_start3A = tpu.memref_slice %arg2[%add3A_17] : memref<640000xi32, #tpu.memory_space<hbm>> -> memref<10000xi32, #tpu.memory_space<hbm>>
      %dma_start3A_29 = tpu.memref_slice %arg2[%add3A_17] : memref<640000xi32, #tpu.memory_space<hbm>> -> memref<10000xi32, #tpu.memory_space<hbm>>
      tpu.enqueue_dma source(%dma_start3A_29 : memref<10000xi32, #tpu.memory_space<hbm>>) target(%arg5 : memref<10000xi32, #tpu.memory_space<vmem>>) target_semaphore(%run_scoped3A : memref<!tpu.dma_semaphore, #tpu.memory_space<semaphore_mem>>)
      %dma_wait3A = tpu.memref_slice %arg2[%add3A_17] : memref<640000xi32, #tpu.memory_space<hbm>> -> memref<10000xi32, #tpu.memory_space<hbm>>
      %dma_wait3A_30 = tpu.memref_slice %arg2[%add3A_17] : memref<640000xi32, #tpu.memory_space<hbm>> -> memref<10000xi32, #tpu.memory_space<hbm>>
      tpu.wait_dma2 semaphore(%run_scoped3A : memref<!tpu.dma_semaphore, #tpu.memory_space<semaphore_mem>>) src(%dma_wait3A_30 : memref<10000xi32, #tpu.memory_space<hbm>>) dst(%arg5 : memref<10000xi32, #tpu.memory_space<vmem>>)
      tpu.yield
    }) : () -> ()
    %barrier3A = arith.constant 0 : index
    tpu.barrier barrier_id(%barrier3A)
    %scan3A_18 = arith.constant 0 : i32
    %scan3A_19 = arith.constant 0 : i32
    %scan3A_20 = arith.constant 25 : i32
    %scan3A_21 = arith.addi %scan3A_19, %scan3A_20 : i32
    %scan3A_22 = arith.constant 1 : i32
    scf.for %scan3A_29 = %scan3A_19 to %scan3A_21 step %scan3A_22  : i32 {
      %mul3A_30 = arith.constant 5 : i32
      %mul3A_31 = arith.muli %scan3A_29, %mul3A_30 : i32
      %add3A_32 = arith.constant 0 : i32
      %add3A_33 = arith.addi %mul3A_31, %add3A_32 : i32
      %mul3A_34 = arith.constant 80 : i32
      %mul3A_35 = arith.muli %add3A_33, %mul3A_34 : i32
      %dma_start3A = tpu.memref_slice %arg5[%mul3A_35] : memref<10000xi32, #tpu.memory_space<vmem>> -> memref<80xi32, #tpu.memory_space<vmem>>
      %dma_start3A_36 = arith.constant 0 : i32
      %dma_start3A_37 = tpu.memref_slice %arg4[%dma_start3A_36] : memref<10240xf32, #tpu.memory_space<vmem_shared>> -> memref<10240xf32, #tpu.memory_space<vmem_shared>>
      tpu.enqueue_indirect_dma source(%arg6 : memref<80xf32, #tpu.memory_space<vmem>>) target(%dma_start3A_37 : memref<10240xf32, #tpu.memory_space<vmem_shared>>) offsets(%dma_start3A : memref<80xi32, #tpu.memory_space<vmem>>) semaphore(%arg8 : memref<!tpu.dma_semaphore, #tpu.memory_space<semaphore_mem>>) {add = true}
      %mul3A_38 = arith.constant 5 : i32
      %mul3A_39 = arith.muli %scan3A_29, %mul3A_38 : i32
      %add3A_40 = arith.constant 1 : i32
      %add3A_41 = arith.addi %mul3A_39, %add3A_40 : i32
      %mul3A_42 = arith.constant 80 : i32
      %mul3A_43 = arith.muli %add3A_41, %mul3A_42 : i32
      %dma_start3A_44 = tpu.memref_slice %arg5[%mul3A_43] : memref<10000xi32, #tpu.memory_space<vmem>> -> memref<80xi32, #tpu.memory_space<vmem>>
      %dma_start3A_45 = arith.constant 0 : i32
      %dma_start3A_46 = tpu.memref_slice %arg4[%dma_start3A_45] : memref<10240xf32, #tpu.memory_space<vmem_shared>> -> memref<10240xf32, #tpu.memory_space<vmem_shared>>
      tpu.enqueue_indirect_dma source(%arg6 : memref<80xf32, #tpu.memory_space<vmem>>) target(%dma_start3A_46 : memref<10240xf32, #tpu.memory_space<vmem_shared>>) offsets(%dma_start3A_44 : memref<80xi32, #tpu.memory_space<vmem>>) semaphore(%arg8 : memref<!tpu.dma_semaphore, #tpu.memory_space<semaphore_mem>>) {add = true}
      %mul3A_47 = arith.constant 5 : i32
      %mul3A_48 = arith.muli %scan3A_29, %mul3A_47 : i32
      %add3A_49 = arith.constant 2 : i32
      %add3A_50 = arith.addi %mul3A_48, %add3A_49 : i32
      %mul3A_51 = arith.constant 80 : i32
      %mul3A_52 = arith.muli %add3A_50, %mul3A_51 : i32
      %dma_start3A_53 = tpu.memref_slice %arg5[%mul3A_52] : memref<10000xi32, #tpu.memory_space<vmem>> -> memref<80xi32, #tpu.memory_space<vmem>>
      %dma_start3A_54 = arith.constant 0 : i32
      %dma_start3A_55 = tpu.memref_slice %arg4[%dma_start3A_54] : memref<10240xf32, #tpu.memory_space<vmem_shared>> -> memref<10240xf32, #tpu.memory_space<vmem_shared>>
      tpu.enqueue_indirect_dma source(%arg6 : memref<80xf32, #tpu.memory_space<vmem>>) target(%dma_start3A_55 : memref<10240xf32, #tpu.memory_space<vmem_shared>>) offsets(%dma_start3A_53 : memref<80xi32, #tpu.memory_space<vmem>>) semaphore(%arg8 : memref<!tpu.dma_semaphore, #tpu.memory_space<semaphore_mem>>) {add = true}
      %mul3A_56 = arith.constant 5 : i32
      %mul3A_57 = arith.muli %scan3A_29, %mul3A_56 : i32
      %add3A_58 = arith.constant 3 : i32
      %add3A_59 = arith.addi %mul3A_57, %add3A_58 : i32
      %mul3A_60 = arith.constant 80 : i32
      %mul3A_61 = arith.muli %add3A_59, %mul3A_60 : i32
      %dma_start3A_62 = tpu.memref_slice %arg5[%mul3A_61] : memref<10000xi32, #tpu.memory_space<vmem>> -> memref<80xi32, #tpu.memory_space<vmem>>
      %dma_start3A_63 = arith.constant 0 : i32
      %dma_start3A_64 = tpu.memref_slice %arg4[%dma_start3A_63] : memref<10240xf32, #tpu.memory_space<vmem_shared>> -> memref<10240xf32, #tpu.memory_space<vmem_shared>>
      tpu.enqueue_indirect_dma source(%arg6 : memref<80xf32, #tpu.memory_space<vmem>>) target(%dma_start3A_64 : memref<10240xf32, #tpu.memory_space<vmem_shared>>) offsets(%dma_start3A_62 : memref<80xi32, #tpu.memory_space<vmem>>) semaphore(%arg8 : memref<!tpu.dma_semaphore, #tpu.memory_space<semaphore_mem>>) {add = true}
      %mul3A_65 = arith.constant 5 : i32
      %mul3A_66 = arith.muli %scan3A_29, %mul3A_65 : i32
      %add3A_67 = arith.constant 4 : i32
      %add3A_68 = arith.addi %mul3A_66, %add3A_67 : i32
      %mul3A_69 = arith.constant 80 : i32
      %mul3A_70 = arith.muli %add3A_68, %mul3A_69 : i32
      %dma_start3A_71 = tpu.memref_slice %arg5[%mul3A_70] : memref<10000xi32, #tpu.memory_space<vmem>> -> memref<80xi32, #tpu.memory_space<vmem>>
      %dma_start3A_72 = arith.constant 0 : i32
      %dma_start3A_73 = tpu.memref_slice %arg4[%dma_start3A_72] : memref<10240xf32, #tpu.memory_space<vmem_shared>> -> memref<10240xf32, #tpu.memory_space<vmem_shared>>
      tpu.enqueue_indirect_dma source(%arg6 : memref<80xf32, #tpu.memory_space<vmem>>) target(%dma_start3A_73 : memref<10240xf32, #tpu.memory_space<vmem_shared>>) offsets(%dma_start3A_71 : memref<80xi32, #tpu.memory_space<vmem>>) semaphore(%arg8 : memref<!tpu.dma_semaphore, #tpu.memory_space<semaphore_mem>>) {add = true}
      %dma_wait3A = arith.constant 0 : i32
      %dma_wait3A_74 = arith.constant 0 : i32
      %dma_wait3A_75 = tpu.memref_slice %arg3[%dma_wait3A, %dma_wait3A_74] : memref<2x10240xf32, #tpu.memory_space<hbm>> -> memref<1x80xf32, #tpu.memory_space<hbm>>
      %dma_wait3A_76 = tpu.memref_squeeze %dma_wait3A_75 : memref<1x80xf32, #tpu.memory_space<hbm>> -> memref<80xf32, #tpu.memory_space<hbm>>
      %dma_wait3A_77 = arith.constant 0 : i32
      %dma_wait3A_78 = tpu.memref_slice %arg3[%dma_wait3A, %dma_wait3A_77] : memref<2x10240xf32, #tpu.memory_space<hbm>> -> memref<1x80xf32, #tpu.memory_space<hbm>>
      %dma_wait3A_79 = tpu.memref_squeeze %dma_wait3A_78 : memref<1x80xf32, #tpu.memory_space<hbm>> -> memref<80xf32, #tpu.memory_space<hbm>>
      tpu.wait_dma2 semaphore(%arg8 : memref<!tpu.dma_semaphore, #tpu.memory_space<semaphore_mem>>) src(%dma_wait3A_79 : memref<80xf32, #tpu.memory_space<hbm>>) dst(%arg6 : memref<80xf32, #tpu.memory_space<vmem>>)
      %dma_wait3A_80 = arith.constant 0 : i32
      %dma_wait3A_81 = arith.constant 0 : i32
      %dma_wait3A_82 = tpu.memref_slice %arg3[%dma_wait3A_80, %dma_wait3A_81] : memref<2x10240xf32, #tpu.memory_space<hbm>> -> memref<1x80xf32, #tpu.memory_space<hbm>>
      %dma_wait3A_83 = tpu.memref_squeeze %dma_wait3A_82 : memref<1x80xf32, #tpu.memory_space<hbm>> -> memref<80xf32, #tpu.memory_space<hbm>>
      %dma_wait3A_84 = arith.constant 0 : i32
      %dma_wait3A_85 = tpu.memref_slice %arg3[%dma_wait3A_80, %dma_wait3A_84] : memref<2x10240xf32, #tpu.memory_space<hbm>> -> memref<1x80xf32, #tpu.memory_space<hbm>>
      %dma_wait3A_86 = tpu.memref_squeeze %dma_wait3A_85 : memref<1x80xf32, #tpu.memory_space<hbm>> -> memref<80xf32, #tpu.memory_space<hbm>>
      tpu.wait_dma2 semaphore(%arg8 : memref<!tpu.dma_semaphore, #tpu.memory_space<semaphore_mem>>) src(%dma_wait3A_86 : memref<80xf32, #tpu.memory_space<hbm>>) dst(%arg6 : memref<80xf32, #tpu.memory_space<vmem>>)
      %dma_wait3A_87 = arith.constant 0 : i32
      %dma_wait3A_88 = arith.constant 0 : i32
      %dma_wait3A_89 = tpu.memref_slice %arg3[%dma_wait3A_87, %dma_wait3A_88] : memref<2x10240xf32, #tpu.memory_space<hbm>> -> memref<1x80xf32, #tpu.memory_space<hbm>>
      %dma_wait3A_90 = tpu.memref_squeeze %dma_wait3A_89 : memref<1x80xf32, #tpu.memory_space<hbm>> -> memref<80xf32, #tpu.memory_space<hbm>>
      %dma_wait3A_91 = arith.constant 0 : i32
      %dma_wait3A_92 = tpu.memref_slice %arg3[%dma_wait3A_87, %dma_wait3A_91] : memref<2x10240xf32, #tpu.memory_space<hbm>> -> memref<1x80xf32, #tpu.memory_space<hbm>>
      %dma_wait3A_93 = tpu.memref_squeeze %dma_wait3A_92 : memref<1x80xf32, #tpu.memory_space<hbm>> -> memref<80xf32, #tpu.memory_space<hbm>>
      tpu.wait_dma2 semaphore(%arg8 : memref<!tpu.dma_semaphore, #tpu.memory_space<semaphore_mem>>) src(%dma_wait3A_93 : memref<80xf32, #tpu.memory_space<hbm>>) dst(%arg6 : memref<80xf32, #tpu.memory_space<vmem>>)
      %dma_wait3A_94 = arith.constant 0 : i32
      %dma_wait3A_95 = arith.constant 0 : i32
      %dma_wait3A_96 = tpu.memref_slice %arg3[%dma_wait3A_94, %dma_wait3A_95] : memref<2x10240xf32, #tpu.memory_space<hbm>> -> memref<1x80xf32, #tpu.memory_space<hbm>>
      %dma_wait3A_97 = tpu.memref_squeeze %dma_wait3A_96 : memref<1x80xf32, #tpu.memory_space<hbm>> -> memref<80xf32, #tpu.memory_space<hbm>>
      %dma_wait3A_98 = arith.constant 0 : i32
      %dma_wait3A_99 = tpu.memref_slice %arg3[%dma_wait3A_94, %dma_wait3A_98] : memref<2x10240xf32, #tpu.memory_space<hbm>> -> memref<1x80xf32, #tpu.memory_space<hbm>>
      %dma_wait3A_100 = tpu.memref_squeeze %dma_wait3A_99 : memref<1x80xf32, #tpu.memory_space<hbm>> -> memref<80xf32, #tpu.memory_space<hbm>>
      tpu.wait_dma2 semaphore(%arg8 : memref<!tpu.dma_semaphore, #tpu.memory_space<semaphore_mem>>) src(%dma_wait3A_100 : memref<80xf32, #tpu.memory_space<hbm>>) dst(%arg6 : memref<80xf32, #tpu.memory_space<vmem>>)
      %dma_wait3A_101 = arith.constant 0 : i32
      %dma_wait3A_102 = arith.constant 0 : i32
      %dma_wait3A_103 = tpu.memref_slice %arg3[%dma_wait3A_101, %dma_wait3A_102] : memref<2x10240xf32, #tpu.memory_space<hbm>> -> memref<1x80xf32, #tpu.memory_space<hbm>>
      %dma_wait3A_104 = tpu.memref_squeeze %dma_wait3A_103 : memref<1x80xf32, #tpu.memory_space<hbm>> -> memref<80xf32, #tpu.memory_space<hbm>>
      %dma_wait3A_105 = arith.constant 0 : i32
      %dma_wait3A_106 = tpu.memref_slice %arg3[%dma_wait3A_101, %dma_wait3A_105] : memref<2x10240xf32, #tpu.memory_space<hbm>> -> memref<1x80xf32, #tpu.memory_space<hbm>>
      %dma_wait3A_107 = tpu.memref_squeeze %dma_wait3A_106 : memref<1x80xf32, #tpu.memory_space<hbm>> -> memref<80xf32, #tpu.memory_space<hbm>>
      tpu.wait_dma2 semaphore(%arg8 : memref<!tpu.dma_semaphore, #tpu.memory_space<semaphore_mem>>) src(%dma_wait3A_107 : memref<80xf32, #tpu.memory_space<hbm>>) dst(%arg6 : memref<80xf32, #tpu.memory_space<vmem>>)
    }
    %scan3A_23 = arith.constant 25 : i32
    %barrier3A_24 = arith.constant 0 : index
    tpu.barrier barrier_id(%barrier3A_24)
    %mul3A_25 = arith.constant 640 : i32
    %mul3A_26 = arith.muli %arg1, %mul3A_25 : i32
    %mul3A_27 = arith.constant 640 : i32
    %mul3A_28 = arith.muli %arg1, %mul3A_27 : i32
    "tpu.region"() ({
      %run_scoped3A = tpu.sem_alloc : memref<!tpu.dma_semaphore, #tpu.memory_space<semaphore_mem>>
      %dma_start3A = tpu.memref_slice %arg3[%arg0, %mul3A_28] : memref<2x10240xf32, #tpu.memory_space<hbm>> -> memref<1x640xf32, #tpu.memory_space<hbm>>
      %dma_start3A_29 = tpu.memref_squeeze %dma_start3A : memref<1x640xf32, #tpu.memory_space<hbm>> -> memref<640xf32, #tpu.memory_space<hbm>>
      %dma_start3A_30 = tpu.memref_slice %arg4[%mul3A_26] : memref<10240xf32, #tpu.memory_space<vmem_shared>> -> memref<640xf32, #tpu.memory_space<vmem_shared>>
      tpu.enqueue_dma source(%dma_start3A_30 : memref<640xf32, #tpu.memory_space<vmem_shared>>) target(%dma_start3A_29 : memref<640xf32, #tpu.memory_space<hbm>>) target_semaphore(%run_scoped3A : memref<!tpu.dma_semaphore, #tpu.memory_space<semaphore_mem>>)
      %dma_wait3A = tpu.memref_slice %arg3[%arg0, %mul3A_28] : memref<2x10240xf32, #tpu.memory_space<hbm>> -> memref<1x640xf32, #tpu.memory_space<hbm>>
      %dma_wait3A_31 = tpu.memref_squeeze %dma_wait3A : memref<1x640xf32, #tpu.memory_space<hbm>> -> memref<640xf32, #tpu.memory_space<hbm>>
      %dma_wait3A_32 = tpu.memref_slice %arg4[%mul3A_26] : memref<10240xf32, #tpu.memory_space<vmem_shared>> -> memref<640xf32, #tpu.memory_space<vmem_shared>>
      tpu.wait_dma2 semaphore(%run_scoped3A : memref<!tpu.dma_semaphore, #tpu.memory_space<semaphore_mem>>) src(%dma_wait3A_32 : memref<640xf32, #tpu.memory_space<vmem_shared>>) dst(%dma_wait3A_31 : memref<640xf32, #tpu.memory_space<hbm>>)
      tpu.yield
    }) : () -> ()
    return
  }
}

#map = affine_map<(d0, d1) -> (0, 0)>
#map1 = affine_map<(d0, d1) -> (0)>
#map2 = affine_map<(d0, d1) -> (0, 0, 0)>
module attributes {stable_mosaic.version = 14 : i64} {
  func.func @_msg_plain_body(%arg0: i32, %arg1: i32, %arg2: memref<10240x16xf32, #tpu.memory_space<hbm>>, %arg3: memref<640000xi32, #tpu.memory_space<hbm>>, %arg4: memref<2x10240x16xf32, #tpu.memory_space<hbm>>, %arg5: memref<10240x16xf32, #tpu.memory_space<vmem_shared>>, %arg6: memref<10240x16xf32, #tpu.memory_space<vmem_shared>>, %arg7: memref<10000xi32, #tpu.memory_space<vmem>>, %arg8: memref<10000xi32, #tpu.memory_space<vmem>>, %arg9: memref<10x80x16xf32, #tpu.memory_space<vmem>>, %arg10: memref<640x16xf32, #tpu.memory_space<vmem>>, %arg11: memref<!tpu.dma_semaphore, #tpu.memory_space<semaphore_mem>>, %arg12: memref<!tpu.dma_semaphore, #tpu.memory_space<semaphore_mem>>) attributes {dimension_semantics = [#tpu.dimension_semantics<core_parallel>, #tpu.dimension_semantics<subcore_parallel>], iteration_bounds = array<i64: 2, 16>, scalar_prefetch = 0 : i64, scratch_operands = 8 : i64, tpu.core_type = #tpu.core_type<sc_vector_subcore>, window_params = [{transform_indices = #map}, {transform_indices = #map1}, {transform_indices = #map2}]} {
    %mul3A = arith.constant 16 : i32
    %mul3A_0 = arith.muli %arg0, %mul3A : i32
    %add3A = arith.addi %mul3A_0, %arg1 : i32
    %mul3A_1 = arith.constant 640 : i32
    %mul3A_2 = arith.muli %arg1, %mul3A_1 : i32
    %mul3A_3 = arith.constant 640 : i32
    %mul3A_4 = arith.muli %arg1, %mul3A_3 : i32
    %dma_start3A = arith.constant 0 : i32
    %dma_start3A_5 = tpu.memref_slice %arg5[%mul3A_4, %dma_start3A] : memref<10240x16xf32, #tpu.memory_space<vmem_shared>> -> memref<640x16xf32, #tpu.memory_space<vmem_shared>>
    %dma_start3A_6 = arith.constant 0 : i32
    %dma_start3A_7 = tpu.memref_slice %arg2[%mul3A_2, %dma_start3A_6] : memref<10240x16xf32, #tpu.memory_space<hbm>> -> memref<640x16xf32, #tpu.memory_space<hbm>>
    tpu.enqueue_dma source(%dma_start3A_7 : memref<640x16xf32, #tpu.memory_space<hbm>>) target(%dma_start3A_5 : memref<640x16xf32, #tpu.memory_space<vmem_shared>>) target_semaphore(%arg11 : memref<!tpu.dma_semaphore, #tpu.memory_space<semaphore_mem>>)
    %mul3A_8 = arith.constant 10000 : i32
    %mul3A_9 = arith.muli %add3A, %mul3A_8 : i32
    %dma_start3A_10 = tpu.memref_slice %arg3[%mul3A_9] : memref<640000xi32, #tpu.memory_space<hbm>> -> memref<10000xi32, #tpu.memory_space<hbm>>
    %dma_start3A_11 = tpu.memref_slice %arg3[%mul3A_9] : memref<640000xi32, #tpu.memory_space<hbm>> -> memref<10000xi32, #tpu.memory_space<hbm>>
    tpu.enqueue_dma source(%dma_start3A_11 : memref<10000xi32, #tpu.memory_space<hbm>>) target(%arg7 : memref<10000xi32, #tpu.memory_space<vmem>>) target_semaphore(%arg11 : memref<!tpu.dma_semaphore, #tpu.memory_space<semaphore_mem>>)
    %mul3A_12 = arith.constant 10000 : i32
    %mul3A_13 = arith.muli %add3A, %mul3A_12 : i32
    %add3A_14 = arith.constant 320000 : i32
    %add3A_15 = arith.addi %add3A_14, %mul3A_13 : i32
    %dma_start3A_16 = tpu.memref_slice %arg3[%add3A_15] : memref<640000xi32, #tpu.memory_space<hbm>> -> memref<10000xi32, #tpu.memory_space<hbm>>
    %dma_start3A_17 = tpu.memref_slice %arg3[%add3A_15] : memref<640000xi32, #tpu.memory_space<hbm>> -> memref<10000xi32, #tpu.memory_space<hbm>>
    tpu.enqueue_dma source(%dma_start3A_17 : memref<10000xi32, #tpu.memory_space<hbm>>) target(%arg8 : memref<10000xi32, #tpu.memory_space<vmem>>) target_semaphore(%arg11 : memref<!tpu.dma_semaphore, #tpu.memory_space<semaphore_mem>>)
    %scan3A = arith.constant 0 : i32
    %scan3A_18 = arith.constant 0 : i32
    %scan3A_19 = arith.constant 80 : i32
    %scan3A_20 = arith.addi %scan3A_18, %scan3A_19 : i32
    %scan3A_21 = arith.constant 1 : i32
    scf.for %scan3A_178 = %scan3A_18 to %scan3A_20 step %scan3A_21  : i32 {
      %broadcast_in_dim3A = arith.constant 0.000000e+00 : f32
      %broadcast_in_dim3A_179 = vector.broadcast %broadcast_in_dim3A : f32 to vector<16xf32>
      %mul3A_180 = arith.constant 8 : i32
      %mul3A_181 = arith.muli %scan3A_178, %mul3A_180 : i32
      %add3A_182 = arith.constant 0 : i32
      %add3A_183 = arith.addi %mul3A_181, %add3A_182 : i32
      %swap3A = arith.index_cast %add3A_183 : i32 to index
      %swap3A_184 = arith.constant 0 : index
      %swap3A_185 = tpu.vector_load %arg10[%swap3A, %swap3A_184] {strides = array<i32>} : memref<640x16xf32, #tpu.memory_space<vmem>>, vector<16xf32>,
      tpu.vector_store %arg10[%swap3A, %swap3A_184], %broadcast_in_dim3A_179 {strides = array<i32>} : memref<640x16xf32, #tpu.memory_space<vmem>>, vector<16xf32>,
      %broadcast_in_dim3A_186 = arith.constant 0.000000e+00 : f32
      %broadcast_in_dim3A_187 = vector.broadcast %broadcast_in_dim3A_186 : f32 to vector<16xf32>
      %mul3A_188 = arith.constant 8 : i32
      %mul3A_189 = arith.muli %scan3A_178, %mul3A_188 : i32
      %add3A_190 = arith.constant 1 : i32
      %add3A_191 = arith.addi %mul3A_189, %add3A_190 : i32
      %swap3A_192 = arith.index_cast %add3A_191 : i32 to index
      %swap3A_193 = arith.constant 0 : index
      %swap3A_194 = tpu.vector_load %arg10[%swap3A_192, %swap3A_193] {strides = array<i32>} : memref<640x16xf32, #tpu.memory_space<vmem>>, vector<16xf32>,
      tpu.vector_store %arg10[%swap3A_192, %swap3A_193], %broadcast_in_dim3A_187 {strides = array<i32>} : memref<640x16xf32, #tpu.memory_space<vmem>>, vector<16xf32>,
      %broadcast_in_dim3A_195 = arith.constant 0.000000e+00 : f32
      %broadcast_in_dim3A_196 = vector.broadcast %broadcast_in_dim3A_195 : f32 to vector<16xf32>
      %mul3A_197 = arith.constant 8 : i32
      %mul3A_198 = arith.muli %scan3A_178, %mul3A_197 : i32
      %add3A_199 = arith.constant 2 : i32
      %add3A_200 = arith.addi %mul3A_198, %add3A_199 : i32
      %swap3A_201 = arith.index_cast %add3A_200 : i32 to index
      %swap3A_202 = arith.constant 0 : index
      %swap3A_203 = tpu.vector_load %arg10[%swap3A_201, %swap3A_202] {strides = array<i32>} : memref<640x16xf32, #tpu.memory_space<vmem>>, vector<16xf32>,
      tpu.vector_store %arg10[%swap3A_201, %swap3A_202], %broadcast_in_dim3A_196 {strides = array<i32>} : memref<640x16xf32, #tpu.memory_space<vmem>>, vector<16xf32>,
      %broadcast_in_dim3A_204 = arith.constant 0.000000e+00 : f32
      %broadcast_in_dim3A_205 = vector.broadcast %broadcast_in_dim3A_204 : f32 to vector<16xf32>
      %mul3A_206 = arith.constant 8 : i32
      %mul3A_207 = arith.muli %scan3A_178, %mul3A_206 : i32
      %add3A_208 = arith.constant 3 : i32
      %add3A_209 = arith.addi %mul3A_207, %add3A_208 : i32
      %swap3A_210 = arith.index_cast %add3A_209 : i32 to index
      %swap3A_211 = arith.constant 0 : index
      %swap3A_212 = tpu.vector_load %arg10[%swap3A_210, %swap3A_211] {strides = array<i32>} : memref<640x16xf32, #tpu.memory_space<vmem>>, vector<16xf32>,
      tpu.vector_store %arg10[%swap3A_210, %swap3A_211], %broadcast_in_dim3A_205 {strides = array<i32>} : memref<640x16xf32, #tpu.memory_space<vmem>>, vector<16xf32>,
      %broadcast_in_dim3A_213 = arith.constant 0.000000e+00 : f32
      %broadcast_in_dim3A_214 = vector.broadcast %broadcast_in_dim3A_213 : f32 to vector<16xf32>
      %mul3A_215 = arith.constant 8 : i32
      %mul3A_216 = arith.muli %scan3A_178, %mul3A_215 : i32
      %add3A_217 = arith.constant 4 : i32
      %add3A_218 = arith.addi %mul3A_216, %add3A_217 : i32
      %swap3A_219 = arith.index_cast %add3A_218 : i32 to index
      %swap3A_220 = arith.constant 0 : index
      %swap3A_221 = tpu.vector_load %arg10[%swap3A_219, %swap3A_220] {strides = array<i32>} : memref<640x16xf32, #tpu.memory_space<vmem>>, vector<16xf32>,
      tpu.vector_store %arg10[%swap3A_219, %swap3A_220], %broadcast_in_dim3A_214 {strides = array<i32>} : memref<640x16xf32, #tpu.memory_space<vmem>>, vector<16xf32>,
      %broadcast_in_dim3A_222 = arith.constant 0.000000e+00 : f32
      %broadcast_in_dim3A_223 = vector.broadcast %broadcast_in_dim3A_222 : f32 to vector<16xf32>
      %mul3A_224 = arith.constant 8 : i32
      %mul3A_225 = arith.muli %scan3A_178, %mul3A_224 : i32
      %add3A_226 = arith.constant 5 : i32
      %add3A_227 = arith.addi %mul3A_225, %add3A_226 : i32
      %swap3A_228 = arith.index_cast %add3A_227 : i32 to index
      %swap3A_229 = arith.constant 0 : index
      %swap3A_230 = tpu.vector_load %arg10[%swap3A_228, %swap3A_229] {strides = array<i32>} : memref<640x16xf32, #tpu.memory_space<vmem>>, vector<16xf32>,
      tpu.vector_store %arg10[%swap3A_228, %swap3A_229], %broadcast_in_dim3A_223 {strides = array<i32>} : memref<640x16xf32, #tpu.memory_space<vmem>>, vector<16xf32>,
      %broadcast_in_dim3A_231 = arith.constant 0.000000e+00 : f32
      %broadcast_in_dim3A_232 = vector.broadcast %broadcast_in_dim3A_231 : f32 to vector<16xf32>
      %mul3A_233 = arith.constant 8 : i32
      %mul3A_234 = arith.muli %scan3A_178, %mul3A_233 : i32
      %add3A_235 = arith.constant 6 : i32
      %add3A_236 = arith.addi %mul3A_234, %add3A_235 : i32
      %swap3A_237 = arith.index_cast %add3A_236 : i32 to index
      %swap3A_238 = arith.constant 0 : index
      %swap3A_239 = tpu.vector_load %arg10[%swap3A_237, %swap3A_238] {strides = array<i32>} : memref<640x16xf32, #tpu.memory_space<vmem>>, vector<16xf32>,
      tpu.vector_store %arg10[%swap3A_237, %swap3A_238], %broadcast_in_dim3A_232 {strides = array<i32>} : memref<640x16xf32, #tpu.memory_space<vmem>>, vector<16xf32>,
      %broadcast_in_dim3A_240 = arith.constant 0.000000e+00 : f32
      %broadcast_in_dim3A_241 = vector.broadcast %broadcast_in_dim3A_240 : f32 to vector<16xf32>
      %mul3A_242 = arith.constant 8 : i32
      %mul3A_243 = arith.muli %scan3A_178, %mul3A_242 : i32
      %add3A_244 = arith.constant 7 : i32
      %add3A_245 = arith.addi %mul3A_243, %add3A_244 : i32
      %swap3A_246 = arith.index_cast %add3A_245 : i32 to index
      %swap3A_247 = arith.constant 0 : index
      %swap3A_248 = tpu.vector_load %arg10[%swap3A_246, %swap3A_247] {strides = array<i32>} : memref<640x16xf32, #tpu.memory_space<vmem>>, vector<16xf32>,
      tpu.vector_store %arg10[%swap3A_246, %swap3A_247], %broadcast_in_dim3A_241 {strides = array<i32>} : memref<640x16xf32, #tpu.memory_space<vmem>>, vector<16xf32>,
    }
    %scan3A_22 = arith.constant 80 : i32
    %mul3A_23 = arith.constant 640 : i32
    %mul3A_24 = arith.muli %arg1, %mul3A_23 : i32
    %mul3A_25 = arith.constant 640 : i32
    %mul3A_26 = arith.muli %arg1, %mul3A_25 : i32
    %dma_wait3A = arith.constant 0 : i32
    %dma_wait3A_27 = tpu.memref_slice %arg5[%mul3A_26, %dma_wait3A] : memref<10240x16xf32, #tpu.memory_space<vmem_shared>> -> memref<640x16xf32, #tpu.memory_space<vmem_shared>>
    %dma_wait3A_28 = arith.constant 0 : i32
    %dma_wait3A_29 = tpu.memref_slice %arg2[%mul3A_24, %dma_wait3A_28] : memref<10240x16xf32, #tpu.memory_space<hbm>> -> memref<640x16xf32, #tpu.memory_space<hbm>>
    tpu.wait_dma2 semaphore(%arg11 : memref<!tpu.dma_semaphore, #tpu.memory_space<semaphore_mem>>) src(%dma_wait3A_29 : memref<640x16xf32, #tpu.memory_space<hbm>>) dst(%dma_wait3A_27 : memref<640x16xf32, #tpu.memory_space<vmem_shared>>)
    %mul3A_30 = arith.constant 10000 : i32
    %mul3A_31 = arith.muli %add3A, %mul3A_30 : i32
    %dma_wait3A_32 = tpu.memref_slice %arg3[%mul3A_31] : memref<640000xi32, #tpu.memory_space<hbm>> -> memref<10000xi32, #tpu.memory_space<hbm>>
    %dma_wait3A_33 = tpu.memref_slice %arg3[%mul3A_31] : memref<640000xi32, #tpu.memory_space<hbm>> -> memref<10000xi32, #tpu.memory_space<hbm>>
    tpu.wait_dma2 semaphore(%arg11 : memref<!tpu.dma_semaphore, #tpu.memory_space<semaphore_mem>>) src(%dma_wait3A_33 : memref<10000xi32, #tpu.memory_space<hbm>>) dst(%arg7 : memref<10000xi32, #tpu.memory_space<vmem>>)
    %mul3A_34 = arith.constant 10000 : i32
    %mul3A_35 = arith.muli %add3A, %mul3A_34 : i32
    %add3A_36 = arith.constant 320000 : i32
    %add3A_37 = arith.addi %add3A_36, %mul3A_35 : i32
    %dma_wait3A_38 = tpu.memref_slice %arg3[%add3A_37] : memref<640000xi32, #tpu.memory_space<hbm>> -> memref<10000xi32, #tpu.memory_space<hbm>>
    %dma_wait3A_39 = tpu.memref_slice %arg3[%add3A_37] : memref<640000xi32, #tpu.memory_space<hbm>> -> memref<10000xi32, #tpu.memory_space<hbm>>
    tpu.wait_dma2 semaphore(%arg11 : memref<!tpu.dma_semaphore, #tpu.memory_space<semaphore_mem>>) src(%dma_wait3A_39 : memref<10000xi32, #tpu.memory_space<hbm>>) dst(%arg8 : memref<10000xi32, #tpu.memory_space<vmem>>)
    %mul3A_40 = arith.constant 640 : i32
    %mul3A_41 = arith.muli %arg1, %mul3A_40 : i32
    "tpu.region"() ({
      %run_scoped3A = tpu.sem_alloc : memref<!tpu.dma_semaphore, #tpu.memory_space<semaphore_mem>>
      %dma_start3A_178 = arith.constant 0 : i32
      %dma_start3A_179 = tpu.memref_slice %arg6[%mul3A_41, %dma_start3A_178] : memref<10240x16xf32, #tpu.memory_space<vmem_shared>> -> memref<640x16xf32, #tpu.memory_space<vmem_shared>>
      %dma_start3A_180 = arith.constant 0 : i32
      %dma_start3A_181 = tpu.memref_slice %arg6[%mul3A_41, %dma_start3A_180] : memref<10240x16xf32, #tpu.memory_space<vmem_shared>> -> memref<640x16xf32, #tpu.memory_space<vmem_shared>>
      tpu.enqueue_dma source(%arg10 : memref<640x16xf32, #tpu.memory_space<vmem>>) target(%dma_start3A_181 : memref<640x16xf32, #tpu.memory_space<vmem_shared>>) target_semaphore(%run_scoped3A : memref<!tpu.dma_semaphore, #tpu.memory_space<semaphore_mem>>)
      %dma_wait3A_182 = arith.constant 0 : i32
      %dma_wait3A_183 = tpu.memref_slice %arg6[%mul3A_41, %dma_wait3A_182] : memref<10240x16xf32, #tpu.memory_space<vmem_shared>> -> memref<640x16xf32, #tpu.memory_space<vmem_shared>>
      %dma_wait3A_184 = arith.constant 0 : i32
      %dma_wait3A_185 = tpu.memref_slice %arg6[%mul3A_41, %dma_wait3A_184] : memref<10240x16xf32, #tpu.memory_space<vmem_shared>> -> memref<640x16xf32, #tpu.memory_space<vmem_shared>>
      tpu.wait_dma2 semaphore(%run_scoped3A : memref<!tpu.dma_semaphore, #tpu.memory_space<semaphore_mem>>) src(%arg10 : memref<640x16xf32, #tpu.memory_space<vmem>>) dst(%dma_wait3A_185 : memref<640x16xf32, #tpu.memory_space<vmem_shared>>)
      tpu.yield
    }) : () -> ()
    %barrier3A = arith.constant 0 : index
    tpu.barrier barrier_id(%barrier3A)
    %dma_start3A_42 = arith.constant 0 : i32
    %dma_start3A_43 = arith.constant 0 : i32
    %dma_start3A_44 = arith.constant 0 : i32
    %dma_start3A_45 = tpu.memref_slice %arg9[%dma_start3A_42, %dma_start3A_43, %dma_start3A_44] : memref<10x80x16xf32, #tpu.memory_space<vmem>> -> memref<1x80x16xf32, #tpu.memory_space<vmem>>
    %dma_start3A_46 = tpu.memref_squeeze %dma_start3A_45 : memref<1x80x16xf32, #tpu.memory_space<vmem>> -> memref<80x16xf32, #tpu.memory_space<vmem>>
    %dma_start3A_47 = arith.constant 0 : i32
    %dma_start3A_48 = tpu.memref_slice %arg7[%dma_start3A_47] : memref<10000xi32, #tpu.memory_space<vmem>> -> memref<80xi32, #tpu.memory_space<vmem>>
    %dma_start3A_49 = arith.constant 0 : i32
    %dma_start3A_50 = arith.constant 0 : i32
    %dma_start3A_51 = tpu.memref_slice %arg5[%dma_start3A_49, %dma_start3A_50] : memref<10240x16xf32, #tpu.memory_space<vmem_shared>> -> memref<10240x16xf32, #tpu.memory_space<vmem_shared>>
    tpu.enqueue_indirect_dma source(%dma_start3A_51 : memref<10240x16xf32, #tpu.memory_space<vmem_shared>>) target(%dma_start3A_46 : memref<80x16xf32, #tpu.memory_space<vmem>>) offsets(%dma_start3A_48 : memref<80xi32, #tpu.memory_space<vmem>>) semaphore(%arg11 : memref<!tpu.dma_semaphore, #tpu.memory_space<semaphore_mem>>)
    %dma_start3A_52 = arith.constant 1 : i32
    %dma_start3A_53 = arith.constant 0 : i32
    %dma_start3A_54 = arith.constant 0 : i32
    %dma_start3A_55 = tpu.memref_slice %arg9[%dma_start3A_52, %dma_start3A_53, %dma_start3A_54] : memref<10x80x16xf32, #tpu.memory_space<vmem>> -> memref<1x80x16xf32, #tpu.memory_space<vmem>>
    %dma_start3A_56 = tpu.memref_squeeze %dma_start3A_55 : memref<1x80x16xf32, #tpu.memory_space<vmem>> -> memref<80x16xf32, #tpu.memory_space<vmem>>
    %dma_start3A_57 = arith.constant 80 : i32
    %dma_start3A_58 = tpu.memref_slice %arg7[%dma_start3A_57] : memref<10000xi32, #tpu.memory_space<vmem>> -> memref<80xi32, #tpu.memory_space<vmem>>
    %dma_start3A_59 = arith.constant 0 : i32
    %dma_start3A_60 = arith.constant 0 : i32
    %dma_start3A_61 = tpu.memref_slice %arg5[%dma_start3A_59, %dma_start3A_60] : memref<10240x16xf32, #tpu.memory_space<vmem_shared>> -> memref<10240x16xf32, #tpu.memory_space<vmem_shared>>
    tpu.enqueue_indirect_dma source(%dma_start3A_61 : memref<10240x16xf32, #tpu.memory_space<vmem_shared>>) target(%dma_start3A_56 : memref<80x16xf32, #tpu.memory_space<vmem>>) offsets(%dma_start3A_58 : memref<80xi32, #tpu.memory_space<vmem>>) semaphore(%arg11 : memref<!tpu.dma_semaphore, #tpu.memory_space<semaphore_mem>>)
    %dma_start3A_62 = arith.constant 2 : i32
    %dma_start3A_63 = arith.constant 0 : i32
    %dma_start3A_64 = arith.constant 0 : i32
    %dma_start3A_65 = tpu.memref_slice %arg9[%dma_start3A_62, %dma_start3A_63, %dma_start3A_64] : memref<10x80x16xf32, #tpu.memory_space<vmem>> -> memref<1x80x16xf32, #tpu.memory_space<vmem>>
    %dma_start3A_66 = tpu.memref_squeeze %dma_start3A_65 : memref<1x80x16xf32, #tpu.memory_space<vmem>> -> memref<80x16xf32, #tpu.memory_space<vmem>>
    %dma_start3A_67 = arith.constant 160 : i32
    %dma_start3A_68 = tpu.memref_slice %arg7[%dma_start3A_67] : memref<10000xi32, #tpu.memory_space<vmem>> -> memref<80xi32, #tpu.memory_space<vmem>>
    %dma_start3A_69 = arith.constant 0 : i32
    %dma_start3A_70 = arith.constant 0 : i32
    %dma_start3A_71 = tpu.memref_slice %arg5[%dma_start3A_69, %dma_start3A_70] : memref<10240x16xf32, #tpu.memory_space<vmem_shared>> -> memref<10240x16xf32, #tpu.memory_space<vmem_shared>>
    tpu.enqueue_indirect_dma source(%dma_start3A_71 : memref<10240x16xf32, #tpu.memory_space<vmem_shared>>) target(%dma_start3A_66 : memref<80x16xf32, #tpu.memory_space<vmem>>) offsets(%dma_start3A_68 : memref<80xi32, #tpu.memory_space<vmem>>) semaphore(%arg11 : memref<!tpu.dma_semaphore, #tpu.memory_space<semaphore_mem>>)
    %dma_start3A_72 = arith.constant 3 : i32
    %dma_start3A_73 = arith.constant 0 : i32
    %dma_start3A_74 = arith.constant 0 : i32
    %dma_start3A_75 = tpu.memref_slice %arg9[%dma_start3A_72, %dma_start3A_73, %dma_start3A_74] : memref<10x80x16xf32, #tpu.memory_space<vmem>> -> memref<1x80x16xf32, #tpu.memory_space<vmem>>
    %dma_start3A_76 = tpu.memref_squeeze %dma_start3A_75 : memref<1x80x16xf32, #tpu.memory_space<vmem>> -> memref<80x16xf32, #tpu.memory_space<vmem>>
    %dma_start3A_77 = arith.constant 240 : i32
    %dma_start3A_78 = tpu.memref_slice %arg7[%dma_start3A_77] : memref<10000xi32, #tpu.memory_space<vmem>> -> memref<80xi32, #tpu.memory_space<vmem>>
    %dma_start3A_79 = arith.constant 0 : i32
    %dma_start3A_80 = arith.constant 0 : i32
    %dma_start3A_81 = tpu.memref_slice %arg5[%dma_start3A_79, %dma_start3A_80] : memref<10240x16xf32, #tpu.memory_space<vmem_shared>> -> memref<10240x16xf32, #tpu.memory_space<vmem_shared>>
    tpu.enqueue_indirect_dma source(%dma_start3A_81 : memref<10240x16xf32, #tpu.memory_space<vmem_shared>>) target(%dma_start3A_76 : memref<80x16xf32, #tpu.memory_space<vmem>>) offsets(%dma_start3A_78 : memref<80xi32, #tpu.memory_space<vmem>>) semaphore(%arg11 : memref<!tpu.dma_semaphore, #tpu.memory_space<semaphore_mem>>)
    %dma_start3A_82 = arith.constant 4 : i32
    %dma_start3A_83 = arith.constant 0 : i32
    %dma_start3A_84 = arith.constant 0 : i32
    %dma_start3A_85 = tpu.memref_slice %arg9[%dma_start3A_82, %dma_start3A_83, %dma_start3A_84] : memref<10x80x16xf32, #tpu.memory_space<vmem>> -> memref<1x80x16xf32, #tpu.memory_space<vmem>>
    %dma_start3A_86 = tpu.memref_squeeze %dma_start3A_85 : memref<1x80x16xf32, #tpu.memory_space<vmem>> -> memref<80x16xf32, #tpu.memory_space<vmem>>
    %dma_start3A_87 = arith.constant 320 : i32
    %dma_start3A_88 = tpu.memref_slice %arg7[%dma_start3A_87] : memref<10000xi32, #tpu.memory_space<vmem>> -> memref<80xi32, #tpu.memory_space<vmem>>
    %dma_start3A_89 = arith.constant 0 : i32
    %dma_start3A_90 = arith.constant 0 : i32
    %dma_start3A_91 = tpu.memref_slice %arg5[%dma_start3A_89, %dma_start3A_90] : memref<10240x16xf32, #tpu.memory_space<vmem_shared>> -> memref<10240x16xf32, #tpu.memory_space<vmem_shared>>
    tpu.enqueue_indirect_dma source(%dma_start3A_91 : memref<10240x16xf32, #tpu.memory_space<vmem_shared>>) target(%dma_start3A_86 : memref<80x16xf32, #tpu.memory_space<vmem>>) offsets(%dma_start3A_88 : memref<80xi32, #tpu.memory_space<vmem>>) semaphore(%arg11 : memref<!tpu.dma_semaphore, #tpu.memory_space<semaphore_mem>>)
    %scan3A_92 = arith.constant 0 : i32
    %scan3A_93 = arith.constant 0 : i32
    %scan3A_94 = arith.constant 25 : i32
    %scan3A_95 = arith.addi %scan3A_93, %scan3A_94 : i32
    %scan3A_96 = arith.constant 1 : i32
    scf.for %scan3A_178 = %scan3A_93 to %scan3A_95 step %scan3A_96  : i32 {
      %jit3A = arith.constant 2 : i32
      %eq3A = arith.constant 0 : i32
      %eq3A_179 = arith.cmpi eq, %jit3A, %eq3A : i32
      %jit3A_180 = arith.constant 1 : i32
      %select_n3A = arith.select %eq3A_179, %jit3A_180, %jit3A : i32
      %rem3A = arith.remsi %scan3A_178, %select_n3A : i32
      %ne3A = arith.constant 0 : i32
      %ne3A_181 = arith.cmpi ne, %rem3A, %ne3A : i32
      %lt3A = arith.constant 0 : i32
      %lt3A_182 = arith.cmpi slt, %rem3A, %lt3A : i32
      %lt3A_183 = arith.constant 0 : i32
      %lt3A_184 = arith.cmpi slt, %select_n3A, %lt3A_183 : i32
      %ne3A_185 = arith.xori %lt3A_182, %lt3A_184 : i1
      %and3A = arith.andi %ne3A_185, %ne3A_181 : i1
      %add3A_186 = arith.addi %rem3A, %select_n3A : i32
      %select_n3A_187 = arith.select %and3A, %add3A_186, %rem3A : i32
      %mul3A_188 = arith.constant 5 : i32
      %mul3A_189 = arith.muli %select_n3A_187, %mul3A_188 : i32
      %add3A_190 = arith.constant 1 : i32
      %add3A_191 = arith.addi %scan3A_178, %add3A_190 : i32
      %jit3A_192 = arith.constant 2 : i32
      %eq3A_193 = arith.constant 0 : i32
      %eq3A_194 = arith.cmpi eq, %jit3A_192, %eq3A_193 : i32
      %jit3A_195 = arith.constant 1 : i32
      %select_n3A_196 = arith.select %eq3A_194, %jit3A_195, %jit3A_192 : i32
      %rem3A_197 = arith.remsi %add3A_191, %select_n3A_196 : i32
      %ne3A_198 = arith.constant 0 : i32
      %ne3A_199 = arith.cmpi ne, %rem3A_197, %ne3A_198 : i32
      %lt3A_200 = arith.constant 0 : i32
      %lt3A_201 = arith.cmpi slt, %rem3A_197, %lt3A_200 : i32
      %lt3A_202 = arith.constant 0 : i32
      %lt3A_203 = arith.cmpi slt, %select_n3A_196, %lt3A_202 : i32
      %ne3A_204 = arith.xori %lt3A_201, %lt3A_203 : i1
      %and3A_205 = arith.andi %ne3A_204, %ne3A_199 : i1
      %add3A_206 = arith.addi %rem3A_197, %select_n3A_196 : i32
      %select_n3A_207 = arith.select %and3A_205, %add3A_206, %rem3A_197 : i32
      %mul3A_208 = arith.constant 5 : i32
      %mul3A_209 = arith.muli %select_n3A_207, %mul3A_208 : i32
      %gt3A = arith.constant 0 : i32
      %gt3A_210 = arith.cmpi sgt, %scan3A_178, %gt3A : i32
      %convert_element_type3A = arith.extui %gt3A_210 : i1 to i32
      %cond3A = arith.constant 0 : i32
      %cond3A_211 = arith.cmpi ne, %convert_element_type3A, %cond3A : i32
      scf.if %cond3A_211 {
        %add3A_377 = arith.constant 0 : i32
        %add3A_378 = arith.addi %mul3A_209, %add3A_377 : i32
        %dma_wait3A_379 = arith.constant 0 : i32
        %dma_wait3A_380 = arith.constant 0 : i32
        %dma_wait3A_381 = tpu.memref_slice %arg9[%add3A_378, %dma_wait3A_379, %dma_wait3A_380] : memref<10x80x16xf32, #tpu.memory_space<vmem>> -> memref<1x80x16xf32, #tpu.memory_space<vmem>>
        %dma_wait3A_382 = tpu.memref_squeeze %dma_wait3A_381 : memref<1x80x16xf32, #tpu.memory_space<vmem>> -> memref<80x16xf32, #tpu.memory_space<vmem>>
        %dma_wait3A_383 = arith.constant 0 : i32
        %dma_wait3A_384 = arith.constant 0 : i32
        %dma_wait3A_385 = tpu.memref_slice %arg2[%dma_wait3A_383, %dma_wait3A_384] : memref<10240x16xf32, #tpu.memory_space<hbm>> -> memref<80x16xf32, #tpu.memory_space<hbm>>
        %dma_wait3A_386 = arith.constant 0 : i32
        %dma_wait3A_387 = arith.constant 0 : i32
        %dma_wait3A_388 = tpu.memref_slice %arg9[%add3A_378, %dma_wait3A_386, %dma_wait3A_387] : memref<10x80x16xf32, #tpu.memory_space<vmem>> -> memref<1x80x16xf32, #tpu.memory_space<vmem>>
        %dma_wait3A_389 = tpu.memref_squeeze %dma_wait3A_388 : memref<1x80x16xf32, #tpu.memory_space<vmem>> -> memref<80x16xf32, #tpu.memory_space<vmem>>
        %dma_wait3A_390 = arith.constant 0 : i32
        %dma_wait3A_391 = arith.constant 0 : i32
        %dma_wait3A_392 = tpu.memref_slice %arg2[%dma_wait3A_390, %dma_wait3A_391] : memref<10240x16xf32, #tpu.memory_space<hbm>> -> memref<80x16xf32, #tpu.memory_space<hbm>>
        tpu.wait_dma2 semaphore(%arg12 : memref<!tpu.dma_semaphore, #tpu.memory_space<semaphore_mem>>) src(%dma_wait3A_392 : memref<80x16xf32, #tpu.memory_space<hbm>>) dst(%dma_wait3A_389 : memref<80x16xf32, #tpu.memory_space<vmem>>)
        %add3A_393 = arith.constant 1 : i32
        %add3A_394 = arith.addi %mul3A_209, %add3A_393 : i32
        %dma_wait3A_395 = arith.constant 0 : i32
        %dma_wait3A_396 = arith.constant 0 : i32
        %dma_wait3A_397 = tpu.memref_slice %arg9[%add3A_394, %dma_wait3A_395, %dma_wait3A_396] : memref<10x80x16xf32, #tpu.memory_space<vmem>> -> memref<1x80x16xf32, #tpu.memory_space<vmem>>
        %dma_wait3A_398 = tpu.memref_squeeze %dma_wait3A_397 : memref<1x80x16xf32, #tpu.memory_space<vmem>> -> memref<80x16xf32, #tpu.memory_space<vmem>>
        %dma_wait3A_399 = arith.constant 0 : i32
        %dma_wait3A_400 = arith.constant 0 : i32
        %dma_wait3A_401 = tpu.memref_slice %arg2[%dma_wait3A_399, %dma_wait3A_400] : memref<10240x16xf32, #tpu.memory_space<hbm>> -> memref<80x16xf32, #tpu.memory_space<hbm>>
        %dma_wait3A_402 = arith.constant 0 : i32
        %dma_wait3A_403 = arith.constant 0 : i32
        %dma_wait3A_404 = tpu.memref_slice %arg9[%add3A_394, %dma_wait3A_402, %dma_wait3A_403] : memref<10x80x16xf32, #tpu.memory_space<vmem>> -> memref<1x80x16xf32, #tpu.memory_space<vmem>>
        %dma_wait3A_405 = tpu.memref_squeeze %dma_wait3A_404 : memref<1x80x16xf32, #tpu.memory_space<vmem>> -> memref<80x16xf32, #tpu.memory_space<vmem>>
        %dma_wait3A_406 = arith.constant 0 : i32
        %dma_wait3A_407 = arith.constant 0 : i32
        %dma_wait3A_408 = tpu.memref_slice %arg2[%dma_wait3A_406, %dma_wait3A_407] : memref<10240x16xf32, #tpu.memory_space<hbm>> -> memref<80x16xf32, #tpu.memory_space<hbm>>
        tpu.wait_dma2 semaphore(%arg12 : memref<!tpu.dma_semaphore, #tpu.memory_space<semaphore_mem>>) src(%dma_wait3A_408 : memref<80x16xf32, #tpu.memory_space<hbm>>) dst(%dma_wait3A_405 : memref<80x16xf32, #tpu.memory_space<vmem>>)
        %add3A_409 = arith.constant 2 : i32
        %add3A_410 = arith.addi %mul3A_209, %add3A_409 : i32
        %dma_wait3A_411 = arith.constant 0 : i32
        %dma_wait3A_412 = arith.constant 0 : i32
        %dma_wait3A_413 = tpu.memref_slice %arg9[%add3A_410, %dma_wait3A_411, %dma_wait3A_412] : memref<10x80x16xf32, #tpu.memory_space<vmem>> -> memref<1x80x16xf32, #tpu.memory_space<vmem>>
        %dma_wait3A_414 = tpu.memref_squeeze %dma_wait3A_413 : memref<1x80x16xf32, #tpu.memory_space<vmem>> -> memref<80x16xf32, #tpu.memory_space<vmem>>
        %dma_wait3A_415 = arith.constant 0 : i32
        %dma_wait3A_416 = arith.constant 0 : i32
        %dma_wait3A_417 = tpu.memref_slice %arg2[%dma_wait3A_415, %dma_wait3A_416] : memref<10240x16xf32, #tpu.memory_space<hbm>> -> memref<80x16xf32, #tpu.memory_space<hbm>>
        %dma_wait3A_418 = arith.constant 0 : i32
        %dma_wait3A_419 = arith.constant 0 : i32
        %dma_wait3A_420 = tpu.memref_slice %arg9[%add3A_410, %dma_wait3A_418, %dma_wait3A_419] : memref<10x80x16xf32, #tpu.memory_space<vmem>> -> memref<1x80x16xf32, #tpu.memory_space<vmem>>
        %dma_wait3A_421 = tpu.memref_squeeze %dma_wait3A_420 : memref<1x80x16xf32, #tpu.memory_space<vmem>> -> memref<80x16xf32, #tpu.memory_space<vmem>>
        %dma_wait3A_422 = arith.constant 0 : i32
        %dma_wait3A_423 = arith.constant 0 : i32
        %dma_wait3A_424 = tpu.memref_slice %arg2[%dma_wait3A_422, %dma_wait3A_423] : memref<10240x16xf32, #tpu.memory_space<hbm>> -> memref<80x16xf32, #tpu.memory_space<hbm>>
        tpu.wait_dma2 semaphore(%arg12 : memref<!tpu.dma_semaphore, #tpu.memory_space<semaphore_mem>>) src(%dma_wait3A_424 : memref<80x16xf32, #tpu.memory_space<hbm>>) dst(%dma_wait3A_421 : memref<80x16xf32, #tpu.memory_space<vmem>>)
        %add3A_425 = arith.constant 3 : i32
        %add3A_426 = arith.addi %mul3A_209, %add3A_425 : i32
        %dma_wait3A_427 = arith.constant 0 : i32
        %dma_wait3A_428 = arith.constant 0 : i32
        %dma_wait3A_429 = tpu.memref_slice %arg9[%add3A_426, %dma_wait3A_427, %dma_wait3A_428] : memref<10x80x16xf32, #tpu.memory_space<vmem>> -> memref<1x80x16xf32, #tpu.memory_space<vmem>>
        %dma_wait3A_430 = tpu.memref_squeeze %dma_wait3A_429 : memref<1x80x16xf32, #tpu.memory_space<vmem>> -> memref<80x16xf32, #tpu.memory_space<vmem>>
        %dma_wait3A_431 = arith.constant 0 : i32
        %dma_wait3A_432 = arith.constant 0 : i32
        %dma_wait3A_433 = tpu.memref_slice %arg2[%dma_wait3A_431, %dma_wait3A_432] : memref<10240x16xf32, #tpu.memory_space<hbm>> -> memref<80x16xf32, #tpu.memory_space<hbm>>
        %dma_wait3A_434 = arith.constant 0 : i32
        %dma_wait3A_435 = arith.constant 0 : i32
        %dma_wait3A_436 = tpu.memref_slice %arg9[%add3A_426, %dma_wait3A_434, %dma_wait3A_435] : memref<10x80x16xf32, #tpu.memory_space<vmem>> -> memref<1x80x16xf32, #tpu.memory_space<vmem>>
        %dma_wait3A_437 = tpu.memref_squeeze %dma_wait3A_436 : memref<1x80x16xf32, #tpu.memory_space<vmem>> -> memref<80x16xf32, #tpu.memory_space<vmem>>
        %dma_wait3A_438 = arith.constant 0 : i32
        %dma_wait3A_439 = arith.constant 0 : i32
        %dma_wait3A_440 = tpu.memref_slice %arg2[%dma_wait3A_438, %dma_wait3A_439] : memref<10240x16xf32, #tpu.memory_space<hbm>> -> memref<80x16xf32, #tpu.memory_space<hbm>>
        tpu.wait_dma2 semaphore(%arg12 : memref<!tpu.dma_semaphore, #tpu.memory_space<semaphore_mem>>) src(%dma_wait3A_440 : memref<80x16xf32, #tpu.memory_space<hbm>>) dst(%dma_wait3A_437 : memref<80x16xf32, #tpu.memory_space<vmem>>)
        %add3A_441 = arith.constant 4 : i32
        %add3A_442 = arith.addi %mul3A_209, %add3A_441 : i32
        %dma_wait3A_443 = arith.constant 0 : i32
        %dma_wait3A_444 = arith.constant 0 : i32
        %dma_wait3A_445 = tpu.memref_slice %arg9[%add3A_442, %dma_wait3A_443, %dma_wait3A_444] : memref<10x80x16xf32, #tpu.memory_space<vmem>> -> memref<1x80x16xf32, #tpu.memory_space<vmem>>
        %dma_wait3A_446 = tpu.memref_squeeze %dma_wait3A_445 : memref<1x80x16xf32, #tpu.memory_space<vmem>> -> memref<80x16xf32, #tpu.memory_space<vmem>>
        %dma_wait3A_447 = arith.constant 0 : i32
        %dma_wait3A_448 = arith.constant 0 : i32
        %dma_wait3A_449 = tpu.memref_slice %arg2[%dma_wait3A_447, %dma_wait3A_448] : memref<10240x16xf32, #tpu.memory_space<hbm>> -> memref<80x16xf32, #tpu.memory_space<hbm>>
        %dma_wait3A_450 = arith.constant 0 : i32
        %dma_wait3A_451 = arith.constant 0 : i32
        %dma_wait3A_452 = tpu.memref_slice %arg9[%add3A_442, %dma_wait3A_450, %dma_wait3A_451] : memref<10x80x16xf32, #tpu.memory_space<vmem>> -> memref<1x80x16xf32, #tpu.memory_space<vmem>>
        %dma_wait3A_453 = tpu.memref_squeeze %dma_wait3A_452 : memref<1x80x16xf32, #tpu.memory_space<vmem>> -> memref<80x16xf32, #tpu.memory_space<vmem>>
        %dma_wait3A_454 = arith.constant 0 : i32
        %dma_wait3A_455 = arith.constant 0 : i32
        %dma_wait3A_456 = tpu.memref_slice %arg2[%dma_wait3A_454, %dma_wait3A_455] : memref<10240x16xf32, #tpu.memory_space<hbm>> -> memref<80x16xf32, #tpu.memory_space<hbm>>
        tpu.wait_dma2 semaphore(%arg12 : memref<!tpu.dma_semaphore, #tpu.memory_space<semaphore_mem>>) src(%dma_wait3A_456 : memref<80x16xf32, #tpu.memory_space<hbm>>) dst(%dma_wait3A_453 : memref<80x16xf32, #tpu.memory_space<vmem>>)
      } else {
      }
      %lt3A_212 = arith.constant 24 : i32
      %lt3A_213 = arith.cmpi slt, %scan3A_178, %lt3A_212 : i32
      %convert_element_type3A_214 = arith.extui %lt3A_213 : i1 to i32
      %cond3A_215 = arith.constant 0 : i32
      %cond3A_216 = arith.cmpi ne, %convert_element_type3A_214, %cond3A_215 : i32
      scf.if %cond3A_216 {
        %add3A_377 = arith.constant 1 : i32
        %add3A_378 = arith.addi %scan3A_178, %add3A_377 : i32
        %mul3A_379 = arith.constant 5 : i32
        %mul3A_380 = arith.muli %add3A_378, %mul3A_379 : i32
        %add3A_381 = arith.constant 0 : i32
        %add3A_382 = arith.addi %mul3A_380, %add3A_381 : i32
        %mul3A_383 = arith.constant 80 : i32
        %mul3A_384 = arith.muli %add3A_382, %mul3A_383 : i32
        %add3A_385 = arith.constant 0 : i32
        %add3A_386 = arith.addi %mul3A_209, %add3A_385 : i32
        %dma_start3A_387 = arith.constant 0 : i32
        %dma_start3A_388 = arith.constant 0 : i32
        %dma_start3A_389 = tpu.memref_slice %arg9[%add3A_386, %dma_start3A_387, %dma_start3A_388] : memref<10x80x16xf32, #tpu.memory_space<vmem>> -> memref<1x80x16xf32, #tpu.memory_space<vmem>>
        %dma_start3A_390 = tpu.memref_squeeze %dma_start3A_389 : memref<1x80x16xf32, #tpu.memory_space<vmem>> -> memref<80x16xf32, #tpu.memory_space<vmem>>
        %dma_start3A_391 = tpu.memref_slice %arg7[%mul3A_384] : memref<10000xi32, #tpu.memory_space<vmem>> -> memref<80xi32, #tpu.memory_space<vmem>>
        %dma_start3A_392 = arith.constant 0 : i32
        %dma_start3A_393 = arith.constant 0 : i32
        %dma_start3A_394 = tpu.memref_slice %arg5[%dma_start3A_392, %dma_start3A_393] : memref<10240x16xf32, #tpu.memory_space<vmem_shared>> -> memref<10240x16xf32, #tpu.memory_space<vmem_shared>>
        tpu.enqueue_indirect_dma source(%dma_start3A_394 : memref<10240x16xf32, #tpu.memory_space<vmem_shared>>) target(%dma_start3A_390 : memref<80x16xf32, #tpu.memory_space<vmem>>) offsets(%dma_start3A_391 : memref<80xi32, #tpu.memory_space<vmem>>) semaphore(%arg11 : memref<!tpu.dma_semaphore, #tpu.memory_space<semaphore_mem>>)
        %add3A_395 = arith.constant 1 : i32
        %add3A_396 = arith.addi %scan3A_178, %add3A_395 : i32
        %mul3A_397 = arith.constant 5 : i32
        %mul3A_398 = arith.muli %add3A_396, %mul3A_397 : i32
        %add3A_399 = arith.constant 1 : i32
        %add3A_400 = arith.addi %mul3A_398, %add3A_399 : i32
        %mul3A_401 = arith.constant 80 : i32
        %mul3A_402 = arith.muli %add3A_400, %mul3A_401 : i32
        %add3A_403 = arith.constant 1 : i32
        %add3A_404 = arith.addi %mul3A_209, %add3A_403 : i32
        %dma_start3A_405 = arith.constant 0 : i32
        %dma_start3A_406 = arith.constant 0 : i32
        %dma_start3A_407 = tpu.memref_slice %arg9[%add3A_404, %dma_start3A_405, %dma_start3A_406] : memref<10x80x16xf32, #tpu.memory_space<vmem>> -> memref<1x80x16xf32, #tpu.memory_space<vmem>>
        %dma_start3A_408 = tpu.memref_squeeze %dma_start3A_407 : memref<1x80x16xf32, #tpu.memory_space<vmem>> -> memref<80x16xf32, #tpu.memory_space<vmem>>
        %dma_start3A_409 = tpu.memref_slice %arg7[%mul3A_402] : memref<10000xi32, #tpu.memory_space<vmem>> -> memref<80xi32, #tpu.memory_space<vmem>>
        %dma_start3A_410 = arith.constant 0 : i32
        %dma_start3A_411 = arith.constant 0 : i32
        %dma_start3A_412 = tpu.memref_slice %arg5[%dma_start3A_410, %dma_start3A_411] : memref<10240x16xf32, #tpu.memory_space<vmem_shared>> -> memref<10240x16xf32, #tpu.memory_space<vmem_shared>>
        tpu.enqueue_indirect_dma source(%dma_start3A_412 : memref<10240x16xf32, #tpu.memory_space<vmem_shared>>) target(%dma_start3A_408 : memref<80x16xf32, #tpu.memory_space<vmem>>) offsets(%dma_start3A_409 : memref<80xi32, #tpu.memory_space<vmem>>) semaphore(%arg11 : memref<!tpu.dma_semaphore, #tpu.memory_space<semaphore_mem>>)
        %add3A_413 = arith.constant 1 : i32
        %add3A_414 = arith.addi %scan3A_178, %add3A_413 : i32
        %mul3A_415 = arith.constant 5 : i32
        %mul3A_416 = arith.muli %add3A_414, %mul3A_415 : i32
        %add3A_417 = arith.constant 2 : i32
        %add3A_418 = arith.addi %mul3A_416, %add3A_417 : i32
        %mul3A_419 = arith.constant 80 : i32
        %mul3A_420 = arith.muli %add3A_418, %mul3A_419 : i32
        %add3A_421 = arith.constant 2 : i32
        %add3A_422 = arith.addi %mul3A_209, %add3A_421 : i32
        %dma_start3A_423 = arith.constant 0 : i32
        %dma_start3A_424 = arith.constant 0 : i32
        %dma_start3A_425 = tpu.memref_slice %arg9[%add3A_422, %dma_start3A_423, %dma_start3A_424] : memref<10x80x16xf32, #tpu.memory_space<vmem>> -> memref<1x80x16xf32, #tpu.memory_space<vmem>>
        %dma_start3A_426 = tpu.memref_squeeze %dma_start3A_425 : memref<1x80x16xf32, #tpu.memory_space<vmem>> -> memref<80x16xf32, #tpu.memory_space<vmem>>
        %dma_start3A_427 = tpu.memref_slice %arg7[%mul3A_420] : memref<10000xi32, #tpu.memory_space<vmem>> -> memref<80xi32, #tpu.memory_space<vmem>>
        %dma_start3A_428 = arith.constant 0 : i32
        %dma_start3A_429 = arith.constant 0 : i32
        %dma_start3A_430 = tpu.memref_slice %arg5[%dma_start3A_428, %dma_start3A_429] : memref<10240x16xf32, #tpu.memory_space<vmem_shared>> -> memref<10240x16xf32, #tpu.memory_space<vmem_shared>>
        tpu.enqueue_indirect_dma source(%dma_start3A_430 : memref<10240x16xf32, #tpu.memory_space<vmem_shared>>) target(%dma_start3A_426 : memref<80x16xf32, #tpu.memory_space<vmem>>) offsets(%dma_start3A_427 : memref<80xi32, #tpu.memory_space<vmem>>) semaphore(%arg11 : memref<!tpu.dma_semaphore, #tpu.memory_space<semaphore_mem>>)
        %add3A_431 = arith.constant 1 : i32
        %add3A_432 = arith.addi %scan3A_178, %add3A_431 : i32
        %mul3A_433 = arith.constant 5 : i32
        %mul3A_434 = arith.muli %add3A_432, %mul3A_433 : i32
        %add3A_435 = arith.constant 3 : i32
        %add3A_436 = arith.addi %mul3A_434, %add3A_435 : i32
        %mul3A_437 = arith.constant 80 : i32
        %mul3A_438 = arith.muli %add3A_436, %mul3A_437 : i32
        %add3A_439 = arith.constant 3 : i32
        %add3A_440 = arith.addi %mul3A_209, %add3A_439 : i32
        %dma_start3A_441 = arith.constant 0 : i32
        %dma_start3A_442 = arith.constant 0 : i32
        %dma_start3A_443 = tpu.memref_slice %arg9[%add3A_440, %dma_start3A_441, %dma_start3A_442] : memref<10x80x16xf32, #tpu.memory_space<vmem>> -> memref<1x80x16xf32, #tpu.memory_space<vmem>>
        %dma_start3A_444 = tpu.memref_squeeze %dma_start3A_443 : memref<1x80x16xf32, #tpu.memory_space<vmem>> -> memref<80x16xf32, #tpu.memory_space<vmem>>
        %dma_start3A_445 = tpu.memref_slice %arg7[%mul3A_438] : memref<10000xi32, #tpu.memory_space<vmem>> -> memref<80xi32, #tpu.memory_space<vmem>>
        %dma_start3A_446 = arith.constant 0 : i32
        %dma_start3A_447 = arith.constant 0 : i32
        %dma_start3A_448 = tpu.memref_slice %arg5[%dma_start3A_446, %dma_start3A_447] : memref<10240x16xf32, #tpu.memory_space<vmem_shared>> -> memref<10240x16xf32, #tpu.memory_space<vmem_shared>>
        tpu.enqueue_indirect_dma source(%dma_start3A_448 : memref<10240x16xf32, #tpu.memory_space<vmem_shared>>) target(%dma_start3A_444 : memref<80x16xf32, #tpu.memory_space<vmem>>) offsets(%dma_start3A_445 : memref<80xi32, #tpu.memory_space<vmem>>) semaphore(%arg11 : memref<!tpu.dma_semaphore, #tpu.memory_space<semaphore_mem>>)
        %add3A_449 = arith.constant 1 : i32
        %add3A_450 = arith.addi %scan3A_178, %add3A_449 : i32
        %mul3A_451 = arith.constant 5 : i32
        %mul3A_452 = arith.muli %add3A_450, %mul3A_451 : i32
        %add3A_453 = arith.constant 4 : i32
        %add3A_454 = arith.addi %mul3A_452, %add3A_453 : i32
        %mul3A_455 = arith.constant 80 : i32
        %mul3A_456 = arith.muli %add3A_454, %mul3A_455 : i32
        %add3A_457 = arith.constant 4 : i32
        %add3A_458 = arith.addi %mul3A_209, %add3A_457 : i32
        %dma_start3A_459 = arith.constant 0 : i32
        %dma_start3A_460 = arith.constant 0 : i32
        %dma_start3A_461 = tpu.memref_slice %arg9[%add3A_458, %dma_start3A_459, %dma_start3A_460] : memref<10x80x16xf32, #tpu.memory_space<vmem>> -> memref<1x80x16xf32, #tpu.memory_space<vmem>>
        %dma_start3A_462 = tpu.memref_squeeze %dma_start3A_461 : memref<1x80x16xf32, #tpu.memory_space<vmem>> -> memref<80x16xf32, #tpu.memory_space<vmem>>
        %dma_start3A_463 = tpu.memref_slice %arg7[%mul3A_456] : memref<10000xi32, #tpu.memory_space<vmem>> -> memref<80xi32, #tpu.memory_space<vmem>>
        %dma_start3A_464 = arith.constant 0 : i32
        %dma_start3A_465 = arith.constant 0 : i32
        %dma_start3A_466 = tpu.memref_slice %arg5[%dma_start3A_464, %dma_start3A_465] : memref<10240x16xf32, #tpu.memory_space<vmem_shared>> -> memref<10240x16xf32, #tpu.memory_space<vmem_shared>>
        tpu.enqueue_indirect_dma source(%dma_start3A_466 : memref<10240x16xf32, #tpu.memory_space<vmem_shared>>) target(%dma_start3A_462 : memref<80x16xf32, #tpu.memory_space<vmem>>) offsets(%dma_start3A_463 : memref<80xi32, #tpu.memory_space<vmem>>) semaphore(%arg11 : memref<!tpu.dma_semaphore, #tpu.memory_space<semaphore_mem>>)
      } else {
      }
      %mul3A_217 = arith.constant 5 : i32
      %mul3A_218 = arith.muli %scan3A_178, %mul3A_217 : i32
      %add3A_219 = arith.constant 0 : i32
      %add3A_220 = arith.addi %mul3A_218, %add3A_219 : i32
      %add3A_221 = arith.constant 0 : i32
      %add3A_222 = arith.addi %mul3A_189, %add3A_221 : i32
      %dma_wait3A_223 = arith.constant 0 : i32
      %dma_wait3A_224 = arith.constant 0 : i32
      %dma_wait3A_225 = tpu.memref_slice %arg9[%add3A_222, %dma_wait3A_223, %dma_wait3A_224] : memref<10x80x16xf32, #tpu.memory_space<vmem>> -> memref<1x80x16xf32, #tpu.memory_space<vmem>>
      %dma_wait3A_226 = tpu.memref_squeeze %dma_wait3A_225 : memref<1x80x16xf32, #tpu.memory_space<vmem>> -> memref<80x16xf32, #tpu.memory_space<vmem>>
      %dma_wait3A_227 = arith.constant 0 : i32
      %dma_wait3A_228 = arith.constant 0 : i32
      %dma_wait3A_229 = tpu.memref_slice %arg2[%dma_wait3A_227, %dma_wait3A_228] : memref<10240x16xf32, #tpu.memory_space<hbm>> -> memref<80x16xf32, #tpu.memory_space<hbm>>
      %dma_wait3A_230 = arith.constant 0 : i32
      %dma_wait3A_231 = arith.constant 0 : i32
      %dma_wait3A_232 = tpu.memref_slice %arg9[%add3A_222, %dma_wait3A_230, %dma_wait3A_231] : memref<10x80x16xf32, #tpu.memory_space<vmem>> -> memref<1x80x16xf32, #tpu.memory_space<vmem>>
      %dma_wait3A_233 = tpu.memref_squeeze %dma_wait3A_232 : memref<1x80x16xf32, #tpu.memory_space<vmem>> -> memref<80x16xf32, #tpu.memory_space<vmem>>
      %dma_wait3A_234 = arith.constant 0 : i32
      %dma_wait3A_235 = arith.constant 0 : i32
      %dma_wait3A_236 = tpu.memref_slice %arg2[%dma_wait3A_234, %dma_wait3A_235] : memref<10240x16xf32, #tpu.memory_space<hbm>> -> memref<80x16xf32, #tpu.memory_space<hbm>>
      tpu.wait_dma2 semaphore(%arg11 : memref<!tpu.dma_semaphore, #tpu.memory_space<semaphore_mem>>) src(%dma_wait3A_236 : memref<80x16xf32, #tpu.memory_space<hbm>>) dst(%dma_wait3A_233 : memref<80x16xf32, #tpu.memory_space<vmem>>)
      %add3A_237 = arith.constant 0 : i32
      %add3A_238 = arith.addi %mul3A_189, %add3A_237 : i32
      %mul3A_239 = arith.constant 80 : i32
      %mul3A_240 = arith.muli %add3A_220, %mul3A_239 : i32
      %dma_start3A_241 = arith.constant 0 : i32
      %dma_start3A_242 = arith.constant 0 : i32
      %dma_start3A_243 = tpu.memref_slice %arg9[%add3A_238, %dma_start3A_241, %dma_start3A_242] : memref<10x80x16xf32, #tpu.memory_space<vmem>> -> memref<1x80x16xf32, #tpu.memory_space<vmem>>
      %dma_start3A_244 = tpu.memref_squeeze %dma_start3A_243 : memref<1x80x16xf32, #tpu.memory_space<vmem>> -> memref<80x16xf32, #tpu.memory_space<vmem>>
      %dma_start3A_245 = tpu.memref_slice %arg8[%mul3A_240] : memref<10000xi32, #tpu.memory_space<vmem>> -> memref<80xi32, #tpu.memory_space<vmem>>
      %dma_start3A_246 = arith.constant 0 : i32
      %dma_start3A_247 = arith.constant 0 : i32
      %dma_start3A_248 = tpu.memref_slice %arg6[%dma_start3A_246, %dma_start3A_247] : memref<10240x16xf32, #tpu.memory_space<vmem_shared>> -> memref<10240x16xf32, #tpu.memory_space<vmem_shared>>
      tpu.enqueue_indirect_dma source(%dma_start3A_244 : memref<80x16xf32, #tpu.memory_space<vmem>>) target(%dma_start3A_248 : memref<10240x16xf32, #tpu.memory_space<vmem_shared>>) offsets(%dma_start3A_245 : memref<80xi32, #tpu.memory_space<vmem>>) semaphore(%arg12 : memref<!tpu.dma_semaphore, #tpu.memory_space<semaphore_mem>>) {add = true}
      %mul3A_249 = arith.constant 5 : i32
      %mul3A_250 = arith.muli %scan3A_178, %mul3A_249 : i32
      %add3A_251 = arith.constant 1 : i32
      %add3A_252 = arith.addi %mul3A_250, %add3A_251 : i32
      %add3A_253 = arith.constant 1 : i32
      %add3A_254 = arith.addi %mul3A_189, %add3A_253 : i32
      %dma_wait3A_255 = arith.constant 0 : i32
      %dma_wait3A_256 = arith.constant 0 : i32
      %dma_wait3A_257 = tpu.memref_slice %arg9[%add3A_254, %dma_wait3A_255, %dma_wait3A_256] : memref<10x80x16xf32, #tpu.memory_space<vmem>> -> memref<1x80x16xf32, #tpu.memory_space<vmem>>
      %dma_wait3A_258 = tpu.memref_squeeze %dma_wait3A_257 : memref<1x80x16xf32, #tpu.memory_space<vmem>> -> memref<80x16xf32, #tpu.memory_space<vmem>>
      %dma_wait3A_259 = arith.constant 0 : i32
      %dma_wait3A_260 = arith.constant 0 : i32
      %dma_wait3A_261 = tpu.memref_slice %arg2[%dma_wait3A_259, %dma_wait3A_260] : memref<10240x16xf32, #tpu.memory_space<hbm>> -> memref<80x16xf32, #tpu.memory_space<hbm>>
      %dma_wait3A_262 = arith.constant 0 : i32
      %dma_wait3A_263 = arith.constant 0 : i32
      %dma_wait3A_264 = tpu.memref_slice %arg9[%add3A_254, %dma_wait3A_262, %dma_wait3A_263] : memref<10x80x16xf32, #tpu.memory_space<vmem>> -> memref<1x80x16xf32, #tpu.memory_space<vmem>>
      %dma_wait3A_265 = tpu.memref_squeeze %dma_wait3A_264 : memref<1x80x16xf32, #tpu.memory_space<vmem>> -> memref<80x16xf32, #tpu.memory_space<vmem>>
      %dma_wait3A_266 = arith.constant 0 : i32
      %dma_wait3A_267 = arith.constant 0 : i32
      %dma_wait3A_268 = tpu.memref_slice %arg2[%dma_wait3A_266, %dma_wait3A_267] : memref<10240x16xf32, #tpu.memory_space<hbm>> -> memref<80x16xf32, #tpu.memory_space<hbm>>
      tpu.wait_dma2 semaphore(%arg11 : memref<!tpu.dma_semaphore, #tpu.memory_space<semaphore_mem>>) src(%dma_wait3A_268 : memref<80x16xf32, #tpu.memory_space<hbm>>) dst(%dma_wait3A_265 : memref<80x16xf32, #tpu.memory_space<vmem>>)
      %add3A_269 = arith.constant 1 : i32
      %add3A_270 = arith.addi %mul3A_189, %add3A_269 : i32
      %mul3A_271 = arith.constant 80 : i32
      %mul3A_272 = arith.muli %add3A_252, %mul3A_271 : i32
      %dma_start3A_273 = arith.constant 0 : i32
      %dma_start3A_274 = arith.constant 0 : i32
      %dma_start3A_275 = tpu.memref_slice %arg9[%add3A_270, %dma_start3A_273, %dma_start3A_274] : memref<10x80x16xf32, #tpu.memory_space<vmem>> -> memref<1x80x16xf32, #tpu.memory_space<vmem>>
      %dma_start3A_276 = tpu.memref_squeeze %dma_start3A_275 : memref<1x80x16xf32, #tpu.memory_space<vmem>> -> memref<80x16xf32, #tpu.memory_space<vmem>>
      %dma_start3A_277 = tpu.memref_slice %arg8[%mul3A_272] : memref<10000xi32, #tpu.memory_space<vmem>> -> memref<80xi32, #tpu.memory_space<vmem>>
      %dma_start3A_278 = arith.constant 0 : i32
      %dma_start3A_279 = arith.constant 0 : i32
      %dma_start3A_280 = tpu.memref_slice %arg6[%dma_start3A_278, %dma_start3A_279] : memref<10240x16xf32, #tpu.memory_space<vmem_shared>> -> memref<10240x16xf32, #tpu.memory_space<vmem_shared>>
      tpu.enqueue_indirect_dma source(%dma_start3A_276 : memref<80x16xf32, #tpu.memory_space<vmem>>) target(%dma_start3A_280 : memref<10240x16xf32, #tpu.memory_space<vmem_shared>>) offsets(%dma_start3A_277 : memref<80xi32, #tpu.memory_space<vmem>>) semaphore(%arg12 : memref<!tpu.dma_semaphore, #tpu.memory_space<semaphore_mem>>) {add = true}
      %mul3A_281 = arith.constant 5 : i32
      %mul3A_282 = arith.muli %scan3A_178, %mul3A_281 : i32
      %add3A_283 = arith.constant 2 : i32
      %add3A_284 = arith.addi %mul3A_282, %add3A_283 : i32
      %add3A_285 = arith.constant 2 : i32
      %add3A_286 = arith.addi %mul3A_189, %add3A_285 : i32
      %dma_wait3A_287 = arith.constant 0 : i32
      %dma_wait3A_288 = arith.constant 0 : i32
      %dma_wait3A_289 = tpu.memref_slice %arg9[%add3A_286, %dma_wait3A_287, %dma_wait3A_288] : memref<10x80x16xf32, #tpu.memory_space<vmem>> -> memref<1x80x16xf32, #tpu.memory_space<vmem>>
      %dma_wait3A_290 = tpu.memref_squeeze %dma_wait3A_289 : memref<1x80x16xf32, #tpu.memory_space<vmem>> -> memref<80x16xf32, #tpu.memory_space<vmem>>
      %dma_wait3A_291 = arith.constant 0 : i32
      %dma_wait3A_292 = arith.constant 0 : i32
      %dma_wait3A_293 = tpu.memref_slice %arg2[%dma_wait3A_291, %dma_wait3A_292] : memref<10240x16xf32, #tpu.memory_space<hbm>> -> memref<80x16xf32, #tpu.memory_space<hbm>>
      %dma_wait3A_294 = arith.constant 0 : i32
      %dma_wait3A_295 = arith.constant 0 : i32
      %dma_wait3A_296 = tpu.memref_slice %arg9[%add3A_286, %dma_wait3A_294, %dma_wait3A_295] : memref<10x80x16xf32, #tpu.memory_space<vmem>> -> memref<1x80x16xf32, #tpu.memory_space<vmem>>
      %dma_wait3A_297 = tpu.memref_squeeze %dma_wait3A_296 : memref<1x80x16xf32, #tpu.memory_space<vmem>> -> memref<80x16xf32, #tpu.memory_space<vmem>>
      %dma_wait3A_298 = arith.constant 0 : i32
      %dma_wait3A_299 = arith.constant 0 : i32
      %dma_wait3A_300 = tpu.memref_slice %arg2[%dma_wait3A_298, %dma_wait3A_299] : memref<10240x16xf32, #tpu.memory_space<hbm>> -> memref<80x16xf32, #tpu.memory_space<hbm>>
      tpu.wait_dma2 semaphore(%arg11 : memref<!tpu.dma_semaphore, #tpu.memory_space<semaphore_mem>>) src(%dma_wait3A_300 : memref<80x16xf32, #tpu.memory_space<hbm>>) dst(%dma_wait3A_297 : memref<80x16xf32, #tpu.memory_space<vmem>>)
      %add3A_301 = arith.constant 2 : i32
      %add3A_302 = arith.addi %mul3A_189, %add3A_301 : i32
      %mul3A_303 = arith.constant 80 : i32
      %mul3A_304 = arith.muli %add3A_284, %mul3A_303 : i32
      %dma_start3A_305 = arith.constant 0 : i32
      %dma_start3A_306 = arith.constant 0 : i32
      %dma_start3A_307 = tpu.memref_slice %arg9[%add3A_302, %dma_start3A_305, %dma_start3A_306] : memref<10x80x16xf32, #tpu.memory_space<vmem>> -> memref<1x80x16xf32, #tpu.memory_space<vmem>>
      %dma_start3A_308 = tpu.memref_squeeze %dma_start3A_307 : memref<1x80x16xf32, #tpu.memory_space<vmem>> -> memref<80x16xf32, #tpu.memory_space<vmem>>
      %dma_start3A_309 = tpu.memref_slice %arg8[%mul3A_304] : memref<10000xi32, #tpu.memory_space<vmem>> -> memref<80xi32, #tpu.memory_space<vmem>>
      %dma_start3A_310 = arith.constant 0 : i32
      %dma_start3A_311 = arith.constant 0 : i32
      %dma_start3A_312 = tpu.memref_slice %arg6[%dma_start3A_310, %dma_start3A_311] : memref<10240x16xf32, #tpu.memory_space<vmem_shared>> -> memref<10240x16xf32, #tpu.memory_space<vmem_shared>>
      tpu.enqueue_indirect_dma source(%dma_start3A_308 : memref<80x16xf32, #tpu.memory_space<vmem>>) target(%dma_start3A_312 : memref<10240x16xf32, #tpu.memory_space<vmem_shared>>) offsets(%dma_start3A_309 : memref<80xi32, #tpu.memory_space<vmem>>) semaphore(%arg12 : memref<!tpu.dma_semaphore, #tpu.memory_space<semaphore_mem>>) {add = true}
      %mul3A_313 = arith.constant 5 : i32
      %mul3A_314 = arith.muli %scan3A_178, %mul3A_313 : i32
      %add3A_315 = arith.constant 3 : i32
      %add3A_316 = arith.addi %mul3A_314, %add3A_315 : i32
      %add3A_317 = arith.constant 3 : i32
      %add3A_318 = arith.addi %mul3A_189, %add3A_317 : i32
      %dma_wait3A_319 = arith.constant 0 : i32
      %dma_wait3A_320 = arith.constant 0 : i32
      %dma_wait3A_321 = tpu.memref_slice %arg9[%add3A_318, %dma_wait3A_319, %dma_wait3A_320] : memref<10x80x16xf32, #tpu.memory_space<vmem>> -> memref<1x80x16xf32, #tpu.memory_space<vmem>>
      %dma_wait3A_322 = tpu.memref_squeeze %dma_wait3A_321 : memref<1x80x16xf32, #tpu.memory_space<vmem>> -> memref<80x16xf32, #tpu.memory_space<vmem>>
      %dma_wait3A_323 = arith.constant 0 : i32
      %dma_wait3A_324 = arith.constant 0 : i32
      %dma_wait3A_325 = tpu.memref_slice %arg2[%dma_wait3A_323, %dma_wait3A_324] : memref<10240x16xf32, #tpu.memory_space<hbm>> -> memref<80x16xf32, #tpu.memory_space<hbm>>
      %dma_wait3A_326 = arith.constant 0 : i32
      %dma_wait3A_327 = arith.constant 0 : i32
      %dma_wait3A_328 = tpu.memref_slice %arg9[%add3A_318, %dma_wait3A_326, %dma_wait3A_327] : memref<10x80x16xf32, #tpu.memory_space<vmem>> -> memref<1x80x16xf32, #tpu.memory_space<vmem>>
      %dma_wait3A_329 = tpu.memref_squeeze %dma_wait3A_328 : memref<1x80x16xf32, #tpu.memory_space<vmem>> -> memref<80x16xf32, #tpu.memory_space<vmem>>
      %dma_wait3A_330 = arith.constant 0 : i32
      %dma_wait3A_331 = arith.constant 0 : i32
      %dma_wait3A_332 = tpu.memref_slice %arg2[%dma_wait3A_330, %dma_wait3A_331] : memref<10240x16xf32, #tpu.memory_space<hbm>> -> memref<80x16xf32, #tpu.memory_space<hbm>>
      tpu.wait_dma2 semaphore(%arg11 : memref<!tpu.dma_semaphore, #tpu.memory_space<semaphore_mem>>) src(%dma_wait3A_332 : memref<80x16xf32, #tpu.memory_space<hbm>>) dst(%dma_wait3A_329 : memref<80x16xf32, #tpu.memory_space<vmem>>)
      %add3A_333 = arith.constant 3 : i32
      %add3A_334 = arith.addi %mul3A_189, %add3A_333 : i32
      %mul3A_335 = arith.constant 80 : i32
      %mul3A_336 = arith.muli %add3A_316, %mul3A_335 : i32
      %dma_start3A_337 = arith.constant 0 : i32
      %dma_start3A_338 = arith.constant 0 : i32
      %dma_start3A_339 = tpu.memref_slice %arg9[%add3A_334, %dma_start3A_337, %dma_start3A_338] : memref<10x80x16xf32, #tpu.memory_space<vmem>> -> memref<1x80x16xf32, #tpu.memory_space<vmem>>
      %dma_start3A_340 = tpu.memref_squeeze %dma_start3A_339 : memref<1x80x16xf32, #tpu.memory_space<vmem>> -> memref<80x16xf32, #tpu.memory_space<vmem>>
      %dma_start3A_341 = tpu.memref_slice %arg8[%mul3A_336] : memref<10000xi32, #tpu.memory_space<vmem>> -> memref<80xi32, #tpu.memory_space<vmem>>
      %dma_start3A_342 = arith.constant 0 : i32
      %dma_start3A_343 = arith.constant 0 : i32
      %dma_start3A_344 = tpu.memref_slice %arg6[%dma_start3A_342, %dma_start3A_343] : memref<10240x16xf32, #tpu.memory_space<vmem_shared>> -> memref<10240x16xf32, #tpu.memory_space<vmem_shared>>
      tpu.enqueue_indirect_dma source(%dma_start3A_340 : memref<80x16xf32, #tpu.memory_space<vmem>>) target(%dma_start3A_344 : memref<10240x16xf32, #tpu.memory_space<vmem_shared>>) offsets(%dma_start3A_341 : memref<80xi32, #tpu.memory_space<vmem>>) semaphore(%arg12 : memref<!tpu.dma_semaphore, #tpu.memory_space<semaphore_mem>>) {add = true}
      %mul3A_345 = arith.constant 5 : i32
      %mul3A_346 = arith.muli %scan3A_178, %mul3A_345 : i32
      %add3A_347 = arith.constant 4 : i32
      %add3A_348 = arith.addi %mul3A_346, %add3A_347 : i32
      %add3A_349 = arith.constant 4 : i32
      %add3A_350 = arith.addi %mul3A_189, %add3A_349 : i32
      %dma_wait3A_351 = arith.constant 0 : i32
      %dma_wait3A_352 = arith.constant 0 : i32
      %dma_wait3A_353 = tpu.memref_slice %arg9[%add3A_350, %dma_wait3A_351, %dma_wait3A_352] : memref<10x80x16xf32, #tpu.memory_space<vmem>> -> memref<1x80x16xf32, #tpu.memory_space<vmem>>
      %dma_wait3A_354 = tpu.memref_squeeze %dma_wait3A_353 : memref<1x80x16xf32, #tpu.memory_space<vmem>> -> memref<80x16xf32, #tpu.memory_space<vmem>>
      %dma_wait3A_355 = arith.constant 0 : i32
      %dma_wait3A_356 = arith.constant 0 : i32
      %dma_wait3A_357 = tpu.memref_slice %arg2[%dma_wait3A_355, %dma_wait3A_356] : memref<10240x16xf32, #tpu.memory_space<hbm>> -> memref<80x16xf32, #tpu.memory_space<hbm>>
      %dma_wait3A_358 = arith.constant 0 : i32
      %dma_wait3A_359 = arith.constant 0 : i32
      %dma_wait3A_360 = tpu.memref_slice %arg9[%add3A_350, %dma_wait3A_358, %dma_wait3A_359] : memref<10x80x16xf32, #tpu.memory_space<vmem>> -> memref<1x80x16xf32, #tpu.memory_space<vmem>>
      %dma_wait3A_361 = tpu.memref_squeeze %dma_wait3A_360 : memref<1x80x16xf32, #tpu.memory_space<vmem>> -> memref<80x16xf32, #tpu.memory_space<vmem>>
      %dma_wait3A_362 = arith.constant 0 : i32
      %dma_wait3A_363 = arith.constant 0 : i32
      %dma_wait3A_364 = tpu.memref_slice %arg2[%dma_wait3A_362, %dma_wait3A_363] : memref<10240x16xf32, #tpu.memory_space<hbm>> -> memref<80x16xf32, #tpu.memory_space<hbm>>
      tpu.wait_dma2 semaphore(%arg11 : memref<!tpu.dma_semaphore, #tpu.memory_space<semaphore_mem>>) src(%dma_wait3A_364 : memref<80x16xf32, #tpu.memory_space<hbm>>) dst(%dma_wait3A_361 : memref<80x16xf32, #tpu.memory_space<vmem>>)
      %add3A_365 = arith.constant 4 : i32
      %add3A_366 = arith.addi %mul3A_189, %add3A_365 : i32
      %mul3A_367 = arith.constant 80 : i32
      %mul3A_368 = arith.muli %add3A_348, %mul3A_367 : i32
      %dma_start3A_369 = arith.constant 0 : i32
      %dma_start3A_370 = arith.constant 0 : i32
      %dma_start3A_371 = tpu.memref_slice %arg9[%add3A_366, %dma_start3A_369, %dma_start3A_370] : memref<10x80x16xf32, #tpu.memory_space<vmem>> -> memref<1x80x16xf32, #tpu.memory_space<vmem>>
      %dma_start3A_372 = tpu.memref_squeeze %dma_start3A_371 : memref<1x80x16xf32, #tpu.memory_space<vmem>> -> memref<80x16xf32, #tpu.memory_space<vmem>>
      %dma_start3A_373 = tpu.memref_slice %arg8[%mul3A_368] : memref<10000xi32, #tpu.memory_space<vmem>> -> memref<80xi32, #tpu.memory_space<vmem>>
      %dma_start3A_374 = arith.constant 0 : i32
      %dma_start3A_375 = arith.constant 0 : i32
      %dma_start3A_376 = tpu.memref_slice %arg6[%dma_start3A_374, %dma_start3A_375] : memref<10240x16xf32, #tpu.memory_space<vmem_shared>> -> memref<10240x16xf32, #tpu.memory_space<vmem_shared>>
      tpu.enqueue_indirect_dma source(%dma_start3A_372 : memref<80x16xf32, #tpu.memory_space<vmem>>) target(%dma_start3A_376 : memref<10240x16xf32, #tpu.memory_space<vmem_shared>>) offsets(%dma_start3A_373 : memref<80xi32, #tpu.memory_space<vmem>>) semaphore(%arg12 : memref<!tpu.dma_semaphore, #tpu.memory_space<semaphore_mem>>) {add = true}
    }
    %scan3A_97 = arith.constant 25 : i32
    %dma_wait3A_98 = arith.constant 0 : i32
    %dma_wait3A_99 = arith.constant 0 : i32
    %dma_wait3A_100 = arith.constant 0 : i32
    %dma_wait3A_101 = tpu.memref_slice %arg9[%dma_wait3A_98, %dma_wait3A_99, %dma_wait3A_100] : memref<10x80x16xf32, #tpu.memory_space<vmem>> -> memref<1x80x16xf32, #tpu.memory_space<vmem>>
    %dma_wait3A_102 = tpu.memref_squeeze %dma_wait3A_101 : memref<1x80x16xf32, #tpu.memory_space<vmem>> -> memref<80x16xf32, #tpu.memory_space<vmem>>
    %dma_wait3A_103 = arith.constant 0 : i32
    %dma_wait3A_104 = arith.constant 0 : i32
    %dma_wait3A_105 = tpu.memref_slice %arg2[%dma_wait3A_103, %dma_wait3A_104] : memref<10240x16xf32, #tpu.memory_space<hbm>> -> memref<80x16xf32, #tpu.memory_space<hbm>>
    %dma_wait3A_106 = arith.constant 0 : i32
    %dma_wait3A_107 = arith.constant 0 : i32
    %dma_wait3A_108 = tpu.memref_slice %arg9[%dma_wait3A_98, %dma_wait3A_106, %dma_wait3A_107] : memref<10x80x16xf32, #tpu.memory_space<vmem>> -> memref<1x80x16xf32, #tpu.memory_space<vmem>>
    %dma_wait3A_109 = tpu.memref_squeeze %dma_wait3A_108 : memref<1x80x16xf32, #tpu.memory_space<vmem>> -> memref<80x16xf32, #tpu.memory_space<vmem>>
    %dma_wait3A_110 = arith.constant 0 : i32
    %dma_wait3A_111 = arith.constant 0 : i32
    %dma_wait3A_112 = tpu.memref_slice %arg2[%dma_wait3A_110, %dma_wait3A_111] : memref<10240x16xf32, #tpu.memory_space<hbm>> -> memref<80x16xf32, #tpu.memory_space<hbm>>
    tpu.wait_dma2 semaphore(%arg12 : memref<!tpu.dma_semaphore, #tpu.memory_space<semaphore_mem>>) src(%dma_wait3A_112 : memref<80x16xf32, #tpu.memory_space<hbm>>) dst(%dma_wait3A_109 : memref<80x16xf32, #tpu.memory_space<vmem>>)
    %dma_wait3A_113 = arith.constant 1 : i32
    %dma_wait3A_114 = arith.constant 0 : i32
    %dma_wait3A_115 = arith.constant 0 : i32
    %dma_wait3A_116 = tpu.memref_slice %arg9[%dma_wait3A_113, %dma_wait3A_114, %dma_wait3A_115] : memref<10x80x16xf32, #tpu.memory_space<vmem>> -> memref<1x80x16xf32, #tpu.memory_space<vmem>>
    %dma_wait3A_117 = tpu.memref_squeeze %dma_wait3A_116 : memref<1x80x16xf32, #tpu.memory_space<vmem>> -> memref<80x16xf32, #tpu.memory_space<vmem>>
    %dma_wait3A_118 = arith.constant 0 : i32
    %dma_wait3A_119 = arith.constant 0 : i32
    %dma_wait3A_120 = tpu.memref_slice %arg2[%dma_wait3A_118, %dma_wait3A_119] : memref<10240x16xf32, #tpu.memory_space<hbm>> -> memref<80x16xf32, #tpu.memory_space<hbm>>
    %dma_wait3A_121 = arith.constant 0 : i32
    %dma_wait3A_122 = arith.constant 0 : i32
    %dma_wait3A_123 = tpu.memref_slice %arg9[%dma_wait3A_113, %dma_wait3A_121, %dma_wait3A_122] : memref<10x80x16xf32, #tpu.memory_space<vmem>> -> memref<1x80x16xf32, #tpu.memory_space<vmem>>
    %dma_wait3A_124 = tpu.memref_squeeze %dma_wait3A_123 : memref<1x80x16xf32, #tpu.memory_space<vmem>> -> memref<80x16xf32, #tpu.memory_space<vmem>>
    %dma_wait3A_125 = arith.constant 0 : i32
    %dma_wait3A_126 = arith.constant 0 : i32
    %dma_wait3A_127 = tpu.memref_slice %arg2[%dma_wait3A_125, %dma_wait3A_126] : memref<10240x16xf32, #tpu.memory_space<hbm>> -> memref<80x16xf32, #tpu.memory_space<hbm>>
    tpu.wait_dma2 semaphore(%arg12 : memref<!tpu.dma_semaphore, #tpu.memory_space<semaphore_mem>>) src(%dma_wait3A_127 : memref<80x16xf32, #tpu.memory_space<hbm>>) dst(%dma_wait3A_124 : memref<80x16xf32, #tpu.memory_space<vmem>>)
    %dma_wait3A_128 = arith.constant 2 : i32
    %dma_wait3A_129 = arith.constant 0 : i32
    %dma_wait3A_130 = arith.constant 0 : i32
    %dma_wait3A_131 = tpu.memref_slice %arg9[%dma_wait3A_128, %dma_wait3A_129, %dma_wait3A_130] : memref<10x80x16xf32, #tpu.memory_space<vmem>> -> memref<1x80x16xf32, #tpu.memory_space<vmem>>
    %dma_wait3A_132 = tpu.memref_squeeze %dma_wait3A_131 : memref<1x80x16xf32, #tpu.memory_space<vmem>> -> memref<80x16xf32, #tpu.memory_space<vmem>>
    %dma_wait3A_133 = arith.constant 0 : i32
    %dma_wait3A_134 = arith.constant 0 : i32
    %dma_wait3A_135 = tpu.memref_slice %arg2[%dma_wait3A_133, %dma_wait3A_134] : memref<10240x16xf32, #tpu.memory_space<hbm>> -> memref<80x16xf32, #tpu.memory_space<hbm>>
    %dma_wait3A_136 = arith.constant 0 : i32
    %dma_wait3A_137 = arith.constant 0 : i32
    %dma_wait3A_138 = tpu.memref_slice %arg9[%dma_wait3A_128, %dma_wait3A_136, %dma_wait3A_137] : memref<10x80x16xf32, #tpu.memory_space<vmem>> -> memref<1x80x16xf32, #tpu.memory_space<vmem>>
    %dma_wait3A_139 = tpu.memref_squeeze %dma_wait3A_138 : memref<1x80x16xf32, #tpu.memory_space<vmem>> -> memref<80x16xf32, #tpu.memory_space<vmem>>
    %dma_wait3A_140 = arith.constant 0 : i32
    %dma_wait3A_141 = arith.constant 0 : i32
    %dma_wait3A_142 = tpu.memref_slice %arg2[%dma_wait3A_140, %dma_wait3A_141] : memref<10240x16xf32, #tpu.memory_space<hbm>> -> memref<80x16xf32, #tpu.memory_space<hbm>>
    tpu.wait_dma2 semaphore(%arg12 : memref<!tpu.dma_semaphore, #tpu.memory_space<semaphore_mem>>) src(%dma_wait3A_142 : memref<80x16xf32, #tpu.memory_space<hbm>>) dst(%dma_wait3A_139 : memref<80x16xf32, #tpu.memory_space<vmem>>)
    %dma_wait3A_143 = arith.constant 3 : i32
    %dma_wait3A_144 = arith.constant 0 : i32
    %dma_wait3A_145 = arith.constant 0 : i32
    %dma_wait3A_146 = tpu.memref_slice %arg9[%dma_wait3A_143, %dma_wait3A_144, %dma_wait3A_145] : memref<10x80x16xf32, #tpu.memory_space<vmem>> -> memref<1x80x16xf32, #tpu.memory_space<vmem>>
    %dma_wait3A_147 = tpu.memref_squeeze %dma_wait3A_146 : memref<1x80x16xf32, #tpu.memory_space<vmem>> -> memref<80x16xf32, #tpu.memory_space<vmem>>
    %dma_wait3A_148 = arith.constant 0 : i32
    %dma_wait3A_149 = arith.constant 0 : i32
    %dma_wait3A_150 = tpu.memref_slice %arg2[%dma_wait3A_148, %dma_wait3A_149] : memref<10240x16xf32, #tpu.memory_space<hbm>> -> memref<80x16xf32, #tpu.memory_space<hbm>>
    %dma_wait3A_151 = arith.constant 0 : i32
    %dma_wait3A_152 = arith.constant 0 : i32
    %dma_wait3A_153 = tpu.memref_slice %arg9[%dma_wait3A_143, %dma_wait3A_151, %dma_wait3A_152] : memref<10x80x16xf32, #tpu.memory_space<vmem>> -> memref<1x80x16xf32, #tpu.memory_space<vmem>>
    %dma_wait3A_154 = tpu.memref_squeeze %dma_wait3A_153 : memref<1x80x16xf32, #tpu.memory_space<vmem>> -> memref<80x16xf32, #tpu.memory_space<vmem>>
    %dma_wait3A_155 = arith.constant 0 : i32
    %dma_wait3A_156 = arith.constant 0 : i32
    %dma_wait3A_157 = tpu.memref_slice %arg2[%dma_wait3A_155, %dma_wait3A_156] : memref<10240x16xf32, #tpu.memory_space<hbm>> -> memref<80x16xf32, #tpu.memory_space<hbm>>
    tpu.wait_dma2 semaphore(%arg12 : memref<!tpu.dma_semaphore, #tpu.memory_space<semaphore_mem>>) src(%dma_wait3A_157 : memref<80x16xf32, #tpu.memory_space<hbm>>) dst(%dma_wait3A_154 : memref<80x16xf32, #tpu.memory_space<vmem>>)
    %dma_wait3A_158 = arith.constant 4 : i32
    %dma_wait3A_159 = arith.constant 0 : i32
    %dma_wait3A_160 = arith.constant 0 : i32
    %dma_wait3A_161 = tpu.memref_slice %arg9[%dma_wait3A_158, %dma_wait3A_159, %dma_wait3A_160] : memref<10x80x16xf32, #tpu.memory_space<vmem>> -> memref<1x80x16xf32, #tpu.memory_space<vmem>>
    %dma_wait3A_162 = tpu.memref_squeeze %dma_wait3A_161 : memref<1x80x16xf32, #tpu.memory_space<vmem>> -> memref<80x16xf32, #tpu.memory_space<vmem>>
    %dma_wait3A_163 = arith.constant 0 : i32
    %dma_wait3A_164 = arith.constant 0 : i32
    %dma_wait3A_165 = tpu.memref_slice %arg2[%dma_wait3A_163, %dma_wait3A_164] : memref<10240x16xf32, #tpu.memory_space<hbm>> -> memref<80x16xf32, #tpu.memory_space<hbm>>
    %dma_wait3A_166 = arith.constant 0 : i32
    %dma_wait3A_167 = arith.constant 0 : i32
    %dma_wait3A_168 = tpu.memref_slice %arg9[%dma_wait3A_158, %dma_wait3A_166, %dma_wait3A_167] : memref<10x80x16xf32, #tpu.memory_space<vmem>> -> memref<1x80x16xf32, #tpu.memory_space<vmem>>
    %dma_wait3A_169 = tpu.memref_squeeze %dma_wait3A_168 : memref<1x80x16xf32, #tpu.memory_space<vmem>> -> memref<80x16xf32, #tpu.memory_space<vmem>>
    %dma_wait3A_170 = arith.constant 0 : i32
    %dma_wait3A_171 = arith.constant 0 : i32
    %dma_wait3A_172 = tpu.memref_slice %arg2[%dma_wait3A_170, %dma_wait3A_171] : memref<10240x16xf32, #tpu.memory_space<hbm>> -> memref<80x16xf32, #tpu.memory_space<hbm>>
    tpu.wait_dma2 semaphore(%arg12 : memref<!tpu.dma_semaphore, #tpu.memory_space<semaphore_mem>>) src(%dma_wait3A_172 : memref<80x16xf32, #tpu.memory_space<hbm>>) dst(%dma_wait3A_169 : memref<80x16xf32, #tpu.memory_space<vmem>>)
    %barrier3A_173 = arith.constant 0 : index
    tpu.barrier barrier_id(%barrier3A_173)
    %mul3A_174 = arith.constant 640 : i32
    %mul3A_175 = arith.muli %arg1, %mul3A_174 : i32
    %mul3A_176 = arith.constant 640 : i32
    %mul3A_177 = arith.muli %arg1, %mul3A_176 : i32
    "tpu.region"() ({
      %run_scoped3A = tpu.sem_alloc : memref<!tpu.dma_semaphore, #tpu.memory_space<semaphore_mem>>
      %dma_start3A_178 = arith.constant 0 : i32
      %dma_start3A_179 = tpu.memref_slice %arg4[%arg0, %mul3A_177, %dma_start3A_178] : memref<2x10240x16xf32, #tpu.memory_space<hbm>> -> memref<1x640x16xf32, #tpu.memory_space<hbm>>
      %dma_start3A_180 = tpu.memref_squeeze %dma_start3A_179 : memref<1x640x16xf32, #tpu.memory_space<hbm>> -> memref<640x16xf32, #tpu.memory_space<hbm>>
      %dma_start3A_181 = arith.constant 0 : i32
      %dma_start3A_182 = tpu.memref_slice %arg6[%mul3A_175, %dma_start3A_181] : memref<10240x16xf32, #tpu.memory_space<vmem_shared>> -> memref<640x16xf32, #tpu.memory_space<vmem_shared>>
      tpu.enqueue_dma source(%dma_start3A_182 : memref<640x16xf32, #tpu.memory_space<vmem_shared>>) target(%dma_start3A_180 : memref<640x16xf32, #tpu.memory_space<hbm>>) target_semaphore(%run_scoped3A : memref<!tpu.dma_semaphore, #tpu.memory_space<semaphore_mem>>)
      %dma_wait3A_183 = arith.constant 0 : i32
      %dma_wait3A_184 = tpu.memref_slice %arg4[%arg0, %mul3A_177, %dma_wait3A_183] : memref<2x10240x16xf32, #tpu.memory_space<hbm>> -> memref<1x640x16xf32, #tpu.memory_space<hbm>>
      %dma_wait3A_185 = tpu.memref_squeeze %dma_wait3A_184 : memref<1x640x16xf32, #tpu.memory_space<hbm>> -> memref<640x16xf32, #tpu.memory_space<hbm>>
      %dma_wait3A_186 = arith.constant 0 : i32
      %dma_wait3A_187 = tpu.memref_slice %arg6[%mul3A_175, %dma_wait3A_186] : memref<10240x16xf32, #tpu.memory_space<vmem_shared>> -> memref<640x16xf32, #tpu.memory_space<vmem_shared>>
      tpu.wait_dma2 semaphore(%run_scoped3A : memref<!tpu.dma_semaphore, #tpu.memory_space<semaphore_mem>>) src(%dma_wait3A_187 : memref<640x16xf32, #tpu.memory_space<vmem_shared>>) dst(%dma_wait3A_185 : memref<640x16xf32, #tpu.memory_space<hbm>>)
      tpu.yield
    }) : () -> ()
    return
  }
}

#map = affine_map<(d0, d1) -> (0, 0)>
#map1 = affine_map<(d0, d1) -> (0)>
#map2 = affine_map<(d0, d1) -> (0, 0, 0)>
module attributes {stable_mosaic.version = 14 : i64} {
  func.func @_msg_body(%arg0: i32, %arg1: i32, %arg2: memref<10240x16xf32, #tpu.memory_space<hbm>>, %arg3: memref<2x10240xf32, #tpu.memory_space<hbm>>, %arg4: memref<640000xi32, #tpu.memory_space<hbm>>, %arg5: memref<2x10240x16xf32, #tpu.memory_space<hbm>>, %arg6: memref<10240x16xf32, #tpu.memory_space<hbm>>, %arg7: memref<10240x16xf32, #tpu.memory_space<hbm>>, %arg8: memref<10240x16xf32, #tpu.memory_space<vmem_shared>>, %arg9: memref<10240x16xf32, #tpu.memory_space<vmem_shared>>, %arg10: memref<10000xi32, #tpu.memory_space<vmem>>, %arg11: memref<10000xi32, #tpu.memory_space<vmem>>, %arg12: memref<10x80x16xf32, #tpu.memory_space<vmem>>, %arg13: memref<640x16xf32, #tpu.memory_space<vmem>>, %arg14: memref<640x16xf32, #tpu.memory_space<vmem>>, %arg15: memref<640x16xf32, #tpu.memory_space<vmem>>, %arg16: memref<640xf32, #tpu.memory_space<vmem>>, %arg17: memref<640xf32, #tpu.memory_space<vmem>>, %arg18: memref<640xf32, #tpu.memory_space<vmem>>, %arg19: memref<!tpu.dma_semaphore, #tpu.memory_space<semaphore_mem>>, %arg20: memref<!tpu.dma_semaphore, #tpu.memory_space<semaphore_mem>>) attributes {dimension_semantics = [#tpu.dimension_semantics<core_parallel>, #tpu.dimension_semantics<subcore_parallel>], iteration_bounds = array<i64: 2, 16>, scalar_prefetch = 0 : i64, scratch_operands = 13 : i64, tpu.core_type = #tpu.core_type<sc_vector_subcore>, window_params = [{transform_indices = #map}, {transform_indices = #map}, {transform_indices = #map1}, {transform_indices = #map2}, {transform_indices = #map}, {transform_indices = #map}]} {
    %mul3A = arith.constant 16 : i32
    %mul3A_0 = arith.muli %arg0, %mul3A : i32
    %add3A = arith.addi %mul3A_0, %arg1 : i32
    %mul3A_1 = arith.constant 640 : i32
    %mul3A_2 = arith.muli %arg1, %mul3A_1 : i32
    %dma_start3A = arith.constant 0 : i32
    %dma_start3A_3 = tpu.memref_slice %arg2[%mul3A_2, %dma_start3A] : memref<10240x16xf32, #tpu.memory_space<hbm>> -> memref<640x16xf32, #tpu.memory_space<hbm>>
    %dma_start3A_4 = arith.constant 0 : i32
    %dma_start3A_5 = tpu.memref_slice %arg2[%mul3A_2, %dma_start3A_4] : memref<10240x16xf32, #tpu.memory_space<hbm>> -> memref<640x16xf32, #tpu.memory_space<hbm>>
    tpu.enqueue_dma source(%dma_start3A_5 : memref<640x16xf32, #tpu.memory_space<hbm>>) target(%arg14 : memref<640x16xf32, #tpu.memory_space<vmem>>) target_semaphore(%arg19 : memref<!tpu.dma_semaphore, #tpu.memory_space<semaphore_mem>>)
    %mul3A_6 = arith.constant 640 : i32
    %mul3A_7 = arith.muli %arg1, %mul3A_6 : i32
    %dma_start3A_8 = arith.constant 0 : i32
    %dma_start3A_9 = tpu.memref_slice %arg3[%dma_start3A_8, %mul3A_7] : memref<2x10240xf32, #tpu.memory_space<hbm>> -> memref<1x640xf32, #tpu.memory_space<hbm>>
    %dma_start3A_10 = tpu.memref_squeeze %dma_start3A_9 : memref<1x640xf32, #tpu.memory_space<hbm>> -> memref<640xf32, #tpu.memory_space<hbm>>
    %dma_start3A_11 = tpu.memref_slice %arg3[%dma_start3A_8, %mul3A_7] : memref<2x10240xf32, #tpu.memory_space<hbm>> -> memref<1x640xf32, #tpu.memory_space<hbm>>
    %dma_start3A_12 = tpu.memref_squeeze %dma_start3A_11 : memref<1x640xf32, #tpu.memory_space<hbm>> -> memref<640xf32, #tpu.memory_space<hbm>>
    tpu.enqueue_dma source(%dma_start3A_12 : memref<640xf32, #tpu.memory_space<hbm>>) target(%arg16 : memref<640xf32, #tpu.memory_space<vmem>>) target_semaphore(%arg19 : memref<!tpu.dma_semaphore, #tpu.memory_space<semaphore_mem>>)
    %mul3A_13 = arith.constant 640 : i32
    %mul3A_14 = arith.muli %arg1, %mul3A_13 : i32
    %dma_start3A_15 = arith.constant 1 : i32
    %dma_start3A_16 = tpu.memref_slice %arg3[%dma_start3A_15, %mul3A_14] : memref<2x10240xf32, #tpu.memory_space<hbm>> -> memref<1x640xf32, #tpu.memory_space<hbm>>
    %dma_start3A_17 = tpu.memref_squeeze %dma_start3A_16 : memref<1x640xf32, #tpu.memory_space<hbm>> -> memref<640xf32, #tpu.memory_space<hbm>>
    %dma_start3A_18 = tpu.memref_slice %arg3[%dma_start3A_15, %mul3A_14] : memref<2x10240xf32, #tpu.memory_space<hbm>> -> memref<1x640xf32, #tpu.memory_space<hbm>>
    %dma_start3A_19 = tpu.memref_squeeze %dma_start3A_18 : memref<1x640xf32, #tpu.memory_space<hbm>> -> memref<640xf32, #tpu.memory_space<hbm>>
    tpu.enqueue_dma source(%dma_start3A_19 : memref<640xf32, #tpu.memory_space<hbm>>) target(%arg17 : memref<640xf32, #tpu.memory_space<vmem>>) target_semaphore(%arg19 : memref<!tpu.dma_semaphore, #tpu.memory_space<semaphore_mem>>)
    %mul3A_20 = arith.constant 10000 : i32
    %mul3A_21 = arith.muli %add3A, %mul3A_20 : i32
    %dma_start3A_22 = tpu.memref_slice %arg4[%mul3A_21] : memref<640000xi32, #tpu.memory_space<hbm>> -> memref<10000xi32, #tpu.memory_space<hbm>>
    %dma_start3A_23 = tpu.memref_slice %arg4[%mul3A_21] : memref<640000xi32, #tpu.memory_space<hbm>> -> memref<10000xi32, #tpu.memory_space<hbm>>
    tpu.enqueue_dma source(%dma_start3A_23 : memref<10000xi32, #tpu.memory_space<hbm>>) target(%arg10 : memref<10000xi32, #tpu.memory_space<vmem>>) target_semaphore(%arg19 : memref<!tpu.dma_semaphore, #tpu.memory_space<semaphore_mem>>)
    %mul3A_24 = arith.constant 10000 : i32
    %mul3A_25 = arith.muli %add3A, %mul3A_24 : i32
    %add3A_26 = arith.constant 320000 : i32
    %add3A_27 = arith.addi %add3A_26, %mul3A_25 : i32
    %dma_start3A_28 = tpu.memref_slice %arg4[%add3A_27] : memref<640000xi32, #tpu.memory_space<hbm>> -> memref<10000xi32, #tpu.memory_space<hbm>>
    %dma_start3A_29 = tpu.memref_slice %arg4[%add3A_27] : memref<640000xi32, #tpu.memory_space<hbm>> -> memref<10000xi32, #tpu.memory_space<hbm>>
    tpu.enqueue_dma source(%dma_start3A_29 : memref<10000xi32, #tpu.memory_space<hbm>>) target(%arg11 : memref<10000xi32, #tpu.memory_space<vmem>>) target_semaphore(%arg19 : memref<!tpu.dma_semaphore, #tpu.memory_space<semaphore_mem>>)
    %scan3A = arith.constant 0 : i32
    %scan3A_30 = arith.constant 0 : i32
    %scan3A_31 = arith.constant 80 : i32
    %scan3A_32 = arith.addi %scan3A_30, %scan3A_31 : i32
    %scan3A_33 = arith.constant 1 : i32
    scf.for %scan3A_220 = %scan3A_30 to %scan3A_32 step %scan3A_33  : i32 {
      %broadcast_in_dim3A = arith.constant 0.000000e+00 : f32
      %broadcast_in_dim3A_221 = vector.broadcast %broadcast_in_dim3A : f32 to vector<16xf32>
      %mul3A_222 = arith.constant 8 : i32
      %mul3A_223 = arith.muli %scan3A_220, %mul3A_222 : i32
      %add3A_224 = arith.constant 0 : i32
      %add3A_225 = arith.addi %mul3A_223, %add3A_224 : i32
      %swap3A = arith.index_cast %add3A_225 : i32 to index
      %swap3A_226 = arith.constant 0 : index
      %swap3A_227 = tpu.vector_load %arg13[%swap3A, %swap3A_226] {strides = array<i32>} : memref<640x16xf32, #tpu.memory_space<vmem>>, vector<16xf32>,
      tpu.vector_store %arg13[%swap3A, %swap3A_226], %broadcast_in_dim3A_221 {strides = array<i32>} : memref<640x16xf32, #tpu.memory_space<vmem>>, vector<16xf32>,
      %broadcast_in_dim3A_228 = arith.constant 0.000000e+00 : f32
      %broadcast_in_dim3A_229 = vector.broadcast %broadcast_in_dim3A_228 : f32 to vector<16xf32>
      %mul3A_230 = arith.constant 8 : i32
      %mul3A_231 = arith.muli %scan3A_220, %mul3A_230 : i32
      %add3A_232 = arith.constant 1 : i32
      %add3A_233 = arith.addi %mul3A_231, %add3A_232 : i32
      %swap3A_234 = arith.index_cast %add3A_233 : i32 to index
      %swap3A_235 = arith.constant 0 : index
      %swap3A_236 = tpu.vector_load %arg13[%swap3A_234, %swap3A_235] {strides = array<i32>} : memref<640x16xf32, #tpu.memory_space<vmem>>, vector<16xf32>,
      tpu.vector_store %arg13[%swap3A_234, %swap3A_235], %broadcast_in_dim3A_229 {strides = array<i32>} : memref<640x16xf32, #tpu.memory_space<vmem>>, vector<16xf32>,
      %broadcast_in_dim3A_237 = arith.constant 0.000000e+00 : f32
      %broadcast_in_dim3A_238 = vector.broadcast %broadcast_in_dim3A_237 : f32 to vector<16xf32>
      %mul3A_239 = arith.constant 8 : i32
      %mul3A_240 = arith.muli %scan3A_220, %mul3A_239 : i32
      %add3A_241 = arith.constant 2 : i32
      %add3A_242 = arith.addi %mul3A_240, %add3A_241 : i32
      %swap3A_243 = arith.index_cast %add3A_242 : i32 to index
      %swap3A_244 = arith.constant 0 : index
      %swap3A_245 = tpu.vector_load %arg13[%swap3A_243, %swap3A_244] {strides = array<i32>} : memref<640x16xf32, #tpu.memory_space<vmem>>, vector<16xf32>,
      tpu.vector_store %arg13[%swap3A_243, %swap3A_244], %broadcast_in_dim3A_238 {strides = array<i32>} : memref<640x16xf32, #tpu.memory_space<vmem>>, vector<16xf32>,
      %broadcast_in_dim3A_246 = arith.constant 0.000000e+00 : f32
      %broadcast_in_dim3A_247 = vector.broadcast %broadcast_in_dim3A_246 : f32 to vector<16xf32>
      %mul3A_248 = arith.constant 8 : i32
      %mul3A_249 = arith.muli %scan3A_220, %mul3A_248 : i32
      %add3A_250 = arith.constant 3 : i32
      %add3A_251 = arith.addi %mul3A_249, %add3A_250 : i32
      %swap3A_252 = arith.index_cast %add3A_251 : i32 to index
      %swap3A_253 = arith.constant 0 : index
      %swap3A_254 = tpu.vector_load %arg13[%swap3A_252, %swap3A_253] {strides = array<i32>} : memref<640x16xf32, #tpu.memory_space<vmem>>, vector<16xf32>,
      tpu.vector_store %arg13[%swap3A_252, %swap3A_253], %broadcast_in_dim3A_247 {strides = array<i32>} : memref<640x16xf32, #tpu.memory_space<vmem>>, vector<16xf32>,
      %broadcast_in_dim3A_255 = arith.constant 0.000000e+00 : f32
      %broadcast_in_dim3A_256 = vector.broadcast %broadcast_in_dim3A_255 : f32 to vector<16xf32>
      %mul3A_257 = arith.constant 8 : i32
      %mul3A_258 = arith.muli %scan3A_220, %mul3A_257 : i32
      %add3A_259 = arith.constant 4 : i32
      %add3A_260 = arith.addi %mul3A_258, %add3A_259 : i32
      %swap3A_261 = arith.index_cast %add3A_260 : i32 to index
      %swap3A_262 = arith.constant 0 : index
      %swap3A_263 = tpu.vector_load %arg13[%swap3A_261, %swap3A_262] {strides = array<i32>} : memref<640x16xf32, #tpu.memory_space<vmem>>, vector<16xf32>,
      tpu.vector_store %arg13[%swap3A_261, %swap3A_262], %broadcast_in_dim3A_256 {strides = array<i32>} : memref<640x16xf32, #tpu.memory_space<vmem>>, vector<16xf32>,
      %broadcast_in_dim3A_264 = arith.constant 0.000000e+00 : f32
      %broadcast_in_dim3A_265 = vector.broadcast %broadcast_in_dim3A_264 : f32 to vector<16xf32>
      %mul3A_266 = arith.constant 8 : i32
      %mul3A_267 = arith.muli %scan3A_220, %mul3A_266 : i32
      %add3A_268 = arith.constant 5 : i32
      %add3A_269 = arith.addi %mul3A_267, %add3A_268 : i32
      %swap3A_270 = arith.index_cast %add3A_269 : i32 to index
      %swap3A_271 = arith.constant 0 : index
      %swap3A_272 = tpu.vector_load %arg13[%swap3A_270, %swap3A_271] {strides = array<i32>} : memref<640x16xf32, #tpu.memory_space<vmem>>, vector<16xf32>,
      tpu.vector_store %arg13[%swap3A_270, %swap3A_271], %broadcast_in_dim3A_265 {strides = array<i32>} : memref<640x16xf32, #tpu.memory_space<vmem>>, vector<16xf32>,
      %broadcast_in_dim3A_273 = arith.constant 0.000000e+00 : f32
      %broadcast_in_dim3A_274 = vector.broadcast %broadcast_in_dim3A_273 : f32 to vector<16xf32>
      %mul3A_275 = arith.constant 8 : i32
      %mul3A_276 = arith.muli %scan3A_220, %mul3A_275 : i32
      %add3A_277 = arith.constant 6 : i32
      %add3A_278 = arith.addi %mul3A_276, %add3A_277 : i32
      %swap3A_279 = arith.index_cast %add3A_278 : i32 to index
      %swap3A_280 = arith.constant 0 : index
      %swap3A_281 = tpu.vector_load %arg13[%swap3A_279, %swap3A_280] {strides = array<i32>} : memref<640x16xf32, #tpu.memory_space<vmem>>, vector<16xf32>,
      tpu.vector_store %arg13[%swap3A_279, %swap3A_280], %broadcast_in_dim3A_274 {strides = array<i32>} : memref<640x16xf32, #tpu.memory_space<vmem>>, vector<16xf32>,
      %broadcast_in_dim3A_282 = arith.constant 0.000000e+00 : f32
      %broadcast_in_dim3A_283 = vector.broadcast %broadcast_in_dim3A_282 : f32 to vector<16xf32>
      %mul3A_284 = arith.constant 8 : i32
      %mul3A_285 = arith.muli %scan3A_220, %mul3A_284 : i32
      %add3A_286 = arith.constant 7 : i32
      %add3A_287 = arith.addi %mul3A_285, %add3A_286 : i32
      %swap3A_288 = arith.index_cast %add3A_287 : i32 to index
      %swap3A_289 = arith.constant 0 : index
      %swap3A_290 = tpu.vector_load %arg13[%swap3A_288, %swap3A_289] {strides = array<i32>} : memref<640x16xf32, #tpu.memory_space<vmem>>, vector<16xf32>,
      tpu.vector_store %arg13[%swap3A_288, %swap3A_289], %broadcast_in_dim3A_283 {strides = array<i32>} : memref<640x16xf32, #tpu.memory_space<vmem>>, vector<16xf32>,
    }
    %scan3A_34 = arith.constant 80 : i32
    %mul3A_35 = arith.constant 640 : i32
    %mul3A_36 = arith.muli %arg1, %mul3A_35 : i32
    %dma_wait3A = arith.constant 0 : i32
    %dma_wait3A_37 = tpu.memref_slice %arg2[%mul3A_36, %dma_wait3A] : memref<10240x16xf32, #tpu.memory_space<hbm>> -> memref<640x16xf32, #tpu.memory_space<hbm>>
    %dma_wait3A_38 = arith.constant 0 : i32
    %dma_wait3A_39 = tpu.memref_slice %arg2[%mul3A_36, %dma_wait3A_38] : memref<10240x16xf32, #tpu.memory_space<hbm>> -> memref<640x16xf32, #tpu.memory_space<hbm>>
    tpu.wait_dma2 semaphore(%arg19 : memref<!tpu.dma_semaphore, #tpu.memory_space<semaphore_mem>>) src(%dma_wait3A_39 : memref<640x16xf32, #tpu.memory_space<hbm>>) dst(%arg14 : memref<640x16xf32, #tpu.memory_space<vmem>>)
    %mul3A_40 = arith.constant 640 : i32
    %mul3A_41 = arith.muli %arg1, %mul3A_40 : i32
    %dma_wait3A_42 = arith.constant 0 : i32
    %dma_wait3A_43 = tpu.memref_slice %arg3[%dma_wait3A_42, %mul3A_41] : memref<2x10240xf32, #tpu.memory_space<hbm>> -> memref<1x640xf32, #tpu.memory_space<hbm>>
    %dma_wait3A_44 = tpu.memref_squeeze %dma_wait3A_43 : memref<1x640xf32, #tpu.memory_space<hbm>> -> memref<640xf32, #tpu.memory_space<hbm>>
    %dma_wait3A_45 = tpu.memref_slice %arg3[%dma_wait3A_42, %mul3A_41] : memref<2x10240xf32, #tpu.memory_space<hbm>> -> memref<1x640xf32, #tpu.memory_space<hbm>>
    %dma_wait3A_46 = tpu.memref_squeeze %dma_wait3A_45 : memref<1x640xf32, #tpu.memory_space<hbm>> -> memref<640xf32, #tpu.memory_space<hbm>>
    tpu.wait_dma2 semaphore(%arg19 : memref<!tpu.dma_semaphore, #tpu.memory_space<semaphore_mem>>) src(%dma_wait3A_46 : memref<640xf32, #tpu.memory_space<hbm>>) dst(%arg16 : memref<640xf32, #tpu.memory_space<vmem>>)
    %mul3A_47 = arith.constant 640 : i32
    %mul3A_48 = arith.muli %arg1, %mul3A_47 : i32
    %dma_wait3A_49 = arith.constant 1 : i32
    %dma_wait3A_50 = tpu.memref_slice %arg3[%dma_wait3A_49, %mul3A_48] : memref<2x10240xf32, #tpu.memory_space<hbm>> -> memref<1x640xf32, #tpu.memory_space<hbm>>
    %dma_wait3A_51 = tpu.memref_squeeze %dma_wait3A_50 : memref<1x640xf32, #tpu.memory_space<hbm>> -> memref<640xf32, #tpu.memory_space<hbm>>
    %dma_wait3A_52 = tpu.memref_slice %arg3[%dma_wait3A_49, %mul3A_48] : memref<2x10240xf32, #tpu.memory_space<hbm>> -> memref<1x640xf32, #tpu.memory_space<hbm>>
    %dma_wait3A_53 = tpu.memref_squeeze %dma_wait3A_52 : memref<1x640xf32, #tpu.memory_space<hbm>> -> memref<640xf32, #tpu.memory_space<hbm>>
    tpu.wait_dma2 semaphore(%arg19 : memref<!tpu.dma_semaphore, #tpu.memory_space<semaphore_mem>>) src(%dma_wait3A_53 : memref<640xf32, #tpu.memory_space<hbm>>) dst(%arg17 : memref<640xf32, #tpu.memory_space<vmem>>)
    %mul3A_54 = arith.constant 10000 : i32
    %mul3A_55 = arith.muli %add3A, %mul3A_54 : i32
    %dma_wait3A_56 = tpu.memref_slice %arg4[%mul3A_55] : memref<640000xi32, #tpu.memory_space<hbm>> -> memref<10000xi32, #tpu.memory_space<hbm>>
    %dma_wait3A_57 = tpu.memref_slice %arg4[%mul3A_55] : memref<640000xi32, #tpu.memory_space<hbm>> -> memref<10000xi32, #tpu.memory_space<hbm>>
    tpu.wait_dma2 semaphore(%arg19 : memref<!tpu.dma_semaphore, #tpu.memory_space<semaphore_mem>>) src(%dma_wait3A_57 : memref<10000xi32, #tpu.memory_space<hbm>>) dst(%arg10 : memref<10000xi32, #tpu.memory_space<vmem>>)
    %mul3A_58 = arith.constant 10000 : i32
    %mul3A_59 = arith.muli %add3A, %mul3A_58 : i32
    %add3A_60 = arith.constant 320000 : i32
    %add3A_61 = arith.addi %add3A_60, %mul3A_59 : i32
    %dma_wait3A_62 = tpu.memref_slice %arg4[%add3A_61] : memref<640000xi32, #tpu.memory_space<hbm>> -> memref<10000xi32, #tpu.memory_space<hbm>>
    %dma_wait3A_63 = tpu.memref_slice %arg4[%add3A_61] : memref<640000xi32, #tpu.memory_space<hbm>> -> memref<10000xi32, #tpu.memory_space<hbm>>
    tpu.wait_dma2 semaphore(%arg19 : memref<!tpu.dma_semaphore, #tpu.memory_space<semaphore_mem>>) src(%dma_wait3A_63 : memref<10000xi32, #tpu.memory_space<hbm>>) dst(%arg11 : memref<10000xi32, #tpu.memory_space<vmem>>)
    %mul3A_64 = arith.constant 640 : i32
    %mul3A_65 = arith.muli %arg1, %mul3A_64 : i32
    "tpu.region"() ({
      %run_scoped3A = tpu.sem_alloc : memref<!tpu.dma_semaphore, #tpu.memory_space<semaphore_mem>>
      %dma_start3A_220 = arith.constant 0 : i32
      %dma_start3A_221 = tpu.memref_slice %arg9[%mul3A_65, %dma_start3A_220] : memref<10240x16xf32, #tpu.memory_space<vmem_shared>> -> memref<640x16xf32, #tpu.memory_space<vmem_shared>>
      %dma_start3A_222 = arith.constant 0 : i32
      %dma_start3A_223 = tpu.memref_slice %arg9[%mul3A_65, %dma_start3A_222] : memref<10240x16xf32, #tpu.memory_space<vmem_shared>> -> memref<640x16xf32, #tpu.memory_space<vmem_shared>>
      tpu.enqueue_dma source(%arg13 : memref<640x16xf32, #tpu.memory_space<vmem>>) target(%dma_start3A_223 : memref<640x16xf32, #tpu.memory_space<vmem_shared>>) target_semaphore(%run_scoped3A : memref<!tpu.dma_semaphore, #tpu.memory_space<semaphore_mem>>)
      %dma_wait3A_224 = arith.constant 0 : i32
      %dma_wait3A_225 = tpu.memref_slice %arg9[%mul3A_65, %dma_wait3A_224] : memref<10240x16xf32, #tpu.memory_space<vmem_shared>> -> memref<640x16xf32, #tpu.memory_space<vmem_shared>>
      %dma_wait3A_226 = arith.constant 0 : i32
      %dma_wait3A_227 = tpu.memref_slice %arg9[%mul3A_65, %dma_wait3A_226] : memref<10240x16xf32, #tpu.memory_space<vmem_shared>> -> memref<640x16xf32, #tpu.memory_space<vmem_shared>>
      tpu.wait_dma2 semaphore(%run_scoped3A : memref<!tpu.dma_semaphore, #tpu.memory_space<semaphore_mem>>) src(%arg13 : memref<640x16xf32, #tpu.memory_space<vmem>>) dst(%dma_wait3A_227 : memref<640x16xf32, #tpu.memory_space<vmem_shared>>)
      tpu.yield
    }) : () -> ()
    %scan3A_66 = arith.constant 0 : i32
    %scan3A_67 = arith.constant 0 : i32
    %scan3A_68 = arith.constant 40 : i32
    %scan3A_69 = arith.addi %scan3A_67, %scan3A_68 : i32
    %scan3A_70 = arith.constant 1 : i32
    scf.for %scan3A_220 = %scan3A_67 to %scan3A_69 step %scan3A_70  : i32 {
      %mul3A_221 = arith.constant 16 : i32
      %mul3A_222 = arith.muli %scan3A_220, %mul3A_221 : i32
      %get3A = arith.index_cast %mul3A_222 : i32 to index
      %get3A_223 = tpu.vector_load %arg16[%get3A] {strides = array<i32>} : memref<640xf32, #tpu.memory_space<vmem>>, vector<16xf32>,
      %mul3A_224 = arith.constant 16 : i32
      %mul3A_225 = arith.muli %scan3A_220, %mul3A_224 : i32
      %get3A_226 = arith.index_cast %mul3A_225 : i32 to index
      %get3A_227 = tpu.vector_load %arg17[%get3A_226] {strides = array<i32>} : memref<640xf32, #tpu.memory_space<vmem>>, vector<16xf32>,
      %add3A_228 = arith.addf %get3A_223, %get3A_227 : vector<16xf32>
      %add3A_229 = arith.constant 1.000000e+00 : f32
      %add3A_230 = vector.broadcast %add3A_229 : f32 to vector<16xf32>
      %add3A_231 = arith.addf %add3A_228, %add3A_230 : vector<16xf32>
      %bitcast3A = vector.bitcast %add3A_231 : vector<16xf32> to vector<16xi32>
      %shift_right_arithmetic3A = arith.constant 1 : i32
      %shift_right_arithmetic3A_232 = vector.broadcast %shift_right_arithmetic3A : i32 to vector<16xi32>
      %shift_right_arithmetic3A_233 = arith.shrsi %bitcast3A, %shift_right_arithmetic3A_232 : vector<16xi32>
      %sub3A = arith.constant 1597463007 : i32
      %sub3A_234 = vector.broadcast %sub3A : i32 to vector<16xi32>
      %sub3A_235 = arith.subi %sub3A_234, %shift_right_arithmetic3A_233 : vector<16xi32>
      %bitcast3A_236 = vector.bitcast %sub3A_235 : vector<16xi32> to vector<16xf32>
      %mul3A_237 = arith.constant 5.000000e-01 : f32
      %mul3A_238 = vector.broadcast %mul3A_237 : f32 to vector<16xf32>
      %mul3A_239 = arith.mulf %mul3A_238, %add3A_231 : vector<16xf32>
      %mul3A_240 = arith.mulf %mul3A_239, %bitcast3A_236 : vector<16xf32>
      %mul3A_241 = arith.mulf %mul3A_240, %bitcast3A_236 : vector<16xf32>
      %sub3A_242 = arith.constant 1.500000e+00 : f32
      %sub3A_243 = vector.broadcast %sub3A_242 : f32 to vector<16xf32>
      %sub3A_244 = arith.subf %sub3A_243, %mul3A_241 : vector<16xf32>
      %mul3A_245 = arith.mulf %bitcast3A_236, %sub3A_244 : vector<16xf32>
      %mul3A_246 = arith.mulf %mul3A_239, %mul3A_245 : vector<16xf32>
      %mul3A_247 = arith.mulf %mul3A_246, %mul3A_245 : vector<16xf32>
      %sub3A_248 = arith.constant 1.500000e+00 : f32
      %sub3A_249 = vector.broadcast %sub3A_248 : f32 to vector<16xf32>
      %sub3A_250 = arith.subf %sub3A_249, %mul3A_247 : vector<16xf32>
      %mul3A_251 = arith.mulf %mul3A_245, %sub3A_250 : vector<16xf32>
      %mul3A_252 = arith.mulf %mul3A_239, %mul3A_251 : vector<16xf32>
      %mul3A_253 = arith.mulf %mul3A_252, %mul3A_251 : vector<16xf32>
      %sub3A_254 = arith.constant 1.500000e+00 : f32
      %sub3A_255 = vector.broadcast %sub3A_254 : f32 to vector<16xf32>
      %sub3A_256 = arith.subf %sub3A_255, %mul3A_253 : vector<16xf32>
      %mul3A_257 = arith.mulf %mul3A_251, %sub3A_256 : vector<16xf32>
      %mul3A_258 = arith.constant 16 : i32
      %mul3A_259 = arith.muli %scan3A_220, %mul3A_258 : i32
      %swap3A = arith.index_cast %mul3A_259 : i32 to index
      %swap3A_260 = tpu.vector_load %arg18[%swap3A] {strides = array<i32>} : memref<640xf32, #tpu.memory_space<vmem>>, vector<16xf32>,
      tpu.vector_store %arg18[%swap3A], %mul3A_257 {strides = array<i32>} : memref<640xf32, #tpu.memory_space<vmem>>, vector<16xf32>,
    }
    %scan3A_71 = arith.constant 40 : i32
    %scan3A_72 = arith.constant 0 : i32
    %scan3A_73 = arith.constant 0 : i32
    %scan3A_74 = arith.constant 40 : i32
    %scan3A_75 = arith.addi %scan3A_73, %scan3A_74 : i32
    %scan3A_76 = arith.constant 1 : i32
    scf.for %scan3A_220 = %scan3A_73 to %scan3A_75 step %scan3A_76  : i32 {
      %mul3A_221 = arith.constant 16 : i32
      %mul3A_222 = arith.muli %scan3A_220, %mul3A_221 : i32
      %get3A = arith.index_cast %mul3A_222 : i32 to index
      %get3A_223 = tpu.vector_load %arg18[%get3A] {strides = array<i32>} : memref<640xf32, #tpu.memory_space<vmem>>, vector<16xf32>,
      %broadcast_in_dim3A = arith.constant 0 : i32
      %broadcast_in_dim3A_224 = vector.broadcast %broadcast_in_dim3A : i32 to vector<16x1xi32>
      %gather3A = vector.shape_cast %broadcast_in_dim3A_224 : vector<16x1xi32> to vector<16xi32>
      %gather3A_225 = tpu.dynamic_gather %get3A_223[%gather3A] in [0] : vector<16xf32>, vector<16xi32> -> vector<16xf32>
      %mul3A_226 = arith.constant 16 : i32
      %mul3A_227 = arith.muli %scan3A_220, %mul3A_226 : i32
      %add3A_228 = arith.constant 0 : i32
      %add3A_229 = arith.addi %mul3A_227, %add3A_228 : i32
      %swap3A = arith.index_cast %add3A_229 : i32 to index
      %swap3A_230 = arith.constant 0 : index
      %swap3A_231 = tpu.vector_load %arg15[%swap3A, %swap3A_230] {strides = array<i32>} : memref<640x16xf32, #tpu.memory_space<vmem>>, vector<16xf32>,
      tpu.vector_store %arg15[%swap3A, %swap3A_230], %gather3A_225 {strides = array<i32>} : memref<640x16xf32, #tpu.memory_space<vmem>>, vector<16xf32>,
      %get3A_232 = arith.index_cast %add3A_229 : i32 to index
      %get3A_233 = arith.constant 0 : index
      %get3A_234 = tpu.vector_load %arg14[%get3A_232, %get3A_233] {strides = array<i32>} : memref<640x16xf32, #tpu.memory_space<vmem>>, vector<16xf32>,
      %mul3A_235 = arith.mulf %get3A_234, %gather3A_225 : vector<16xf32>
      %swap3A_236 = arith.index_cast %add3A_229 : i32 to index
      %swap3A_237 = arith.constant 0 : index
      %swap3A_238 = tpu.vector_load %arg14[%swap3A_236, %swap3A_237] {strides = array<i32>} : memref<640x16xf32, #tpu.memory_space<vmem>>, vector<16xf32>,
      tpu.vector_store %arg14[%swap3A_236, %swap3A_237], %mul3A_235 {strides = array<i32>} : memref<640x16xf32, #tpu.memory_space<vmem>>, vector<16xf32>,
      %broadcast_in_dim3A_239 = arith.constant 1 : i32
      %broadcast_in_dim3A_240 = vector.broadcast %broadcast_in_dim3A_239 : i32 to vector<16x1xi32>
      %gather3A_241 = vector.shape_cast %broadcast_in_dim3A_240 : vector<16x1xi32> to vector<16xi32>
      %gather3A_242 = tpu.dynamic_gather %get3A_223[%gather3A_241] in [0] : vector<16xf32>, vector<16xi32> -> vector<16xf32>
      %mul3A_243 = arith.constant 16 : i32
      %mul3A_244 = arith.muli %scan3A_220, %mul3A_243 : i32
      %add3A_245 = arith.constant 1 : i32
      %add3A_246 = arith.addi %mul3A_244, %add3A_245 : i32
      %swap3A_247 = arith.index_cast %add3A_246 : i32 to index
      %swap3A_248 = arith.constant 0 : index
      %swap3A_249 = tpu.vector_load %arg15[%swap3A_247, %swap3A_248] {strides = array<i32>} : memref<640x16xf32, #tpu.memory_space<vmem>>, vector<16xf32>,
      tpu.vector_store %arg15[%swap3A_247, %swap3A_248], %gather3A_242 {strides = array<i32>} : memref<640x16xf32, #tpu.memory_space<vmem>>, vector<16xf32>,
      %get3A_250 = arith.index_cast %add3A_246 : i32 to index
      %get3A_251 = arith.constant 0 : index
      %get3A_252 = tpu.vector_load %arg14[%get3A_250, %get3A_251] {strides = array<i32>} : memref<640x16xf32, #tpu.memory_space<vmem>>, vector<16xf32>,
      %mul3A_253 = arith.mulf %get3A_252, %gather3A_242 : vector<16xf32>
      %swap3A_254 = arith.index_cast %add3A_246 : i32 to index
      %swap3A_255 = arith.constant 0 : index
      %swap3A_256 = tpu.vector_load %arg14[%swap3A_254, %swap3A_255] {strides = array<i32>} : memref<640x16xf32, #tpu.memory_space<vmem>>, vector<16xf32>,
      tpu.vector_store %arg14[%swap3A_254, %swap3A_255], %mul3A_253 {strides = array<i32>} : memref<640x16xf32, #tpu.memory_space<vmem>>, vector<16xf32>,
      %broadcast_in_dim3A_257 = arith.constant 2 : i32
      %broadcast_in_dim3A_258 = vector.broadcast %broadcast_in_dim3A_257 : i32 to vector<16x1xi32>
      %gather3A_259 = vector.shape_cast %broadcast_in_dim3A_258 : vector<16x1xi32> to vector<16xi32>
      %gather3A_260 = tpu.dynamic_gather %get3A_223[%gather3A_259] in [0] : vector<16xf32>, vector<16xi32> -> vector<16xf32>
      %mul3A_261 = arith.constant 16 : i32
      %mul3A_262 = arith.muli %scan3A_220, %mul3A_261 : i32
      %add3A_263 = arith.constant 2 : i32
      %add3A_264 = arith.addi %mul3A_262, %add3A_263 : i32
      %swap3A_265 = arith.index_cast %add3A_264 : i32 to index
      %swap3A_266 = arith.constant 0 : index
      %swap3A_267 = tpu.vector_load %arg15[%swap3A_265, %swap3A_266] {strides = array<i32>} : memref<640x16xf32, #tpu.memory_space<vmem>>, vector<16xf32>,
      tpu.vector_store %arg15[%swap3A_265, %swap3A_266], %gather3A_260 {strides = array<i32>} : memref<640x16xf32, #tpu.memory_space<vmem>>, vector<16xf32>,
      %get3A_268 = arith.index_cast %add3A_264 : i32 to index
      %get3A_269 = arith.constant 0 : index
      %get3A_270 = tpu.vector_load %arg14[%get3A_268, %get3A_269] {strides = array<i32>} : memref<640x16xf32, #tpu.memory_space<vmem>>, vector<16xf32>,
      %mul3A_271 = arith.mulf %get3A_270, %gather3A_260 : vector<16xf32>
      %swap3A_272 = arith.index_cast %add3A_264 : i32 to index
      %swap3A_273 = arith.constant 0 : index
      %swap3A_274 = tpu.vector_load %arg14[%swap3A_272, %swap3A_273] {strides = array<i32>} : memref<640x16xf32, #tpu.memory_space<vmem>>, vector<16xf32>,
      tpu.vector_store %arg14[%swap3A_272, %swap3A_273], %mul3A_271 {strides = array<i32>} : memref<640x16xf32, #tpu.memory_space<vmem>>, vector<16xf32>,
      %broadcast_in_dim3A_275 = arith.constant 3 : i32
      %broadcast_in_dim3A_276 = vector.broadcast %broadcast_in_dim3A_275 : i32 to vector<16x1xi32>
      %gather3A_277 = vector.shape_cast %broadcast_in_dim3A_276 : vector<16x1xi32> to vector<16xi32>
      %gather3A_278 = tpu.dynamic_gather %get3A_223[%gather3A_277] in [0] : vector<16xf32>, vector<16xi32> -> vector<16xf32>
      %mul3A_279 = arith.constant 16 : i32
      %mul3A_280 = arith.muli %scan3A_220, %mul3A_279 : i32
      %add3A_281 = arith.constant 3 : i32
      %add3A_282 = arith.addi %mul3A_280, %add3A_281 : i32
      %swap3A_283 = arith.index_cast %add3A_282 : i32 to index
      %swap3A_284 = arith.constant 0 : index
      %swap3A_285 = tpu.vector_load %arg15[%swap3A_283, %swap3A_284] {strides = array<i32>} : memref<640x16xf32, #tpu.memory_space<vmem>>, vector<16xf32>,
      tpu.vector_store %arg15[%swap3A_283, %swap3A_284], %gather3A_278 {strides = array<i32>} : memref<640x16xf32, #tpu.memory_space<vmem>>, vector<16xf32>,
      %get3A_286 = arith.index_cast %add3A_282 : i32 to index
      %get3A_287 = arith.constant 0 : index
      %get3A_288 = tpu.vector_load %arg14[%get3A_286, %get3A_287] {strides = array<i32>} : memref<640x16xf32, #tpu.memory_space<vmem>>, vector<16xf32>,
      %mul3A_289 = arith.mulf %get3A_288, %gather3A_278 : vector<16xf32>
      %swap3A_290 = arith.index_cast %add3A_282 : i32 to index
      %swap3A_291 = arith.constant 0 : index
      %swap3A_292 = tpu.vector_load %arg14[%swap3A_290, %swap3A_291] {strides = array<i32>} : memref<640x16xf32, #tpu.memory_space<vmem>>, vector<16xf32>,
      tpu.vector_store %arg14[%swap3A_290, %swap3A_291], %mul3A_289 {strides = array<i32>} : memref<640x16xf32, #tpu.memory_space<vmem>>, vector<16xf32>,
      %broadcast_in_dim3A_293 = arith.constant 4 : i32
      %broadcast_in_dim3A_294 = vector.broadcast %broadcast_in_dim3A_293 : i32 to vector<16x1xi32>
      %gather3A_295 = vector.shape_cast %broadcast_in_dim3A_294 : vector<16x1xi32> to vector<16xi32>
      %gather3A_296 = tpu.dynamic_gather %get3A_223[%gather3A_295] in [0] : vector<16xf32>, vector<16xi32> -> vector<16xf32>
      %mul3A_297 = arith.constant 16 : i32
      %mul3A_298 = arith.muli %scan3A_220, %mul3A_297 : i32
      %add3A_299 = arith.constant 4 : i32
      %add3A_300 = arith.addi %mul3A_298, %add3A_299 : i32
      %swap3A_301 = arith.index_cast %add3A_300 : i32 to index
      %swap3A_302 = arith.constant 0 : index
      %swap3A_303 = tpu.vector_load %arg15[%swap3A_301, %swap3A_302] {strides = array<i32>} : memref<640x16xf32, #tpu.memory_space<vmem>>, vector<16xf32>,
      tpu.vector_store %arg15[%swap3A_301, %swap3A_302], %gather3A_296 {strides = array<i32>} : memref<640x16xf32, #tpu.memory_space<vmem>>, vector<16xf32>,
      %get3A_304 = arith.index_cast %add3A_300 : i32 to index
      %get3A_305 = arith.constant 0 : index
      %get3A_306 = tpu.vector_load %arg14[%get3A_304, %get3A_305] {strides = array<i32>} : memref<640x16xf32, #tpu.memory_space<vmem>>, vector<16xf32>,
      %mul3A_307 = arith.mulf %get3A_306, %gather3A_296 : vector<16xf32>
      %swap3A_308 = arith.index_cast %add3A_300 : i32 to index
      %swap3A_309 = arith.constant 0 : index
      %swap3A_310 = tpu.vector_load %arg14[%swap3A_308, %swap3A_309] {strides = array<i32>} : memref<640x16xf32, #tpu.memory_space<vmem>>, vector<16xf32>,
      tpu.vector_store %arg14[%swap3A_308, %swap3A_309], %mul3A_307 {strides = array<i32>} : memref<640x16xf32, #tpu.memory_space<vmem>>, vector<16xf32>,
      %broadcast_in_dim3A_311 = arith.constant 5 : i32
      %broadcast_in_dim3A_312 = vector.broadcast %broadcast_in_dim3A_311 : i32 to vector<16x1xi32>
      %gather3A_313 = vector.shape_cast %broadcast_in_dim3A_312 : vector<16x1xi32> to vector<16xi32>
      %gather3A_314 = tpu.dynamic_gather %get3A_223[%gather3A_313] in [0] : vector<16xf32>, vector<16xi32> -> vector<16xf32>
      %mul3A_315 = arith.constant 16 : i32
      %mul3A_316 = arith.muli %scan3A_220, %mul3A_315 : i32
      %add3A_317 = arith.constant 5 : i32
      %add3A_318 = arith.addi %mul3A_316, %add3A_317 : i32
      %swap3A_319 = arith.index_cast %add3A_318 : i32 to index
      %swap3A_320 = arith.constant 0 : index
      %swap3A_321 = tpu.vector_load %arg15[%swap3A_319, %swap3A_320] {strides = array<i32>} : memref<640x16xf32, #tpu.memory_space<vmem>>, vector<16xf32>,
      tpu.vector_store %arg15[%swap3A_319, %swap3A_320], %gather3A_314 {strides = array<i32>} : memref<640x16xf32, #tpu.memory_space<vmem>>, vector<16xf32>,
      %get3A_322 = arith.index_cast %add3A_318 : i32 to index
      %get3A_323 = arith.constant 0 : index
      %get3A_324 = tpu.vector_load %arg14[%get3A_322, %get3A_323] {strides = array<i32>} : memref<640x16xf32, #tpu.memory_space<vmem>>, vector<16xf32>,
      %mul3A_325 = arith.mulf %get3A_324, %gather3A_314 : vector<16xf32>
      %swap3A_326 = arith.index_cast %add3A_318 : i32 to index
      %swap3A_327 = arith.constant 0 : index
      %swap3A_328 = tpu.vector_load %arg14[%swap3A_326, %swap3A_327] {strides = array<i32>} : memref<640x16xf32, #tpu.memory_space<vmem>>, vector<16xf32>,
      tpu.vector_store %arg14[%swap3A_326, %swap3A_327], %mul3A_325 {strides = array<i32>} : memref<640x16xf32, #tpu.memory_space<vmem>>, vector<16xf32>,
      %broadcast_in_dim3A_329 = arith.constant 6 : i32
      %broadcast_in_dim3A_330 = vector.broadcast %broadcast_in_dim3A_329 : i32 to vector<16x1xi32>
      %gather3A_331 = vector.shape_cast %broadcast_in_dim3A_330 : vector<16x1xi32> to vector<16xi32>
      %gather3A_332 = tpu.dynamic_gather %get3A_223[%gather3A_331] in [0] : vector<16xf32>, vector<16xi32> -> vector<16xf32>
      %mul3A_333 = arith.constant 16 : i32
      %mul3A_334 = arith.muli %scan3A_220, %mul3A_333 : i32
      %add3A_335 = arith.constant 6 : i32
      %add3A_336 = arith.addi %mul3A_334, %add3A_335 : i32
      %swap3A_337 = arith.index_cast %add3A_336 : i32 to index
      %swap3A_338 = arith.constant 0 : index
      %swap3A_339 = tpu.vector_load %arg15[%swap3A_337, %swap3A_338] {strides = array<i32>} : memref<640x16xf32, #tpu.memory_space<vmem>>, vector<16xf32>,
      tpu.vector_store %arg15[%swap3A_337, %swap3A_338], %gather3A_332 {strides = array<i32>} : memref<640x16xf32, #tpu.memory_space<vmem>>, vector<16xf32>,
      %get3A_340 = arith.index_cast %add3A_336 : i32 to index
      %get3A_341 = arith.constant 0 : index
      %get3A_342 = tpu.vector_load %arg14[%get3A_340, %get3A_341] {strides = array<i32>} : memref<640x16xf32, #tpu.memory_space<vmem>>, vector<16xf32>,
      %mul3A_343 = arith.mulf %get3A_342, %gather3A_332 : vector<16xf32>
      %swap3A_344 = arith.index_cast %add3A_336 : i32 to index
      %swap3A_345 = arith.constant 0 : index
      %swap3A_346 = tpu.vector_load %arg14[%swap3A_344, %swap3A_345] {strides = array<i32>} : memref<640x16xf32, #tpu.memory_space<vmem>>, vector<16xf32>,
      tpu.vector_store %arg14[%swap3A_344, %swap3A_345], %mul3A_343 {strides = array<i32>} : memref<640x16xf32, #tpu.memory_space<vmem>>, vector<16xf32>,
      %broadcast_in_dim3A_347 = arith.constant 7 : i32
      %broadcast_in_dim3A_348 = vector.broadcast %broadcast_in_dim3A_347 : i32 to vector<16x1xi32>
      %gather3A_349 = vector.shape_cast %broadcast_in_dim3A_348 : vector<16x1xi32> to vector<16xi32>
      %gather3A_350 = tpu.dynamic_gather %get3A_223[%gather3A_349] in [0] : vector<16xf32>, vector<16xi32> -> vector<16xf32>
      %mul3A_351 = arith.constant 16 : i32
      %mul3A_352 = arith.muli %scan3A_220, %mul3A_351 : i32
      %add3A_353 = arith.constant 7 : i32
      %add3A_354 = arith.addi %mul3A_352, %add3A_353 : i32
      %swap3A_355 = arith.index_cast %add3A_354 : i32 to index
      %swap3A_356 = arith.constant 0 : index
      %swap3A_357 = tpu.vector_load %arg15[%swap3A_355, %swap3A_356] {strides = array<i32>} : memref<640x16xf32, #tpu.memory_space<vmem>>, vector<16xf32>,
      tpu.vector_store %arg15[%swap3A_355, %swap3A_356], %gather3A_350 {strides = array<i32>} : memref<640x16xf32, #tpu.memory_space<vmem>>, vector<16xf32>,
      %get3A_358 = arith.index_cast %add3A_354 : i32 to index
      %get3A_359 = arith.constant 0 : index
      %get3A_360 = tpu.vector_load %arg14[%get3A_358, %get3A_359] {strides = array<i32>} : memref<640x16xf32, #tpu.memory_space<vmem>>, vector<16xf32>,
      %mul3A_361 = arith.mulf %get3A_360, %gather3A_350 : vector<16xf32>
      %swap3A_362 = arith.index_cast %add3A_354 : i32 to index
      %swap3A_363 = arith.constant 0 : index
      %swap3A_364 = tpu.vector_load %arg14[%swap3A_362, %swap3A_363] {strides = array<i32>} : memref<640x16xf32, #tpu.memory_space<vmem>>, vector<16xf32>,
      tpu.vector_store %arg14[%swap3A_362, %swap3A_363], %mul3A_361 {strides = array<i32>} : memref<640x16xf32, #tpu.memory_space<vmem>>, vector<16xf32>,
      %broadcast_in_dim3A_365 = arith.constant 8 : i32
      %broadcast_in_dim3A_366 = vector.broadcast %broadcast_in_dim3A_365 : i32 to vector<16x1xi32>
      %gather3A_367 = vector.shape_cast %broadcast_in_dim3A_366 : vector<16x1xi32> to vector<16xi32>
      %gather3A_368 = tpu.dynamic_gather %get3A_223[%gather3A_367] in [0] : vector<16xf32>, vector<16xi32> -> vector<16xf32>
      %mul3A_369 = arith.constant 16 : i32
      %mul3A_370 = arith.muli %scan3A_220, %mul3A_369 : i32
      %add3A_371 = arith.constant 8 : i32
      %add3A_372 = arith.addi %mul3A_370, %add3A_371 : i32
      %swap3A_373 = arith.index_cast %add3A_372 : i32 to index
      %swap3A_374 = arith.constant 0 : index
      %swap3A_375 = tpu.vector_load %arg15[%swap3A_373, %swap3A_374] {strides = array<i32>} : memref<640x16xf32, #tpu.memory_space<vmem>>, vector<16xf32>,
      tpu.vector_store %arg15[%swap3A_373, %swap3A_374], %gather3A_368 {strides = array<i32>} : memref<640x16xf32, #tpu.memory_space<vmem>>, vector<16xf32>,
      %get3A_376 = arith.index_cast %add3A_372 : i32 to index
      %get3A_377 = arith.constant 0 : index
      %get3A_378 = tpu.vector_load %arg14[%get3A_376, %get3A_377] {strides = array<i32>} : memref<640x16xf32, #tpu.memory_space<vmem>>, vector<16xf32>,
      %mul3A_379 = arith.mulf %get3A_378, %gather3A_368 : vector<16xf32>
      %swap3A_380 = arith.index_cast %add3A_372 : i32 to index
      %swap3A_381 = arith.constant 0 : index
      %swap3A_382 = tpu.vector_load %arg14[%swap3A_380, %swap3A_381] {strides = array<i32>} : memref<640x16xf32, #tpu.memory_space<vmem>>, vector<16xf32>,
      tpu.vector_store %arg14[%swap3A_380, %swap3A_381], %mul3A_379 {strides = array<i32>} : memref<640x16xf32, #tpu.memory_space<vmem>>, vector<16xf32>,
      %broadcast_in_dim3A_383 = arith.constant 9 : i32
      %broadcast_in_dim3A_384 = vector.broadcast %broadcast_in_dim3A_383 : i32 to vector<16x1xi32>
      %gather3A_385 = vector.shape_cast %broadcast_in_dim3A_384 : vector<16x1xi32> to vector<16xi32>
      %gather3A_386 = tpu.dynamic_gather %get3A_223[%gather3A_385] in [0] : vector<16xf32>, vector<16xi32> -> vector<16xf32>
      %mul3A_387 = arith.constant 16 : i32
      %mul3A_388 = arith.muli %scan3A_220, %mul3A_387 : i32
      %add3A_389 = arith.constant 9 : i32
      %add3A_390 = arith.addi %mul3A_388, %add3A_389 : i32
      %swap3A_391 = arith.index_cast %add3A_390 : i32 to index
      %swap3A_392 = arith.constant 0 : index
      %swap3A_393 = tpu.vector_load %arg15[%swap3A_391, %swap3A_392] {strides = array<i32>} : memref<640x16xf32, #tpu.memory_space<vmem>>, vector<16xf32>,
      tpu.vector_store %arg15[%swap3A_391, %swap3A_392], %gather3A_386 {strides = array<i32>} : memref<640x16xf32, #tpu.memory_space<vmem>>, vector<16xf32>,
      %get3A_394 = arith.index_cast %add3A_390 : i32 to index
      %get3A_395 = arith.constant 0 : index
      %get3A_396 = tpu.vector_load %arg14[%get3A_394, %get3A_395] {strides = array<i32>} : memref<640x16xf32, #tpu.memory_space<vmem>>, vector<16xf32>,
      %mul3A_397 = arith.mulf %get3A_396, %gather3A_386 : vector<16xf32>
      %swap3A_398 = arith.index_cast %add3A_390 : i32 to index
      %swap3A_399 = arith.constant 0 : index
      %swap3A_400 = tpu.vector_load %arg14[%swap3A_398, %swap3A_399] {strides = array<i32>} : memref<640x16xf32, #tpu.memory_space<vmem>>, vector<16xf32>,
      tpu.vector_store %arg14[%swap3A_398, %swap3A_399], %mul3A_397 {strides = array<i32>} : memref<640x16xf32, #tpu.memory_space<vmem>>, vector<16xf32>,
      %broadcast_in_dim3A_401 = arith.constant 10 : i32
      %broadcast_in_dim3A_402 = vector.broadcast %broadcast_in_dim3A_401 : i32 to vector<16x1xi32>
      %gather3A_403 = vector.shape_cast %broadcast_in_dim3A_402 : vector<16x1xi32> to vector<16xi32>
      %gather3A_404 = tpu.dynamic_gather %get3A_223[%gather3A_403] in [0] : vector<16xf32>, vector<16xi32> -> vector<16xf32>
      %mul3A_405 = arith.constant 16 : i32
      %mul3A_406 = arith.muli %scan3A_220, %mul3A_405 : i32
      %add3A_407 = arith.constant 10 : i32
      %add3A_408 = arith.addi %mul3A_406, %add3A_407 : i32
      %swap3A_409 = arith.index_cast %add3A_408 : i32 to index
      %swap3A_410 = arith.constant 0 : index
      %swap3A_411 = tpu.vector_load %arg15[%swap3A_409, %swap3A_410] {strides = array<i32>} : memref<640x16xf32, #tpu.memory_space<vmem>>, vector<16xf32>,
      tpu.vector_store %arg15[%swap3A_409, %swap3A_410], %gather3A_404 {strides = array<i32>} : memref<640x16xf32, #tpu.memory_space<vmem>>, vector<16xf32>,
      %get3A_412 = arith.index_cast %add3A_408 : i32 to index
      %get3A_413 = arith.constant 0 : index
      %get3A_414 = tpu.vector_load %arg14[%get3A_412, %get3A_413] {strides = array<i32>} : memref<640x16xf32, #tpu.memory_space<vmem>>, vector<16xf32>,
      %mul3A_415 = arith.mulf %get3A_414, %gather3A_404 : vector<16xf32>
      %swap3A_416 = arith.index_cast %add3A_408 : i32 to index
      %swap3A_417 = arith.constant 0 : index
      %swap3A_418 = tpu.vector_load %arg14[%swap3A_416, %swap3A_417] {strides = array<i32>} : memref<640x16xf32, #tpu.memory_space<vmem>>, vector<16xf32>,
      tpu.vector_store %arg14[%swap3A_416, %swap3A_417], %mul3A_415 {strides = array<i32>} : memref<640x16xf32, #tpu.memory_space<vmem>>, vector<16xf32>,
      %broadcast_in_dim3A_419 = arith.constant 11 : i32
      %broadcast_in_dim3A_420 = vector.broadcast %broadcast_in_dim3A_419 : i32 to vector<16x1xi32>
      %gather3A_421 = vector.shape_cast %broadcast_in_dim3A_420 : vector<16x1xi32> to vector<16xi32>
      %gather3A_422 = tpu.dynamic_gather %get3A_223[%gather3A_421] in [0] : vector<16xf32>, vector<16xi32> -> vector<16xf32>
      %mul3A_423 = arith.constant 16 : i32
      %mul3A_424 = arith.muli %scan3A_220, %mul3A_423 : i32
      %add3A_425 = arith.constant 11 : i32
      %add3A_426 = arith.addi %mul3A_424, %add3A_425 : i32
      %swap3A_427 = arith.index_cast %add3A_426 : i32 to index
      %swap3A_428 = arith.constant 0 : index
      %swap3A_429 = tpu.vector_load %arg15[%swap3A_427, %swap3A_428] {strides = array<i32>} : memref<640x16xf32, #tpu.memory_space<vmem>>, vector<16xf32>,
      tpu.vector_store %arg15[%swap3A_427, %swap3A_428], %gather3A_422 {strides = array<i32>} : memref<640x16xf32, #tpu.memory_space<vmem>>, vector<16xf32>,
      %get3A_430 = arith.index_cast %add3A_426 : i32 to index
      %get3A_431 = arith.constant 0 : index
      %get3A_432 = tpu.vector_load %arg14[%get3A_430, %get3A_431] {strides = array<i32>} : memref<640x16xf32, #tpu.memory_space<vmem>>, vector<16xf32>,
      %mul3A_433 = arith.mulf %get3A_432, %gather3A_422 : vector<16xf32>
      %swap3A_434 = arith.index_cast %add3A_426 : i32 to index
      %swap3A_435 = arith.constant 0 : index
      %swap3A_436 = tpu.vector_load %arg14[%swap3A_434, %swap3A_435] {strides = array<i32>} : memref<640x16xf32, #tpu.memory_space<vmem>>, vector<16xf32>,
      tpu.vector_store %arg14[%swap3A_434, %swap3A_435], %mul3A_433 {strides = array<i32>} : memref<640x16xf32, #tpu.memory_space<vmem>>, vector<16xf32>,
      %broadcast_in_dim3A_437 = arith.constant 12 : i32
      %broadcast_in_dim3A_438 = vector.broadcast %broadcast_in_dim3A_437 : i32 to vector<16x1xi32>
      %gather3A_439 = vector.shape_cast %broadcast_in_dim3A_438 : vector<16x1xi32> to vector<16xi32>
      %gather3A_440 = tpu.dynamic_gather %get3A_223[%gather3A_439] in [0] : vector<16xf32>, vector<16xi32> -> vector<16xf32>
      %mul3A_441 = arith.constant 16 : i32
      %mul3A_442 = arith.muli %scan3A_220, %mul3A_441 : i32
      %add3A_443 = arith.constant 12 : i32
      %add3A_444 = arith.addi %mul3A_442, %add3A_443 : i32
      %swap3A_445 = arith.index_cast %add3A_444 : i32 to index
      %swap3A_446 = arith.constant 0 : index
      %swap3A_447 = tpu.vector_load %arg15[%swap3A_445, %swap3A_446] {strides = array<i32>} : memref<640x16xf32, #tpu.memory_space<vmem>>, vector<16xf32>,
      tpu.vector_store %arg15[%swap3A_445, %swap3A_446], %gather3A_440 {strides = array<i32>} : memref<640x16xf32, #tpu.memory_space<vmem>>, vector<16xf32>,
      %get3A_448 = arith.index_cast %add3A_444 : i32 to index
      %get3A_449 = arith.constant 0 : index
      %get3A_450 = tpu.vector_load %arg14[%get3A_448, %get3A_449] {strides = array<i32>} : memref<640x16xf32, #tpu.memory_space<vmem>>, vector<16xf32>,
      %mul3A_451 = arith.mulf %get3A_450, %gather3A_440 : vector<16xf32>
      %swap3A_452 = arith.index_cast %add3A_444 : i32 to index
      %swap3A_453 = arith.constant 0 : index
      %swap3A_454 = tpu.vector_load %arg14[%swap3A_452, %swap3A_453] {strides = array<i32>} : memref<640x16xf32, #tpu.memory_space<vmem>>, vector<16xf32>,
      tpu.vector_store %arg14[%swap3A_452, %swap3A_453], %mul3A_451 {strides = array<i32>} : memref<640x16xf32, #tpu.memory_space<vmem>>, vector<16xf32>,
      %broadcast_in_dim3A_455 = arith.constant 13 : i32
      %broadcast_in_dim3A_456 = vector.broadcast %broadcast_in_dim3A_455 : i32 to vector<16x1xi32>
      %gather3A_457 = vector.shape_cast %broadcast_in_dim3A_456 : vector<16x1xi32> to vector<16xi32>
      %gather3A_458 = tpu.dynamic_gather %get3A_223[%gather3A_457] in [0] : vector<16xf32>, vector<16xi32> -> vector<16xf32>
      %mul3A_459 = arith.constant 16 : i32
      %mul3A_460 = arith.muli %scan3A_220, %mul3A_459 : i32
      %add3A_461 = arith.constant 13 : i32
      %add3A_462 = arith.addi %mul3A_460, %add3A_461 : i32
      %swap3A_463 = arith.index_cast %add3A_462 : i32 to index
      %swap3A_464 = arith.constant 0 : index
      %swap3A_465 = tpu.vector_load %arg15[%swap3A_463, %swap3A_464] {strides = array<i32>} : memref<640x16xf32, #tpu.memory_space<vmem>>, vector<16xf32>,
      tpu.vector_store %arg15[%swap3A_463, %swap3A_464], %gather3A_458 {strides = array<i32>} : memref<640x16xf32, #tpu.memory_space<vmem>>, vector<16xf32>,
      %get3A_466 = arith.index_cast %add3A_462 : i32 to index
      %get3A_467 = arith.constant 0 : index
      %get3A_468 = tpu.vector_load %arg14[%get3A_466, %get3A_467] {strides = array<i32>} : memref<640x16xf32, #tpu.memory_space<vmem>>, vector<16xf32>,
      %mul3A_469 = arith.mulf %get3A_468, %gather3A_458 : vector<16xf32>
      %swap3A_470 = arith.index_cast %add3A_462 : i32 to index
      %swap3A_471 = arith.constant 0 : index
      %swap3A_472 = tpu.vector_load %arg14[%swap3A_470, %swap3A_471] {strides = array<i32>} : memref<640x16xf32, #tpu.memory_space<vmem>>, vector<16xf32>,
      tpu.vector_store %arg14[%swap3A_470, %swap3A_471], %mul3A_469 {strides = array<i32>} : memref<640x16xf32, #tpu.memory_space<vmem>>, vector<16xf32>,
      %broadcast_in_dim3A_473 = arith.constant 14 : i32
      %broadcast_in_dim3A_474 = vector.broadcast %broadcast_in_dim3A_473 : i32 to vector<16x1xi32>
      %gather3A_475 = vector.shape_cast %broadcast_in_dim3A_474 : vector<16x1xi32> to vector<16xi32>
      %gather3A_476 = tpu.dynamic_gather %get3A_223[%gather3A_475] in [0] : vector<16xf32>, vector<16xi32> -> vector<16xf32>
      %mul3A_477 = arith.constant 16 : i32
      %mul3A_478 = arith.muli %scan3A_220, %mul3A_477 : i32
      %add3A_479 = arith.constant 14 : i32
      %add3A_480 = arith.addi %mul3A_478, %add3A_479 : i32
      %swap3A_481 = arith.index_cast %add3A_480 : i32 to index
      %swap3A_482 = arith.constant 0 : index
      %swap3A_483 = tpu.vector_load %arg15[%swap3A_481, %swap3A_482] {strides = array<i32>} : memref<640x16xf32, #tpu.memory_space<vmem>>, vector<16xf32>,
      tpu.vector_store %arg15[%swap3A_481, %swap3A_482], %gather3A_476 {strides = array<i32>} : memref<640x16xf32, #tpu.memory_space<vmem>>, vector<16xf32>,
      %get3A_484 = arith.index_cast %add3A_480 : i32 to index
      %get3A_485 = arith.constant 0 : index
      %get3A_486 = tpu.vector_load %arg14[%get3A_484, %get3A_485] {strides = array<i32>} : memref<640x16xf32, #tpu.memory_space<vmem>>, vector<16xf32>,
      %mul3A_487 = arith.mulf %get3A_486, %gather3A_476 : vector<16xf32>
      %swap3A_488 = arith.index_cast %add3A_480 : i32 to index
      %swap3A_489 = arith.constant 0 : index
      %swap3A_490 = tpu.vector_load %arg14[%swap3A_488, %swap3A_489] {strides = array<i32>} : memref<640x16xf32, #tpu.memory_space<vmem>>, vector<16xf32>,
      tpu.vector_store %arg14[%swap3A_488, %swap3A_489], %mul3A_487 {strides = array<i32>} : memref<640x16xf32, #tpu.memory_space<vmem>>, vector<16xf32>,
      %broadcast_in_dim3A_491 = arith.constant 15 : i32
      %broadcast_in_dim3A_492 = vector.broadcast %broadcast_in_dim3A_491 : i32 to vector<16x1xi32>
      %gather3A_493 = vector.shape_cast %broadcast_in_dim3A_492 : vector<16x1xi32> to vector<16xi32>
      %gather3A_494 = tpu.dynamic_gather %get3A_223[%gather3A_493] in [0] : vector<16xf32>, vector<16xi32> -> vector<16xf32>
      %mul3A_495 = arith.constant 16 : i32
      %mul3A_496 = arith.muli %scan3A_220, %mul3A_495 : i32
      %add3A_497 = arith.constant 15 : i32
      %add3A_498 = arith.addi %mul3A_496, %add3A_497 : i32
      %swap3A_499 = arith.index_cast %add3A_498 : i32 to index
      %swap3A_500 = arith.constant 0 : index
      %swap3A_501 = tpu.vector_load %arg15[%swap3A_499, %swap3A_500] {strides = array<i32>} : memref<640x16xf32, #tpu.memory_space<vmem>>, vector<16xf32>,
      tpu.vector_store %arg15[%swap3A_499, %swap3A_500], %gather3A_494 {strides = array<i32>} : memref<640x16xf32, #tpu.memory_space<vmem>>, vector<16xf32>,
      %get3A_502 = arith.index_cast %add3A_498 : i32 to index
      %get3A_503 = arith.constant 0 : index
      %get3A_504 = tpu.vector_load %arg14[%get3A_502, %get3A_503] {strides = array<i32>} : memref<640x16xf32, #tpu.memory_space<vmem>>, vector<16xf32>,
      %mul3A_505 = arith.mulf %get3A_504, %gather3A_494 : vector<16xf32>
      %swap3A_506 = arith.index_cast %add3A_498 : i32 to index
      %swap3A_507 = arith.constant 0 : index
      %swap3A_508 = tpu.vector_load %arg14[%swap3A_506, %swap3A_507] {strides = array<i32>} : memref<640x16xf32, #tpu.memory_space<vmem>>, vector<16xf32>,
      tpu.vector_store %arg14[%swap3A_506, %swap3A_507], %mul3A_505 {strides = array<i32>} : memref<640x16xf32, #tpu.memory_space<vmem>>, vector<16xf32>,
    }
    %scan3A_77 = arith.constant 40 : i32
    %mul3A_78 = arith.constant 640 : i32
    %mul3A_79 = arith.muli %arg1, %mul3A_78 : i32
    "tpu.region"() ({
      %run_scoped3A = tpu.sem_alloc : memref<!tpu.dma_semaphore, #tpu.memory_space<semaphore_mem>>
      %dma_start3A_220 = arith.constant 0 : i32
      %dma_start3A_221 = tpu.memref_slice %arg8[%mul3A_79, %dma_start3A_220] : memref<10240x16xf32, #tpu.memory_space<vmem_shared>> -> memref<640x16xf32, #tpu.memory_space<vmem_shared>>
      %dma_start3A_222 = arith.constant 0 : i32
      %dma_start3A_223 = tpu.memref_slice %arg8[%mul3A_79, %dma_start3A_222] : memref<10240x16xf32, #tpu.memory_space<vmem_shared>> -> memref<640x16xf32, #tpu.memory_space<vmem_shared>>
      tpu.enqueue_dma source(%arg14 : memref<640x16xf32, #tpu.memory_space<vmem>>) target(%dma_start3A_223 : memref<640x16xf32, #tpu.memory_space<vmem_shared>>) target_semaphore(%run_scoped3A : memref<!tpu.dma_semaphore, #tpu.memory_space<semaphore_mem>>)
      %dma_wait3A_224 = arith.constant 0 : i32
      %dma_wait3A_225 = tpu.memref_slice %arg8[%mul3A_79, %dma_wait3A_224] : memref<10240x16xf32, #tpu.memory_space<vmem_shared>> -> memref<640x16xf32, #tpu.memory_space<vmem_shared>>
      %dma_wait3A_226 = arith.constant 0 : i32
      %dma_wait3A_227 = tpu.memref_slice %arg8[%mul3A_79, %dma_wait3A_226] : memref<10240x16xf32, #tpu.memory_space<vmem_shared>> -> memref<640x16xf32, #tpu.memory_space<vmem_shared>>
      tpu.wait_dma2 semaphore(%run_scoped3A : memref<!tpu.dma_semaphore, #tpu.memory_space<semaphore_mem>>) src(%arg14 : memref<640x16xf32, #tpu.memory_space<vmem>>) dst(%dma_wait3A_227 : memref<640x16xf32, #tpu.memory_space<vmem_shared>>)
      tpu.yield
    }) : () -> ()
    %mul3A_80 = arith.constant 640 : i32
    %mul3A_81 = arith.muli %arg1, %mul3A_80 : i32
    "tpu.region"() ({
      %run_scoped3A = tpu.sem_alloc : memref<!tpu.dma_semaphore, #tpu.memory_space<semaphore_mem>>
      %dma_start3A_220 = arith.constant 0 : i32
      %dma_start3A_221 = tpu.memref_slice %arg6[%mul3A_81, %dma_start3A_220] : memref<10240x16xf32, #tpu.memory_space<hbm>> -> memref<640x16xf32, #tpu.memory_space<hbm>>
      %dma_start3A_222 = arith.constant 0 : i32
      %dma_start3A_223 = tpu.memref_slice %arg6[%mul3A_81, %dma_start3A_222] : memref<10240x16xf32, #tpu.memory_space<hbm>> -> memref<640x16xf32, #tpu.memory_space<hbm>>
      tpu.enqueue_dma source(%arg14 : memref<640x16xf32, #tpu.memory_space<vmem>>) target(%dma_start3A_223 : memref<640x16xf32, #tpu.memory_space<hbm>>) target_semaphore(%run_scoped3A : memref<!tpu.dma_semaphore, #tpu.memory_space<semaphore_mem>>)
      %dma_wait3A_224 = arith.constant 0 : i32
      %dma_wait3A_225 = tpu.memref_slice %arg6[%mul3A_81, %dma_wait3A_224] : memref<10240x16xf32, #tpu.memory_space<hbm>> -> memref<640x16xf32, #tpu.memory_space<hbm>>
      %dma_wait3A_226 = arith.constant 0 : i32
      %dma_wait3A_227 = tpu.memref_slice %arg6[%mul3A_81, %dma_wait3A_226] : memref<10240x16xf32, #tpu.memory_space<hbm>> -> memref<640x16xf32, #tpu.memory_space<hbm>>
      tpu.wait_dma2 semaphore(%run_scoped3A : memref<!tpu.dma_semaphore, #tpu.memory_space<semaphore_mem>>) src(%arg14 : memref<640x16xf32, #tpu.memory_space<vmem>>) dst(%dma_wait3A_227 : memref<640x16xf32, #tpu.memory_space<hbm>>)
      tpu.yield
    }) : () -> ()
    %mul3A_82 = arith.constant 640 : i32
    %mul3A_83 = arith.muli %arg1, %mul3A_82 : i32
    "tpu.region"() ({
      %run_scoped3A = tpu.sem_alloc : memref<!tpu.dma_semaphore, #tpu.memory_space<semaphore_mem>>
      %dma_start3A_220 = arith.constant 0 : i32
      %dma_start3A_221 = tpu.memref_slice %arg7[%mul3A_83, %dma_start3A_220] : memref<10240x16xf32, #tpu.memory_space<hbm>> -> memref<640x16xf32, #tpu.memory_space<hbm>>
      %dma_start3A_222 = arith.constant 0 : i32
      %dma_start3A_223 = tpu.memref_slice %arg7[%mul3A_83, %dma_start3A_222] : memref<10240x16xf32, #tpu.memory_space<hbm>> -> memref<640x16xf32, #tpu.memory_space<hbm>>
      tpu.enqueue_dma source(%arg15 : memref<640x16xf32, #tpu.memory_space<vmem>>) target(%dma_start3A_223 : memref<640x16xf32, #tpu.memory_space<hbm>>) target_semaphore(%run_scoped3A : memref<!tpu.dma_semaphore, #tpu.memory_space<semaphore_mem>>)
      %dma_wait3A_224 = arith.constant 0 : i32
      %dma_wait3A_225 = tpu.memref_slice %arg7[%mul3A_83, %dma_wait3A_224] : memref<10240x16xf32, #tpu.memory_space<hbm>> -> memref<640x16xf32, #tpu.memory_space<hbm>>
      %dma_wait3A_226 = arith.constant 0 : i32
      %dma_wait3A_227 = tpu.memref_slice %arg7[%mul3A_83, %dma_wait3A_226] : memref<10240x16xf32, #tpu.memory_space<hbm>> -> memref<640x16xf32, #tpu.memory_space<hbm>>
      tpu.wait_dma2 semaphore(%run_scoped3A : memref<!tpu.dma_semaphore, #tpu.memory_space<semaphore_mem>>) src(%arg15 : memref<640x16xf32, #tpu.memory_space<vmem>>) dst(%dma_wait3A_227 : memref<640x16xf32, #tpu.memory_space<hbm>>)
      tpu.yield
    }) : () -> ()
    %barrier3A = arith.constant 0 : index
    tpu.barrier barrier_id(%barrier3A)
    %dma_start3A_84 = arith.constant 0 : i32
    %dma_start3A_85 = arith.constant 0 : i32
    %dma_start3A_86 = arith.constant 0 : i32
    %dma_start3A_87 = tpu.memref_slice %arg12[%dma_start3A_84, %dma_start3A_85, %dma_start3A_86] : memref<10x80x16xf32, #tpu.memory_space<vmem>> -> memref<1x80x16xf32, #tpu.memory_space<vmem>>
    %dma_start3A_88 = tpu.memref_squeeze %dma_start3A_87 : memref<1x80x16xf32, #tpu.memory_space<vmem>> -> memref<80x16xf32, #tpu.memory_space<vmem>>
    %dma_start3A_89 = arith.constant 0 : i32
    %dma_start3A_90 = tpu.memref_slice %arg10[%dma_start3A_89] : memref<10000xi32, #tpu.memory_space<vmem>> -> memref<80xi32, #tpu.memory_space<vmem>>
    %dma_start3A_91 = arith.constant 0 : i32
    %dma_start3A_92 = arith.constant 0 : i32
    %dma_start3A_93 = tpu.memref_slice %arg8[%dma_start3A_91, %dma_start3A_92] : memref<10240x16xf32, #tpu.memory_space<vmem_shared>> -> memref<10240x16xf32, #tpu.memory_space<vmem_shared>>
    tpu.enqueue_indirect_dma source(%dma_start3A_93 : memref<10240x16xf32, #tpu.memory_space<vmem_shared>>) target(%dma_start3A_88 : memref<80x16xf32, #tpu.memory_space<vmem>>) offsets(%dma_start3A_90 : memref<80xi32, #tpu.memory_space<vmem>>) semaphore(%arg19 : memref<!tpu.dma_semaphore, #tpu.memory_space<semaphore_mem>>)
    %dma_start3A_94 = arith.constant 1 : i32
    %dma_start3A_95 = arith.constant 0 : i32
    %dma_start3A_96 = arith.constant 0 : i32
    %dma_start3A_97 = tpu.memref_slice %arg12[%dma_start3A_94, %dma_start3A_95, %dma_start3A_96] : memref<10x80x16xf32, #tpu.memory_space<vmem>> -> memref<1x80x16xf32, #tpu.memory_space<vmem>>
    %dma_start3A_98 = tpu.memref_squeeze %dma_start3A_97 : memref<1x80x16xf32, #tpu.memory_space<vmem>> -> memref<80x16xf32, #tpu.memory_space<vmem>>
    %dma_start3A_99 = arith.constant 80 : i32
    %dma_start3A_100 = tpu.memref_slice %arg10[%dma_start3A_99] : memref<10000xi32, #tpu.memory_space<vmem>> -> memref<80xi32, #tpu.memory_space<vmem>>
    %dma_start3A_101 = arith.constant 0 : i32
    %dma_start3A_102 = arith.constant 0 : i32
    %dma_start3A_103 = tpu.memref_slice %arg8[%dma_start3A_101, %dma_start3A_102] : memref<10240x16xf32, #tpu.memory_space<vmem_shared>> -> memref<10240x16xf32, #tpu.memory_space<vmem_shared>>
    tpu.enqueue_indirect_dma source(%dma_start3A_103 : memref<10240x16xf32, #tpu.memory_space<vmem_shared>>) target(%dma_start3A_98 : memref<80x16xf32, #tpu.memory_space<vmem>>) offsets(%dma_start3A_100 : memref<80xi32, #tpu.memory_space<vmem>>) semaphore(%arg19 : memref<!tpu.dma_semaphore, #tpu.memory_space<semaphore_mem>>)
    %dma_start3A_104 = arith.constant 2 : i32
    %dma_start3A_105 = arith.constant 0 : i32
    %dma_start3A_106 = arith.constant 0 : i32
    %dma_start3A_107 = tpu.memref_slice %arg12[%dma_start3A_104, %dma_start3A_105, %dma_start3A_106] : memref<10x80x16xf32, #tpu.memory_space<vmem>> -> memref<1x80x16xf32, #tpu.memory_space<vmem>>
    %dma_start3A_108 = tpu.memref_squeeze %dma_start3A_107 : memref<1x80x16xf32, #tpu.memory_space<vmem>> -> memref<80x16xf32, #tpu.memory_space<vmem>>
    %dma_start3A_109 = arith.constant 160 : i32
    %dma_start3A_110 = tpu.memref_slice %arg10[%dma_start3A_109] : memref<10000xi32, #tpu.memory_space<vmem>> -> memref<80xi32, #tpu.memory_space<vmem>>
    %dma_start3A_111 = arith.constant 0 : i32
    %dma_start3A_112 = arith.constant 0 : i32
    %dma_start3A_113 = tpu.memref_slice %arg8[%dma_start3A_111, %dma_start3A_112] : memref<10240x16xf32, #tpu.memory_space<vmem_shared>> -> memref<10240x16xf32, #tpu.memory_space<vmem_shared>>
    tpu.enqueue_indirect_dma source(%dma_start3A_113 : memref<10240x16xf32, #tpu.memory_space<vmem_shared>>) target(%dma_start3A_108 : memref<80x16xf32, #tpu.memory_space<vmem>>) offsets(%dma_start3A_110 : memref<80xi32, #tpu.memory_space<vmem>>) semaphore(%arg19 : memref<!tpu.dma_semaphore, #tpu.memory_space<semaphore_mem>>)
    %dma_start3A_114 = arith.constant 3 : i32
    %dma_start3A_115 = arith.constant 0 : i32
    %dma_start3A_116 = arith.constant 0 : i32
    %dma_start3A_117 = tpu.memref_slice %arg12[%dma_start3A_114, %dma_start3A_115, %dma_start3A_116] : memref<10x80x16xf32, #tpu.memory_space<vmem>> -> memref<1x80x16xf32, #tpu.memory_space<vmem>>
    %dma_start3A_118 = tpu.memref_squeeze %dma_start3A_117 : memref<1x80x16xf32, #tpu.memory_space<vmem>> -> memref<80x16xf32, #tpu.memory_space<vmem>>
    %dma_start3A_119 = arith.constant 240 : i32
    %dma_start3A_120 = tpu.memref_slice %arg10[%dma_start3A_119] : memref<10000xi32, #tpu.memory_space<vmem>> -> memref<80xi32, #tpu.memory_space<vmem>>
    %dma_start3A_121 = arith.constant 0 : i32
    %dma_start3A_122 = arith.constant 0 : i32
    %dma_start3A_123 = tpu.memref_slice %arg8[%dma_start3A_121, %dma_start3A_122] : memref<10240x16xf32, #tpu.memory_space<vmem_shared>> -> memref<10240x16xf32, #tpu.memory_space<vmem_shared>>
    tpu.enqueue_indirect_dma source(%dma_start3A_123 : memref<10240x16xf32, #tpu.memory_space<vmem_shared>>) target(%dma_start3A_118 : memref<80x16xf32, #tpu.memory_space<vmem>>) offsets(%dma_start3A_120 : memref<80xi32, #tpu.memory_space<vmem>>) semaphore(%arg19 : memref<!tpu.dma_semaphore, #tpu.memory_space<semaphore_mem>>)
    %dma_start3A_124 = arith.constant 4 : i32
    %dma_start3A_125 = arith.constant 0 : i32
    %dma_start3A_126 = arith.constant 0 : i32
    %dma_start3A_127 = tpu.memref_slice %arg12[%dma_start3A_124, %dma_start3A_125, %dma_start3A_126] : memref<10x80x16xf32, #tpu.memory_space<vmem>> -> memref<1x80x16xf32, #tpu.memory_space<vmem>>
    %dma_start3A_128 = tpu.memref_squeeze %dma_start3A_127 : memref<1x80x16xf32, #tpu.memory_space<vmem>> -> memref<80x16xf32, #tpu.memory_space<vmem>>
    %dma_start3A_129 = arith.constant 320 : i32
    %dma_start3A_130 = tpu.memref_slice %arg10[%dma_start3A_129] : memref<10000xi32, #tpu.memory_space<vmem>> -> memref<80xi32, #tpu.memory_space<vmem>>
    %dma_start3A_131 = arith.constant 0 : i32
    %dma_start3A_132 = arith.constant 0 : i32
    %dma_start3A_133 = tpu.memref_slice %arg8[%dma_start3A_131, %dma_start3A_132] : memref<10240x16xf32, #tpu.memory_space<vmem_shared>> -> memref<10240x16xf32, #tpu.memory_space<vmem_shared>>
    tpu.enqueue_indirect_dma source(%dma_start3A_133 : memref<10240x16xf32, #tpu.memory_space<vmem_shared>>) target(%dma_start3A_128 : memref<80x16xf32, #tpu.memory_space<vmem>>) offsets(%dma_start3A_130 : memref<80xi32, #tpu.memory_space<vmem>>) semaphore(%arg19 : memref<!tpu.dma_semaphore, #tpu.memory_space<semaphore_mem>>)
    %scan3A_134 = arith.constant 0 : i32
    %scan3A_135 = arith.constant 0 : i32
    %scan3A_136 = arith.constant 25 : i32
    %scan3A_137 = arith.addi %scan3A_135, %scan3A_136 : i32
    %scan3A_138 = arith.constant 1 : i32
    scf.for %scan3A_220 = %scan3A_135 to %scan3A_137 step %scan3A_138  : i32 {
      %jit3A = arith.constant 2 : i32
      %eq3A = arith.constant 0 : i32
      %eq3A_221 = arith.cmpi eq, %jit3A, %eq3A : i32
      %jit3A_222 = arith.constant 1 : i32
      %select_n3A = arith.select %eq3A_221, %jit3A_222, %jit3A : i32
      %rem3A = arith.remsi %scan3A_220, %select_n3A : i32
      %ne3A = arith.constant 0 : i32
      %ne3A_223 = arith.cmpi ne, %rem3A, %ne3A : i32
      %lt3A = arith.constant 0 : i32
      %lt3A_224 = arith.cmpi slt, %rem3A, %lt3A : i32
      %lt3A_225 = arith.constant 0 : i32
      %lt3A_226 = arith.cmpi slt, %select_n3A, %lt3A_225 : i32
      %ne3A_227 = arith.xori %lt3A_224, %lt3A_226 : i1
      %and3A = arith.andi %ne3A_227, %ne3A_223 : i1
      %add3A_228 = arith.addi %rem3A, %select_n3A : i32
      %select_n3A_229 = arith.select %and3A, %add3A_228, %rem3A : i32
      %mul3A_230 = arith.constant 5 : i32
      %mul3A_231 = arith.muli %select_n3A_229, %mul3A_230 : i32
      %add3A_232 = arith.constant 1 : i32
      %add3A_233 = arith.addi %scan3A_220, %add3A_232 : i32
      %jit3A_234 = arith.constant 2 : i32
      %eq3A_235 = arith.constant 0 : i32
      %eq3A_236 = arith.cmpi eq, %jit3A_234, %eq3A_235 : i32
      %jit3A_237 = arith.constant 1 : i32
      %select_n3A_238 = arith.select %eq3A_236, %jit3A_237, %jit3A_234 : i32
      %rem3A_239 = arith.remsi %add3A_233, %select_n3A_238 : i32
      %ne3A_240 = arith.constant 0 : i32
      %ne3A_241 = arith.cmpi ne, %rem3A_239, %ne3A_240 : i32
      %lt3A_242 = arith.constant 0 : i32
      %lt3A_243 = arith.cmpi slt, %rem3A_239, %lt3A_242 : i32
      %lt3A_244 = arith.constant 0 : i32
      %lt3A_245 = arith.cmpi slt, %select_n3A_238, %lt3A_244 : i32
      %ne3A_246 = arith.xori %lt3A_243, %lt3A_245 : i1
      %and3A_247 = arith.andi %ne3A_246, %ne3A_241 : i1
      %add3A_248 = arith.addi %rem3A_239, %select_n3A_238 : i32
      %select_n3A_249 = arith.select %and3A_247, %add3A_248, %rem3A_239 : i32
      %mul3A_250 = arith.constant 5 : i32
      %mul3A_251 = arith.muli %select_n3A_249, %mul3A_250 : i32
      %gt3A = arith.constant 0 : i32
      %gt3A_252 = arith.cmpi sgt, %scan3A_220, %gt3A : i32
      %convert_element_type3A = arith.extui %gt3A_252 : i1 to i32
      %cond3A = arith.constant 0 : i32
      %cond3A_253 = arith.cmpi ne, %convert_element_type3A, %cond3A : i32
      scf.if %cond3A_253 {
        %add3A_419 = arith.constant 0 : i32
        %add3A_420 = arith.addi %mul3A_251, %add3A_419 : i32
        %dma_wait3A_421 = arith.constant 0 : i32
        %dma_wait3A_422 = arith.constant 0 : i32
        %dma_wait3A_423 = tpu.memref_slice %arg12[%add3A_420, %dma_wait3A_421, %dma_wait3A_422] : memref<10x80x16xf32, #tpu.memory_space<vmem>> -> memref<1x80x16xf32, #tpu.memory_space<vmem>>
        %dma_wait3A_424 = tpu.memref_squeeze %dma_wait3A_423 : memref<1x80x16xf32, #tpu.memory_space<vmem>> -> memref<80x16xf32, #tpu.memory_space<vmem>>
        %dma_wait3A_425 = arith.constant 0 : i32
        %dma_wait3A_426 = arith.constant 0 : i32
        %dma_wait3A_427 = tpu.memref_slice %arg6[%dma_wait3A_425, %dma_wait3A_426] : memref<10240x16xf32, #tpu.memory_space<hbm>> -> memref<80x16xf32, #tpu.memory_space<hbm>>
        %dma_wait3A_428 = arith.constant 0 : i32
        %dma_wait3A_429 = arith.constant 0 : i32
        %dma_wait3A_430 = tpu.memref_slice %arg12[%add3A_420, %dma_wait3A_428, %dma_wait3A_429] : memref<10x80x16xf32, #tpu.memory_space<vmem>> -> memref<1x80x16xf32, #tpu.memory_space<vmem>>
        %dma_wait3A_431 = tpu.memref_squeeze %dma_wait3A_430 : memref<1x80x16xf32, #tpu.memory_space<vmem>> -> memref<80x16xf32, #tpu.memory_space<vmem>>
        %dma_wait3A_432 = arith.constant 0 : i32
        %dma_wait3A_433 = arith.constant 0 : i32
        %dma_wait3A_434 = tpu.memref_slice %arg6[%dma_wait3A_432, %dma_wait3A_433] : memref<10240x16xf32, #tpu.memory_space<hbm>> -> memref<80x16xf32, #tpu.memory_space<hbm>>
        tpu.wait_dma2 semaphore(%arg20 : memref<!tpu.dma_semaphore, #tpu.memory_space<semaphore_mem>>) src(%dma_wait3A_434 : memref<80x16xf32, #tpu.memory_space<hbm>>) dst(%dma_wait3A_431 : memref<80x16xf32, #tpu.memory_space<vmem>>)
        %add3A_435 = arith.constant 1 : i32
        %add3A_436 = arith.addi %mul3A_251, %add3A_435 : i32
        %dma_wait3A_437 = arith.constant 0 : i32
        %dma_wait3A_438 = arith.constant 0 : i32
        %dma_wait3A_439 = tpu.memref_slice %arg12[%add3A_436, %dma_wait3A_437, %dma_wait3A_438] : memref<10x80x16xf32, #tpu.memory_space<vmem>> -> memref<1x80x16xf32, #tpu.memory_space<vmem>>
        %dma_wait3A_440 = tpu.memref_squeeze %dma_wait3A_439 : memref<1x80x16xf32, #tpu.memory_space<vmem>> -> memref<80x16xf32, #tpu.memory_space<vmem>>
        %dma_wait3A_441 = arith.constant 0 : i32
        %dma_wait3A_442 = arith.constant 0 : i32
        %dma_wait3A_443 = tpu.memref_slice %arg6[%dma_wait3A_441, %dma_wait3A_442] : memref<10240x16xf32, #tpu.memory_space<hbm>> -> memref<80x16xf32, #tpu.memory_space<hbm>>
        %dma_wait3A_444 = arith.constant 0 : i32
        %dma_wait3A_445 = arith.constant 0 : i32
        %dma_wait3A_446 = tpu.memref_slice %arg12[%add3A_436, %dma_wait3A_444, %dma_wait3A_445] : memref<10x80x16xf32, #tpu.memory_space<vmem>> -> memref<1x80x16xf32, #tpu.memory_space<vmem>>
        %dma_wait3A_447 = tpu.memref_squeeze %dma_wait3A_446 : memref<1x80x16xf32, #tpu.memory_space<vmem>> -> memref<80x16xf32, #tpu.memory_space<vmem>>
        %dma_wait3A_448 = arith.constant 0 : i32
        %dma_wait3A_449 = arith.constant 0 : i32
        %dma_wait3A_450 = tpu.memref_slice %arg6[%dma_wait3A_448, %dma_wait3A_449] : memref<10240x16xf32, #tpu.memory_space<hbm>> -> memref<80x16xf32, #tpu.memory_space<hbm>>
        tpu.wait_dma2 semaphore(%arg20 : memref<!tpu.dma_semaphore, #tpu.memory_space<semaphore_mem>>) src(%dma_wait3A_450 : memref<80x16xf32, #tpu.memory_space<hbm>>) dst(%dma_wait3A_447 : memref<80x16xf32, #tpu.memory_space<vmem>>)
        %add3A_451 = arith.constant 2 : i32
        %add3A_452 = arith.addi %mul3A_251, %add3A_451 : i32
        %dma_wait3A_453 = arith.constant 0 : i32
        %dma_wait3A_454 = arith.constant 0 : i32
        %dma_wait3A_455 = tpu.memref_slice %arg12[%add3A_452, %dma_wait3A_453, %dma_wait3A_454] : memref<10x80x16xf32, #tpu.memory_space<vmem>> -> memref<1x80x16xf32, #tpu.memory_space<vmem>>
        %dma_wait3A_456 = tpu.memref_squeeze %dma_wait3A_455 : memref<1x80x16xf32, #tpu.memory_space<vmem>> -> memref<80x16xf32, #tpu.memory_space<vmem>>
        %dma_wait3A_457 = arith.constant 0 : i32
        %dma_wait3A_458 = arith.constant 0 : i32
        %dma_wait3A_459 = tpu.memref_slice %arg6[%dma_wait3A_457, %dma_wait3A_458] : memref<10240x16xf32, #tpu.memory_space<hbm>> -> memref<80x16xf32, #tpu.memory_space<hbm>>
        %dma_wait3A_460 = arith.constant 0 : i32
        %dma_wait3A_461 = arith.constant 0 : i32
        %dma_wait3A_462 = tpu.memref_slice %arg12[%add3A_452, %dma_wait3A_460, %dma_wait3A_461] : memref<10x80x16xf32, #tpu.memory_space<vmem>> -> memref<1x80x16xf32, #tpu.memory_space<vmem>>
        %dma_wait3A_463 = tpu.memref_squeeze %dma_wait3A_462 : memref<1x80x16xf32, #tpu.memory_space<vmem>> -> memref<80x16xf32, #tpu.memory_space<vmem>>
        %dma_wait3A_464 = arith.constant 0 : i32
        %dma_wait3A_465 = arith.constant 0 : i32
        %dma_wait3A_466 = tpu.memref_slice %arg6[%dma_wait3A_464, %dma_wait3A_465] : memref<10240x16xf32, #tpu.memory_space<hbm>> -> memref<80x16xf32, #tpu.memory_space<hbm>>
        tpu.wait_dma2 semaphore(%arg20 : memref<!tpu.dma_semaphore, #tpu.memory_space<semaphore_mem>>) src(%dma_wait3A_466 : memref<80x16xf32, #tpu.memory_space<hbm>>) dst(%dma_wait3A_463 : memref<80x16xf32, #tpu.memory_space<vmem>>)
        %add3A_467 = arith.constant 3 : i32
        %add3A_468 = arith.addi %mul3A_251, %add3A_467 : i32
        %dma_wait3A_469 = arith.constant 0 : i32
        %dma_wait3A_470 = arith.constant 0 : i32
        %dma_wait3A_471 = tpu.memref_slice %arg12[%add3A_468, %dma_wait3A_469, %dma_wait3A_470] : memref<10x80x16xf32, #tpu.memory_space<vmem>> -> memref<1x80x16xf32, #tpu.memory_space<vmem>>
        %dma_wait3A_472 = tpu.memref_squeeze %dma_wait3A_471 : memref<1x80x16xf32, #tpu.memory_space<vmem>> -> memref<80x16xf32, #tpu.memory_space<vmem>>
        %dma_wait3A_473 = arith.constant 0 : i32
        %dma_wait3A_474 = arith.constant 0 : i32
        %dma_wait3A_475 = tpu.memref_slice %arg6[%dma_wait3A_473, %dma_wait3A_474] : memref<10240x16xf32, #tpu.memory_space<hbm>> -> memref<80x16xf32, #tpu.memory_space<hbm>>
        %dma_wait3A_476 = arith.constant 0 : i32
        %dma_wait3A_477 = arith.constant 0 : i32
        %dma_wait3A_478 = tpu.memref_slice %arg12[%add3A_468, %dma_wait3A_476, %dma_wait3A_477] : memref<10x80x16xf32, #tpu.memory_space<vmem>> -> memref<1x80x16xf32, #tpu.memory_space<vmem>>
        %dma_wait3A_479 = tpu.memref_squeeze %dma_wait3A_478 : memref<1x80x16xf32, #tpu.memory_space<vmem>> -> memref<80x16xf32, #tpu.memory_space<vmem>>
        %dma_wait3A_480 = arith.constant 0 : i32
        %dma_wait3A_481 = arith.constant 0 : i32
        %dma_wait3A_482 = tpu.memref_slice %arg6[%dma_wait3A_480, %dma_wait3A_481] : memref<10240x16xf32, #tpu.memory_space<hbm>> -> memref<80x16xf32, #tpu.memory_space<hbm>>
        tpu.wait_dma2 semaphore(%arg20 : memref<!tpu.dma_semaphore, #tpu.memory_space<semaphore_mem>>) src(%dma_wait3A_482 : memref<80x16xf32, #tpu.memory_space<hbm>>) dst(%dma_wait3A_479 : memref<80x16xf32, #tpu.memory_space<vmem>>)
        %add3A_483 = arith.constant 4 : i32
        %add3A_484 = arith.addi %mul3A_251, %add3A_483 : i32
        %dma_wait3A_485 = arith.constant 0 : i32
        %dma_wait3A_486 = arith.constant 0 : i32
        %dma_wait3A_487 = tpu.memref_slice %arg12[%add3A_484, %dma_wait3A_485, %dma_wait3A_486] : memref<10x80x16xf32, #tpu.memory_space<vmem>> -> memref<1x80x16xf32, #tpu.memory_space<vmem>>
        %dma_wait3A_488 = tpu.memref_squeeze %dma_wait3A_487 : memref<1x80x16xf32, #tpu.memory_space<vmem>> -> memref<80x16xf32, #tpu.memory_space<vmem>>
        %dma_wait3A_489 = arith.constant 0 : i32
        %dma_wait3A_490 = arith.constant 0 : i32
        %dma_wait3A_491 = tpu.memref_slice %arg6[%dma_wait3A_489, %dma_wait3A_490] : memref<10240x16xf32, #tpu.memory_space<hbm>> -> memref<80x16xf32, #tpu.memory_space<hbm>>
        %dma_wait3A_492 = arith.constant 0 : i32
        %dma_wait3A_493 = arith.constant 0 : i32
        %dma_wait3A_494 = tpu.memref_slice %arg12[%add3A_484, %dma_wait3A_492, %dma_wait3A_493] : memref<10x80x16xf32, #tpu.memory_space<vmem>> -> memref<1x80x16xf32, #tpu.memory_space<vmem>>
        %dma_wait3A_495 = tpu.memref_squeeze %dma_wait3A_494 : memref<1x80x16xf32, #tpu.memory_space<vmem>> -> memref<80x16xf32, #tpu.memory_space<vmem>>
        %dma_wait3A_496 = arith.constant 0 : i32
        %dma_wait3A_497 = arith.constant 0 : i32
        %dma_wait3A_498 = tpu.memref_slice %arg6[%dma_wait3A_496, %dma_wait3A_497] : memref<10240x16xf32, #tpu.memory_space<hbm>> -> memref<80x16xf32, #tpu.memory_space<hbm>>
        tpu.wait_dma2 semaphore(%arg20 : memref<!tpu.dma_semaphore, #tpu.memory_space<semaphore_mem>>) src(%dma_wait3A_498 : memref<80x16xf32, #tpu.memory_space<hbm>>) dst(%dma_wait3A_495 : memref<80x16xf32, #tpu.memory_space<vmem>>)
      } else {
      }
      %lt3A_254 = arith.constant 24 : i32
      %lt3A_255 = arith.cmpi slt, %scan3A_220, %lt3A_254 : i32
      %convert_element_type3A_256 = arith.extui %lt3A_255 : i1 to i32
      %cond3A_257 = arith.constant 0 : i32
      %cond3A_258 = arith.cmpi ne, %convert_element_type3A_256, %cond3A_257 : i32
      scf.if %cond3A_258 {
        %add3A_419 = arith.constant 1 : i32
        %add3A_420 = arith.addi %scan3A_220, %add3A_419 : i32
        %mul3A_421 = arith.constant 5 : i32
        %mul3A_422 = arith.muli %add3A_420, %mul3A_421 : i32
        %add3A_423 = arith.constant 0 : i32
        %add3A_424 = arith.addi %mul3A_422, %add3A_423 : i32
        %mul3A_425 = arith.constant 80 : i32
        %mul3A_426 = arith.muli %add3A_424, %mul3A_425 : i32
        %add3A_427 = arith.constant 0 : i32
        %add3A_428 = arith.addi %mul3A_251, %add3A_427 : i32
        %dma_start3A_429 = arith.constant 0 : i32
        %dma_start3A_430 = arith.constant 0 : i32
        %dma_start3A_431 = tpu.memref_slice %arg12[%add3A_428, %dma_start3A_429, %dma_start3A_430] : memref<10x80x16xf32, #tpu.memory_space<vmem>> -> memref<1x80x16xf32, #tpu.memory_space<vmem>>
        %dma_start3A_432 = tpu.memref_squeeze %dma_start3A_431 : memref<1x80x16xf32, #tpu.memory_space<vmem>> -> memref<80x16xf32, #tpu.memory_space<vmem>>
        %dma_start3A_433 = tpu.memref_slice %arg10[%mul3A_426] : memref<10000xi32, #tpu.memory_space<vmem>> -> memref<80xi32, #tpu.memory_space<vmem>>
        %dma_start3A_434 = arith.constant 0 : i32
        %dma_start3A_435 = arith.constant 0 : i32
        %dma_start3A_436 = tpu.memref_slice %arg8[%dma_start3A_434, %dma_start3A_435] : memref<10240x16xf32, #tpu.memory_space<vmem_shared>> -> memref<10240x16xf32, #tpu.memory_space<vmem_shared>>
        tpu.enqueue_indirect_dma source(%dma_start3A_436 : memref<10240x16xf32, #tpu.memory_space<vmem_shared>>) target(%dma_start3A_432 : memref<80x16xf32, #tpu.memory_space<vmem>>) offsets(%dma_start3A_433 : memref<80xi32, #tpu.memory_space<vmem>>) semaphore(%arg19 : memref<!tpu.dma_semaphore, #tpu.memory_space<semaphore_mem>>)
        %add3A_437 = arith.constant 1 : i32
        %add3A_438 = arith.addi %scan3A_220, %add3A_437 : i32
        %mul3A_439 = arith.constant 5 : i32
        %mul3A_440 = arith.muli %add3A_438, %mul3A_439 : i32
        %add3A_441 = arith.constant 1 : i32
        %add3A_442 = arith.addi %mul3A_440, %add3A_441 : i32
        %mul3A_443 = arith.constant 80 : i32
        %mul3A_444 = arith.muli %add3A_442, %mul3A_443 : i32
        %add3A_445 = arith.constant 1 : i32
        %add3A_446 = arith.addi %mul3A_251, %add3A_445 : i32
        %dma_start3A_447 = arith.constant 0 : i32
        %dma_start3A_448 = arith.constant 0 : i32
        %dma_start3A_449 = tpu.memref_slice %arg12[%add3A_446, %dma_start3A_447, %dma_start3A_448] : memref<10x80x16xf32, #tpu.memory_space<vmem>> -> memref<1x80x16xf32, #tpu.memory_space<vmem>>
        %dma_start3A_450 = tpu.memref_squeeze %dma_start3A_449 : memref<1x80x16xf32, #tpu.memory_space<vmem>> -> memref<80x16xf32, #tpu.memory_space<vmem>>
        %dma_start3A_451 = tpu.memref_slice %arg10[%mul3A_444] : memref<10000xi32, #tpu.memory_space<vmem>> -> memref<80xi32, #tpu.memory_space<vmem>>
        %dma_start3A_452 = arith.constant 0 : i32
        %dma_start3A_453 = arith.constant 0 : i32
        %dma_start3A_454 = tpu.memref_slice %arg8[%dma_start3A_452, %dma_start3A_453] : memref<10240x16xf32, #tpu.memory_space<vmem_shared>> -> memref<10240x16xf32, #tpu.memory_space<vmem_shared>>
        tpu.enqueue_indirect_dma source(%dma_start3A_454 : memref<10240x16xf32, #tpu.memory_space<vmem_shared>>) target(%dma_start3A_450 : memref<80x16xf32, #tpu.memory_space<vmem>>) offsets(%dma_start3A_451 : memref<80xi32, #tpu.memory_space<vmem>>) semaphore(%arg19 : memref<!tpu.dma_semaphore, #tpu.memory_space<semaphore_mem>>)
        %add3A_455 = arith.constant 1 : i32
        %add3A_456 = arith.addi %scan3A_220, %add3A_455 : i32
        %mul3A_457 = arith.constant 5 : i32
        %mul3A_458 = arith.muli %add3A_456, %mul3A_457 : i32
        %add3A_459 = arith.constant 2 : i32
        %add3A_460 = arith.addi %mul3A_458, %add3A_459 : i32
        %mul3A_461 = arith.constant 80 : i32
        %mul3A_462 = arith.muli %add3A_460, %mul3A_461 : i32
        %add3A_463 = arith.constant 2 : i32
        %add3A_464 = arith.addi %mul3A_251, %add3A_463 : i32
        %dma_start3A_465 = arith.constant 0 : i32
        %dma_start3A_466 = arith.constant 0 : i32
        %dma_start3A_467 = tpu.memref_slice %arg12[%add3A_464, %dma_start3A_465, %dma_start3A_466] : memref<10x80x16xf32, #tpu.memory_space<vmem>> -> memref<1x80x16xf32, #tpu.memory_space<vmem>>
        %dma_start3A_468 = tpu.memref_squeeze %dma_start3A_467 : memref<1x80x16xf32, #tpu.memory_space<vmem>> -> memref<80x16xf32, #tpu.memory_space<vmem>>
        %dma_start3A_469 = tpu.memref_slice %arg10[%mul3A_462] : memref<10000xi32, #tpu.memory_space<vmem>> -> memref<80xi32, #tpu.memory_space<vmem>>
        %dma_start3A_470 = arith.constant 0 : i32
        %dma_start3A_471 = arith.constant 0 : i32
        %dma_start3A_472 = tpu.memref_slice %arg8[%dma_start3A_470, %dma_start3A_471] : memref<10240x16xf32, #tpu.memory_space<vmem_shared>> -> memref<10240x16xf32, #tpu.memory_space<vmem_shared>>
        tpu.enqueue_indirect_dma source(%dma_start3A_472 : memref<10240x16xf32, #tpu.memory_space<vmem_shared>>) target(%dma_start3A_468 : memref<80x16xf32, #tpu.memory_space<vmem>>) offsets(%dma_start3A_469 : memref<80xi32, #tpu.memory_space<vmem>>) semaphore(%arg19 : memref<!tpu.dma_semaphore, #tpu.memory_space<semaphore_mem>>)
        %add3A_473 = arith.constant 1 : i32
        %add3A_474 = arith.addi %scan3A_220, %add3A_473 : i32
        %mul3A_475 = arith.constant 5 : i32
        %mul3A_476 = arith.muli %add3A_474, %mul3A_475 : i32
        %add3A_477 = arith.constant 3 : i32
        %add3A_478 = arith.addi %mul3A_476, %add3A_477 : i32
        %mul3A_479 = arith.constant 80 : i32
        %mul3A_480 = arith.muli %add3A_478, %mul3A_479 : i32
        %add3A_481 = arith.constant 3 : i32
        %add3A_482 = arith.addi %mul3A_251, %add3A_481 : i32
        %dma_start3A_483 = arith.constant 0 : i32
        %dma_start3A_484 = arith.constant 0 : i32
        %dma_start3A_485 = tpu.memref_slice %arg12[%add3A_482, %dma_start3A_483, %dma_start3A_484] : memref<10x80x16xf32, #tpu.memory_space<vmem>> -> memref<1x80x16xf32, #tpu.memory_space<vmem>>
        %dma_start3A_486 = tpu.memref_squeeze %dma_start3A_485 : memref<1x80x16xf32, #tpu.memory_space<vmem>> -> memref<80x16xf32, #tpu.memory_space<vmem>>
        %dma_start3A_487 = tpu.memref_slice %arg10[%mul3A_480] : memref<10000xi32, #tpu.memory_space<vmem>> -> memref<80xi32, #tpu.memory_space<vmem>>
        %dma_start3A_488 = arith.constant 0 : i32
        %dma_start3A_489 = arith.constant 0 : i32
        %dma_start3A_490 = tpu.memref_slice %arg8[%dma_start3A_488, %dma_start3A_489] : memref<10240x16xf32, #tpu.memory_space<vmem_shared>> -> memref<10240x16xf32, #tpu.memory_space<vmem_shared>>
        tpu.enqueue_indirect_dma source(%dma_start3A_490 : memref<10240x16xf32, #tpu.memory_space<vmem_shared>>) target(%dma_start3A_486 : memref<80x16xf32, #tpu.memory_space<vmem>>) offsets(%dma_start3A_487 : memref<80xi32, #tpu.memory_space<vmem>>) semaphore(%arg19 : memref<!tpu.dma_semaphore, #tpu.memory_space<semaphore_mem>>)
        %add3A_491 = arith.constant 1 : i32
        %add3A_492 = arith.addi %scan3A_220, %add3A_491 : i32
        %mul3A_493 = arith.constant 5 : i32
        %mul3A_494 = arith.muli %add3A_492, %mul3A_493 : i32
        %add3A_495 = arith.constant 4 : i32
        %add3A_496 = arith.addi %mul3A_494, %add3A_495 : i32
        %mul3A_497 = arith.constant 80 : i32
        %mul3A_498 = arith.muli %add3A_496, %mul3A_497 : i32
        %add3A_499 = arith.constant 4 : i32
        %add3A_500 = arith.addi %mul3A_251, %add3A_499 : i32
        %dma_start3A_501 = arith.constant 0 : i32
        %dma_start3A_502 = arith.constant 0 : i32
        %dma_start3A_503 = tpu.memref_slice %arg12[%add3A_500, %dma_start3A_501, %dma_start3A_502] : memref<10x80x16xf32, #tpu.memory_space<vmem>> -> memref<1x80x16xf32, #tpu.memory_space<vmem>>
        %dma_start3A_504 = tpu.memref_squeeze %dma_start3A_503 : memref<1x80x16xf32, #tpu.memory_space<vmem>> -> memref<80x16xf32, #tpu.memory_space<vmem>>
        %dma_start3A_505 = tpu.memref_slice %arg10[%mul3A_498] : memref<10000xi32, #tpu.memory_space<vmem>> -> memref<80xi32, #tpu.memory_space<vmem>>
        %dma_start3A_506 = arith.constant 0 : i32
        %dma_start3A_507 = arith.constant 0 : i32
        %dma_start3A_508 = tpu.memref_slice %arg8[%dma_start3A_506, %dma_start3A_507] : memref<10240x16xf32, #tpu.memory_space<vmem_shared>> -> memref<10240x16xf32, #tpu.memory_space<vmem_shared>>
        tpu.enqueue_indirect_dma source(%dma_start3A_508 : memref<10240x16xf32, #tpu.memory_space<vmem_shared>>) target(%dma_start3A_504 : memref<80x16xf32, #tpu.memory_space<vmem>>) offsets(%dma_start3A_505 : memref<80xi32, #tpu.memory_space<vmem>>) semaphore(%arg19 : memref<!tpu.dma_semaphore, #tpu.memory_space<semaphore_mem>>)
      } else {
      }
      %mul3A_259 = arith.constant 5 : i32
      %mul3A_260 = arith.muli %scan3A_220, %mul3A_259 : i32
      %add3A_261 = arith.constant 0 : i32
      %add3A_262 = arith.addi %mul3A_260, %add3A_261 : i32
      %add3A_263 = arith.constant 0 : i32
      %add3A_264 = arith.addi %mul3A_231, %add3A_263 : i32
      %dma_wait3A_265 = arith.constant 0 : i32
      %dma_wait3A_266 = arith.constant 0 : i32
      %dma_wait3A_267 = tpu.memref_slice %arg12[%add3A_264, %dma_wait3A_265, %dma_wait3A_266] : memref<10x80x16xf32, #tpu.memory_space<vmem>> -> memref<1x80x16xf32, #tpu.memory_space<vmem>>
      %dma_wait3A_268 = tpu.memref_squeeze %dma_wait3A_267 : memref<1x80x16xf32, #tpu.memory_space<vmem>> -> memref<80x16xf32, #tpu.memory_space<vmem>>
      %dma_wait3A_269 = arith.constant 0 : i32
      %dma_wait3A_270 = arith.constant 0 : i32
      %dma_wait3A_271 = tpu.memref_slice %arg6[%dma_wait3A_269, %dma_wait3A_270] : memref<10240x16xf32, #tpu.memory_space<hbm>> -> memref<80x16xf32, #tpu.memory_space<hbm>>
      %dma_wait3A_272 = arith.constant 0 : i32
      %dma_wait3A_273 = arith.constant 0 : i32
      %dma_wait3A_274 = tpu.memref_slice %arg12[%add3A_264, %dma_wait3A_272, %dma_wait3A_273] : memref<10x80x16xf32, #tpu.memory_space<vmem>> -> memref<1x80x16xf32, #tpu.memory_space<vmem>>
      %dma_wait3A_275 = tpu.memref_squeeze %dma_wait3A_274 : memref<1x80x16xf32, #tpu.memory_space<vmem>> -> memref<80x16xf32, #tpu.memory_space<vmem>>
      %dma_wait3A_276 = arith.constant 0 : i32
      %dma_wait3A_277 = arith.constant 0 : i32
      %dma_wait3A_278 = tpu.memref_slice %arg6[%dma_wait3A_276, %dma_wait3A_277] : memref<10240x16xf32, #tpu.memory_space<hbm>> -> memref<80x16xf32, #tpu.memory_space<hbm>>
      tpu.wait_dma2 semaphore(%arg19 : memref<!tpu.dma_semaphore, #tpu.memory_space<semaphore_mem>>) src(%dma_wait3A_278 : memref<80x16xf32, #tpu.memory_space<hbm>>) dst(%dma_wait3A_275 : memref<80x16xf32, #tpu.memory_space<vmem>>)
      %add3A_279 = arith.constant 0 : i32
      %add3A_280 = arith.addi %mul3A_231, %add3A_279 : i32
      %mul3A_281 = arith.constant 80 : i32
      %mul3A_282 = arith.muli %add3A_262, %mul3A_281 : i32
      %dma_start3A_283 = arith.constant 0 : i32
      %dma_start3A_284 = arith.constant 0 : i32
      %dma_start3A_285 = tpu.memref_slice %arg12[%add3A_280, %dma_start3A_283, %dma_start3A_284] : memref<10x80x16xf32, #tpu.memory_space<vmem>> -> memref<1x80x16xf32, #tpu.memory_space<vmem>>
      %dma_start3A_286 = tpu.memref_squeeze %dma_start3A_285 : memref<1x80x16xf32, #tpu.memory_space<vmem>> -> memref<80x16xf32, #tpu.memory_space<vmem>>
      %dma_start3A_287 = tpu.memref_slice %arg11[%mul3A_282] : memref<10000xi32, #tpu.memory_space<vmem>> -> memref<80xi32, #tpu.memory_space<vmem>>
      %dma_start3A_288 = arith.constant 0 : i32
      %dma_start3A_289 = arith.constant 0 : i32
      %dma_start3A_290 = tpu.memref_slice %arg9[%dma_start3A_288, %dma_start3A_289] : memref<10240x16xf32, #tpu.memory_space<vmem_shared>> -> memref<10240x16xf32, #tpu.memory_space<vmem_shared>>
      tpu.enqueue_indirect_dma source(%dma_start3A_286 : memref<80x16xf32, #tpu.memory_space<vmem>>) target(%dma_start3A_290 : memref<10240x16xf32, #tpu.memory_space<vmem_shared>>) offsets(%dma_start3A_287 : memref<80xi32, #tpu.memory_space<vmem>>) semaphore(%arg20 : memref<!tpu.dma_semaphore, #tpu.memory_space<semaphore_mem>>) {add = true}
      %mul3A_291 = arith.constant 5 : i32
      %mul3A_292 = arith.muli %scan3A_220, %mul3A_291 : i32
      %add3A_293 = arith.constant 1 : i32
      %add3A_294 = arith.addi %mul3A_292, %add3A_293 : i32
      %add3A_295 = arith.constant 1 : i32
      %add3A_296 = arith.addi %mul3A_231, %add3A_295 : i32
      %dma_wait3A_297 = arith.constant 0 : i32
      %dma_wait3A_298 = arith.constant 0 : i32
      %dma_wait3A_299 = tpu.memref_slice %arg12[%add3A_296, %dma_wait3A_297, %dma_wait3A_298] : memref<10x80x16xf32, #tpu.memory_space<vmem>> -> memref<1x80x16xf32, #tpu.memory_space<vmem>>
      %dma_wait3A_300 = tpu.memref_squeeze %dma_wait3A_299 : memref<1x80x16xf32, #tpu.memory_space<vmem>> -> memref<80x16xf32, #tpu.memory_space<vmem>>
      %dma_wait3A_301 = arith.constant 0 : i32
      %dma_wait3A_302 = arith.constant 0 : i32
      %dma_wait3A_303 = tpu.memref_slice %arg6[%dma_wait3A_301, %dma_wait3A_302] : memref<10240x16xf32, #tpu.memory_space<hbm>> -> memref<80x16xf32, #tpu.memory_space<hbm>>
      %dma_wait3A_304 = arith.constant 0 : i32
      %dma_wait3A_305 = arith.constant 0 : i32
      %dma_wait3A_306 = tpu.memref_slice %arg12[%add3A_296, %dma_wait3A_304, %dma_wait3A_305] : memref<10x80x16xf32, #tpu.memory_space<vmem>> -> memref<1x80x16xf32, #tpu.memory_space<vmem>>
      %dma_wait3A_307 = tpu.memref_squeeze %dma_wait3A_306 : memref<1x80x16xf32, #tpu.memory_space<vmem>> -> memref<80x16xf32, #tpu.memory_space<vmem>>
      %dma_wait3A_308 = arith.constant 0 : i32
      %dma_wait3A_309 = arith.constant 0 : i32
      %dma_wait3A_310 = tpu.memref_slice %arg6[%dma_wait3A_308, %dma_wait3A_309] : memref<10240x16xf32, #tpu.memory_space<hbm>> -> memref<80x16xf32, #tpu.memory_space<hbm>>
      tpu.wait_dma2 semaphore(%arg19 : memref<!tpu.dma_semaphore, #tpu.memory_space<semaphore_mem>>) src(%dma_wait3A_310 : memref<80x16xf32, #tpu.memory_space<hbm>>) dst(%dma_wait3A_307 : memref<80x16xf32, #tpu.memory_space<vmem>>)
      %add3A_311 = arith.constant 1 : i32
      %add3A_312 = arith.addi %mul3A_231, %add3A_311 : i32
      %mul3A_313 = arith.constant 80 : i32
      %mul3A_314 = arith.muli %add3A_294, %mul3A_313 : i32
      %dma_start3A_315 = arith.constant 0 : i32
      %dma_start3A_316 = arith.constant 0 : i32
      %dma_start3A_317 = tpu.memref_slice %arg12[%add3A_312, %dma_start3A_315, %dma_start3A_316] : memref<10x80x16xf32, #tpu.memory_space<vmem>> -> memref<1x80x16xf32, #tpu.memory_space<vmem>>
      %dma_start3A_318 = tpu.memref_squeeze %dma_start3A_317 : memref<1x80x16xf32, #tpu.memory_space<vmem>> -> memref<80x16xf32, #tpu.memory_space<vmem>>
      %dma_start3A_319 = tpu.memref_slice %arg11[%mul3A_314] : memref<10000xi32, #tpu.memory_space<vmem>> -> memref<80xi32, #tpu.memory_space<vmem>>
      %dma_start3A_320 = arith.constant 0 : i32
      %dma_start3A_321 = arith.constant 0 : i32
      %dma_start3A_322 = tpu.memref_slice %arg9[%dma_start3A_320, %dma_start3A_321] : memref<10240x16xf32, #tpu.memory_space<vmem_shared>> -> memref<10240x16xf32, #tpu.memory_space<vmem_shared>>
      tpu.enqueue_indirect_dma source(%dma_start3A_318 : memref<80x16xf32, #tpu.memory_space<vmem>>) target(%dma_start3A_322 : memref<10240x16xf32, #tpu.memory_space<vmem_shared>>) offsets(%dma_start3A_319 : memref<80xi32, #tpu.memory_space<vmem>>) semaphore(%arg20 : memref<!tpu.dma_semaphore, #tpu.memory_space<semaphore_mem>>) {add = true}
      %mul3A_323 = arith.constant 5 : i32
      %mul3A_324 = arith.muli %scan3A_220, %mul3A_323 : i32
      %add3A_325 = arith.constant 2 : i32
      %add3A_326 = arith.addi %mul3A_324, %add3A_325 : i32
      %add3A_327 = arith.constant 2 : i32
      %add3A_328 = arith.addi %mul3A_231, %add3A_327 : i32
      %dma_wait3A_329 = arith.constant 0 : i32
      %dma_wait3A_330 = arith.constant 0 : i32
      %dma_wait3A_331 = tpu.memref_slice %arg12[%add3A_328, %dma_wait3A_329, %dma_wait3A_330] : memref<10x80x16xf32, #tpu.memory_space<vmem>> -> memref<1x80x16xf32, #tpu.memory_space<vmem>>
      %dma_wait3A_332 = tpu.memref_squeeze %dma_wait3A_331 : memref<1x80x16xf32, #tpu.memory_space<vmem>> -> memref<80x16xf32, #tpu.memory_space<vmem>>
      %dma_wait3A_333 = arith.constant 0 : i32
      %dma_wait3A_334 = arith.constant 0 : i32
      %dma_wait3A_335 = tpu.memref_slice %arg6[%dma_wait3A_333, %dma_wait3A_334] : memref<10240x16xf32, #tpu.memory_space<hbm>> -> memref<80x16xf32, #tpu.memory_space<hbm>>
      %dma_wait3A_336 = arith.constant 0 : i32
      %dma_wait3A_337 = arith.constant 0 : i32
      %dma_wait3A_338 = tpu.memref_slice %arg12[%add3A_328, %dma_wait3A_336, %dma_wait3A_337] : memref<10x80x16xf32, #tpu.memory_space<vmem>> -> memref<1x80x16xf32, #tpu.memory_space<vmem>>
      %dma_wait3A_339 = tpu.memref_squeeze %dma_wait3A_338 : memref<1x80x16xf32, #tpu.memory_space<vmem>> -> memref<80x16xf32, #tpu.memory_space<vmem>>
      %dma_wait3A_340 = arith.constant 0 : i32
      %dma_wait3A_341 = arith.constant 0 : i32
      %dma_wait3A_342 = tpu.memref_slice %arg6[%dma_wait3A_340, %dma_wait3A_341] : memref<10240x16xf32, #tpu.memory_space<hbm>> -> memref<80x16xf32, #tpu.memory_space<hbm>>
      tpu.wait_dma2 semaphore(%arg19 : memref<!tpu.dma_semaphore, #tpu.memory_space<semaphore_mem>>) src(%dma_wait3A_342 : memref<80x16xf32, #tpu.memory_space<hbm>>) dst(%dma_wait3A_339 : memref<80x16xf32, #tpu.memory_space<vmem>>)
      %add3A_343 = arith.constant 2 : i32
      %add3A_344 = arith.addi %mul3A_231, %add3A_343 : i32
      %mul3A_345 = arith.constant 80 : i32
      %mul3A_346 = arith.muli %add3A_326, %mul3A_345 : i32
      %dma_start3A_347 = arith.constant 0 : i32
      %dma_start3A_348 = arith.constant 0 : i32
      %dma_start3A_349 = tpu.memref_slice %arg12[%add3A_344, %dma_start3A_347, %dma_start3A_348] : memref<10x80x16xf32, #tpu.memory_space<vmem>> -> memref<1x80x16xf32, #tpu.memory_space<vmem>>
      %dma_start3A_350 = tpu.memref_squeeze %dma_start3A_349 : memref<1x80x16xf32, #tpu.memory_space<vmem>> -> memref<80x16xf32, #tpu.memory_space<vmem>>
      %dma_start3A_351 = tpu.memref_slice %arg11[%mul3A_346] : memref<10000xi32, #tpu.memory_space<vmem>> -> memref<80xi32, #tpu.memory_space<vmem>>
      %dma_start3A_352 = arith.constant 0 : i32
      %dma_start3A_353 = arith.constant 0 : i32
      %dma_start3A_354 = tpu.memref_slice %arg9[%dma_start3A_352, %dma_start3A_353] : memref<10240x16xf32, #tpu.memory_space<vmem_shared>> -> memref<10240x16xf32, #tpu.memory_space<vmem_shared>>
      tpu.enqueue_indirect_dma source(%dma_start3A_350 : memref<80x16xf32, #tpu.memory_space<vmem>>) target(%dma_start3A_354 : memref<10240x16xf32, #tpu.memory_space<vmem_shared>>) offsets(%dma_start3A_351 : memref<80xi32, #tpu.memory_space<vmem>>) semaphore(%arg20 : memref<!tpu.dma_semaphore, #tpu.memory_space<semaphore_mem>>) {add = true}
      %mul3A_355 = arith.constant 5 : i32
      %mul3A_356 = arith.muli %scan3A_220, %mul3A_355 : i32
      %add3A_357 = arith.constant 3 : i32
      %add3A_358 = arith.addi %mul3A_356, %add3A_357 : i32
      %add3A_359 = arith.constant 3 : i32
      %add3A_360 = arith.addi %mul3A_231, %add3A_359 : i32
      %dma_wait3A_361 = arith.constant 0 : i32
      %dma_wait3A_362 = arith.constant 0 : i32
      %dma_wait3A_363 = tpu.memref_slice %arg12[%add3A_360, %dma_wait3A_361, %dma_wait3A_362] : memref<10x80x16xf32, #tpu.memory_space<vmem>> -> memref<1x80x16xf32, #tpu.memory_space<vmem>>
      %dma_wait3A_364 = tpu.memref_squeeze %dma_wait3A_363 : memref<1x80x16xf32, #tpu.memory_space<vmem>> -> memref<80x16xf32, #tpu.memory_space<vmem>>
      %dma_wait3A_365 = arith.constant 0 : i32
      %dma_wait3A_366 = arith.constant 0 : i32
      %dma_wait3A_367 = tpu.memref_slice %arg6[%dma_wait3A_365, %dma_wait3A_366] : memref<10240x16xf32, #tpu.memory_space<hbm>> -> memref<80x16xf32, #tpu.memory_space<hbm>>
      %dma_wait3A_368 = arith.constant 0 : i32
      %dma_wait3A_369 = arith.constant 0 : i32
      %dma_wait3A_370 = tpu.memref_slice %arg12[%add3A_360, %dma_wait3A_368, %dma_wait3A_369] : memref<10x80x16xf32, #tpu.memory_space<vmem>> -> memref<1x80x16xf32, #tpu.memory_space<vmem>>
      %dma_wait3A_371 = tpu.memref_squeeze %dma_wait3A_370 : memref<1x80x16xf32, #tpu.memory_space<vmem>> -> memref<80x16xf32, #tpu.memory_space<vmem>>
      %dma_wait3A_372 = arith.constant 0 : i32
      %dma_wait3A_373 = arith.constant 0 : i32
      %dma_wait3A_374 = tpu.memref_slice %arg6[%dma_wait3A_372, %dma_wait3A_373] : memref<10240x16xf32, #tpu.memory_space<hbm>> -> memref<80x16xf32, #tpu.memory_space<hbm>>
      tpu.wait_dma2 semaphore(%arg19 : memref<!tpu.dma_semaphore, #tpu.memory_space<semaphore_mem>>) src(%dma_wait3A_374 : memref<80x16xf32, #tpu.memory_space<hbm>>) dst(%dma_wait3A_371 : memref<80x16xf32, #tpu.memory_space<vmem>>)
      %add3A_375 = arith.constant 3 : i32
      %add3A_376 = arith.addi %mul3A_231, %add3A_375 : i32
      %mul3A_377 = arith.constant 80 : i32
      %mul3A_378 = arith.muli %add3A_358, %mul3A_377 : i32
      %dma_start3A_379 = arith.constant 0 : i32
      %dma_start3A_380 = arith.constant 0 : i32
      %dma_start3A_381 = tpu.memref_slice %arg12[%add3A_376, %dma_start3A_379, %dma_start3A_380] : memref<10x80x16xf32, #tpu.memory_space<vmem>> -> memref<1x80x16xf32, #tpu.memory_space<vmem>>
      %dma_start3A_382 = tpu.memref_squeeze %dma_start3A_381 : memref<1x80x16xf32, #tpu.memory_space<vmem>> -> memref<80x16xf32, #tpu.memory_space<vmem>>
      %dma_start3A_383 = tpu.memref_slice %arg11[%mul3A_378] : memref<10000xi32, #tpu.memory_space<vmem>> -> memref<80xi32, #tpu.memory_space<vmem>>
      %dma_start3A_384 = arith.constant 0 : i32
      %dma_start3A_385 = arith.constant 0 : i32
      %dma_start3A_386 = tpu.memref_slice %arg9[%dma_start3A_384, %dma_start3A_385] : memref<10240x16xf32, #tpu.memory_space<vmem_shared>> -> memref<10240x16xf32, #tpu.memory_space<vmem_shared>>
      tpu.enqueue_indirect_dma source(%dma_start3A_382 : memref<80x16xf32, #tpu.memory_space<vmem>>) target(%dma_start3A_386 : memref<10240x16xf32, #tpu.memory_space<vmem_shared>>) offsets(%dma_start3A_383 : memref<80xi32, #tpu.memory_space<vmem>>) semaphore(%arg20 : memref<!tpu.dma_semaphore, #tpu.memory_space<semaphore_mem>>) {add = true}
      %mul3A_387 = arith.constant 5 : i32
      %mul3A_388 = arith.muli %scan3A_220, %mul3A_387 : i32
      %add3A_389 = arith.constant 4 : i32
      %add3A_390 = arith.addi %mul3A_388, %add3A_389 : i32
      %add3A_391 = arith.constant 4 : i32
      %add3A_392 = arith.addi %mul3A_231, %add3A_391 : i32
      %dma_wait3A_393 = arith.constant 0 : i32
      %dma_wait3A_394 = arith.constant 0 : i32
      %dma_wait3A_395 = tpu.memref_slice %arg12[%add3A_392, %dma_wait3A_393, %dma_wait3A_394] : memref<10x80x16xf32, #tpu.memory_space<vmem>> -> memref<1x80x16xf32, #tpu.memory_space<vmem>>
      %dma_wait3A_396 = tpu.memref_squeeze %dma_wait3A_395 : memref<1x80x16xf32, #tpu.memory_space<vmem>> -> memref<80x16xf32, #tpu.memory_space<vmem>>
      %dma_wait3A_397 = arith.constant 0 : i32
      %dma_wait3A_398 = arith.constant 0 : i32
      %dma_wait3A_399 = tpu.memref_slice %arg6[%dma_wait3A_397, %dma_wait3A_398] : memref<10240x16xf32, #tpu.memory_space<hbm>> -> memref<80x16xf32, #tpu.memory_space<hbm>>
      %dma_wait3A_400 = arith.constant 0 : i32
      %dma_wait3A_401 = arith.constant 0 : i32
      %dma_wait3A_402 = tpu.memref_slice %arg12[%add3A_392, %dma_wait3A_400, %dma_wait3A_401] : memref<10x80x16xf32, #tpu.memory_space<vmem>> -> memref<1x80x16xf32, #tpu.memory_space<vmem>>
      %dma_wait3A_403 = tpu.memref_squeeze %dma_wait3A_402 : memref<1x80x16xf32, #tpu.memory_space<vmem>> -> memref<80x16xf32, #tpu.memory_space<vmem>>
      %dma_wait3A_404 = arith.constant 0 : i32
      %dma_wait3A_405 = arith.constant 0 : i32
      %dma_wait3A_406 = tpu.memref_slice %arg6[%dma_wait3A_404, %dma_wait3A_405] : memref<10240x16xf32, #tpu.memory_space<hbm>> -> memref<80x16xf32, #tpu.memory_space<hbm>>
      tpu.wait_dma2 semaphore(%arg19 : memref<!tpu.dma_semaphore, #tpu.memory_space<semaphore_mem>>) src(%dma_wait3A_406 : memref<80x16xf32, #tpu.memory_space<hbm>>) dst(%dma_wait3A_403 : memref<80x16xf32, #tpu.memory_space<vmem>>)
      %add3A_407 = arith.constant 4 : i32
      %add3A_408 = arith.addi %mul3A_231, %add3A_407 : i32
      %mul3A_409 = arith.constant 80 : i32
      %mul3A_410 = arith.muli %add3A_390, %mul3A_409 : i32
      %dma_start3A_411 = arith.constant 0 : i32
      %dma_start3A_412 = arith.constant 0 : i32
      %dma_start3A_413 = tpu.memref_slice %arg12[%add3A_408, %dma_start3A_411, %dma_start3A_412] : memref<10x80x16xf32, #tpu.memory_space<vmem>> -> memref<1x80x16xf32, #tpu.memory_space<vmem>>
      %dma_start3A_414 = tpu.memref_squeeze %dma_start3A_413 : memref<1x80x16xf32, #tpu.memory_space<vmem>> -> memref<80x16xf32, #tpu.memory_space<vmem>>
      %dma_start3A_415 = tpu.memref_slice %arg11[%mul3A_410] : memref<10000xi32, #tpu.memory_space<vmem>> -> memref<80xi32, #tpu.memory_space<vmem>>
      %dma_start3A_416 = arith.constant 0 : i32
      %dma_start3A_417 = arith.constant 0 : i32
      %dma_start3A_418 = tpu.memref_slice %arg9[%dma_start3A_416, %dma_start3A_417] : memref<10240x16xf32, #tpu.memory_space<vmem_shared>> -> memref<10240x16xf32, #tpu.memory_space<vmem_shared>>
      tpu.enqueue_indirect_dma source(%dma_start3A_414 : memref<80x16xf32, #tpu.memory_space<vmem>>) target(%dma_start3A_418 : memref<10240x16xf32, #tpu.memory_space<vmem_shared>>) offsets(%dma_start3A_415 : memref<80xi32, #tpu.memory_space<vmem>>) semaphore(%arg20 : memref<!tpu.dma_semaphore, #tpu.memory_space<semaphore_mem>>) {add = true}
    }
    %scan3A_139 = arith.constant 25 : i32
    %dma_wait3A_140 = arith.constant 0 : i32
    %dma_wait3A_141 = arith.constant 0 : i32
    %dma_wait3A_142 = arith.constant 0 : i32
    %dma_wait3A_143 = tpu.memref_slice %arg12[%dma_wait3A_140, %dma_wait3A_141, %dma_wait3A_142] : memref<10x80x16xf32, #tpu.memory_space<vmem>> -> memref<1x80x16xf32, #tpu.memory_space<vmem>>
    %dma_wait3A_144 = tpu.memref_squeeze %dma_wait3A_143 : memref<1x80x16xf32, #tpu.memory_space<vmem>> -> memref<80x16xf32, #tpu.memory_space<vmem>>
    %dma_wait3A_145 = arith.constant 0 : i32
    %dma_wait3A_146 = arith.constant 0 : i32
    %dma_wait3A_147 = tpu.memref_slice %arg6[%dma_wait3A_145, %dma_wait3A_146] : memref<10240x16xf32, #tpu.memory_space<hbm>> -> memref<80x16xf32, #tpu.memory_space<hbm>>
    %dma_wait3A_148 = arith.constant 0 : i32
    %dma_wait3A_149 = arith.constant 0 : i32
    %dma_wait3A_150 = tpu.memref_slice %arg12[%dma_wait3A_140, %dma_wait3A_148, %dma_wait3A_149] : memref<10x80x16xf32, #tpu.memory_space<vmem>> -> memref<1x80x16xf32, #tpu.memory_space<vmem>>
    %dma_wait3A_151 = tpu.memref_squeeze %dma_wait3A_150 : memref<1x80x16xf32, #tpu.memory_space<vmem>> -> memref<80x16xf32, #tpu.memory_space<vmem>>
    %dma_wait3A_152 = arith.constant 0 : i32
    %dma_wait3A_153 = arith.constant 0 : i32
    %dma_wait3A_154 = tpu.memref_slice %arg6[%dma_wait3A_152, %dma_wait3A_153] : memref<10240x16xf32, #tpu.memory_space<hbm>> -> memref<80x16xf32, #tpu.memory_space<hbm>>
    tpu.wait_dma2 semaphore(%arg20 : memref<!tpu.dma_semaphore, #tpu.memory_space<semaphore_mem>>) src(%dma_wait3A_154 : memref<80x16xf32, #tpu.memory_space<hbm>>) dst(%dma_wait3A_151 : memref<80x16xf32, #tpu.memory_space<vmem>>)
    %dma_wait3A_155 = arith.constant 1 : i32
    %dma_wait3A_156 = arith.constant 0 : i32
    %dma_wait3A_157 = arith.constant 0 : i32
    %dma_wait3A_158 = tpu.memref_slice %arg12[%dma_wait3A_155, %dma_wait3A_156, %dma_wait3A_157] : memref<10x80x16xf32, #tpu.memory_space<vmem>> -> memref<1x80x16xf32, #tpu.memory_space<vmem>>
    %dma_wait3A_159 = tpu.memref_squeeze %dma_wait3A_158 : memref<1x80x16xf32, #tpu.memory_space<vmem>> -> memref<80x16xf32, #tpu.memory_space<vmem>>
    %dma_wait3A_160 = arith.constant 0 : i32
    %dma_wait3A_161 = arith.constant 0 : i32
    %dma_wait3A_162 = tpu.memref_slice %arg6[%dma_wait3A_160, %dma_wait3A_161] : memref<10240x16xf32, #tpu.memory_space<hbm>> -> memref<80x16xf32, #tpu.memory_space<hbm>>
    %dma_wait3A_163 = arith.constant 0 : i32
    %dma_wait3A_164 = arith.constant 0 : i32
    %dma_wait3A_165 = tpu.memref_slice %arg12[%dma_wait3A_155, %dma_wait3A_163, %dma_wait3A_164] : memref<10x80x16xf32, #tpu.memory_space<vmem>> -> memref<1x80x16xf32, #tpu.memory_space<vmem>>
    %dma_wait3A_166 = tpu.memref_squeeze %dma_wait3A_165 : memref<1x80x16xf32, #tpu.memory_space<vmem>> -> memref<80x16xf32, #tpu.memory_space<vmem>>
    %dma_wait3A_167 = arith.constant 0 : i32
    %dma_wait3A_168 = arith.constant 0 : i32
    %dma_wait3A_169 = tpu.memref_slice %arg6[%dma_wait3A_167, %dma_wait3A_168] : memref<10240x16xf32, #tpu.memory_space<hbm>> -> memref<80x16xf32, #tpu.memory_space<hbm>>
    tpu.wait_dma2 semaphore(%arg20 : memref<!tpu.dma_semaphore, #tpu.memory_space<semaphore_mem>>) src(%dma_wait3A_169 : memref<80x16xf32, #tpu.memory_space<hbm>>) dst(%dma_wait3A_166 : memref<80x16xf32, #tpu.memory_space<vmem>>)
    %dma_wait3A_170 = arith.constant 2 : i32
    %dma_wait3A_171 = arith.constant 0 : i32
    %dma_wait3A_172 = arith.constant 0 : i32
    %dma_wait3A_173 = tpu.memref_slice %arg12[%dma_wait3A_170, %dma_wait3A_171, %dma_wait3A_172] : memref<10x80x16xf32, #tpu.memory_space<vmem>> -> memref<1x80x16xf32, #tpu.memory_space<vmem>>
    %dma_wait3A_174 = tpu.memref_squeeze %dma_wait3A_173 : memref<1x80x16xf32, #tpu.memory_space<vmem>> -> memref<80x16xf32, #tpu.memory_space<vmem>>
    %dma_wait3A_175 = arith.constant 0 : i32
    %dma_wait3A_176 = arith.constant 0 : i32
    %dma_wait3A_177 = tpu.memref_slice %arg6[%dma_wait3A_175, %dma_wait3A_176] : memref<10240x16xf32, #tpu.memory_space<hbm>> -> memref<80x16xf32, #tpu.memory_space<hbm>>
    %dma_wait3A_178 = arith.constant 0 : i32
    %dma_wait3A_179 = arith.constant 0 : i32
    %dma_wait3A_180 = tpu.memref_slice %arg12[%dma_wait3A_170, %dma_wait3A_178, %dma_wait3A_179] : memref<10x80x16xf32, #tpu.memory_space<vmem>> -> memref<1x80x16xf32, #tpu.memory_space<vmem>>
    %dma_wait3A_181 = tpu.memref_squeeze %dma_wait3A_180 : memref<1x80x16xf32, #tpu.memory_space<vmem>> -> memref<80x16xf32, #tpu.memory_space<vmem>>
    %dma_wait3A_182 = arith.constant 0 : i32
    %dma_wait3A_183 = arith.constant 0 : i32
    %dma_wait3A_184 = tpu.memref_slice %arg6[%dma_wait3A_182, %dma_wait3A_183] : memref<10240x16xf32, #tpu.memory_space<hbm>> -> memref<80x16xf32, #tpu.memory_space<hbm>>
    tpu.wait_dma2 semaphore(%arg20 : memref<!tpu.dma_semaphore, #tpu.memory_space<semaphore_mem>>) src(%dma_wait3A_184 : memref<80x16xf32, #tpu.memory_space<hbm>>) dst(%dma_wait3A_181 : memref<80x16xf32, #tpu.memory_space<vmem>>)
    %dma_wait3A_185 = arith.constant 3 : i32
    %dma_wait3A_186 = arith.constant 0 : i32
    %dma_wait3A_187 = arith.constant 0 : i32
    %dma_wait3A_188 = tpu.memref_slice %arg12[%dma_wait3A_185, %dma_wait3A_186, %dma_wait3A_187] : memref<10x80x16xf32, #tpu.memory_space<vmem>> -> memref<1x80x16xf32, #tpu.memory_space<vmem>>
    %dma_wait3A_189 = tpu.memref_squeeze %dma_wait3A_188 : memref<1x80x16xf32, #tpu.memory_space<vmem>> -> memref<80x16xf32, #tpu.memory_space<vmem>>
    %dma_wait3A_190 = arith.constant 0 : i32
    %dma_wait3A_191 = arith.constant 0 : i32
    %dma_wait3A_192 = tpu.memref_slice %arg6[%dma_wait3A_190, %dma_wait3A_191] : memref<10240x16xf32, #tpu.memory_space<hbm>> -> memref<80x16xf32, #tpu.memory_space<hbm>>
    %dma_wait3A_193 = arith.constant 0 : i32
    %dma_wait3A_194 = arith.constant 0 : i32
    %dma_wait3A_195 = tpu.memref_slice %arg12[%dma_wait3A_185, %dma_wait3A_193, %dma_wait3A_194] : memref<10x80x16xf32, #tpu.memory_space<vmem>> -> memref<1x80x16xf32, #tpu.memory_space<vmem>>
    %dma_wait3A_196 = tpu.memref_squeeze %dma_wait3A_195 : memref<1x80x16xf32, #tpu.memory_space<vmem>> -> memref<80x16xf32, #tpu.memory_space<vmem>>
    %dma_wait3A_197 = arith.constant 0 : i32
    %dma_wait3A_198 = arith.constant 0 : i32
    %dma_wait3A_199 = tpu.memref_slice %arg6[%dma_wait3A_197, %dma_wait3A_198] : memref<10240x16xf32, #tpu.memory_space<hbm>> -> memref<80x16xf32, #tpu.memory_space<hbm>>
    tpu.wait_dma2 semaphore(%arg20 : memref<!tpu.dma_semaphore, #tpu.memory_space<semaphore_mem>>) src(%dma_wait3A_199 : memref<80x16xf32, #tpu.memory_space<hbm>>) dst(%dma_wait3A_196 : memref<80x16xf32, #tpu.memory_space<vmem>>)
    %dma_wait3A_200 = arith.constant 4 : i32
    %dma_wait3A_201 = arith.constant 0 : i32
    %dma_wait3A_202 = arith.constant 0 : i32
    %dma_wait3A_203 = tpu.memref_slice %arg12[%dma_wait3A_200, %dma_wait3A_201, %dma_wait3A_202] : memref<10x80x16xf32, #tpu.memory_space<vmem>> -> memref<1x80x16xf32, #tpu.memory_space<vmem>>
    %dma_wait3A_204 = tpu.memref_squeeze %dma_wait3A_203 : memref<1x80x16xf32, #tpu.memory_space<vmem>> -> memref<80x16xf32, #tpu.memory_space<vmem>>
    %dma_wait3A_205 = arith.constant 0 : i32
    %dma_wait3A_206 = arith.constant 0 : i32
    %dma_wait3A_207 = tpu.memref_slice %arg6[%dma_wait3A_205, %dma_wait3A_206] : memref<10240x16xf32, #tpu.memory_space<hbm>> -> memref<80x16xf32, #tpu.memory_space<hbm>>
    %dma_wait3A_208 = arith.constant 0 : i32
    %dma_wait3A_209 = arith.constant 0 : i32
    %dma_wait3A_210 = tpu.memref_slice %arg12[%dma_wait3A_200, %dma_wait3A_208, %dma_wait3A_209] : memref<10x80x16xf32, #tpu.memory_space<vmem>> -> memref<1x80x16xf32, #tpu.memory_space<vmem>>
    %dma_wait3A_211 = tpu.memref_squeeze %dma_wait3A_210 : memref<1x80x16xf32, #tpu.memory_space<vmem>> -> memref<80x16xf32, #tpu.memory_space<vmem>>
    %dma_wait3A_212 = arith.constant 0 : i32
    %dma_wait3A_213 = arith.constant 0 : i32
    %dma_wait3A_214 = tpu.memref_slice %arg6[%dma_wait3A_212, %dma_wait3A_213] : memref<10240x16xf32, #tpu.memory_space<hbm>> -> memref<80x16xf32, #tpu.memory_space<hbm>>
    tpu.wait_dma2 semaphore(%arg20 : memref<!tpu.dma_semaphore, #tpu.memory_space<semaphore_mem>>) src(%dma_wait3A_214 : memref<80x16xf32, #tpu.memory_space<hbm>>) dst(%dma_wait3A_211 : memref<80x16xf32, #tpu.memory_space<vmem>>)
    %barrier3A_215 = arith.constant 0 : index
    tpu.barrier barrier_id(%barrier3A_215)
    %mul3A_216 = arith.constant 640 : i32
    %mul3A_217 = arith.muli %arg1, %mul3A_216 : i32
    %mul3A_218 = arith.constant 640 : i32
    %mul3A_219 = arith.muli %arg1, %mul3A_218 : i32
    "tpu.region"() ({
      %run_scoped3A = tpu.sem_alloc : memref<!tpu.dma_semaphore, #tpu.memory_space<semaphore_mem>>
      %dma_start3A_220 = arith.constant 0 : i32
      %dma_start3A_221 = tpu.memref_slice %arg5[%arg0, %mul3A_219, %dma_start3A_220] : memref<2x10240x16xf32, #tpu.memory_space<hbm>> -> memref<1x640x16xf32, #tpu.memory_space<hbm>>
      %dma_start3A_222 = tpu.memref_squeeze %dma_start3A_221 : memref<1x640x16xf32, #tpu.memory_space<hbm>> -> memref<640x16xf32, #tpu.memory_space<hbm>>
      %dma_start3A_223 = arith.constant 0 : i32
      %dma_start3A_224 = tpu.memref_slice %arg9[%mul3A_217, %dma_start3A_223] : memref<10240x16xf32, #tpu.memory_space<vmem_shared>> -> memref<640x16xf32, #tpu.memory_space<vmem_shared>>
      tpu.enqueue_dma source(%dma_start3A_224 : memref<640x16xf32, #tpu.memory_space<vmem_shared>>) target(%dma_start3A_222 : memref<640x16xf32, #tpu.memory_space<hbm>>) target_semaphore(%run_scoped3A : memref<!tpu.dma_semaphore, #tpu.memory_space<semaphore_mem>>)
      %dma_wait3A_225 = arith.constant 0 : i32
      %dma_wait3A_226 = tpu.memref_slice %arg5[%arg0, %mul3A_219, %dma_wait3A_225] : memref<2x10240x16xf32, #tpu.memory_space<hbm>> -> memref<1x640x16xf32, #tpu.memory_space<hbm>>
      %dma_wait3A_227 = tpu.memref_squeeze %dma_wait3A_226 : memref<1x640x16xf32, #tpu.memory_space<hbm>> -> memref<640x16xf32, #tpu.memory_space<hbm>>
      %dma_wait3A_228 = arith.constant 0 : i32
      %dma_wait3A_229 = tpu.memref_slice %arg9[%mul3A_217, %dma_wait3A_228] : memref<10240x16xf32, #tpu.memory_space<vmem_shared>> -> memref<640x16xf32, #tpu.memory_space<vmem_shared>>
      tpu.wait_dma2 semaphore(%run_scoped3A : memref<!tpu.dma_semaphore, #tpu.memory_space<semaphore_mem>>) src(%dma_wait3A_229 : memref<640x16xf32, #tpu.memory_space<vmem_shared>>) dst(%dma_wait3A_227 : memref<640x16xf32, #tpu.memory_space<hbm>>)
      tpu.yield
    }) : () -> ()
    return
  }
}

module attributes {stable_mosaic.version = 14 : i64} {
  func.func @_k1a_body(%arg0: memref<1250x1024xf32, #tpu.memory_space<vmem>>, %arg1: memref<128x16xf32, #tpu.memory_space<vmem>>, %arg2: memref<1280x128xf32, #tpu.memory_space<vmem>>) attributes {dimension_semantics = [], scalar_prefetch = 0 : i64, scratch_operands = 0 : i64, tpu.core_type = #tpu.core_type<tc>} {
    %get3A = arith.constant 0 : index
    %get3A_0 = arith.constant 0 : index
    %get3A_1 = vector.load %arg1[%get3A, %get3A_0] : memref<128x16xf32, #tpu.memory_space<vmem>>, vector<128x16xf32>
    %broadcast_in_dim3A = arith.constant 0.000000e+00 : f32
    %broadcast_in_dim3A_2 = vector.broadcast %broadcast_in_dim3A : f32 to vector<128x112xf32>
    %concatenate3A = tpu.concatenate %get3A_1, %broadcast_in_dim3A_2 in 1 : vector<128x16xf32>, vector<128x112xf32> -> vector<128x128xf32>
    %broadcast_in_dim3A_3 = arith.constant 0.000000e+00 : f32
    %broadcast_in_dim3A_4 = vector.broadcast %broadcast_in_dim3A_3 : f32 to vector<128x16xf32>
    %broadcast_in_dim3A_5 = arith.constant 0.000000e+00 : f32
    %broadcast_in_dim3A_6 = vector.broadcast %broadcast_in_dim3A_5 : f32 to vector<128x96xf32>
    %concatenate3A_7 = tpu.concatenate %broadcast_in_dim3A_4, %get3A_1, %broadcast_in_dim3A_6 in 1 : vector<128x16xf32>, vector<128x16xf32>, vector<128x96xf32> -> vector<128x128xf32>
    %broadcast_in_dim3A_8 = arith.constant 0.000000e+00 : f32
    %broadcast_in_dim3A_9 = vector.broadcast %broadcast_in_dim3A_8 : f32 to vector<128x32xf32>
    %broadcast_in_dim3A_10 = arith.constant 0.000000e+00 : f32
    %broadcast_in_dim3A_11 = vector.broadcast %broadcast_in_dim3A_10 : f32 to vector<128x80xf32>
    %concatenate3A_12 = tpu.concatenate %broadcast_in_dim3A_9, %get3A_1, %broadcast_in_dim3A_11 in 1 : vector<128x32xf32>, vector<128x16xf32>, vector<128x80xf32> -> vector<128x128xf32>
    %broadcast_in_dim3A_13 = arith.constant 0.000000e+00 : f32
    %broadcast_in_dim3A_14 = vector.broadcast %broadcast_in_dim3A_13 : f32 to vector<128x48xf32>
    %broadcast_in_dim3A_15 = arith.constant 0.000000e+00 : f32
    %broadcast_in_dim3A_16 = vector.broadcast %broadcast_in_dim3A_15 : f32 to vector<128x64xf32>
    %concatenate3A_17 = tpu.concatenate %broadcast_in_dim3A_14, %get3A_1, %broadcast_in_dim3A_16 in 1 : vector<128x48xf32>, vector<128x16xf32>, vector<128x64xf32> -> vector<128x128xf32>
    %broadcast_in_dim3A_18 = arith.constant 0.000000e+00 : f32
    %broadcast_in_dim3A_19 = vector.broadcast %broadcast_in_dim3A_18 : f32 to vector<128x64xf32>
    %broadcast_in_dim3A_20 = arith.constant 0.000000e+00 : f32
    %broadcast_in_dim3A_21 = vector.broadcast %broadcast_in_dim3A_20 : f32 to vector<128x48xf32>
    %concatenate3A_22 = tpu.concatenate %broadcast_in_dim3A_19, %get3A_1, %broadcast_in_dim3A_21 in 1 : vector<128x64xf32>, vector<128x16xf32>, vector<128x48xf32> -> vector<128x128xf32>
    %broadcast_in_dim3A_23 = arith.constant 0.000000e+00 : f32
    %broadcast_in_dim3A_24 = vector.broadcast %broadcast_in_dim3A_23 : f32 to vector<128x80xf32>
    %broadcast_in_dim3A_25 = arith.constant 0.000000e+00 : f32
    %broadcast_in_dim3A_26 = vector.broadcast %broadcast_in_dim3A_25 : f32 to vector<128x32xf32>
    %concatenate3A_27 = tpu.concatenate %broadcast_in_dim3A_24, %get3A_1, %broadcast_in_dim3A_26 in 1 : vector<128x80xf32>, vector<128x16xf32>, vector<128x32xf32> -> vector<128x128xf32>
    %broadcast_in_dim3A_28 = arith.constant 0.000000e+00 : f32
    %broadcast_in_dim3A_29 = vector.broadcast %broadcast_in_dim3A_28 : f32 to vector<128x96xf32>
    %broadcast_in_dim3A_30 = arith.constant 0.000000e+00 : f32
    %broadcast_in_dim3A_31 = vector.broadcast %broadcast_in_dim3A_30 : f32 to vector<128x16xf32>
    %concatenate3A_32 = tpu.concatenate %broadcast_in_dim3A_29, %get3A_1, %broadcast_in_dim3A_31 in 1 : vector<128x96xf32>, vector<128x16xf32>, vector<128x16xf32> -> vector<128x128xf32>
    %broadcast_in_dim3A_33 = arith.constant 0.000000e+00 : f32
    %broadcast_in_dim3A_34 = vector.broadcast %broadcast_in_dim3A_33 : f32 to vector<128x112xf32>
    %concatenate3A_35 = tpu.concatenate %broadcast_in_dim3A_34, %get3A_1 in 1 : vector<128x112xf32>, vector<128x16xf32> -> vector<128x128xf32>
    %concatenate3A_36 = tpu.concatenate %concatenate3A, %concatenate3A_7, %concatenate3A_12, %concatenate3A_17, %concatenate3A_22, %concatenate3A_27, %concatenate3A_32, %concatenate3A_35 in 0 : vector<128x128xf32>, vector<128x128xf32>, vector<128x128xf32>, vector<128x128xf32>, vector<128x128xf32>, vector<128x128xf32>, vector<128x128xf32>, vector<128x128xf32> -> vector<1024x128xf32>
    %get3A_37 = arith.constant 0 : index
    %get3A_38 = arith.constant 0 : index
    %get3A_39 = vector.load %arg0[%get3A_37, %get3A_38] : memref<1250x1024xf32, #tpu.memory_space<vmem>>, vector<1250x1024xf32>
    %dot_general3A = arith.constant dense<0.000000e+00> : vector<1250x128xf32>
    %dot_general3A_40 = tpu.matmul %get3A_39, %concatenate3A_36, %dot_general3A {dimension_numbers = #tpu.dot_dimension_numbers<[1], [0], [0], [1], [0, 0, 1, 1], [], []>, transpose_lhs_hint = false} : vector<1250x1024xf32>, vector<1024x128xf32>, vector<1250x128xf32> -> vector<1250x128xf32>
    %swap3A = arith.constant 0 : index
    %swap3A_41 = arith.constant 0 : index
    %swap3A_42 = vector.load %arg2[%swap3A, %swap3A_41] : memref<1280x128xf32, #tpu.memory_space<vmem>>, vector<1250x128xf32>
    tpu.vector_store %arg2[%swap3A, %swap3A_41], %dot_general3A_40 {strides = array<i32>} : memref<1280x128xf32, #tpu.memory_space<vmem>>, vector<1250x128xf32>,
    return
  }
}

module attributes {stable_mosaic.version = 14 : i64} {
  func.func @_k2_body(%arg0: memref<2x1280x128xf32, #tpu.memory_space<vmem>>, %arg1: memref<1280x128xf32, #tpu.memory_space<vmem>>, %arg2: memref<1280x128xf32, #tpu.memory_space<vmem>>, %arg3: memref<1x16xf32, #tpu.memory_space<vmem>>, %arg4: memref<16x16xf32, #tpu.memory_space<vmem>>, %arg5: memref<1280x128xf32, #tpu.memory_space<vmem>>) attributes {dimension_semantics = [], scalar_prefetch = 0 : i64, scratch_operands = 0 : i64, tpu.core_type = #tpu.core_type<tc>} {
    %get3A = arith.constant 0 : index
    %get3A_0 = arith.constant 0 : index
    %get3A_1 = vector.load %arg3[%get3A, %get3A_0] : memref<1x16xf32, #tpu.memory_space<vmem>>, vector<1x16xf32>
    %concatenate3A = tpu.concatenate %get3A_1, %get3A_1, %get3A_1, %get3A_1, %get3A_1, %get3A_1, %get3A_1, %get3A_1 in 1 : vector<1x16xf32>, vector<1x16xf32>, vector<1x16xf32>, vector<1x16xf32>, vector<1x16xf32>, vector<1x16xf32>, vector<1x16xf32>, vector<1x16xf32> -> vector<1x128xf32>
    %get3A_2 = arith.constant 0 : index
    %get3A_3 = arith.constant 0 : index
    %get3A_4 = vector.load %arg4[%get3A_2, %get3A_3] : memref<16x16xf32, #tpu.memory_space<vmem>>, vector<16x16xf32>
    %broadcast_in_dim3A = arith.constant 0.000000e+00 : f32
    %broadcast_in_dim3A_5 = vector.broadcast %broadcast_in_dim3A : f32 to vector<16x112xf32>
    %concatenate3A_6 = tpu.concatenate %get3A_4, %broadcast_in_dim3A_5 in 1 : vector<16x16xf32>, vector<16x112xf32> -> vector<16x128xf32>
    %broadcast_in_dim3A_7 = arith.constant 0.000000e+00 : f32
    %broadcast_in_dim3A_8 = vector.broadcast %broadcast_in_dim3A_7 : f32 to vector<16x16xf32>
    %broadcast_in_dim3A_9 = arith.constant 0.000000e+00 : f32
    %broadcast_in_dim3A_10 = vector.broadcast %broadcast_in_dim3A_9 : f32 to vector<16x96xf32>
    %concatenate3A_11 = tpu.concatenate %broadcast_in_dim3A_8, %get3A_4, %broadcast_in_dim3A_10 in 1 : vector<16x16xf32>, vector<16x16xf32>, vector<16x96xf32> -> vector<16x128xf32>
    %broadcast_in_dim3A_12 = arith.constant 0.000000e+00 : f32
    %broadcast_in_dim3A_13 = vector.broadcast %broadcast_in_dim3A_12 : f32 to vector<16x32xf32>
    %broadcast_in_dim3A_14 = arith.constant 0.000000e+00 : f32
    %broadcast_in_dim3A_15 = vector.broadcast %broadcast_in_dim3A_14 : f32 to vector<16x80xf32>
    %concatenate3A_16 = tpu.concatenate %broadcast_in_dim3A_13, %get3A_4, %broadcast_in_dim3A_15 in 1 : vector<16x32xf32>, vector<16x16xf32>, vector<16x80xf32> -> vector<16x128xf32>
    %broadcast_in_dim3A_17 = arith.constant 0.000000e+00 : f32
    %broadcast_in_dim3A_18 = vector.broadcast %broadcast_in_dim3A_17 : f32 to vector<16x48xf32>
    %broadcast_in_dim3A_19 = arith.constant 0.000000e+00 : f32
    %broadcast_in_dim3A_20 = vector.broadcast %broadcast_in_dim3A_19 : f32 to vector<16x64xf32>
    %concatenate3A_21 = tpu.concatenate %broadcast_in_dim3A_18, %get3A_4, %broadcast_in_dim3A_20 in 1 : vector<16x48xf32>, vector<16x16xf32>, vector<16x64xf32> -> vector<16x128xf32>
    %broadcast_in_dim3A_22 = arith.constant 0.000000e+00 : f32
    %broadcast_in_dim3A_23 = vector.broadcast %broadcast_in_dim3A_22 : f32 to vector<16x64xf32>
    %broadcast_in_dim3A_24 = arith.constant 0.000000e+00 : f32
    %broadcast_in_dim3A_25 = vector.broadcast %broadcast_in_dim3A_24 : f32 to vector<16x48xf32>
    %concatenate3A_26 = tpu.concatenate %broadcast_in_dim3A_23, %get3A_4, %broadcast_in_dim3A_25 in 1 : vector<16x64xf32>, vector<16x16xf32>, vector<16x48xf32> -> vector<16x128xf32>
    %broadcast_in_dim3A_27 = arith.constant 0.000000e+00 : f32
    %broadcast_in_dim3A_28 = vector.broadcast %broadcast_in_dim3A_27 : f32 to vector<16x80xf32>
    %broadcast_in_dim3A_29 = arith.constant 0.000000e+00 : f32
    %broadcast_in_dim3A_30 = vector.broadcast %broadcast_in_dim3A_29 : f32 to vector<16x32xf32>
    %concatenate3A_31 = tpu.concatenate %broadcast_in_dim3A_28, %get3A_4, %broadcast_in_dim3A_30 in 1 : vector<16x80xf32>, vector<16x16xf32>, vector<16x32xf32> -> vector<16x128xf32>
    %broadcast_in_dim3A_32 = arith.constant 0.000000e+00 : f32
    %broadcast_in_dim3A_33 = vector.broadcast %broadcast_in_dim3A_32 : f32 to vector<16x96xf32>
    %broadcast_in_dim3A_34 = arith.constant 0.000000e+00 : f32
    %broadcast_in_dim3A_35 = vector.broadcast %broadcast_in_dim3A_34 : f32 to vector<16x16xf32>
    %concatenate3A_36 = tpu.concatenate %broadcast_in_dim3A_33, %get3A_4, %broadcast_in_dim3A_35 in 1 : vector<16x96xf32>, vector<16x16xf32>, vector<16x16xf32> -> vector<16x128xf32>
    %broadcast_in_dim3A_37 = arith.constant 0.000000e+00 : f32
    %broadcast_in_dim3A_38 = vector.broadcast %broadcast_in_dim3A_37 : f32 to vector<16x112xf32>
    %concatenate3A_39 = tpu.concatenate %broadcast_in_dim3A_38, %get3A_4 in 1 : vector<16x112xf32>, vector<16x16xf32> -> vector<16x128xf32>
    %concatenate3A_40 = tpu.concatenate %concatenate3A_6, %concatenate3A_11, %concatenate3A_16, %concatenate3A_21, %concatenate3A_26, %concatenate3A_31, %concatenate3A_36, %concatenate3A_39 in 0 : vector<16x128xf32>, vector<16x128xf32>, vector<16x128xf32>, vector<16x128xf32>, vector<16x128xf32>, vector<16x128xf32>, vector<16x128xf32>, vector<16x128xf32> -> vector<128x128xf32>
    %get3A_41 = arith.constant 0 : index
    %get3A_42 = arith.constant 0 : index
    %get3A_43 = vector.load %arg2[%get3A_41, %get3A_42] : memref<1280x128xf32, #tpu.memory_space<vmem>>, vector<1280x128xf32>
    %get3A_44 = arith.constant 0 : index
    %get3A_45 = arith.constant 0 : index
    %get3A_46 = arith.constant 0 : index
    %get3A_47 = vector.load %arg0[%get3A_44, %get3A_45, %get3A_46] : memref<2x1280x128xf32, #tpu.memory_space<vmem>>, vector<1x1280x128xf32>
    %get3A_48 = vector.shape_cast %get3A_47 : vector<1x1280x128xf32> to vector<1280x128xf32>
    %get3A_49 = arith.constant 1 : index
    %get3A_50 = arith.constant 0 : index
    %get3A_51 = arith.constant 0 : index
    %get3A_52 = vector.load %arg0[%get3A_49, %get3A_50, %get3A_51] : memref<2x1280x128xf32, #tpu.memory_space<vmem>>, vector<1x1280x128xf32>
    %get3A_53 = vector.shape_cast %get3A_52 : vector<1x1280x128xf32> to vector<1280x128xf32>
    %add3A = arith.addf %get3A_48, %get3A_53 : vector<1280x128xf32>
    %get3A_54 = arith.constant 0 : index
    %get3A_55 = arith.constant 0 : index
    %get3A_56 = vector.load %arg1[%get3A_54, %get3A_55] : memref<1280x128xf32, #tpu.memory_space<vmem>>, vector<1280x128xf32>
    %add3A_57 = arith.addf %add3A, %get3A_56 : vector<1280x128xf32>
    %mul3A = arith.mulf %get3A_43, %add3A_57 : vector<1280x128xf32>
    %add3A_58 = vector.broadcast %concatenate3A : vector<1x128xf32> to vector<1280x128xf32>
    %add3A_59 = arith.addf %mul3A, %add3A_58 : vector<1280x128xf32>
    %max3A = arith.constant 0.000000e+00 : f32
    %max3A_60 = vector.broadcast %max3A : f32 to vector<1280x128xf32>
    %max3A_61 = arith.maximumf %add3A_59, %max3A_60 : vector<1280x128xf32>
    %dot_general3A = arith.constant dense<0.000000e+00> : vector<1280x128xf32>
    %dot_general3A_62 = tpu.matmul %max3A_61, %concatenate3A_40, %dot_general3A {dimension_numbers = #tpu.dot_dimension_numbers<[1], [0], [0], [1], [0, 0, 1, 1], [], []>, transpose_lhs_hint = false} : vector<1280x128xf32>, vector<128x128xf32>, vector<1280x128xf32> -> vector<1280x128xf32>
    %mul3A_63 = arith.mulf %dot_general3A_62, %get3A_43 : vector<1280x128xf32>
    %swap3A = arith.constant 0 : index
    %swap3A_64 = arith.constant 0 : index
    %swap3A_65 = vector.load %arg5[%swap3A, %swap3A_64] : memref<1280x128xf32, #tpu.memory_space<vmem>>, vector<1280x128xf32>
    tpu.vector_store %arg5[%swap3A, %swap3A_64], %mul3A_63 {strides = array<i32>} : memref<1280x128xf32, #tpu.memory_space<vmem>>, vector<1280x128xf32>,
    return
  }
}

module attributes {stable_mosaic.version = 14 : i64} {
  func.func @_k3_body(%arg0: memref<2x1280x128xf32, #tpu.memory_space<vmem>>, %arg1: memref<1280x128xf32, #tpu.memory_space<vmem>>, %arg2: memref<1280x128xf32, #tpu.memory_space<vmem>>, %arg3: memref<1x16xf32, #tpu.memory_space<vmem>>, %arg4: memref<1250x128xf32, #tpu.memory_space<vmem>>) attributes {dimension_semantics = [], scalar_prefetch = 0 : i64, scratch_operands = 0 : i64, tpu.core_type = #tpu.core_type<tc>} {
    %get3A = arith.constant 0 : index
    %get3A_0 = arith.constant 0 : index
    %get3A_1 = vector.load %arg3[%get3A, %get3A_0] : memref<1x16xf32, #tpu.memory_space<vmem>>, vector<1x16xf32>
    %concatenate3A = tpu.concatenate %get3A_1, %get3A_1, %get3A_1, %get3A_1, %get3A_1, %get3A_1, %get3A_1, %get3A_1 in 1 : vector<1x16xf32>, vector<1x16xf32>, vector<1x16xf32>, vector<1x16xf32>, vector<1x16xf32>, vector<1x16xf32>, vector<1x16xf32>, vector<1x16xf32> -> vector<1x128xf32>
    %get3A_2 = arith.constant 0 : index
    %get3A_3 = arith.constant 0 : index
    %get3A_4 = arith.constant 0 : index
    %get3A_5 = vector.load %arg0[%get3A_2, %get3A_3, %get3A_4] : memref<2x1280x128xf32, #tpu.memory_space<vmem>>, vector<1x1250x128xf32>
    %get3A_6 = vector.shape_cast %get3A_5 : vector<1x1250x128xf32> to vector<1250x128xf32>
    %get3A_7 = arith.constant 1 : index
    %get3A_8 = arith.constant 0 : index
    %get3A_9 = arith.constant 0 : index
    %get3A_10 = vector.load %arg0[%get3A_7, %get3A_8, %get3A_9] : memref<2x1280x128xf32, #tpu.memory_space<vmem>>, vector<1x1250x128xf32>
    %get3A_11 = vector.shape_cast %get3A_10 : vector<1x1250x128xf32> to vector<1250x128xf32>
    %add3A = arith.addf %get3A_6, %get3A_11 : vector<1250x128xf32>
    %get3A_12 = arith.constant 0 : index
    %get3A_13 = arith.constant 0 : index
    %get3A_14 = vector.load %arg1[%get3A_12, %get3A_13] : memref<1280x128xf32, #tpu.memory_space<vmem>>, vector<1250x128xf32>
    %add3A_15 = arith.addf %add3A, %get3A_14 : vector<1250x128xf32>
    %get3A_16 = arith.constant 0 : index
    %get3A_17 = arith.constant 0 : index
    %get3A_18 = vector.load %arg2[%get3A_16, %get3A_17] : memref<1280x128xf32, #tpu.memory_space<vmem>>, vector<1250x128xf32>
    %mul3A = arith.mulf %get3A_18, %add3A_15 : vector<1250x128xf32>
    %add3A_19 = vector.broadcast %concatenate3A : vector<1x128xf32> to vector<1250x128xf32>
    %add3A_20 = arith.addf %mul3A, %add3A_19 : vector<1250x128xf32>
    %swap3A = arith.constant 0 : index
    %swap3A_21 = arith.constant 0 : index
    %swap3A_22 = vector.load %arg4[%swap3A, %swap3A_21] : memref<1250x128xf32, #tpu.memory_space<vmem>>, vector<1250x128xf32>
    tpu.vector_store %arg4[%swap3A, %swap3A_21], %add3A_20 {strides = array<i32>} : memref<1250x128xf32, #tpu.memory_space<vmem>>, vector<1250x128xf32>,
    return
  }
}

</mosaic_0001>

<sc_bundles>
// kernel: kernel.11.cloned.1.call-start
scs
__scs_entry_jumppad:
0x0: {  	(pc) =	sbr.rel $0x88, $3  }
0x1: {  	(tag) =	ssettag $0x0;
	lr =	simm.s32 $0x1  }
0x2: {  	[smem:$0x3F9B] =	sst lr;
	_ =	strace $0xD0000000  }
0x3: {  	_ = 	snop  }
0x4: {  	_ = 	snop  }
0x5: {  	_ = 	snop  }
0x6: {  	_ = 	snop  }
0x7: {  	_ = 	snop  }
__scs_overlays_trampoline_lowered:
0x8: {  	[smem:$0x3FAA] =	sst s0  }
0x9: {  	[smem:$0x3FAB] =	sst s1  }
0xa: {  	[smem:$0x3FAC] =	sst s2  }
0xb: {  	[smem:$0x3FAD] =	sst s3  }
0xc: {  	[smem:$0x3FAE] =	sst s4  }
0xd: {  	[smem:$0x3FAF] =	sst s5  }
0xe: {  	[smem:$0x3FB0] =	sst s6  }
0xf: {  	[smem:$0x3FB1] =	sst s7  }
0x10: {  	[smem:$0x3FB2] =	sst s8  }
0x11: {  	[smem:$0x3FB3] =	sst s9;
	s0 =	simm.s32 @!p0 $0x0  }
0x12: {  	s1 =	sld [smem:$0x3F99];
	s0 =	simm.s32 @p0 $0x1  }
0x13: {  	[smem:$0x3FB4] =	sst s0;
	s0 =	simm.s32 @!p1 $0x0  }
0x14: {  	s2 =	sld [smem:$0x3F98];
	s0 =	simm.s32 @p1 $0x1  }
0x15: {  	[smem:$0x3FB5] =	sst s0;
	s0 =	simm.s32 @!p2 $0x0  }
0x16: {  	s3 =	sld [smem:$0x3FDB];
	s0 =	simm.s32 @p2 $0x1  }
0x17: {  	s4 =	simm.s32 $0x1BF5;
	[smem:$0x3FB7] =	sst s0  }
0x18: {  	s0 =	sld [smem:$0x3F9A];
	_ =	swait.ge [sflag:s4], $0x0  }
0x19: {  	s7 =	sld [smem:$0x3F9B]  }
0x1a: {  	s8 =	sadd.s32 $0xFFFFE003, lr  }
0x1b: {  	s9 =	sadd.s32 $0xFFFFFEF7, lr;
	s5 =	simm.s32 $0xFFFFFFFF;
	p2 =	slt.u32 s8, $0xFFFFF086  }
0x1c: {  	p1 =	slt.u32 s9, $0xF7A;
	s5 =	simm.s32 @!p2 $0x0  }
0x1d: {  	s5 =	simm.s32 @p1 $0x1;
	p0 =	seq.s32 s7, s2  }
0x1e: {  	s7 =	smul.u32 @!p0 $0xF7A, s2;
	p2 =	seq.s32 @!p0 s5, $0x0  }
0x1f: {  	s9 =	smul.u32 $0xF7A, s1;
	s8 =	simm.s32 @!p0 $0x1BF5;
	p2 =	por !p2, p0  }
0x20: {  	[sflag:s8] =	ssyncset.s32 @!p0 $0xFFFFF086;
	s6 =	sadd.s32 @!p0 s3, s7;
	s7 =	simm.s32 @!p0 $0x108  }
0x21: {  	s3 =	sadd.s32 s3, s9;
	s6 =	sadd.s32 @!p0 $0x88, s6;
	s7 =	simm.s32 @p2 $0x1082  }
0x22: {  	[simem:s7], [sflag:s8] =	dma.local @!p0 [hbm:s6], $0xF7A  }
0x23: {  	s9 =	sor.u32 $0xD0000000, s2;
	s6 =	simm.s32 $0x108;
	_ =	swait.ge @!p0 [sflag:s8], $0x0  }
0x24: {  	s3 =	sadd.s32 $0x88, s3;
	s6 =	simm.s32 @!p1 $0x1082;
	[sflag:s4] =	ssyncset.s32 $0xFFFFF086  }
0x25: {  	[simem:s6], [sflag:s4] =	dma.local [hbm:s3], $0xF7A  }
0x26: {  	[smem:$0x3F9B] =	sst s1;
	(tag) =	ssettag s2;
	_ =	strace s9  }
0x27: {  	s1 =	sld [smem:$0x3FAB]  }
0x28: {  	s2 =	sld [smem:$0x3FAC]  }
0x29: {  	s4 =	sld [smem:$0x3FAE]  }
0x2a: {  	p0 =	seq.s32 s5, $0x0;
	s5 =	sld [smem:$0x3FAF]  }
0x2b: {  	s6 =	sld [smem:$0x3FB0]  }
0x2c: {  	s7 =	sld [smem:$0x3FB1]  }
0x2d: {  	s3 =	simm.s32 $0x108;
	s8 =	sld [smem:$0x3FB2]  }
0x2e: {  	s3 =	simm.s32 @!p0 $0x1082;
	s9 =	sld [smem:$0x3FB3]  }
0x2f: {  	lr =	sadd.s32 s0, s3;
	s0 =	sld [smem:$0x3FAA]  }
0x30: {  	s3 =	sld [smem:$0x3FAD]  }
0x31: {  	[smem:$0x3FB6] =	sst s10  }
0x32: {  	s10 =	sld [smem:$0x3FB4];
	_ =	sdelay $0x3  }
0x33: {  	p0 =	seq.s32 s10, $0x1;
	s10 =	sld [smem:$0x3FB6];
	_ =	sdelay $0x3  }
0x34: {  	[smem:$0x3FB6] =	sst s10  }
0x35: {  	s10 =	sld [smem:$0x3FB5];
	_ =	sdelay $0x3  }
0x36: {  	p1 =	seq.s32 s10, $0x1;
	s10 =	sld [smem:$0x3FB6];
	_ =	sdelay $0x3  }
0x37: {  	[smem:$0x3FB6] =	sst s10  }
0x38: {  	s10 =	sld [smem:$0x3FB7]  }
0x39: {  	_ = 	snop;
	(pc) =	sbr.ind lr, $3  }
0x3a: {  	_ = 	snop  }
0x3b: {  	_ = 	snop  }
0x3c: {  	p2 =	seq.s32 s10, $0x1;
	s10 =	sld [smem:$0x3FB6]  }
0x3d: {  	_ =	shalt  }
0x3e: {  	_ =	shalt  }
0x3f: {  	_ =	shalt  }
0x40: {  	_ =	shalt  }
0x41: {  	_ =	shalt  }
0x42: {  	_ =	shalt  }
0x43: {  	_ =	shalt  }
0x44: {  	_ =	shalt  }
0x45: {  	_ =	shalt  }
0x46: {  	_ =	shalt  }
0x47: {  	_ =	shalt  }
0x48: {  	_ =	shalt  }
0x49: {  	_ =	shalt  }
0x4a: {  	_ =	shalt  }
0x4b: {  	_ =	shalt  }
0x4c: {  	_ =	shalt  }
0x4d: {  	_ =	shalt  }
0x4e: {  	_ =	shalt  }
0x4f: {  	_ =	shalt  }
0x50: {  	_ =	shalt  }
0x51: {  	_ =	shalt  }
0x52: {  	_ =	shalt  }
0x53: {  	_ =	shalt  }
0x54: {  	_ =	shalt  }
0x55: {  	_ =	shalt  }
0x56: {  	_ =	shalt  }
0x57: {  	_ =	shalt  }
0x58: {  	_ =	shalt  }
0x59: {  	_ =	shalt  }
0x5a: {  	_ =	shalt  }
0x5b: {  	_ =	shalt  }
0x5c: {  	_ =	shalt  }
0x5d: {  	_ =	shalt  }
0x5e: {  	_ =	shalt  }
0x5f: {  	_ =	shalt  }
0x60: {  	_ =	shalt  }
0x61: {  	_ =	shalt  }
0x62: {  	_ =	shalt  }
0x63: {  	_ =	shalt  }
0x64: {  	_ =	shalt  }
0x65: {  	_ =	shalt  }
0x66: {  	_ =	shalt  }
0x67: {  	_ =	shalt  }
0x68: {  	_ =	shalt  }
0x69: {  	_ =	shalt  }
0x6a: {  	_ =	shalt  }
0x6b: {  	_ =	shalt  }
0x6c: {  	_ =	shalt  }
0x6d: {  	_ =	shalt  }
0x6e: {  	_ =	shalt  }
0x6f: {  	_ =	shalt  }
0x70: {  	_ =	shalt  }
0x71: {  	_ =	shalt  }
0x72: {  	_ =	shalt  }
0x73: {  	_ =	shalt  }
0x74: {  	_ =	shalt  }
0x75: {  	_ =	shalt  }
0x76: {  	_ =	shalt  }
0x77: {  	_ =	shalt  }
0x78: {  	_ =	shalt  }
0x79: {  	_ =	shalt  }
0x7a: {  	_ =	shalt  }
0x7b: {  	_ =	shalt  }
0x7c: {  	_ =	shalt  }
0x7d: {  	_ =	shalt  }
0x7e: {  	_ =	shalt  }
0x7f: {  	_ =	shalt  }
0x80: {  	_ =	shalt  }
0x81: {  	_ =	shalt  }
0x82: {  	_ =	shalt  }
0x83: {  	_ =	shalt  }
0x84: {  	_ =	shalt  }
0x85: {  	_ =	shalt  }
0x86: {  	_ =	shalt  }
0x87: {  	_ =	shalt  }
.Lfunc_end0:
.L_simem_size_0:
called_computation.1_lowered:
.L_overlay_start_0:
0x88: {  	s2 =	sld [smem:$0x3FD9]  }
0x89: {  	s3 =	sld [smem:$0x3FFE];
	_ =	sdelay $0x1  }
0x8a: {  	s1 =	srdreg.scid  }
0x8b: {  	s0 =	sand.u32 $0x1, s1  }
0x8c: {  	s17 =	sshll.u32 s0, $0xA;
	s2 =	sadd.s32 s3, s2  }
0x8d: {  	s2 =	sadd.s32 s2, s17  }
0x8e: {  	[smem:$0x3FC2] =	sst s2  }
0x8f: {  	_ = 	snop  }
0x90: {  	s2 =	sld [smem:$0x3FD0];
	(tm) =	ssettm $0x1  }
0x91: {  	s18 =	sld [smem:$0x3FFB];
	_ =	sdelay $0x3  }
0x92: {  	_ =	strace s18  }
0x93: {  	s3 =	sld [smem:$0x3FFC];
	_ =	sdelay $0x3  }
0x94: {  	_ =	strace s3  }
0x95: {  	s3 =	sld [smem:$0x3FFD];
	_ =	sdelay $0x3  }
0x96: {  	_ =	strace s3  }
0x97: {  	_ =	strace $0x8FFFFFFF  }
0x98: {  	s19 =	sld [smem:$0x3FDB];
	_ =	sdelay $0x1  }
0x99: {  	s4 =	simm.s32 $_scs_section_size  }
0x9a: {  	s5 =	simm.s32 $_size__tile_overlayer_lowered;
	s6 =	simm.s32 $_tile_overlayer_lowered  }
0x9b: {  	s22 =	simm.s32 $0x1BFF;
	s21 =	sshll.u32 s6, $0x1;
	s3 =	sadd.s32 s4, s19  }
0x9c: {  	s7 =	simm.s32 $0x0;
	s20 =	sshll.u32 s5, $0x1;
	s5 =	sadd.s32 s21, s3  }
0x9d: {  	[timem:s7], [sflag:s22] =	dma.local [hbm:s5], s20  }
0x9e: {  	_ =	swait.ge [sflag:s22], s20  }
0x9f: {  	s4 =	ssub.s32 $0x0, s20;
	[sflag:s22] =	ssyncset.done $0x0  }
0xa0: {  	[sflag:s22] =	ssyncadd.s32 s4;
	_ =	sdelay $0x1  }
0xa1: {  	s23 =	simm.s32 $0x1B8B  }
0xa2: {  	_ =	swait.ge [sflag:s23], $0x1  }
0xa3: {  	[sflag:s23] =	ssyncset.done $0x0  }
0xa4: {  	s25 =	simm.s32 $0x1B8E;
	s24 =	sld [smem:$0x3FFE];
	[sflag:s23] =	ssyncadd.s32 $0xFFFFFFFF  }
0xa5: {  	s26 =	simm.s32 $execute0_lowered;
	[smem:$0x3FD2] =	sst s25  }
0xa6: {  	s5 =	sshll.u32 s26, $0x1;
	_ =	strace $0x80000049;
	[dreg:$0x1] =	wrdreg $0xFFFFFFFF  }
0xa7: {  	s28 =	simm.s32 $_size_execute0_lowered;
	s3 =	sadd.s32 s3, s5;
	[dreg:$0x0] =	wrdreg $0x0  }
0xa8: {  	s5 =	sshll.u32 s28, $0x1;
	[dreg:$0x2] =	wrdreg s3  }
0xa9: {  	[dreg:$0x3] =	wrdreg s5  }
0xaa: {  	[dreg:$0x4] =	wrdreg $0xC0  }
0xab: {  	_ =	task [dreg:s7], $0x5FFFF  }
0xac: {  	[dreg:$0x1] =	wrdreg $0xFFFFFFFF  }
0xad: {  	[dreg:$0x0] =	wrdreg $0x60  }
0xae: {  	[dreg:$0x2] =	wrdreg s24  }
0xaf: {  	[dreg:$0x3] =	wrdreg s2  }
0xb0: {  	[dreg:$0x4] =	wrdreg $0x28000  }
0xb1: {  	[dreg:$0x5] =	wrdreg $0x0  }
0xb2: {  	[dreg:$0x6] =	wrdreg $0x9  }
0xb3: {  	_ =	task.clear_ibuf [dreg:s7], $0x7FFFF;
	_ =	strace $0x90000049  }
0xb4: {  	s29 =	simm.s32 $0x9;
	_ =	strace $0x8000004B  }
0xb5: {  	_ =	swait.ge [sflag:s29], $0x1  }
0xb6: {  	[sflag:s29] =	ssyncadd.s32 $0xFFFFFFFF  }
0xb7: {  	_ =	strace $0x9000004B  }
0xb8: {  	_ =	sfence  }
0xb9: {  	s30 =	sld [smem:$0x0];
	_ =	sdelay $0x2  }
0xba: {  	s31 =	sshll.u32 s1, $0xD;
	s1 =	sshrl.u32 s1, $0x2  }
0xbb: {  	s3 =	sand.u32 $0x4000, s31;
	s1 =	sadd.s32 s1, s30  }
0xbc: {  	s0 =	sor.u32 s3, s0;
	s1 =	sshll.u32 s1, $0x11  }
0xbd: {  	s0 =	sor.u32 s1, s0  }
0xbe: {  	s0 =	sadd.s32 $0x8F2B, s0  }
0xbf: {  	[sflag:s0] =	ssyncadd.remote.s32 $0x1  }
0xc0: {  	_ =	sfence.sel $0xFFFF  }
0xc1: {  	[dreg:$0x0] =	wrdreg $0xFFFFFFFF;
	(pc) =	sbr.abs _section_cstart, $3  }
0xc2: {  	[dreg:$0x1] =	wrdreg $0xFFFFFFFF  }
0xc3: {  	_ =	task.clear_ibuf [dreg:s7], $0x2FFFF;
	_ =	strace $0x9FFFFFFF  }
0xc4: {  	(tm) =	ssettm $0x7FFFFFFF  }
0xc5: {  	_ =	shalt  }
tec
execute0_lowered:
.L_overlay_start_1:
0x0: {  	(tag) =	ssettag $0x1  }
0x1: {  	s0 =	rddreg [dreg:$0x0]  }
0x2: {  	s1 =	rddreg [dreg:$0x1]  }
0x3: {  	s2 =	rddreg [dreg:$0x2];
	s4 =	srdreg.scid  }
0x4: {  	s3 =	rddreg [dreg:$0x3];
	s9 =	stileid.u32;
	s16 =	simm.s32 $0xF820  }
0x5: {  	s19 =	simm.s32 $0x5000;
	s20 =	simm.s32 $0x7710;
	s21 =	simm.s32 $0x1  }
0x6: {  	s23 =	simm.s32 $0x3;
	s29 =	simm.s32 $0xA320;
	s31 =	simm.s32 $0xA820  }
0x7: {  	s17 =	simm.s32 $0xAD20;
	s22 =	simm.s32 $0xB220;
	s18 =	simm.s32 $0x2  }
0x8: {  	s24 =	simm.s32 $0x0;
	s5 =	sand.u32 $0x1, s4;
	s7 =	smul.u32 $0x2800, s9  }
0x9: {  	s4 =	simm.s32 $0x0;
	s6 =	sshll.u32 s5, $0x4;
	s8 =	smul.u32 $0x28000, s5  }
0xa: {  	[smem:$0x7FF] =	sst s4;
	s5 =	ssub.s32 $0x2, s5;
	s6 =	sor.u32 s9, s6  }
0xb: {  	_ =	strace $0x8000004A;
	s9 =	smul.u32 $0x280, s9;
	s10 =	sshrl.u32 s7, $0x3  }
0xc: {  	s11 =	sshrl.u32 s5, $0x1;
	s6 =	smul.u32 $0x2710, s6;
	s8 =	sadd.s32 s7, s8  }
0xd: {  	s15 =	ssub.s32 s5, s11;
	s11 =	sadd.s32 s7, s3;
	s8 =	sshrl.u32 s8, $0x3  }
0xe: {  	s9 =	sshrl.u32 s9, $0x3;
	s15 =	smax.u32 s15, $0x1;
	s6 =	sshrl.u32 s6, $0x3  }
0xf: {  	v0 =	vimm.f32 $0.0e+00;
	v1 =	vimm.s32 $0x0;
	s8 =	sadd.s32 s8, s0;
	s5 =	sadd.s32 s1, s9;
	s6 =	sadd.s32 s6, s0  }
0x10: {  	v2 =	vimm.s32 $0x1;
	v3 =	vimm.s32 $0x2;
	v4 =	vimm.s32 $0x3;
	s0 =	sadd.s32 s10, s0;
	s26 =	sadd.s32 $0x500, s5;
	s10 =	sadd.s32 s7, s2  }
0x11: {  	v5 =	vimm.s32 $0x4;
	v6 =	vimm.s32 $0x5;
	v7 =	vimm.s32 $0x6;
	s14 =	sadd.s32 $0x1BA00, s8;
	s25 =	sadd.s32 $0x16A00, s0;
	[dreg:$0x6] =	wrdreg s26  }
0x12: {  	v8 =	vimm.s32 $0x7;
	v9 =	vimm.s32 $0x8;
	v10 =	vimm.s32 $0x9;
	s28 =	sadd.s32 $0x3000, s6;
	s30 =	sadd.s32 $0xCC40, s6;
	[dreg:$0x5] =	wrdreg s25  }
0x13: {  	v11 =	vimm.s32 $0xA;
	v12 =	vimm.s32 $0xB;
	v13 =	vimm.s32 $0xC;
	s12 =	sadd.s32 $0x25A00, s0;
	s13 =	sadd.s32 $0x2AA00, s0;
	[dreg:$0x7] =	wrdreg s28  }
0x14: {  	v14 =	vimm.s32 $0xD;
	v15 =	vimm.s32 $0xE;
	v16 =	vimm.s32 $0xF;
	s26 =	simm.s32 $0x9E20;
	[dreg:$0x8] =	wrdreg s30;
	s25 =	simm.s32 $0x50  }
.LBB2_1:
0x15: {  	s0 =	rddreg [dreg:$0x5]  }
0x16: {  	[tilespmem:s16], [sflag:$0x1] =	stream.linear.gather [hbm4b:s0+s4], $0x2800, $0x38;
	[tilespmem:$0x14FA0] =	vst v63  }
0x17: {  	s8 =	simm.s32 $0x14820  }
0x18: {  	[tilespmem:s8], [sflag:$0x1] =	stream.linear.gather [hbm4b:s5+s4], $0x280, $0x38;
	[tilespmem:$0x14FA0] =	vst v63  }
0x19: {  	s9 =	rddreg [dreg:$0x6];
	s1 =	simm.s32 $0x14AA0  }
0x1a: {  	[tilespmem:s1], [sflag:$0x1] =	stream.linear.gather [hbm4b:s9+s4], $0x280, $0x38;
	[tilespmem:$0x14FA0] =	vst v63  }
0x1b: {  	s28 =	rddreg [dreg:$0x7]  }
0x1c: {  	[tilespmem:s19], [sflag:$0x1] =	stream.linear.gather [hbm4b:s28+s4], $0x2710, $0x38;
	[tilespmem:$0x14FA0] =	vst v63  }
0x1d: {  	s30 =	rddreg [dreg:$0x8];
	s0 =	simm.s32 $0x0;
	s1 =	simm.s32 $0x200  }
0x1e: {  	[tilespmem:s20], [sflag:$0x1] =	stream.linear.gather [hbm4b:s30+s4], $0x2710, $0x38;
	[tilespmem:$0x14FA0] =	vst v63  }
.LBB2_2:
0x1f: {  	p0 =	sne.s32 s1, $0x9E00;
	[tilespmem:s0+$0xD090] =	vst v0  }
0x20: {  	[tilespmem:s0+$0xD020] =	vst v0  }
0x21: {  	[tilespmem:s0+$0xD030] =	vst v0  }
.Ltmp0:
0x22: {  	[tilespmem:s0+$0xD040] =	vst v0;
	(pc) =	sbr.rel @p0 .LBB2_2-.Ltmp0, $4  }
0x23: {  	[tilespmem:s0+$0xD050] =	vst v0  }
0x24: {  	[tilespmem:s0+$0xD060] =	vst v0  }
0x25: {  	[tilespmem:s0+$0xD070] =	vst v0  }
0x26: {  	[tilespmem:s0+$0xD080] =	vst v0;
	s0 =	sshra.s32 s1, $0x2;
	s1 =	sadd.s32 $0x200, s1  }
0x27: {  	[tilespmem:s0+$0xD090] =	vst v0  }
0x28: {  	[tilespmem:s0+$0xD020] =	vst v0  }
0x29: {  	[tilespmem:s0+$0xD030] =	vst v0  }
0x2a: {  	[tilespmem:s0+$0xD040] =	vst v0  }
0x2b: {  	[tilespmem:s0+$0xD050] =	vst v0  }
0x2c: {  	[tilespmem:s0+$0xD060] =	vst v0  }
0x2d: {  	[tilespmem:s0+$0xD070] =	vst v0  }
0x2e: {  	[tilespmem:s0+$0xD080] =	vst v0  }
0x2f: {  	_ =	swait.ge [sflag:s21], $0x2800  }
0x30: {  	[sflag:s21] =	ssyncset.done $0x0  }
0x31: {  	[sflag:s21] =	ssyncadd.s32 $0xFFFFD800  }
0x32: {  	_ =	swait.ge [sflag:s21], $0x280  }
0x33: {  	[sflag:s21] =	ssyncset.done $0x0  }
0x34: {  	[sflag:s21] =	ssyncadd.s32 $0xFFFFFD80  }
0x35: {  	_ =	swait.ge [sflag:s21], $0x280  }
0x36: {  	[sflag:s21] =	ssyncset.done $0x0  }
0x37: {  	[sflag:s21] =	ssyncadd.s32 $0xFFFFFD80  }
0x38: {  	_ =	swait.ge [sflag:s21], $0x2710  }
0x39: {  	[sflag:s21] =	ssyncset.done $0x0  }
0x3a: {  	[sflag:s21] =	ssyncadd.s32 $0xFFFFD8F0  }
0x3b: {  	_ =	swait.ge [sflag:s21], $0x2710  }
0x3c: {  	[sflag:s21] =	ssyncset.done $0x0  }
0x3d: {  	s20 =	simm.s32 $0xD020;
	[sflag:s21] =	ssyncadd.s32 $0xFFFFD8F0  }
0x3e: {  	[spmem:s10] =	stream.linear.scatter [tilespmem:s20], [sflag:$0x3], $0x2800, $0x38;
	[tilespmem:$0x14FA0] =	vst v63  }
0x3f: {  	_ =	swait.ge [sflag:s23], $0x2800  }
0x40: {  	[sflag:s23] =	ssyncset.done $0x0  }
0x41: {  	s28 =	simm.s32 $0x0;
	[sflag:s23] =	ssyncadd.s32 $0xFFFFD800  }
0x42: {  	v17 =	vld [tilespmem:s28+$0x14AA0]  }
0x43: {  	v18 =	vld [tilespmem:s28+$0x14820];
	_ =	sdelay $0x2  }
0x44: {  	s30 =	simm.s32 $0x10  }
0x45: {  	v19 =	vld [tilespmem:s30+$0x14AA0]  }
0x46: {  	v17 =	vadd.f32 v17, v18;
	v18 =	vld [tilespmem:s30+$0x14820];
	_ =	sdelay $0x1  }
0x47: {  	v17 =	vadd.f32 $1.000000000e+00, v17;
	_ =	sdelay $0x1  }
0x48: {  	s0 =	simm.s32 $0x20;
	v20 =	vshra.s32 v17, $0x1;
	v21 =	vmul.f32 $5.000000000e-01, v17  }
0x49: {  	v22 =	vld [tilespmem:s0+$0x14820];
	v17 =	vsub.s32 $0x5F3759DF, v20;
	v18 =	vadd.f32 v19, v18  }
0x4a: {  	v20 =	vld [tilespmem:s0+$0x14AA0];
	v19 =	vmul.f32 v17, v21  }
0x4b: {  	v18 =	vadd.f32 $1.000000000e+00, v18  }
0x4c: {  	v19 =	vmul.f32 v17, v19  }
0x4d: {  	s1 =	simm.s32 $0x30;
	v23 =	vshra.s32 v18, $0x1;
	v25 =	vmul.f32 $5.000000000e-01, v18  }
0x4e: {  	v24 =	vld [tilespmem:s1+$0x14820];
	v18 =	vsub.f32 $1.500000000e+00, v19;
	v19 =	vsub.s32 $0x5F3759DF, v23  }
0x4f: {  	v23 =	vld [tilespmem:s1+$0x14AA0];
	v20 =	vadd.f32 v20, v22;
	v22 =	vmul.f32 v19, v25  }
0x50: {  	s6 =	simm.s32 $0x40;
	v18 =	vmul.f32 v17, v18  }
0x51: {  	v27 =	vld [tilespmem:s6+$0x14AA0];
	v17 =	vadd.f32 $1.000000000e+00, v20;
	v20 =	vmul.f32 v19, v22  }
0x52: {  	v28 =	vld [tilespmem:s6+$0x14820];
	v22 =	vmul.f32 v18, v21  }
0x53: {  	v26 =	vshra.s32 v17, $0x1;
	v17 =	vmul.f32 $5.000000000e-01, v17;
	v20 =	vsub.f32 $1.500000000e+00, v20  }
0x54: {  	v26 =	vsub.s32 $0x5F3759DF, v26;
	v23 =	vadd.f32 v23, v24;
	v22 =	vmul.f32 v22, v18  }
0x55: {  	v24 =	vmul.f32 v26, v17;
	v19 =	vmul.f32 v19, v20  }
0x56: {  	v20 =	vsub.f32 $1.500000000e+00, v22;
	v22 =	vadd.f32 $1.000000000e+00, v23  }
0x57: {  	v27 =	vadd.f32 v27, v28;
	v23 =	vmul.f32 v26, v24;
	v24 =	vmul.f32 v19, v25  }
0x58: {  	v20 =	vmul.f32 v20, v18;
	v29 =	vshra.s32 v22, $0x1;
	v18 =	vmul.f32 $5.000000000e-01, v22  }
0x59: {  	s19 =	simm.s32 $0x50;
	v23 =	vsub.f32 $1.500000000e+00, v23;
	v22 =	vsub.s32 $0x5F3759DF, v29;
	v24 =	vmul.f32 v24, v19  }
0x5a: {  	v30 =	vld [tilespmem:s19+$0x14820];
	v29 =	vmul.f32 v20, v21;
	v28 =	vmul.f32 v22, v18  }
0x5b: {  	v27 =	vadd.f32 $1.000000000e+00, v27;
	v21 =	vmul.f32 v26, v23;
	v26 =	vld [tilespmem:s19+$0x14AA0];
	v23 =	vsub.f32 $1.500000000e+00, v24  }
0x5c: {  	v24 =	vmul.f32 v29, v20;
	v28 =	vmul.f32 v22, v28  }
0x5d: {  	v32 =	vshra.s32 v27, $0x1;
	v31 =	vmul.f32 v21, v17;
	v19 =	vmul.f32 v23, v19  }
0x5e: {  	v23 =	vmul.f32 $5.000000000e-01, v27;
	v24 =	vsub.f32 $1.500000000e+00, v24;
	v29 =	vsub.f32 $1.500000000e+00, v28  }
0x5f: {  	s7 =	simm.s32 $0x60;
	s8 =	simm.s32 $0x1C0;
	s20 =	simm.s32 $0x0;
	v28 =	vsub.s32 $0x5F3759DF, v32;
	v27 =	vmul.f32 v31, v21;
	v25 =	vmul.f32 v19, v25  }
.LBB2_4:
0x60: {  	s9 =	sshra.s32 s8, $0x2;
	p0 =	sne.s32 s8, $0x9C0;
	s8 =	sadd.s32 $0x40, s8;
	v31 =	vadd.f32 v26, v30;
	v26 =	vld [tilespmem:s7+$0x14AA0];
	v32 =	vmul.f32 v28, v23;
	v29 =	vmul.f32 v22, v29;
	v33 =	vmovc v23  }
.Ltmp1:
0x61: {  	v22 =	vmovc v28;
	v30 =	vld [tilespmem:s7+$0x14820];
	v23 =	vsub.f32 $1.500000000e+00, v27;
	v25 =	vmul.f32 v25, v19;
	v27 =	vmul.f32 v24, v20;
	v20 =	vmovc v19;
	(pc) =	sbr.rel @p0 .LBB2_4-.Ltmp1, $4  }
0x62: {  	v28 =	vadd.f32 $1.000000000e+00, v31;
	v31 =	vmul.f32 v22, v32;
	v32 =	vmul.f32 v29, v18  }
0x63: {  	v19 =	vmul.f32 v23, v21;
	v24 =	vsub.f32 $1.500000000e+00, v25;
	[tilespmem:s20+$0x14D20] =	vst v27;
	v21 =	vmov v29;
	s20 =	smov.u32 s30;
	s30 =	smov.u32 s0;
	s0 =	smov.u32 s1  }
0x64: {  	s1 =	smov.u32 s6;
	s6 =	smov.u32 s19;
	s19 =	smov.u32 s7;
	v25 =	vshra.s32 v28, $0x1;
	v23 =	vmul.f32 $5.000000000e-01, v28;
	v29 =	vsub.f32 $1.500000000e+00, v31  }
0x65: {  	s7 =	smov.u32 s9;
	v27 =	vmul.f32 v32, v21;
	v28 =	vsub.s32 $0x5F3759DF, v25;
	v25 =	vmul.f32 v19, v17;
	v17 =	vmovc v18;
	v18 =	vmovc v33  }
0x66: {  	v31 =	vld [tilespmem:s7+$0x14AA0]  }
0x67: {  	v32 =	vld [tilespmem:s7+$0x14820];
	_ =	sdelay $0x3  }
0x68: {  	v26 =	vadd.f32 v26, v30  }
0x69: {  	v49 =	vadd.f32 v31, v32  }
0x6a: {  	v26 =	vadd.f32 $1.000000000e+00, v26  }
0x6b: {  	v30 =	vadd.f32 $1.000000000e+00, v49  }
0x6c: {  	v50 =	vmul.f32 v28, v23;
	v51 =	vshra.s32 v26, $0x1;
	v26 =	vmul.f32 $5.000000000e-01, v26  }
0x6d: {  	v32 =	vsub.s32 $0x5F3759DF, v51;
	v33 =	vshra.s32 v30, $0x1;
	v30 =	vmul.f32 $5.000000000e-01, v30  }
0x6e: {  	v34 =	vmul.f32 v32, v26;
	v33 =	vsub.s32 $0x5F3759DF, v33  }
0x6f: {  	v31 =	vmul.f32 v28, v50;
	v35 =	vmul.f32 v33, v30  }
0x70: {  	v34 =	vmul.f32 v32, v34  }
0x71: {  	v22 =	vmul.f32 v22, v29;
	v31 =	vsub.f32 $1.500000000e+00, v31;
	v52 =	vmul.f32 v33, v35  }
0x72: {  	v20 =	vmul.f32 v24, v20;
	v27 =	vsub.f32 $1.500000000e+00, v27;
	v54 =	vsub.f32 $1.500000000e+00, v34  }
0x73: {  	v55 =	vmul.f32 v22, v18;
	v53 =	vmul.f32 v28, v31;
	v29 =	vsub.f32 $1.500000000e+00, v52  }
0x74: {  	v21 =	vmul.f32 v27, v21;
	v31 =	vmul.f32 v32, v54  }
0x75: {  	v56 =	vmul.f32 v53, v23;
	v29 =	vmul.f32 v33, v29  }
0x76: {  	v24 =	vmul.f32 v55, v22;
	v57 =	vmul.f32 v31, v26  }
0x77: {  	v32 =	vmul.f32 v56, v53;
	v58 =	vmul.f32 v29, v30  }
0x78: {  	v24 =	vsub.f32 $1.500000000e+00, v24;
	v33 =	vmul.f32 v57, v31  }
0x79: {  	v17 =	vmul.f32 v21, v17;
	v32 =	vsub.f32 $1.500000000e+00, v32;
	v27 =	vmul.f32 v58, v29  }
0x7a: {  	v25 =	vmul.f32 v25, v19;
	v22 =	vmul.f32 v24, v22;
	v60 =	vsub.f32 $1.500000000e+00, v33  }
0x7b: {  	v17 =	vmul.f32 v17, v21;
	v59 =	vmul.f32 v32, v53;
	v27 =	vsub.f32 $1.500000000e+00, v27  }
0x7c: {  	v18 =	vmul.f32 v22, v18;
	v28 =	vmul.f32 v60, v31  }
0x7d: {  	v61 =	vmul.f32 v59, v23;
	v27 =	vmul.f32 v27, v29  }
0x7e: {  	v25 =	vsub.f32 $1.500000000e+00, v25;
	v18 =	vmul.f32 v18, v22;
	v26 =	vmul.f32 v28, v26  }
0x7f: {  	v17 =	vsub.f32 $1.500000000e+00, v17;
	v23 =	vmul.f32 v61, v59;
	v29 =	vmul.f32 v27, v30  }
0x80: {  	v19 =	vmul.f32 v25, v19;
	v18 =	vsub.f32 $1.500000000e+00, v18;
	v62 =	vmul.f32 v26, v28  }
0x81: {  	[tilespmem:s20+$0x14D20] =	vst v20;
	v17 =	vmul.f32 v17, v21;
	v20 =	vsub.f32 $1.500000000e+00, v23;
	v63 =	vmul.f32 v29, v27  }
0x82: {  	[tilespmem:s30+$0x14D20] =	vst v19;
	v18 =	vmul.f32 v18, v22;
	v19 =	vsub.f32 $1.500000000e+00, v62  }
0x83: {  	[tilespmem:s0+$0x14D20] =	vst v17;
	v17 =	vmul.f32 v20, v59;
	v20 =	vsub.f32 $1.500000000e+00, v63  }
0x84: {  	[tilespmem:s1+$0x14D20] =	vst v18;
	v18 =	vmul.f32 v19, v28  }
0x85: {  	[tilespmem:s6+$0x14D20] =	vst v17;
	v17 =	vmul.f32 v20, v27  }
0x86: {  	[tilespmem:s19+$0x14D20] =	vst v18  }
0x87: {  	[tilespmem:s7+$0x14D20] =	vst v17  }
0x88: {  	s0 =	simm.s32 $0x14D20;
	v18 =	vld [tilespmem:s28+$0xF850]  }
0x89: {  	s1 =	simm.s32 $0x400;
	v17 =	vld [tilespmem:s0+$0x0]  }
.LBB2_6:
0x8a: {  	p0 =	sne.s32 s1, $0x9C00;
	v19 =	vld [tilespmem:s28+$0xF830]  }
0x8b: {  	v20 =	vld [tilespmem:s28+$0xF820]  }
0x8c: {  	v21 =	vld [tilespmem:s28+$0xF840]  }
0x8d: {  	v22 =	vld [tilespmem:s28+$0xF890]  }
0x8e: {  	v23 =	vperm.xlane v17, v1;
	v24 =	vperm.xlane v17, v2;
	v25 =	vld [tilespmem:s28+$0xF870]  }
0x8f: {  	v26 =	vperm.xlane v17, v3;
	v27 =	vperm.xlane v17, v4;
	v28 =	vld [tilespmem:s28+$0xF860]  }
0x90: {  	[tilespmem:s28+$0x12020] =	vst v23;
	v20 =	vmul.f32 v20, v23;
	v19 =	vmul.f32 v19, v24;
	v23 =	vld [tilespmem:s28+$0xF880]  }
0x91: {  	v18 =	vmul.f32 v18, v27;
	[tilespmem:s28+$0x12030] =	vst v24;
	v21 =	vmul.f32 v21, v26;
	v24 =	vld [tilespmem:s28+$0xF8D0]  }
0x92: {  	v29 =	vperm.xlane v17, v6;
	[tilespmem:s28+$0xF820] =	vst v20;
	v20 =	vperm.xlane v17, v5;
	v30 =	vld [tilespmem:s28+$0xF8B0]  }
0x93: {  	v31 =	vperm.xlane v17, v8;
	[tilespmem:s28+$0xF830] =	vst v19;
	v19 =	vperm.xlane v17, v7;
	v32 =	vld [tilespmem:s28+$0xF8A0]  }
0x94: {  	v25 =	vmul.f32 v25, v29;
	[tilespmem:s28+$0xF840] =	vst v21;
	v21 =	vmul.f32 v28, v20;
	v28 =	vld [tilespmem:s28+$0xF8C0]  }
0x95: {  	v22 =	vmul.f32 v22, v31;
	[tilespmem:s28+$0xF850] =	vst v18;
	v18 =	vmul.f32 v23, v19;
	v23 =	vld [tilespmem:s28+$0xF910]  }
0x96: {  	v33 =	vperm.xlane v17, v10;
	[tilespmem:s28+$0xF860] =	vst v21;
	v21 =	vperm.xlane v17, v9;
	v34 =	vld [tilespmem:s28+$0xF8F0]  }
0x97: {  	v35 =	vperm.xlane v17, v12;
	[tilespmem:s28+$0xF870] =	vst v25;
	v25 =	vperm.xlane v17, v11;
	v36 =	vld [tilespmem:s28+$0xF8E0]  }
0x98: {  	v30 =	vmul.f32 v30, v33;
	[tilespmem:s28+$0xF880] =	vst v18;
	v18 =	vmul.f32 v32, v21;
	v32 =	vld [tilespmem:s28+$0xF900]  }
0x99: {  	v24 =	vmul.f32 v24, v35;
	[tilespmem:s28+$0xF890] =	vst v22;
	v22 =	vmul.f32 v28, v25  }
0x9a: {  	v28 =	vperm.xlane v17, v14;
	[tilespmem:s28+$0xF8A0] =	vst v18;
	v18 =	vperm.xlane v17, v13  }
0x9b: {  	[tilespmem:s28+$0xF8B0] =	vst v30;
	v30 =	vperm.xlane v17, v15;
	v17 =	vperm.xlane v17, v16  }
0x9c: {  	v34 =	vmul.f32 v34, v28;
	[tilespmem:s28+$0xF8C0] =	vst v22;
	v22 =	vmul.f32 v36, v18  }
0x9d: {  	[tilespmem:s28+$0xF8D0] =	vst v24;
	v24 =	vmul.f32 v32, v30;
	v23 =	vmul.f32 v23, v17  }
0x9e: {  	[tilespmem:s28+$0xF8E0] =	vst v22  }
0x9f: {  	[tilespmem:s28+$0xF8F0] =	vst v34  }
0xa0: {  	[tilespmem:s28+$0xF900] =	vst v24  }
0xa1: {  	[tilespmem:s28+$0xF910] =	vst v23  }
0xa2: {  	[tilespmem:s28+$0x12040] =	vst v26  }
0xa3: {  	[tilespmem:s28+$0x12050] =	vst v27  }
0xa4: {  	[tilespmem:s28+$0x12060] =	vst v20  }
0xa5: {  	[tilespmem:s28+$0x12070] =	vst v29  }
0xa6: {  	[tilespmem:s28+$0x12080] =	vst v19  }
0xa7: {  	[tilespmem:s28+$0x12090] =	vst v31  }
0xa8: {  	[tilespmem:s28+$0x120A0] =	vst v21  }
0xa9: {  	[tilespmem:s28+$0x120B0] =	vst v33  }
0xaa: {  	[tilespmem:s28+$0x120C0] =	vst v25  }
0xab: {  	[tilespmem:s28+$0x120D0] =	vst v35  }
.Ltmp2:
0xac: {  	[tilespmem:s28+$0x120E0] =	vst v18;
	(pc) =	sbr.rel @p0 .LBB2_6-.Ltmp2, $4  }
0xad: {  	[tilespmem:s28+$0x120F0] =	vst v28  }
0xae: {  	s6 =	sshra.s32 s1, $0x2;
	[tilespmem:s28+$0x12100] =	vst v30  }
0xaf: {  	s0 =	sadd.s32 $0x10, s0;
	v18 =	vld [tilespmem:s6+$0xF850];
	[tilespmem:s28+$0x12110] =	vst v17;
	s28 =	smov.u32 s6  }
0xb0: {  	s1 =	sadd.s32 $0x400, s1;
	v17 =	vld [tilespmem:s0+$0x0]  }
0xb1: {  	_ =	sdelay $0x3  }
0xb2: {  	v23 =	vperm.xlane v17, v1  }
0xb3: {  	v26 =	vperm.xlane v17, v2  }
0xb4: {  	v28 =	vperm.xlane v17, v3;
	[tilespmem:s28+$0x12020] =	vst v23  }
0xb5: {  	v54 =	vperm.xlane v17, v4;
	[tilespmem:s28+$0x12030] =	vst v26  }
0xb6: {  	v29 =	vperm.xlane v17, v5;
	[tilespmem:s28+$0x12040] =	vst v28  }
0xb7: {  	v30 =	vperm.xlane v17, v6;
	[tilespmem:s28+$0x12050] =	vst v54  }
0xb8: {  	v31 =	vperm.xlane v17, v7;
	[tilespmem:s28+$0x12060] =	vst v29  }
0xb9: {  	v32 =	vperm.xlane v17, v8;
	[tilespmem:s28+$0x12070] =	vst v30  }
0xba: {  	v57 =	vperm.xlane v17, v9;
	[tilespmem:s28+$0x12080] =	vst v31  }
0xbb: {  	v20 =	vld [tilespmem:s28+$0xF820];
	v34 =	vperm.xlane v17, v10;
	[tilespmem:s28+$0x12090] =	vst v32  }
0xbc: {  	v19 =	vld [tilespmem:s28+$0xF830];
	v58 =	vperm.xlane v17, v11;
	[tilespmem:s28+$0x120A0] =	vst v57  }
0xbd: {  	v21 =	vld [tilespmem:s28+$0xF840];
	v36 =	vperm.xlane v17, v12;
	[tilespmem:s28+$0x120B0] =	vst v34  }
0xbe: {  	v60 =	vperm.xlane v17, v14;
	[tilespmem:s28+$0x120C0] =	vst v58  }
0xbf: {  	v25 =	vld [tilespmem:s28+$0xF860];
	v61 =	vperm.xlane v17, v15;
	[tilespmem:s28+$0x120D0] =	vst v36  }
0xc0: {  	v24 =	vld [tilespmem:s28+$0xF870];
	v20 =	vmul.f32 v20, v23;
	[tilespmem:s28+$0x120F0] =	vst v60  }
0xc1: {  	v27 =	vld [tilespmem:s28+$0xF880];
	v19 =	vmul.f32 v19, v26;
	[tilespmem:s28+$0x12100] =	vst v61  }
0xc2: {  	v22 =	vld [tilespmem:s28+$0xF890];
	v21 =	vmul.f32 v21, v28;
	[tilespmem:s28+$0xF820] =	vst v20  }
0xc3: {  	v52 =	vld [tilespmem:s28+$0xF8D0];
	v18 =	vmul.f32 v18, v54;
	[tilespmem:s28+$0xF830] =	vst v19  }
0xc4: {  	v35 =	vld [tilespmem:s28+$0xF900];
	v25 =	vmul.f32 v25, v29;
	[tilespmem:s28+$0xF840] =	vst v21  }
0xc5: {  	v53 =	vld [tilespmem:s28+$0xF8B0];
	v24 =	vmul.f32 v24, v30;
	[tilespmem:s28+$0xF850] =	vst v18  }
0xc6: {  	v55 =	vld [tilespmem:s28+$0xF8C0];
	v27 =	vmul.f32 v27, v31;
	[tilespmem:s28+$0xF860] =	vst v25  }
0xc7: {  	v22 =	vmul.f32 v22, v32;
	v19 =	vld [tilespmem:s28+$0xF8A0];
	[tilespmem:s28+$0xF870] =	vst v24  }
0xc8: {  	v56 =	vld [tilespmem:s28+$0xF8F0];
	v59 =	vmul.f32 v52, v36;
	[tilespmem:s28+$0xF880] =	vst v27  }
0xc9: {  	v63 =	vmul.f32 v35, v61;
	[tilespmem:s28+$0xF890] =	vst v22  }
0xca: {  	v20 =	vmul.f32 v53, v34;
	[tilespmem:s28+$0xF8D0] =	vst v59  }
0xcb: {  	v33 =	vld [tilespmem:s28+$0xF8E0];
	v21 =	vmul.f32 v55, v58;
	[tilespmem:s28+$0xF900] =	vst v63  }
0xcc: {  	v18 =	vld [tilespmem:s28+$0xF910];
	[tilespmem:s28+$0xF8B0] =	vst v20;
	v19 =	vmul.f32 v19, v57  }
0xcd: {  	v25 =	vmul.f32 v56, v60;
	[tilespmem:s28+$0xF8C0] =	vst v21  }
0xce: {  	[tilespmem:s28+$0xF8A0] =	vst v19;
	v19 =	vperm.xlane v17, v13  }
0xcf: {  	[tilespmem:s28+$0xF8F0] =	vst v25;
	v17 =	vperm.xlane v17, v16  }
0xd0: {  	v62 =	vmul.f32 v33, v19;
	[tilespmem:s28+$0x120E0] =	vst v19  }
0xd1: {  	v18 =	vmul.f32 v18, v17;
	[tilespmem:s28+$0x12110] =	vst v17  }
0xd2: {  	[tilespmem:s28+$0xF8E0] =	vst v62  }
0xd3: {  	[tilespmem:s28+$0xF910] =	vst v18  }
0xd4: {  	[spmem:s11] =	stream.linear.scatter [tilespmem:s16], [sflag:$0x3], $0x2800, $0x38;
	[tilespmem:$0x14FA0] =	vst v63  }
0xd5: {  	_ =	swait.ge [sflag:s23], $0x2800  }
0xd6: {  	[sflag:s23] =	ssyncset.done $0x0  }
0xd7: {  	s0 =	simm.s32 $0x0;
	[sflag:s23] =	ssyncadd.s32 $0xFFFFD800  }
0xd8: {  	[hbm4b:s12+s0] =	stream.linear.scatter [tilespmem:s16], [sflag:$0x3], $0x2800, $0x38;
	[tilespmem:$0x14FA0] =	vst v63  }
0xd9: {  	_ =	swait.ge [sflag:s23], $0x2800  }
0xda: {  	[sflag:s23] =	ssyncset.done $0x0  }
0xdb: {  	s1 =	simm.s32 $0x12020;
	[sflag:s23] =	ssyncadd.s32 $0xFFFFD800  }
0xdc: {  	[hbm4b:s13+s0] =	stream.linear.scatter [tilespmem:s1], [sflag:$0x3], $0x2800, $0x38;
	[tilespmem:$0x14FA0] =	vst v63  }
0xdd: {  	_ =	swait.ge [sflag:s23], $0x2800  }
0xde: {  	[sflag:s23] =	ssyncset.done $0x0  }
0xdf: {  	[sflag:s23] =	ssyncadd.s32 $0xFFFFD800  }
0xe0: {  	s19 =	simm.s32 $0x5000;
	[bflag:$0x0] =	sbarrier.arrive $0xFFFF  }
0xe1: {  	[tilespmem:s26], [sflag:$0x1] =	stream.indirect.gather [spmem:s3], $0x10, s19, s25, $0xb8;
	[tilespmem:$0x14FA0] =	vst v63  }
0xe2: {  	s28 =	simm.s32 $0x5050  }
0xe3: {  	[tilespmem:s29], [sflag:$0x1] =	stream.indirect.gather [spmem:s3], $0x10, s28, s25, $0xb8;
	[tilespmem:$0x14FA0] =	vst v63  }
0xe4: {  	s30 =	simm.s32 $0x50A0  }
0xe5: {  	[tilespmem:s31], [sflag:$0x1] =	stream.indirect.gather [spmem:s3], $0x10, s30, s25, $0xb8;
	[tilespmem:$0x14FA0] =	vst v63  }
0xe6: {  	s1 =	simm.s32 $0x50F0  }
0xe7: {  	[tilespmem:s17], [sflag:$0x1] =	stream.indirect.gather [spmem:s3], $0x10, s1, s25, $0xb8;
	[tilespmem:$0x14FA0] =	vst v63  }
0xe8: {  	s6 =	simm.s32 $0x5140  }
0xe9: {  	[tilespmem:s22], [sflag:$0x1] =	stream.indirect.gather [spmem:s3], $0x10, s6, s25, $0xb8;
	[tilespmem:$0x14FA0] =	vst v63  }
0xea: {  	s7 =	simm.s32 $0x5190;
	s8 =	simm.s32 $0xB720  }
0xeb: {  	[tilespmem:s8], [sflag:$0x1] =	stream.indirect.gather [spmem:s3], $0x10, s7, s25, $0xb8;
	[tilespmem:$0x14FA0] =	vst v63  }
0xec: {  	s9 =	simm.s32 $0x51E0;
	s20 =	simm.s32 $0xBC20  }
0xed: {  	[tilespmem:s20], [sflag:$0x1] =	stream.indirect.gather [spmem:s3], $0x10, s9, s25, $0xb8;
	[tilespmem:$0x14FA0] =	vst v63  }
0xee: {  	s28 =	simm.s32 $0x5230;
	s30 =	simm.s32 $0xC120  }
0xef: {  	[tilespmem:s30], [sflag:$0x1] =	stream.indirect.gather [spmem:s3], $0x10, s28, s25, $0xb8;
	[tilespmem:$0x14FA0] =	vst v63  }
0xf0: {  	s1 =	simm.s32 $0x5280;
	s6 =	simm.s32 $0xC620  }
0xf1: {  	[tilespmem:s6], [sflag:$0x1] =	stream.indirect.gather [spmem:s3], $0x10, s1, s25, $0xb8;
	[tilespmem:$0x14FA0] =	vst v63  }
0xf2: {  	s7 =	simm.s32 $0x52D0;
	s8 =	simm.s32 $0xCB20  }
0xf3: {  	[tilespmem:s8], [sflag:$0x1] =	stream.indirect.gather [spmem:s3], $0x10, s7, s25, $0xb8;
	[tilespmem:$0x14FA0] =	vst v63  }
0xf4: {  	_ =	swait.ge [sflag:s21], $0x500  }
0xf5: {  	[sflag:s21] =	ssyncset.done $0x0  }
0xf6: {  	s20 =	simm.s32 $0x7710;
	[sflag:s21] =	ssyncadd.s32 $0xFFFFFB00  }
0xf7: {  	[spmem:s2] =	stream.indirect.scatter.add.f32 [tilespmem:s26], [sflag:$0x2], $0x10, s20, s25, $0xb8;
	[tilespmem:$0x14FA0] =	vst v63  }
0xf8: {  	_ =	swait.ge [sflag:s21], $0x500  }
0xf9: {  	[sflag:s21] =	ssyncset.done $0x0  }
0xfa: {  	s9 =	simm.s32 $0x7760;
	[sflag:s21] =	ssyncadd.s32 $0xFFFFFB00  }
0xfb: {  	[spmem:s2] =	stream.indirect.scatter.add.f32 [tilespmem:s29], [sflag:$0x2], $0x10, s9, s25, $0xb8;
	[tilespmem:$0x14FA0] =	vst v63  }
0xfc: {  	_ =	swait.ge [sflag:s21], $0x500  }
0xfd: {  	[sflag:s21] =	ssyncset.done $0x0  }
0xfe: {  	s28 =	simm.s32 $0x77B0;
	[sflag:s21] =	ssyncadd.s32 $0xFFFFFB00  }
0xff: {  	[spmem:s2] =	stream.indirect.scatter.add.f32 [tilespmem:s31], [sflag:$0x2], $0x10, s28, s25, $0xb8;
	[tilespmem:$0x14FA0] =	vst v63  }
0x100: {  	_ =	swait.ge [sflag:s21], $0x500  }
0x101: {  	[sflag:s21] =	ssyncset.done $0x0  }
0x102: {  	s30 =	simm.s32 $0x7800;
	[sflag:s21] =	ssyncadd.s32 $0xFFFFFB00  }
0x103: {  	[spmem:s2] =	stream.indirect.scatter.add.f32 [tilespmem:s17], [sflag:$0x2], $0x10, s30, s25, $0xb8;
	[tilespmem:$0x14FA0] =	vst v63  }
0x104: {  	_ =	swait.ge [sflag:s21], $0x500  }
0x105: {  	[sflag:s21] =	ssyncset.done $0x0  }
0x106: {  	s1 =	simm.s32 $0x7850;
	[sflag:s21] =	ssyncadd.s32 $0xFFFFFB00  }
0x107: {  	[spmem:s2] =	stream.indirect.scatter.add.f32 [tilespmem:s22], [sflag:$0x2], $0x10, s1, s25, $0xb8;
	[tilespmem:$0x14FA0] =	vst v63  }
0x108: {  	_ =	swait.ge [sflag:s18], $0x500  }
0x109: {  	[sflag:s18] =	ssyncset.done $0x0  }
0x10a: {  	[sflag:s18] =	ssyncadd.s32 $0xFFFFFB00  }
0x10b: {  	_ =	swait.ge [sflag:s18], $0x500  }
0x10c: {  	[sflag:s18] =	ssyncset.done $0x0  }
0x10d: {  	[sflag:s18] =	ssyncadd.s32 $0xFFFFFB00  }
0x10e: {  	_ =	swait.ge [sflag:s18], $0x500  }
0x10f: {  	[sflag:s18] =	ssyncset.done $0x0  }
0x110: {  	[sflag:s18] =	ssyncadd.s32 $0xFFFFFB00  }
0x111: {  	_ =	swait.ge [sflag:s18], $0x500  }
0x112: {  	s6 =	simm.s32 $0x2;
	[sflag:s18] =	ssyncset.done $0x0  }
0x113: {  	s0 =	sand.u32 $0x1, s6;
	[sflag:s18] =	ssyncadd.s32 $0xFFFFFB00  }
0x114: {  	p0 =	seq.s32 s0, $0x1;
	s0 =	simm.s32 $0x1900;
	_ =	swait.ge [sflag:s18], $0x500  }
0x115: {  	s0 =	simm.s32 @!p0 $0x0;
	[sflag:s18] =	ssyncset.done $0x0  }
0x116: {  	s6 =	simm.s32 $0x5320;
	s7 =	sadd.s32 $0x9E20, s0;
	[sflag:s18] =	ssyncadd.s32 $0xFFFFFB00  }
0x117: {  	[tilespmem:s7], [sflag:$0x1] =	stream.indirect.gather [spmem:s3], $0x10, s6, s25, $0xb8;
	[tilespmem:$0x14FA0] =	vst v63  }
0x118: {  	s8 =	sadd.s32 $0xA320, s0;
	s9 =	simm.s32 $0x5370  }
0x119: {  	[tilespmem:s8], [sflag:$0x1] =	stream.indirect.gather [spmem:s3], $0x10, s9, s25, $0xb8;
	[tilespmem:$0x14FA0] =	vst v63  }
0x11a: {  	s28 =	sadd.s32 $0xA820, s0;
	s30 =	simm.s32 $0x53C0  }
0x11b: {  	[tilespmem:s28], [sflag:$0x1] =	stream.indirect.gather [spmem:s3], $0x10, s30, s25, $0xb8;
	[tilespmem:$0x14FA0] =	vst v63  }
0x11c: {  	s7 =	sadd.s32 $0xAD20, s0;
	s8 =	simm.s32 $0x5410  }
0x11d: {  	[tilespmem:s7], [sflag:$0x1] =	stream.indirect.gather [spmem:s3], $0x10, s8, s25, $0xb8;
	[tilespmem:$0x14FA0] =	vst v63  }
0x11e: {  	s0 =	sadd.s32 $0xB220, s0;
	s9 =	simm.s32 $0x5460  }
0x11f: {  	[tilespmem:s0], [sflag:$0x1] =	stream.indirect.gather [spmem:s3], $0x10, s9, s25, $0xb8;
	[tilespmem:$0x14FA0] =	vst v63  }
0x120: {  	s6 =	simm.s32 $0x0;
	_ =	swait.ge [sflag:s21], $0x500  }
0x121: {  	s6 =	simm.s32 @!p0 $0x1900;
	[sflag:s21] =	ssyncset.done $0x0  }
0x122: {  	s28 =	sadd.s32 $0x9E20, s6;
	s30 =	simm.s32 $0x78A0;
	[sflag:s21] =	ssyncadd.s32 $0xFFFFFB00  }
0x123: {  	[spmem:s2] =	stream.indirect.scatter.add.f32 [tilespmem:s28], [sflag:$0x2], $0x10, s30, s25, $0xb8;
	[tilespmem:$0x14FA0] =	vst v63  }
0x124: {  	_ =	swait.ge [sflag:s21], $0x500  }
0x125: {  	[sflag:s21] =	ssyncset.done $0x0  }
0x126: {  	s1 =	sadd.s32 $0xA320, s6;
	s7 =	simm.s32 $0x78F0;
	[sflag:s21] =	ssyncadd.s32 $0xFFFFFB00  }
0x127: {  	[spmem:s2] =	stream.indirect.scatter.add.f32 [tilespmem:s1], [sflag:$0x2], $0x10, s7, s25, $0xb8;
	[tilespmem:$0x14FA0] =	vst v63  }
0x128: {  	_ =	swait.ge [sflag:s21], $0x500  }
0x129: {  	[sflag:s21] =	ssyncset.done $0x0  }
0x12a: {  	s8 =	sadd.s32 $0xA820, s6;
	s9 =	simm.s32 $0x7940;
	[sflag:s21] =	ssyncadd.s32 $0xFFFFFB00  }
0x12b: {  	[spmem:s2] =	stream.indirect.scatter.add.f32 [tilespmem:s8], [sflag:$0x2], $0x10, s9, s25, $0xb8;
	[tilespmem:$0x14FA0] =	vst v63  }
0x12c: {  	_ =	swait.ge [sflag:s21], $0x500  }
0x12d: {  	[sflag:s21] =	ssyncset.done $0x0  }
0x12e: {  	s28 =	simm.s32 $0x7990;
	s30 =	sadd.s32 $0xAD20, s6;
	[sflag:s21] =	ssyncadd.s32 $0xFFFFFB00  }
0x12f: {  	[spmem:s2] =	stream.indirect.scatter.add.f32 [tilespmem:s30], [sflag:$0x2], $0x10, s28, s25, $0xb8;
	[tilespmem:$0x14FA0] =	vst v63  }
0x130: {  	_ =	swait.ge [sflag:s21], $0x500  }
0x131: {  	s0 =	simm.s32 $0x640;
	s1 =	simm.s32 $0x3;
	[sflag:s21] =	ssyncset.done $0x0  }
0x132: {  	s7 =	sadd.s32 $0xB220, s6;
	s6 =	simm.s32 $0x79E0;
	[sflag:s21] =	ssyncadd.s32 $0xFFFFFB00  }
.LBB2_8:
0x133: {  	[spmem:s2] =	stream.indirect.scatter.add.f32 [tilespmem:s7], [sflag:$0x2], $0x10, s6, s25, $0xb8;
	[tilespmem:$0x14FA0] =	vst v63  }
0x134: {  	s6 =	smov.u32 s0;
	s0 =	sadd.s32 $0x640, s0;
	_ =	swait.ge [sflag:s18], $0x500  }
0x135: {  	p0 =	sne.s32 s0, $0x8FC0;
	[sflag:s18] =	ssyncset.done $0x0  }
0x136: {  	[sflag:s18] =	ssyncadd.s32 $0xFFFFFB00  }
0x137: {  	_ =	swait.ge [sflag:s18], $0x500  }
0x138: {  	[sflag:s18] =	ssyncset.done $0x0  }
0x139: {  	[sflag:s18] =	ssyncadd.s32 $0xFFFFFB00  }
0x13a: {  	_ =	swait.ge [sflag:s18], $0x500  }
0x13b: {  	[sflag:s18] =	ssyncset.done $0x0  }
0x13c: {  	[sflag:s18] =	ssyncadd.s32 $0xFFFFFB00  }
0x13d: {  	_ =	swait.ge [sflag:s18], $0x500  }
0x13e: {  	[sflag:s18] =	ssyncset.done $0x0  }
0x13f: {  	s7 =	sand.u32 $0x1, s1;
	[sflag:s18] =	ssyncadd.s32 $0xFFFFFB00  }
0x140: {  	p1 =	seq.s32 s7, $0x1;
	s7 =	simm.s32 $0x1900;
	_ =	swait.ge [sflag:s18], $0x500  }
0x141: {  	s6 =	sshra.s32 s6, $0x2;
	s7 =	simm.s32 @!p1 $0x0;
	[sflag:s18] =	ssyncset.done $0x0  }
0x142: {  	s9 =	sadd.s32 $0x5320, s6;
	s8 =	sadd.s32 $0x9E20, s7;
	[sflag:s18] =	ssyncadd.s32 $0xFFFFFB00  }
0x143: {  	[tilespmem:s8], [sflag:$0x1] =	stream.indirect.gather [spmem:s3], $0x10, s9, s25, $0xb8;
	[tilespmem:$0x14FA0] =	vst v63  }
0x144: {  	s8 =	sadd.s32 $0xA320, s7;
	s9 =	sadd.s32 $0x5370, s6  }
0x145: {  	[tilespmem:s8], [sflag:$0x1] =	stream.indirect.gather [spmem:s3], $0x10, s9, s25, $0xb8;
	[tilespmem:$0x14FA0] =	vst v63  }
0x146: {  	s8 =	sadd.s32 $0xA820, s7;
	s9 =	sadd.s32 $0x53C0, s6  }
0x147: {  	[tilespmem:s8], [sflag:$0x1] =	stream.indirect.gather [spmem:s3], $0x10, s9, s25, $0xb8;
	[tilespmem:$0x14FA0] =	vst v63  }
0x148: {  	s8 =	sadd.s32 $0xAD20, s7;
	s9 =	sadd.s32 $0x5410, s6  }
0x149: {  	[tilespmem:s8], [sflag:$0x1] =	stream.indirect.gather [spmem:s3], $0x10, s9, s25, $0xb8;
	[tilespmem:$0x14FA0] =	vst v63  }
0x14a: {  	s7 =	sadd.s32 $0xB220, s7;
	s8 =	sadd.s32 $0x5460, s6  }
0x14b: {  	[tilespmem:s7], [sflag:$0x1] =	stream.indirect.gather [spmem:s3], $0x10, s8, s25, $0xb8;
	[tilespmem:$0x14FA0] =	vst v63  }
0x14c: {  	s7 =	simm.s32 $0x0;
	_ =	swait.ge [sflag:s21], $0x500  }
0x14d: {  	s7 =	simm.s32 @!p1 $0x1900;
	[sflag:s21] =	ssyncset.done $0x0  }
0x14e: {  	s9 =	sadd.s32 $0x78A0, s6;
	s8 =	sadd.s32 $0x9E20, s7;
	[sflag:s21] =	ssyncadd.s32 $0xFFFFFB00  }
0x14f: {  	[spmem:s2] =	stream.indirect.scatter.add.f32 [tilespmem:s8], [sflag:$0x2], $0x10, s9, s25, $0xb8;
	[tilespmem:$0x14FA0] =	vst v63  }
0x150: {  	_ =	swait.ge [sflag:s21], $0x500  }
0x151: {  	[sflag:s21] =	ssyncset.done $0x0  }
0x152: {  	s8 =	sadd.s32 $0xA320, s7;
	s9 =	sadd.s32 $0x78F0, s6;
	[sflag:s21] =	ssyncadd.s32 $0xFFFFFB00  }
0x153: {  	[spmem:s2] =	stream.indirect.scatter.add.f32 [tilespmem:s8], [sflag:$0x2], $0x10, s9, s25, $0xb8;
	[tilespmem:$0x14FA0] =	vst v63  }
0x154: {  	_ =	swait.ge [sflag:s21], $0x500  }
0x155: {  	[sflag:s21] =	ssyncset.done $0x0  }
0x156: {  	s8 =	sadd.s32 $0xA820, s7;
	s9 =	sadd.s32 $0x7940, s6;
	[sflag:s21] =	ssyncadd.s32 $0xFFFFFB00  }
0x157: {  	[spmem:s2] =	stream.indirect.scatter.add.f32 [tilespmem:s8], [sflag:$0x2], $0x10, s9, s25, $0xb8;
	[tilespmem:$0x14FA0] =	vst v63  }
0x158: {  	_ =	swait.ge [sflag:s21], $0x500  }
0x159: {  	s8 =	sadd.s32 $0x7990, s6;
	[sflag:s21] =	ssyncset.done $0x0  }
.Ltmp3:
0x15a: {  	s9 =	sadd.s32 $0xAD20, s7;
	[sflag:s21] =	ssyncadd.s32 $0xFFFFFB00;
	(pc) =	sbr.rel @p0 .LBB2_8-.Ltmp3, $4  }
0x15b: {  	[spmem:s2] =	stream.indirect.scatter.add.f32 [tilespmem:s9], [sflag:$0x2], $0x10, s8, s25, $0xb8;
	[tilespmem:$0x14FA0] =	vst v63  }
0x15c: {  	_ =	swait.ge [sflag:s21], $0x500  }
0x15d: {  	s1 =	sadd.s32 $0x1, s1;
	[sflag:s21] =	ssyncset.done $0x0  }
0x15e: {  	s7 =	sadd.s32 $0xB220, s7;
	s6 =	sadd.s32 $0x79E0, s6;
	[sflag:s21] =	ssyncadd.s32 $0xFFFFFB00  }
0x15f: {  	[spmem:s2] =	stream.indirect.scatter.add.f32 [tilespmem:s7], [sflag:$0x2], $0x10, s6, s25, $0xb8;
	[tilespmem:$0x14FA0] =	vst v63  }
0x160: {  	_ =	swait.ge [sflag:s18], $0x500  }
0x161: {  	[sflag:s18] =	ssyncset.done $0x0  }
0x162: {  	[sflag:s18] =	ssyncadd.s32 $0xFFFFFB00  }
0x163: {  	_ =	swait.ge [sflag:s18], $0x500  }
0x164: {  	[sflag:s18] =	ssyncset.done $0x0  }
0x165: {  	[sflag:s18] =	ssyncadd.s32 $0xFFFFFB00  }
0x166: {  	_ =	swait.ge [sflag:s18], $0x500  }
0x167: {  	[sflag:s18] =	ssyncset.done $0x0  }
0x168: {  	[sflag:s18] =	ssyncadd.s32 $0xFFFFFB00  }
0x169: {  	_ =	swait.ge [sflag:s18], $0x500  }
0x16a: {  	[sflag:s18] =	ssyncset.done $0x0  }
0x16b: {  	[sflag:s18] =	ssyncadd.s32 $0xFFFFFB00  }
0x16c: {  	_ =	swait.ge [sflag:s18], $0x500  }
0x16d: {  	[sflag:s18] =	ssyncset.done $0x0  }
0x16e: {  	[sflag:s18] =	ssyncadd.s32 $0xFFFFFB00  }
0x16f: {  	_ =	swait.ge [sflag:s21], $0x500  }
0x170: {  	s0 =	sshra.s32 s0, $0x2;
	[sflag:s21] =	ssyncset.done $0x0  }
0x171: {  	s1 =	sadd.s32 $0x78A0, s0;
	[sflag:s21] =	ssyncadd.s32 $0xFFFFFB00  }
0x172: {  	[spmem:s2] =	stream.indirect.scatter.add.f32 [tilespmem:s26], [sflag:$0x2], $0x10, s1, s25, $0xb8;
	[tilespmem:$0x14FA0] =	vst v63  }
0x173: {  	_ =	swait.ge [sflag:s21], $0x500  }
0x174: {  	[sflag:s21] =	ssyncset.done $0x0  }
0x175: {  	s7 =	sadd.s32 $0x78F0, s0;
	[sflag:s21] =	ssyncadd.s32 $0xFFFFFB00  }
0x176: {  	[spmem:s2] =	stream.indirect.scatter.add.f32 [tilespmem:s29], [sflag:$0x2], $0x10, s7, s25, $0xb8;
	[tilespmem:$0x14FA0] =	vst v63  }
0x177: {  	_ =	swait.ge [sflag:s21], $0x500  }
0x178: {  	[sflag:s21] =	ssyncset.done $0x0  }
0x179: {  	s8 =	sadd.s32 $0x7940, s0;
	[sflag:s21] =	ssyncadd.s32 $0xFFFFFB00  }
0x17a: {  	[spmem:s2] =	stream.indirect.scatter.add.f32 [tilespmem:s31], [sflag:$0x2], $0x10, s8, s25, $0xb8;
	[tilespmem:$0x14FA0] =	vst v63  }
0x17b: {  	_ =	swait.ge [sflag:s21], $0x500  }
0x17c: {  	[sflag:s21] =	ssyncset.done $0x0  }
0x17d: {  	s9 =	sadd.s32 $0x7990, s0;
	[sflag:s21] =	ssyncadd.s32 $0xFFFFFB00  }
0x17e: {  	[spmem:s2] =	stream.indirect.scatter.add.f32 [tilespmem:s17], [sflag:$0x2], $0x10, s9, s25, $0xb8;
	[tilespmem:$0x14FA0] =	vst v63  }
0x17f: {  	_ =	swait.ge [sflag:s21], $0x500  }
0x180: {  	[sflag:s21] =	ssyncset.done $0x0  }
0x181: {  	s0 =	sadd.s32 $0x79E0, s0;
	[sflag:s21] =	ssyncadd.s32 $0xFFFFFB00  }
0x182: {  	[spmem:s2] =	stream.indirect.scatter.add.f32 [tilespmem:s22], [sflag:$0x2], $0x10, s0, s25, $0xb8;
	[tilespmem:$0x14FA0] =	vst v63  }
0x183: {  	_ =	swait.ge [sflag:s18], $0x500  }
0x184: {  	[sflag:s18] =	ssyncset.done $0x0  }
0x185: {  	[sflag:s18] =	ssyncadd.s32 $0xFFFFFB00  }
0x186: {  	_ =	swait.ge [sflag:s18], $0x500  }
0x187: {  	[sflag:s18] =	ssyncset.done $0x0  }
0x188: {  	[sflag:s18] =	ssyncadd.s32 $0xFFFFFB00  }
0x189: {  	_ =	swait.ge [sflag:s18], $0x500  }
0x18a: {  	[sflag:s18] =	ssyncset.done $0x0  }
0x18b: {  	[sflag:s18] =	ssyncadd.s32 $0xFFFFFB00  }
0x18c: {  	_ =	swait.ge [sflag:s18], $0x500  }
0x18d: {  	[sflag:s18] =	ssyncset.done $0x0  }
0x18e: {  	[sflag:s18] =	ssyncadd.s32 $0xFFFFFB00  }
0x18f: {  	s28 =	stileid.u32;
	_ =	swait.ge [sflag:s18], $0x500  }
0x190: {  	s30 =	sshrl.u32 s10, $0x3;
	s24 =	sadd.s32 $0x1, s24;
	[sflag:s18] =	ssyncset.done $0x0  }
0x191: {  	p0 =	sne.s32 s24, s15;
	s0 =	sshll.u32 s28, $0x6;
	[sflag:s18] =	ssyncadd.s32 $0xFFFFFB00  }
.Ltmp4:
0x192: {  	s0 =	sor.u32 $0x1C03, s0;
	[bflag:$0x0] =	sbarrier.arrive $0xFFFF;
	(pc) =	sbr.rel @p0 .LBB2_1-.Ltmp4, $4  }
0x193: {  	[hbm:s14], [sflag:s0] =	dma.local [spmem:s30], $0x500  }
0x194: {  	_ =	swait.ge [sflag:s23], $0x500  }
0x195: {  	[sflag:s23] =	ssyncset.done $0x0  }
0x196: {  	[sflag:s23] =	ssyncadd.s32 $0xFFFFFB00  }
0x197: {  	_ =	sfence.sel $0x180000  }
0x198: {  	[bflag:$0x0] =	sbarrier.arrive $0xFFFF  }
0x199: {  	_ =	strace $0x9000004A  }
0x19a: {  	s0 =	stileid.u32;
	[bflag:$0x2] =	sbarrier.arrive $0xFFFF  }
0x19b: {  	p0 =	sne.s32 s0, $0x0;
	s0 =	rddreg [dreg:$0x4]  }
0x19c: {  	s0 =	sadd.s32 @!p0 $0x100000, s0  }
0x19d: {  	[sflag:s0] =	ssyncadd.tile.s32 @!p0 $0x1;
	_ =	shalt  }
.Lfunc_end2:
_tile_overlayer_lowered:
.L_overlay_start_2:
0x19e: {  	(tag) =	ssettag $0x2  }
0x19f: {  	s0 =	rddreg [dreg:$0x0];
	s2 =	stileid.u32  }
0x1a0: {  	s1 =	rddreg [dreg:$0x1];
	p0 =	sne.s32 s2, $0x0  }
0x1a1: {  	s3 =	rddreg [dreg:$0x2];
	[bflag:$0x3] =	sbarrier.arrive $0xFFFF;
	s2 =	simm.s32 @!p0 $0x1C03  }
0x1a2: {  	[timem:s3], [sflag:s2] =	dma.local @!p0 [hbm:s0], s1  }
0x1a3: {  	s0 =	simm.s32 @!p0 $0x3  }
0x1a4: {  	_ =	swait.ge @!p0 [sflag:s0], s1  }
0x1a5: {  	s1 =	ssub.s32 @!p0 $0x0, s1;
	[sflag:s0] =	ssyncset.done @!p0 $0x0  }
0x1a6: {  	[sflag:s0] =	ssyncadd.s32 @!p0 s1  }
0x1a7: {  	[bflag:$0x3] =	sbarrier.arrive $0xFFFF  }
0x1a8: {  	_ =	shalt  }

// kernel: kernel.14.cloned.1.call-start
scs
__scs_entry_jumppad:
0x0: {  	(pc) =	sbr.rel $0x88, $3  }
0x1: {  	(tag) =	ssettag $0x0;
	lr =	simm.s32 $0x1  }
0x2: {  	[smem:$0x3F9B] =	sst lr;
	_ =	strace $0xD0000000  }
0x3: {  	_ = 	snop  }
0x4: {  	_ = 	snop  }
0x5: {  	_ = 	snop  }
0x6: {  	_ = 	snop  }
0x7: {  	_ = 	snop  }
__scs_overlays_trampoline_lowered:
0x8: {  	[smem:$0x3FAA] =	sst s0  }
0x9: {  	[smem:$0x3FAB] =	sst s1  }
0xa: {  	[smem:$0x3FAC] =	sst s2  }
0xb: {  	[smem:$0x3FAD] =	sst s3  }
0xc: {  	[smem:$0x3FAE] =	sst s4  }
0xd: {  	[smem:$0x3FAF] =	sst s5  }
0xe: {  	[smem:$0x3FB0] =	sst s6  }
0xf: {  	[smem:$0x3FB1] =	sst s7  }
0x10: {  	[smem:$0x3FB2] =	sst s8  }
0x11: {  	[smem:$0x3FB3] =	sst s9;
	s0 =	simm.s32 @!p0 $0x0  }
0x12: {  	s1 =	sld [smem:$0x3F99];
	s0 =	simm.s32 @p0 $0x1  }
0x13: {  	[smem:$0x3FB4] =	sst s0;
	s0 =	simm.s32 @!p1 $0x0  }
0x14: {  	s2 =	sld [smem:$0x3F98];
	s0 =	simm.s32 @p1 $0x1  }
0x15: {  	[smem:$0x3FB5] =	sst s0;
	s0 =	simm.s32 @!p2 $0x0  }
0x16: {  	s3 =	sld [smem:$0x3FDB];
	s0 =	simm.s32 @p2 $0x1  }
0x17: {  	s4 =	simm.s32 $0x1BF5;
	[smem:$0x3FB7] =	sst s0  }
0x18: {  	s0 =	sld [smem:$0x3F9A];
	_ =	swait.ge [sflag:s4], $0x0  }
0x19: {  	s7 =	sld [smem:$0x3F9B]  }
0x1a: {  	s8 =	sadd.s32 $0xFFFFE003, lr  }
0x1b: {  	s9 =	sadd.s32 $0xFFFFFEF7, lr;
	s5 =	simm.s32 $0xFFFFFFFF;
	p2 =	slt.u32 s8, $0xFFFFF086  }
0x1c: {  	p1 =	slt.u32 s9, $0xF7A;
	s5 =	simm.s32 @!p2 $0x0  }
0x1d: {  	s5 =	simm.s32 @p1 $0x1;
	p0 =	seq.s32 s7, s2  }
0x1e: {  	s7 =	smul.u32 @!p0 $0xF7A, s2;
	p2 =	seq.s32 @!p0 s5, $0x0  }
0x1f: {  	s9 =	smul.u32 $0xF7A, s1;
	s8 =	simm.s32 @!p0 $0x1BF5;
	p2 =	por !p2, p0  }
0x20: {  	[sflag:s8] =	ssyncset.s32 @!p0 $0xFFFFF086;
	s6 =	sadd.s32 @!p0 s3, s7;
	s7 =	simm.s32 @!p0 $0x108  }
0x21: {  	s3 =	sadd.s32 s3, s9;
	s6 =	sadd.s32 @!p0 $0x88, s6;
	s7 =	simm.s32 @p2 $0x1082  }
0x22: {  	[simem:s7], [sflag:s8] =	dma.local @!p0 [hbm:s6], $0xF7A  }
0x23: {  	s9 =	sor.u32 $0xD0000000, s2;
	s6 =	simm.s32 $0x108;
	_ =	swait.ge @!p0 [sflag:s8], $0x0  }
0x24: {  	s3 =	sadd.s32 $0x88, s3;
	s6 =	simm.s32 @!p1 $0x1082;
	[sflag:s4] =	ssyncset.s32 $0xFFFFF086  }
0x25: {  	[simem:s6], [sflag:s4] =	dma.local [hbm:s3], $0xF7A  }
0x26: {  	[smem:$0x3F9B] =	sst s1;
	(tag) =	ssettag s2;
	_ =	strace s9  }
0x27: {  	s1 =	sld [smem:$0x3FAB]  }
0x28: {  	s2 =	sld [smem:$0x3FAC]  }
0x29: {  	s4 =	sld [smem:$0x3FAE]  }
0x2a: {  	p0 =	seq.s32 s5, $0x0;
	s5 =	sld [smem:$0x3FAF]  }
0x2b: {  	s6 =	sld [smem:$0x3FB0]  }
0x2c: {  	s7 =	sld [smem:$0x3FB1]  }
0x2d: {  	s3 =	simm.s32 $0x108;
	s8 =	sld [smem:$0x3FB2]  }
0x2e: {  	s3 =	simm.s32 @!p0 $0x1082;
	s9 =	sld [smem:$0x3FB3]  }
0x2f: {  	lr =	sadd.s32 s0, s3;
	s0 =	sld [smem:$0x3FAA]  }
0x30: {  	s3 =	sld [smem:$0x3FAD]  }
0x31: {  	[smem:$0x3FB6] =	sst s10  }
0x32: {  	s10 =	sld [smem:$0x3FB4];
	_ =	sdelay $0x3  }
0x33: {  	p0 =	seq.s32 s10, $0x1;
	s10 =	sld [smem:$0x3FB6];
	_ =	sdelay $0x3  }
0x34: {  	[smem:$0x3FB6] =	sst s10  }
0x35: {  	s10 =	sld [smem:$0x3FB5];
	_ =	sdelay $0x3  }
0x36: {  	p1 =	seq.s32 s10, $0x1;
	s10 =	sld [smem:$0x3FB6];
	_ =	sdelay $0x3  }
0x37: {  	[smem:$0x3FB6] =	sst s10  }
0x38: {  	s10 =	sld [smem:$0x3FB7]  }
0x39: {  	_ = 	snop;
	(pc) =	sbr.ind lr, $3  }
0x3a: {  	_ = 	snop  }
0x3b: {  	_ = 	snop  }
0x3c: {  	p2 =	seq.s32 s10, $0x1;
	s10 =	sld [smem:$0x3FB6]  }
0x3d: {  	_ =	shalt  }
0x3e: {  	_ =	shalt  }
0x3f: {  	_ =	shalt  }
0x40: {  	_ =	shalt  }
0x41: {  	_ =	shalt  }
0x42: {  	_ =	shalt  }
0x43: {  	_ =	shalt  }
0x44: {  	_ =	shalt  }
0x45: {  	_ =	shalt  }
0x46: {  	_ =	shalt  }
0x47: {  	_ =	shalt  }
0x48: {  	_ =	shalt  }
0x49: {  	_ =	shalt  }
0x4a: {  	_ =	shalt  }
0x4b: {  	_ =	shalt  }
0x4c: {  	_ =	shalt  }
0x4d: {  	_ =	shalt  }
0x4e: {  	_ =	shalt  }
0x4f: {  	_ =	shalt  }
0x50: {  	_ =	shalt  }
0x51: {  	_ =	shalt  }
0x52: {  	_ =	shalt  }
0x53: {  	_ =	shalt  }
0x54: {  	_ =	shalt  }
0x55: {  	_ =	shalt  }
0x56: {  	_ =	shalt  }
0x57: {  	_ =	shalt  }
0x58: {  	_ =	shalt  }
0x59: {  	_ =	shalt  }
0x5a: {  	_ =	shalt  }
0x5b: {  	_ =	shalt  }
0x5c: {  	_ =	shalt  }
0x5d: {  	_ =	shalt  }
0x5e: {  	_ =	shalt  }
0x5f: {  	_ =	shalt  }
0x60: {  	_ =	shalt  }
0x61: {  	_ =	shalt  }
0x62: {  	_ =	shalt  }
0x63: {  	_ =	shalt  }
0x64: {  	_ =	shalt  }
0x65: {  	_ =	shalt  }
0x66: {  	_ =	shalt  }
0x67: {  	_ =	shalt  }
0x68: {  	_ =	shalt  }
0x69: {  	_ =	shalt  }
0x6a: {  	_ =	shalt  }
0x6b: {  	_ =	shalt  }
0x6c: {  	_ =	shalt  }
0x6d: {  	_ =	shalt  }
0x6e: {  	_ =	shalt  }
0x6f: {  	_ =	shalt  }
0x70: {  	_ =	shalt  }
0x71: {  	_ =	shalt  }
0x72: {  	_ =	shalt  }
0x73: {  	_ =	shalt  }
0x74: {  	_ =	shalt  }
0x75: {  	_ =	shalt  }
0x76: {  	_ =	shalt  }
0x77: {  	_ =	shalt  }
0x78: {  	_ =	shalt  }
0x79: {  	_ =	shalt  }
0x7a: {  	_ =	shalt  }
0x7b: {  	_ =	shalt  }
0x7c: {  	_ =	shalt  }
0x7d: {  	_ =	shalt  }
0x7e: {  	_ =	shalt  }
0x7f: {  	_ =	shalt  }
0x80: {  	_ =	shalt  }
0x81: {  	_ =	shalt  }
0x82: {  	_ =	shalt  }
0x83: {  	_ =	shalt  }
0x84: {  	_ =	shalt  }
0x85: {  	_ =	shalt  }
0x86: {  	_ =	shalt  }
0x87: {  	_ =	shalt  }
.Lfunc_end0:
.L_simem_size_0:
called_computation.2_lowered:
.L_overlay_start_0:
0x88: {  	s2 =	sld [smem:$0x3FD9]  }
0x89: {  	s3 =	sld [smem:$0x3FFE];
	_ =	sdelay $0x1  }
0x8a: {  	s1 =	srdreg.scid  }
0x8b: {  	s0 =	sand.u32 $0x1, s1  }
0x8c: {  	s16 =	sshll.u32 s0, $0xA;
	s2 =	sadd.s32 s3, s2  }
0x8d: {  	s2 =	sadd.s32 s2, s16  }
0x8e: {  	[smem:$0x3FC2] =	sst s2  }
0x8f: {  	_ = 	snop  }
0x90: {  	(tm) =	ssettm $0x1  }
0x91: {  	s17 =	sld [smem:$0x3FFB];
	_ =	sdelay $0x3  }
0x92: {  	_ =	strace s17  }
0x93: {  	s2 =	sld [smem:$0x3FFC];
	_ =	sdelay $0x3  }
0x94: {  	_ =	strace s2  }
0x95: {  	s2 =	sld [smem:$0x3FFD];
	_ =	sdelay $0x3  }
0x96: {  	_ =	strace s2  }
0x97: {  	_ =	strace $0x8FFFFFFF  }
0x98: {  	s18 =	sld [smem:$0x3FDB];
	_ =	sdelay $0x1  }
0x99: {  	s19 =	simm.s32 $_scs_section_size  }
0x9a: {  	s4 =	simm.s32 $_size__tile_overlayer_lowered;
	s5 =	simm.s32 $_tile_overlayer_lowered  }
0x9b: {  	s22 =	simm.s32 $0x1BFF;
	s21 =	sshll.u32 s5, $0x1;
	s2 =	sadd.s32 s19, s18  }
0x9c: {  	s6 =	simm.s32 $0x0;
	s20 =	sshll.u32 s4, $0x1;
	s4 =	sadd.s32 s21, s2  }
0x9d: {  	[timem:s6], [sflag:s22] =	dma.local [hbm:s4], s20  }
0x9e: {  	_ =	swait.ge [sflag:s22], s20  }
0x9f: {  	s3 =	ssub.s32 $0x0, s20;
	[sflag:s22] =	ssyncset.done $0x0  }
0xa0: {  	[sflag:s22] =	ssyncadd.s32 s3;
	_ =	sdelay $0x1  }
0xa1: {  	s23 =	simm.s32 $0x1B8B  }
0xa2: {  	_ =	swait.ge [sflag:s23], $0x1  }
0xa3: {  	[sflag:s23] =	ssyncset.done $0x0  }
0xa4: {  	s25 =	simm.s32 $0x1B8E;
	s24 =	sld [smem:$0x3FFE];
	[sflag:s23] =	ssyncadd.s32 $0xFFFFFFFF  }
0xa5: {  	s26 =	simm.s32 $execute0_lowered;
	[smem:$0x3FD2] =	sst s25  }
0xa6: {  	s4 =	sshll.u32 s26, $0x1;
	_ =	strace $0x8000004C;
	[dreg:$0x1] =	wrdreg $0xFFFFFFFF  }
0xa7: {  	s28 =	simm.s32 $_size_execute0_lowered;
	s2 =	sadd.s32 s2, s4;
	[dreg:$0x0] =	wrdreg $0x0  }
0xa8: {  	s4 =	sshll.u32 s28, $0x1;
	[dreg:$0x2] =	wrdreg s2  }
0xa9: {  	[dreg:$0x3] =	wrdreg s4  }
0xaa: {  	[dreg:$0x4] =	wrdreg $0xC0  }
0xab: {  	_ =	task [dreg:s6], $0x5FFFF  }
0xac: {  	[dreg:$0x1] =	wrdreg $0xFFFFFFFF  }
0xad: {  	[dreg:$0x0] =	wrdreg $0x60  }
0xae: {  	[dreg:$0x2] =	wrdreg s24  }
0xaf: {  	[dreg:$0x3] =	wrdreg $0x0  }
0xb0: {  	[dreg:$0x4] =	wrdreg $0x28000  }
0xb1: {  	[dreg:$0x5] =	wrdreg $0x9  }
0xb2: {  	_ =	task.clear_ibuf [dreg:s6], $0x6FFFF;
	_ =	strace $0x9000004C  }
0xb3: {  	s29 =	simm.s32 $0x9;
	_ =	strace $0x8000004E  }
0xb4: {  	_ =	swait.ge [sflag:s29], $0x1  }
0xb5: {  	[sflag:s29] =	ssyncadd.s32 $0xFFFFFFFF  }
0xb6: {  	_ =	strace $0x9000004E  }
0xb7: {  	_ =	sfence  }
0xb8: {  	s30 =	sld [smem:$0x0];
	_ =	sdelay $0x2  }
0xb9: {  	s31 =	sshll.u32 s1, $0xD;
	s1 =	sshrl.u32 s1, $0x2  }
0xba: {  	s3 =	sand.u32 $0x4000, s31;
	s1 =	sadd.s32 s1, s30  }
0xbb: {  	s0 =	sor.u32 s3, s0;
	s1 =	sshll.u32 s1, $0x11  }
0xbc: {  	s0 =	sor.u32 s1, s0  }
0xbd: {  	s0 =	sadd.s32 $0x8F2B, s0  }
0xbe: {  	[sflag:s0] =	ssyncadd.remote.s32 $0x1  }
0xbf: {  	_ =	sfence.sel $0xFFFF  }
0xc0: {  	[dreg:$0x0] =	wrdreg $0xFFFFFFFF;
	(pc) =	sbr.abs _section_cstart, $3  }
0xc1: {  	[dreg:$0x1] =	wrdreg $0xFFFFFFFF  }
0xc2: {  	_ =	task.clear_ibuf [dreg:s6], $0x2FFFF;
	_ =	strace $0x9FFFFFFF  }
0xc3: {  	(tm) =	ssettm $0x7FFFFFFF  }
tec
execute0_lowered:
.L_overlay_start_1:
0x0: {  	(tag) =	ssettag $0x1  }
0x1: {  	s0 =	rddreg [dreg:$0x0]  }
0x2: {  	s2 =	rddreg [dreg:$0x1];
	s1 =	srdreg.scid  }
0x3: {  	s3 =	rddreg [dreg:$0x2];
	s8 =	stileid.u32  }
0x4: {  	s4 =	simm.s32 $0x0;
	s14 =	simm.s32 $0x5000;
	s15 =	simm.s32 $0x7710  }
0x5: {  	s16 =	simm.s32 $0x1;
	s18 =	simm.s32 $0x3;
	s19 =	simm.s32 $0x50  }
0x6: {  	s20 =	simm.s32 $0x9E20;
	s22 =	simm.s32 $0xA320;
	s24 =	simm.s32 $0xA820  }
0x7: {  	s26 =	simm.s32 $0xAD20;
	s29 =	simm.s32 $0xB220;
	s17 =	simm.s32 $0x7850  }
0x8: {  	s21 =	simm.s32 $0x2;
	s23 =	simm.s32 $0x0;
	s1 =	sand.u32 $0x1, s1  }
0x9: {  	s10 =	smul.u32 $0x2800, s8;
	[smem:$0x7FF] =	sst s4;
	s5 =	sshll.u32 s1, $0x4  }
0xa: {  	s6 =	smul.u32 $0x28000, s1;
	_ =	strace $0x8000004D;
	s1 =	ssub.s32 $0x2, s1  }
0xb: {  	s5 =	sor.u32 s8, s5;
	s7 =	sshrl.u32 s10, $0x3;
	s31 =	sshrl.u32 s1, $0x1  }
0xc: {  	s13 =	sadd.s32 s10, s2;
	s5 =	smul.u32 $0x2710, s5;
	s7 =	sadd.s32 s7, s0  }
0xd: {  	s6 =	sadd.s32 s10, s6;
	s1 =	ssub.s32 s1, s31;
	s10 =	sadd.s32 s10, s3  }
0xe: {  	s13 =	sshrl.u32 s13, $0x3;
	s6 =	sshrl.u32 s6, $0x3;
	s5 =	sshrl.u32 s5, $0x3  }
0xf: {  	s12 =	smax.u32 s1, $0x1;
	s9 =	sadd.s32 s5, s0;
	s5 =	sshll.u32 s8, $0x6  }
0x10: {  	s0 =	sadd.s32 s6, s0;
	s6 =	sadd.s32 $0x16A00, s7;
	s7 =	sor.u32 $0x1C01, s5  }
0x11: {  	v0 =	vimm.f32 $0.0e+00;
	s8 =	sadd.s32 $0x3000, s9;
	s9 =	sadd.s32 $0xCC40, s9;
	s11 =	sadd.s32 $0x1BA00, s0  }
.LBB2_1:
0x12: {  	[spmem:s13], [sflag:s7] =	dma.local [hbm:s6], $0x500  }
0x13: {  	[tilespmem:s14], [sflag:$0x1] =	stream.linear.gather [hbm4b:s8+s4], $0x2710, $0x38;
	[tilespmem:$0xF820] =	vst v63  }
0x14: {  	s25 =	simm.s32 $0x0;
	s28 =	simm.s32 $0x200  }
0x15: {  	[tilespmem:s15], [sflag:$0x1] =	stream.linear.gather [hbm4b:s9+s4], $0x2710, $0x38;
	[tilespmem:$0xF820] =	vst v63  }
.LBB2_2:
0x16: {  	p0 =	sne.s32 s28, $0x9E00;
	[tilespmem:s25+$0xD090] =	vst v0  }
0x17: {  	[tilespmem:s25+$0xD020] =	vst v0  }
0x18: {  	[tilespmem:s25+$0xD030] =	vst v0  }
.Ltmp0:
0x19: {  	[tilespmem:s25+$0xD040] =	vst v0;
	(pc) =	sbr.rel @p0 .LBB2_2-.Ltmp0, $4  }
0x1a: {  	[tilespmem:s25+$0xD050] =	vst v0  }
0x1b: {  	[tilespmem:s25+$0xD060] =	vst v0  }
0x1c: {  	[tilespmem:s25+$0xD070] =	vst v0  }
0x1d: {  	[tilespmem:s25+$0xD080] =	vst v0;
	s25 =	sshra.s32 s28, $0x2;
	s28 =	sadd.s32 $0x200, s28  }
0x1e: {  	[tilespmem:s25+$0xD090] =	vst v0  }
0x1f: {  	[tilespmem:s25+$0xD020] =	vst v0  }
0x20: {  	[tilespmem:s25+$0xD030] =	vst v0  }
0x21: {  	[tilespmem:s25+$0xD040] =	vst v0  }
0x22: {  	[tilespmem:s25+$0xD050] =	vst v0  }
0x23: {  	[tilespmem:s25+$0xD060] =	vst v0  }
0x24: {  	[tilespmem:s25+$0xD070] =	vst v0  }
0x25: {  	[tilespmem:s25+$0xD080] =	vst v0  }
0x26: {  	_ =	swait.ge [sflag:s16], $0x500  }
0x27: {  	[sflag:s16] =	ssyncset.done $0x0  }
0x28: {  	[sflag:s16] =	ssyncadd.s32 $0xFFFFFB00  }
0x29: {  	_ =	swait.ge [sflag:s16], $0x2710  }
0x2a: {  	[sflag:s16] =	ssyncset.done $0x0  }
0x2b: {  	[sflag:s16] =	ssyncadd.s32 $0xFFFFD8F0  }
0x2c: {  	_ =	swait.ge [sflag:s16], $0x2710  }
0x2d: {  	[sflag:s16] =	ssyncset.done $0x0  }
0x2e: {  	s0 =	simm.s32 $0xD020;
	[sflag:s16] =	ssyncadd.s32 $0xFFFFD8F0  }
0x2f: {  	[spmem:s10] =	stream.linear.scatter [tilespmem:s0], [sflag:$0x3], $0x2800, $0x38;
	[tilespmem:$0xF820] =	vst v63  }
0x30: {  	_ =	swait.ge [sflag:s18], $0x2800  }
0x31: {  	[sflag:s18] =	ssyncset.done $0x0  }
0x32: {  	[sflag:s18] =	ssyncadd.s32 $0xFFFFD800  }
0x33: {  	[bflag:$0x0] =	sbarrier.arrive $0xFFFF  }
0x34: {  	[tilespmem:s20], [sflag:$0x1] =	stream.indirect.gather [spmem:s2], $0x10, s14, s19, $0xb8;
	[tilespmem:$0xF820] =	vst v63  }
0x35: {  	s25 =	simm.s32 $0x5050  }
0x36: {  	[tilespmem:s22], [sflag:$0x1] =	stream.indirect.gather [spmem:s2], $0x10, s25, s19, $0xb8;
	[tilespmem:$0xF820] =	vst v63  }
0x37: {  	s1 =	simm.s32 $0x50A0  }
0x38: {  	[tilespmem:s24], [sflag:$0x1] =	stream.indirect.gather [spmem:s2], $0x10, s1, s19, $0xb8;
	[tilespmem:$0xF820] =	vst v63  }
0x39: {  	s25 =	simm.s32 $0x50F0  }
0x3a: {  	[tilespmem:s26], [sflag:$0x1] =	stream.indirect.gather [spmem:s2], $0x10, s25, s19, $0xb8;
	[tilespmem:$0xF820] =	vst v63  }
0x3b: {  	s1 =	simm.s32 $0x5140  }
0x3c: {  	[tilespmem:s29], [sflag:$0x1] =	stream.indirect.gather [spmem:s2], $0x10, s1, s19, $0xb8;
	[tilespmem:$0xF820] =	vst v63  }
0x3d: {  	s25 =	simm.s32 $0x5190;
	s1 =	simm.s32 $0xB720  }
0x3e: {  	[tilespmem:s1], [sflag:$0x1] =	stream.indirect.gather [spmem:s2], $0x10, s25, s19, $0xb8;
	[tilespmem:$0xF820] =	vst v63  }
0x3f: {  	s1 =	simm.s32 $0x51E0;
	s25 =	simm.s32 $0xBC20  }
0x40: {  	[tilespmem:s25], [sflag:$0x1] =	stream.indirect.gather [spmem:s2], $0x10, s1, s19, $0xb8;
	[tilespmem:$0xF820] =	vst v63  }
0x41: {  	s1 =	simm.s32 $0x5230;
	s25 =	simm.s32 $0xC120  }
0x42: {  	[tilespmem:s25], [sflag:$0x1] =	stream.indirect.gather [spmem:s2], $0x10, s1, s19, $0xb8;
	[tilespmem:$0xF820] =	vst v63  }
0x43: {  	s1 =	simm.s32 $0x5280;
	s25 =	simm.s32 $0xC620  }
0x44: {  	[tilespmem:s25], [sflag:$0x1] =	stream.indirect.gather [spmem:s2], $0x10, s1, s19, $0xb8;
	[tilespmem:$0xF820] =	vst v63  }
0x45: {  	s1 =	simm.s32 $0x52D0;
	s25 =	simm.s32 $0xCB20  }
0x46: {  	[tilespmem:s25], [sflag:$0x1] =	stream.indirect.gather [spmem:s2], $0x10, s1, s19, $0xb8;
	[tilespmem:$0xF820] =	vst v63  }
0x47: {  	_ =	swait.ge [sflag:s16], $0x500  }
0x48: {  	[sflag:s16] =	ssyncset.done $0x0  }
0x49: {  	[sflag:s16] =	ssyncadd.s32 $0xFFFFFB00  }
0x4a: {  	[spmem:s3] =	stream.indirect.scatter.add.f32 [tilespmem:s20], [sflag:$0x2], $0x10, s15, s19, $0xb8;
	[tilespmem:$0xF820] =	vst v63  }
0x4b: {  	_ =	swait.ge [sflag:s16], $0x500  }
0x4c: {  	[sflag:s16] =	ssyncset.done $0x0  }
0x4d: {  	s25 =	simm.s32 $0x7760;
	[sflag:s16] =	ssyncadd.s32 $0xFFFFFB00  }
0x4e: {  	[spmem:s3] =	stream.indirect.scatter.add.f32 [tilespmem:s22], [sflag:$0x2], $0x10, s25, s19, $0xb8;
	[tilespmem:$0xF820] =	vst v63  }
0x4f: {  	_ =	swait.ge [sflag:s16], $0x500  }
0x50: {  	[sflag:s16] =	ssyncset.done $0x0  }
0x51: {  	s1 =	simm.s32 $0x77B0;
	[sflag:s16] =	ssyncadd.s32 $0xFFFFFB00  }
0x52: {  	[spmem:s3] =	stream.indirect.scatter.add.f32 [tilespmem:s24], [sflag:$0x2], $0x10, s1, s19, $0xb8;
	[tilespmem:$0xF820] =	vst v63  }
0x53: {  	_ =	swait.ge [sflag:s16], $0x500  }
0x54: {  	[sflag:s16] =	ssyncset.done $0x0  }
0x55: {  	s25 =	simm.s32 $0x7800;
	[sflag:s16] =	ssyncadd.s32 $0xFFFFFB00  }
0x56: {  	[spmem:s3] =	stream.indirect.scatter.add.f32 [tilespmem:s26], [sflag:$0x2], $0x10, s25, s19, $0xb8;
	[tilespmem:$0xF820] =	vst v63  }
0x57: {  	_ =	swait.ge [sflag:s16], $0x500  }
0x58: {  	[sflag:s16] =	ssyncset.done $0x0  }
0x59: {  	[sflag:s16] =	ssyncadd.s32 $0xFFFFFB00  }
0x5a: {  	[spmem:s3] =	stream.indirect.scatter.add.f32 [tilespmem:s29], [sflag:$0x2], $0x10, s17, s19, $0xb8;
	[tilespmem:$0xF820] =	vst v63  }
0x5b: {  	_ =	swait.ge [sflag:s21], $0x500  }
0x5c: {  	[sflag:s21] =	ssyncset.done $0x0  }
0x5d: {  	[sflag:s21] =	ssyncadd.s32 $0xFFFFFB00  }
0x5e: {  	_ =	swait.ge [sflag:s21], $0x500  }
0x5f: {  	[sflag:s21] =	ssyncset.done $0x0  }
0x60: {  	[sflag:s21] =	ssyncadd.s32 $0xFFFFFB00  }
0x61: {  	_ =	swait.ge [sflag:s21], $0x500  }
0x62: {  	[sflag:s21] =	ssyncset.done $0x0  }
0x63: {  	[sflag:s21] =	ssyncadd.s32 $0xFFFFFB00  }
0x64: {  	_ =	swait.ge [sflag:s21], $0x500  }
0x65: {  	s1 =	simm.s32 $0x2;
	[sflag:s21] =	ssyncset.done $0x0  }
0x66: {  	s25 =	sand.u32 $0x1, s1;
	[sflag:s21] =	ssyncadd.s32 $0xFFFFFB00  }
0x67: {  	p0 =	seq.s32 s25, $0x1;
	s25 =	simm.s32 $0x1900;
	_ =	swait.ge [sflag:s21], $0x500  }
0x68: {  	s25 =	simm.s32 @!p0 $0x0;
	[sflag:s21] =	ssyncset.done $0x0  }
0x69: {  	s30 =	simm.s32 $0x5320;
	s28 =	sadd.s32 $0x9E20, s25;
	[sflag:s21] =	ssyncadd.s32 $0xFFFFFB00  }
0x6a: {  	[tilespmem:s28], [sflag:$0x1] =	stream.indirect.gather [spmem:s2], $0x10, s30, s19, $0xb8;
	[tilespmem:$0xF820] =	vst v63  }
0x6b: {  	s28 =	sadd.s32 $0xA320, s25;
	s30 =	simm.s32 $0x5370  }
0x6c: {  	[tilespmem:s28], [sflag:$0x1] =	stream.indirect.gather [spmem:s2], $0x10, s30, s19, $0xb8;
	[tilespmem:$0xF820] =	vst v63  }
0x6d: {  	s28 =	sadd.s32 $0xA820, s25;
	s30 =	simm.s32 $0x53C0  }
0x6e: {  	[tilespmem:s28], [sflag:$0x1] =	stream.indirect.gather [spmem:s2], $0x10, s30, s19, $0xb8;
	[tilespmem:$0xF820] =	vst v63  }
0x6f: {  	s28 =	sadd.s32 $0xAD20, s25;
	s30 =	simm.s32 $0x5410  }
0x70: {  	[tilespmem:s28], [sflag:$0x1] =	stream.indirect.gather [spmem:s2], $0x10, s30, s19, $0xb8;
	[tilespmem:$0xF820] =	vst v63  }
0x71: {  	s25 =	sadd.s32 $0xB220, s25;
	s28 =	simm.s32 $0x5460  }
0x72: {  	[tilespmem:s25], [sflag:$0x1] =	stream.indirect.gather [spmem:s2], $0x10, s28, s19, $0xb8;
	[tilespmem:$0xF820] =	vst v63  }
0x73: {  	s30 =	simm.s32 $0x0;
	_ =	swait.ge [sflag:s16], $0x500  }
0x74: {  	s30 =	simm.s32 @!p0 $0x1900;
	[sflag:s16] =	ssyncset.done $0x0  }
0x75: {  	s0 =	sadd.s32 $0x9E20, s30;
	s28 =	simm.s32 $0x78A0;
	[sflag:s16] =	ssyncadd.s32 $0xFFFFFB00  }
0x76: {  	[spmem:s3] =	stream.indirect.scatter.add.f32 [tilespmem:s0], [sflag:$0x2], $0x10, s28, s19, $0xb8;
	[tilespmem:$0xF820] =	vst v63  }
0x77: {  	_ =	swait.ge [sflag:s16], $0x500  }
0x78: {  	[sflag:s16] =	ssyncset.done $0x0  }
0x79: {  	s1 =	sadd.s32 $0xA320, s30;
	s28 =	simm.s32 $0x78F0;
	[sflag:s16] =	ssyncadd.s32 $0xFFFFFB00  }
0x7a: {  	[spmem:s3] =	stream.indirect.scatter.add.f32 [tilespmem:s1], [sflag:$0x2], $0x10, s28, s19, $0xb8;
	[tilespmem:$0xF820] =	vst v63  }
0x7b: {  	_ =	swait.ge [sflag:s16], $0x500  }
0x7c: {  	[sflag:s16] =	ssyncset.done $0x0  }
0x7d: {  	s0 =	sadd.s32 $0xA820, s30;
	s28 =	simm.s32 $0x7940;
	[sflag:s16] =	ssyncadd.s32 $0xFFFFFB00  }
0x7e: {  	[spmem:s3] =	stream.indirect.scatter.add.f32 [tilespmem:s0], [sflag:$0x2], $0x10, s28, s19, $0xb8;
	[tilespmem:$0xF820] =	vst v63  }
0x7f: {  	_ =	swait.ge [sflag:s16], $0x500  }
0x80: {  	[sflag:s16] =	ssyncset.done $0x0  }
0x81: {  	s1 =	simm.s32 $0x7990;
	s28 =	sadd.s32 $0xAD20, s30;
	[sflag:s16] =	ssyncadd.s32 $0xFFFFFB00  }
0x82: {  	[spmem:s3] =	stream.indirect.scatter.add.f32 [tilespmem:s28], [sflag:$0x2], $0x10, s1, s19, $0xb8;
	[tilespmem:$0xF820] =	vst v63  }
0x83: {  	_ =	swait.ge [sflag:s16], $0x500  }
0x84: {  	s25 =	simm.s32 $0x640;
	s31 =	sadd.s32 $0xB220, s30;
	[sflag:s16] =	ssyncset.done $0x0  }
0x85: {  	s30 =	simm.s32 $0x79E0;
	s28 =	simm.s32 $0x3;
	[sflag:s16] =	ssyncadd.s32 $0xFFFFFB00  }
.LBB2_4:
0x86: {  	[spmem:s3] =	stream.indirect.scatter.add.f32 [tilespmem:s31], [sflag:$0x2], $0x10, s30, s19, $0xb8;
	[tilespmem:$0xF820] =	vst v63  }
0x87: {  	s30 =	smov.u32 s25;
	s25 =	sadd.s32 $0x640, s25;
	_ =	swait.ge [sflag:s21], $0x500  }
0x88: {  	p0 =	sne.s32 s25, $0x8FC0;
	[sflag:s21] =	ssyncset.done $0x0  }
0x89: {  	[sflag:s21] =	ssyncadd.s32 $0xFFFFFB00  }
0x8a: {  	_ =	swait.ge [sflag:s21], $0x500  }
0x8b: {  	[sflag:s21] =	ssyncset.done $0x0  }
0x8c: {  	[sflag:s21] =	ssyncadd.s32 $0xFFFFFB00  }
0x8d: {  	_ =	swait.ge [sflag:s21], $0x500  }
0x8e: {  	[sflag:s21] =	ssyncset.done $0x0  }
0x8f: {  	[sflag:s21] =	ssyncadd.s32 $0xFFFFFB00  }
0x90: {  	_ =	swait.ge [sflag:s21], $0x500  }
0x91: {  	[sflag:s21] =	ssyncset.done $0x0  }
0x92: {  	s31 =	sand.u32 $0x1, s28;
	[sflag:s21] =	ssyncadd.s32 $0xFFFFFB00  }
0x93: {  	p1 =	seq.s32 s31, $0x1;
	s31 =	simm.s32 $0x1900;
	_ =	swait.ge [sflag:s21], $0x500  }
0x94: {  	s30 =	sshra.s32 s30, $0x2;
	s31 =	simm.s32 @!p1 $0x0;
	[sflag:s21] =	ssyncset.done $0x0  }
0x95: {  	s1 =	sadd.s32 $0x5320, s30;
	s0 =	sadd.s32 $0x9E20, s31;
	[sflag:s21] =	ssyncadd.s32 $0xFFFFFB00  }
0x96: {  	[tilespmem:s0], [sflag:$0x1] =	stream.indirect.gather [spmem:s2], $0x10, s1, s19, $0xb8;
	[tilespmem:$0xF820] =	vst v63  }
0x97: {  	s0 =	sadd.s32 $0xA320, s31;
	s1 =	sadd.s32 $0x5370, s30  }
0x98: {  	[tilespmem:s0], [sflag:$0x1] =	stream.indirect.gather [spmem:s2], $0x10, s1, s19, $0xb8;
	[tilespmem:$0xF820] =	vst v63  }
0x99: {  	s0 =	sadd.s32 $0xA820, s31;
	s1 =	sadd.s32 $0x53C0, s30  }
0x9a: {  	[tilespmem:s0], [sflag:$0x1] =	stream.indirect.gather [spmem:s2], $0x10, s1, s19, $0xb8;
	[tilespmem:$0xF820] =	vst v63  }
0x9b: {  	s0 =	sadd.s32 $0xAD20, s31;
	s1 =	sadd.s32 $0x5410, s30  }
0x9c: {  	[tilespmem:s0], [sflag:$0x1] =	stream.indirect.gather [spmem:s2], $0x10, s1, s19, $0xb8;
	[tilespmem:$0xF820] =	vst v63  }
0x9d: {  	s0 =	sadd.s32 $0xB220, s31;
	s1 =	sadd.s32 $0x5460, s30  }
0x9e: {  	[tilespmem:s0], [sflag:$0x1] =	stream.indirect.gather [spmem:s2], $0x10, s1, s19, $0xb8;
	[tilespmem:$0xF820] =	vst v63  }
0x9f: {  	s0 =	simm.s32 $0x0;
	_ =	swait.ge [sflag:s16], $0x500  }
0xa0: {  	s0 =	simm.s32 @!p1 $0x1900;
	[sflag:s16] =	ssyncset.done $0x0  }
0xa1: {  	s31 =	sadd.s32 $0x78A0, s30;
	s1 =	sadd.s32 $0x9E20, s0;
	[sflag:s16] =	ssyncadd.s32 $0xFFFFFB00  }
0xa2: {  	[spmem:s3] =	stream.indirect.scatter.add.f32 [tilespmem:s1], [sflag:$0x2], $0x10, s31, s19, $0xb8;
	[tilespmem:$0xF820] =	vst v63  }
0xa3: {  	_ =	swait.ge [sflag:s16], $0x500  }
0xa4: {  	[sflag:s16] =	ssyncset.done $0x0  }
0xa5: {  	s1 =	sadd.s32 $0xA320, s0;
	s31 =	sadd.s32 $0x78F0, s30;
	[sflag:s16] =	ssyncadd.s32 $0xFFFFFB00  }
0xa6: {  	[spmem:s3] =	stream.indirect.scatter.add.f32 [tilespmem:s1], [sflag:$0x2], $0x10, s31, s19, $0xb8;
	[tilespmem:$0xF820] =	vst v63  }
0xa7: {  	_ =	swait.ge [sflag:s16], $0x500  }
0xa8: {  	[sflag:s16] =	ssyncset.done $0x0  }
0xa9: {  	s1 =	sadd.s32 $0xA820, s0;
	s31 =	sadd.s32 $0x7940, s30;
	[sflag:s16] =	ssyncadd.s32 $0xFFFFFB00  }
0xaa: {  	[spmem:s3] =	stream.indirect.scatter.add.f32 [tilespmem:s1], [sflag:$0x2], $0x10, s31, s19, $0xb8;
	[tilespmem:$0xF820] =	vst v63  }
0xab: {  	_ =	swait.ge [sflag:s16], $0x500  }
0xac: {  	s1 =	sadd.s32 $0x7990, s30;
	[sflag:s16] =	ssyncset.done $0x0  }
.Ltmp1:
0xad: {  	s31 =	sadd.s32 $0xAD20, s0;
	[sflag:s16] =	ssyncadd.s32 $0xFFFFFB00;
	(pc) =	sbr.rel @p0 .LBB2_4-.Ltmp1, $4  }
0xae: {  	[spmem:s3] =	stream.indirect.scatter.add.f32 [tilespmem:s31], [sflag:$0x2], $0x10, s1, s19, $0xb8;
	[tilespmem:$0xF820] =	vst v63  }
0xaf: {  	_ =	swait.ge [sflag:s16], $0x500  }
0xb0: {  	s28 =	sadd.s32 $0x1, s28;
	[sflag:s16] =	ssyncset.done $0x0  }
0xb1: {  	s30 =	sadd.s32 $0x79E0, s30;
	s31 =	sadd.s32 $0xB220, s0;
	[sflag:s16] =	ssyncadd.s32 $0xFFFFFB00  }
0xb2: {  	[spmem:s3] =	stream.indirect.scatter.add.f32 [tilespmem:s31], [sflag:$0x2], $0x10, s30, s19, $0xb8;
	[tilespmem:$0xF820] =	vst v63  }
0xb3: {  	_ =	swait.ge [sflag:s21], $0x500  }
0xb4: {  	[sflag:s21] =	ssyncset.done $0x0  }
0xb5: {  	[sflag:s21] =	ssyncadd.s32 $0xFFFFFB00  }
0xb6: {  	_ =	swait.ge [sflag:s21], $0x500  }
0xb7: {  	[sflag:s21] =	ssyncset.done $0x0  }
0xb8: {  	[sflag:s21] =	ssyncadd.s32 $0xFFFFFB00  }
0xb9: {  	_ =	swait.ge [sflag:s21], $0x500  }
0xba: {  	[sflag:s21] =	ssyncset.done $0x0  }
0xbb: {  	[sflag:s21] =	ssyncadd.s32 $0xFFFFFB00  }
0xbc: {  	_ =	swait.ge [sflag:s21], $0x500  }
0xbd: {  	[sflag:s21] =	ssyncset.done $0x0  }
0xbe: {  	[sflag:s21] =	ssyncadd.s32 $0xFFFFFB00  }
0xbf: {  	_ =	swait.ge [sflag:s21], $0x500  }
0xc0: {  	[sflag:s21] =	ssyncset.done $0x0  }
0xc1: {  	[sflag:s21] =	ssyncadd.s32 $0xFFFFFB00  }
0xc2: {  	_ =	swait.ge [sflag:s16], $0x500  }
0xc3: {  	s0 =	sshra.s32 s25, $0x2;
	[sflag:s16] =	ssyncset.done $0x0  }
0xc4: {  	s1 =	sadd.s32 $0x78A0, s0;
	[sflag:s16] =	ssyncadd.s32 $0xFFFFFB00  }
0xc5: {  	[spmem:s3] =	stream.indirect.scatter.add.f32 [tilespmem:s20], [sflag:$0x2], $0x10, s1, s19, $0xb8;
	[tilespmem:$0xF820] =	vst v63  }
0xc6: {  	_ =	swait.ge [sflag:s16], $0x500  }
0xc7: {  	[sflag:s16] =	ssyncset.done $0x0  }
0xc8: {  	s31 =	sadd.s32 $0x78F0, s0;
	[sflag:s16] =	ssyncadd.s32 $0xFFFFFB00  }
0xc9: {  	[spmem:s3] =	stream.indirect.scatter.add.f32 [tilespmem:s22], [sflag:$0x2], $0x10, s31, s19, $0xb8;
	[tilespmem:$0xF820] =	vst v63  }
0xca: {  	_ =	swait.ge [sflag:s16], $0x500  }
0xcb: {  	[sflag:s16] =	ssyncset.done $0x0  }
0xcc: {  	s25 =	sadd.s32 $0x7940, s0;
	[sflag:s16] =	ssyncadd.s32 $0xFFFFFB00  }
0xcd: {  	[spmem:s3] =	stream.indirect.scatter.add.f32 [tilespmem:s24], [sflag:$0x2], $0x10, s25, s19, $0xb8;
	[tilespmem:$0xF820] =	vst v63  }
0xce: {  	_ =	swait.ge [sflag:s16], $0x500  }
0xcf: {  	[sflag:s16] =	ssyncset.done $0x0  }
0xd0: {  	s28 =	sadd.s32 $0x7990, s0;
	[sflag:s16] =	ssyncadd.s32 $0xFFFFFB00  }
0xd1: {  	[spmem:s3] =	stream.indirect.scatter.add.f32 [tilespmem:s26], [sflag:$0x2], $0x10, s28, s19, $0xb8;
	[tilespmem:$0xF820] =	vst v63  }
0xd2: {  	_ =	swait.ge [sflag:s16], $0x500  }
0xd3: {  	[sflag:s16] =	ssyncset.done $0x0  }
0xd4: {  	s0 =	sadd.s32 $0x79E0, s0;
	[sflag:s16] =	ssyncadd.s32 $0xFFFFFB00  }
0xd5: {  	[spmem:s3] =	stream.indirect.scatter.add.f32 [tilespmem:s29], [sflag:$0x2], $0x10, s0, s19, $0xb8;
	[tilespmem:$0xF820] =	vst v63  }
0xd6: {  	_ =	swait.ge [sflag:s21], $0x500  }
0xd7: {  	[sflag:s21] =	ssyncset.done $0x0  }
0xd8: {  	[sflag:s21] =	ssyncadd.s32 $0xFFFFFB00  }
0xd9: {  	_ =	swait.ge [sflag:s21], $0x500  }
0xda: {  	[sflag:s21] =	ssyncset.done $0x0  }
0xdb: {  	[sflag:s21] =	ssyncadd.s32 $0xFFFFFB00  }
0xdc: {  	_ =	swait.ge [sflag:s21], $0x500  }
0xdd: {  	[sflag:s21] =	ssyncset.done $0x0  }
0xde: {  	[sflag:s21] =	ssyncadd.s32 $0xFFFFFB00  }
0xdf: {  	_ =	swait.ge [sflag:s21], $0x500  }
0xe0: {  	[sflag:s21] =	ssyncset.done $0x0  }
0xe1: {  	[sflag:s21] =	ssyncadd.s32 $0xFFFFFB00  }
0xe2: {  	_ =	swait.ge [sflag:s21], $0x500  }
0xe3: {  	s23 =	sadd.s32 $0x1, s23;
	[sflag:s21] =	ssyncset.done $0x0  }
0xe4: {  	s30 =	sor.u32 $0x1C03, s5;
	p0 =	sne.s32 s23, s12;
	[sflag:s21] =	ssyncadd.s32 $0xFFFFFB00  }
.Ltmp2:
0xe5: {  	s31 =	sshrl.u32 s10, $0x3;
	[bflag:$0x0] =	sbarrier.arrive $0xFFFF;
	(pc) =	sbr.rel @p0 .LBB2_1-.Ltmp2, $4  }
0xe6: {  	[hbm:s11], [sflag:s30] =	dma.local [spmem:s31], $0x500  }
0xe7: {  	_ =	swait.ge [sflag:s18], $0x500  }
0xe8: {  	[sflag:s18] =	ssyncset.done $0x0  }
0xe9: {  	[sflag:s18] =	ssyncadd.s32 $0xFFFFFB00  }
0xea: {  	_ =	sfence.sel $0x180000  }
0xeb: {  	[bflag:$0x0] =	sbarrier.arrive $0xFFFF  }
0xec: {  	_ =	strace $0x9000004D  }
0xed: {  	s0 =	stileid.u32;
	[bflag:$0x2] =	sbarrier.arrive $0xFFFF  }
0xee: {  	p0 =	sne.s32 s0, $0x0;
	s0 =	rddreg [dreg:$0x3]  }
0xef: {  	s0 =	sadd.s32 @!p0 $0x100000, s0  }
0xf0: {  	[sflag:s0] =	ssyncadd.tile.s32 @!p0 $0x1;
	_ =	shalt  }
.Lfunc_end2:
_tile_overlayer_lowered:
.L_overlay_start_2:
0xf1: {  	(tag) =	ssettag $0x2  }
0xf2: {  	s0 =	rddreg [dreg:$0x0];
	s2 =	stileid.u32  }
0xf3: {  	s1 =	rddreg [dreg:$0x1];
	p0 =	sne.s32 s2, $0x0  }
0xf4: {  	s3 =	rddreg [dreg:$0x2];
	[bflag:$0x3] =	sbarrier.arrive $0xFFFF;
	s2 =	simm.s32 @!p0 $0x1C03  }
0xf5: {  	[timem:s3], [sflag:s2] =	dma.local @!p0 [hbm:s0], s1  }
0xf6: {  	s0 =	simm.s32 @!p0 $0x3  }
0xf7: {  	_ =	swait.ge @!p0 [sflag:s0], s1  }
0xf8: {  	s1 =	ssub.s32 @!p0 $0x0, s1;
	[sflag:s0] =	ssyncset.done @!p0 $0x0  }
0xf9: {  	[sflag:s0] =	ssyncadd.s32 @!p0 s1  }
0xfa: {  	[bflag:$0x3] =	sbarrier.arrive $0xFFFF  }
0xfb: {  	_ =	shalt  }

// kernel: kernel.8.cloned.1.call-start
scs
__scs_entry_jumppad:
0x0: {  	(pc) =	sbr.rel $0x88, $3  }
0x1: {  	(tag) =	ssettag $0x0;
	lr =	simm.s32 $0x1  }
0x2: {  	[smem:$0x3F9B] =	sst lr;
	_ =	strace $0xD0000000  }
0x3: {  	_ = 	snop  }
0x4: {  	_ = 	snop  }
0x5: {  	_ = 	snop  }
0x6: {  	_ = 	snop  }
0x7: {  	_ = 	snop  }
__scs_overlays_trampoline_lowered:
0x8: {  	[smem:$0x3FAA] =	sst s0  }
0x9: {  	[smem:$0x3FAB] =	sst s1  }
0xa: {  	[smem:$0x3FAC] =	sst s2  }
0xb: {  	[smem:$0x3FAD] =	sst s3  }
0xc: {  	[smem:$0x3FAE] =	sst s4  }
0xd: {  	[smem:$0x3FAF] =	sst s5  }
0xe: {  	[smem:$0x3FB0] =	sst s6  }
0xf: {  	[smem:$0x3FB1] =	sst s7  }
0x10: {  	[smem:$0x3FB2] =	sst s8  }
0x11: {  	[smem:$0x3FB3] =	sst s9;
	s0 =	simm.s32 @!p0 $0x0  }
0x12: {  	s1 =	sld [smem:$0x3F99];
	s0 =	simm.s32 @p0 $0x1  }
0x13: {  	[smem:$0x3FB4] =	sst s0;
	s0 =	simm.s32 @!p1 $0x0  }
0x14: {  	s2 =	sld [smem:$0x3F98];
	s0 =	simm.s32 @p1 $0x1  }
0x15: {  	[smem:$0x3FB5] =	sst s0;
	s0 =	simm.s32 @!p2 $0x0  }
0x16: {  	s3 =	sld [smem:$0x3FDB];
	s0 =	simm.s32 @p2 $0x1  }
0x17: {  	s4 =	simm.s32 $0x1BF5;
	[smem:$0x3FB7] =	sst s0  }
0x18: {  	s0 =	sld [smem:$0x3F9A];
	_ =	swait.ge [sflag:s4], $0x0  }
0x19: {  	s7 =	sld [smem:$0x3F9B]  }
0x1a: {  	s8 =	sadd.s32 $0xFFFFE003, lr  }
0x1b: {  	s9 =	sadd.s32 $0xFFFFFEF7, lr;
	s5 =	simm.s32 $0xFFFFFFFF;
	p2 =	slt.u32 s8, $0xFFFFF086  }
0x1c: {  	p1 =	slt.u32 s9, $0xF7A;
	s5 =	simm.s32 @!p2 $0x0  }
0x1d: {  	s5 =	simm.s32 @p1 $0x1;
	p0 =	seq.s32 s7, s2  }
0x1e: {  	s7 =	smul.u32 @!p0 $0xF7A, s2;
	p2 =	seq.s32 @!p0 s5, $0x0  }
0x1f: {  	s9 =	smul.u32 $0xF7A, s1;
	s8 =	simm.s32 @!p0 $0x1BF5;
	p2 =	por !p2, p0  }
0x20: {  	[sflag:s8] =	ssyncset.s32 @!p0 $0xFFFFF086;
	s6 =	sadd.s32 @!p0 s3, s7;
	s7 =	simm.s32 @!p0 $0x108  }
0x21: {  	s3 =	sadd.s32 s3, s9;
	s6 =	sadd.s32 @!p0 $0x88, s6;
	s7 =	simm.s32 @p2 $0x1082  }
0x22: {  	[simem:s7], [sflag:s8] =	dma.local @!p0 [hbm:s6], $0xF7A  }
0x23: {  	s9 =	sor.u32 $0xD0000000, s2;
	s6 =	simm.s32 $0x108;
	_ =	swait.ge @!p0 [sflag:s8], $0x0  }
0x24: {  	s3 =	sadd.s32 $0x88, s3;
	s6 =	simm.s32 @!p1 $0x1082;
	[sflag:s4] =	ssyncset.s32 $0xFFFFF086  }
0x25: {  	[simem:s6], [sflag:s4] =	dma.local [hbm:s3], $0xF7A  }
0x26: {  	[smem:$0x3F9B] =	sst s1;
	(tag) =	ssettag s2;
	_ =	strace s9  }
0x27: {  	s1 =	sld [smem:$0x3FAB]  }
0x28: {  	s2 =	sld [smem:$0x3FAC]  }
0x29: {  	s4 =	sld [smem:$0x3FAE]  }
0x2a: {  	p0 =	seq.s32 s5, $0x0;
	s5 =	sld [smem:$0x3FAF]  }
0x2b: {  	s6 =	sld [smem:$0x3FB0]  }
0x2c: {  	s7 =	sld [smem:$0x3FB1]  }
0x2d: {  	s3 =	simm.s32 $0x108;
	s8 =	sld [smem:$0x3FB2]  }
0x2e: {  	s3 =	simm.s32 @!p0 $0x1082;
	s9 =	sld [smem:$0x3FB3]  }
0x2f: {  	lr =	sadd.s32 s0, s3;
	s0 =	sld [smem:$0x3FAA]  }
0x30: {  	s3 =	sld [smem:$0x3FAD]  }
0x31: {  	[smem:$0x3FB6] =	sst s10  }
0x32: {  	s10 =	sld [smem:$0x3FB4];
	_ =	sdelay $0x3  }
0x33: {  	p0 =	seq.s32 s10, $0x1;
	s10 =	sld [smem:$0x3FB6];
	_ =	sdelay $0x3  }
0x34: {  	[smem:$0x3FB6] =	sst s10  }
0x35: {  	s10 =	sld [smem:$0x3FB5];
	_ =	sdelay $0x3  }
0x36: {  	p1 =	seq.s32 s10, $0x1;
	s10 =	sld [smem:$0x3FB6];
	_ =	sdelay $0x3  }
0x37: {  	[smem:$0x3FB6] =	sst s10  }
0x38: {  	s10 =	sld [smem:$0x3FB7]  }
0x39: {  	_ = 	snop;
	(pc) =	sbr.ind lr, $3  }
0x3a: {  	_ = 	snop  }
0x3b: {  	_ = 	snop  }
0x3c: {  	p2 =	seq.s32 s10, $0x1;
	s10 =	sld [smem:$0x3FB6]  }
0x3d: {  	_ =	shalt  }
0x3e: {  	_ =	shalt  }
0x3f: {  	_ =	shalt  }
0x40: {  	_ =	shalt  }
0x41: {  	_ =	shalt  }
0x42: {  	_ =	shalt  }
0x43: {  	_ =	shalt  }
0x44: {  	_ =	shalt  }
0x45: {  	_ =	shalt  }
0x46: {  	_ =	shalt  }
0x47: {  	_ =	shalt  }
0x48: {  	_ =	shalt  }
0x49: {  	_ =	shalt  }
0x4a: {  	_ =	shalt  }
0x4b: {  	_ =	shalt  }
0x4c: {  	_ =	shalt  }
0x4d: {  	_ =	shalt  }
0x4e: {  	_ =	shalt  }
0x4f: {  	_ =	shalt  }
0x50: {  	_ =	shalt  }
0x51: {  	_ =	shalt  }
0x52: {  	_ =	shalt  }
0x53: {  	_ =	shalt  }
0x54: {  	_ =	shalt  }
0x55: {  	_ =	shalt  }
0x56: {  	_ =	shalt  }
0x57: {  	_ =	shalt  }
0x58: {  	_ =	shalt  }
0x59: {  	_ =	shalt  }
0x5a: {  	_ =	shalt  }
0x5b: {  	_ =	shalt  }
0x5c: {  	_ =	shalt  }
0x5d: {  	_ =	shalt  }
0x5e: {  	_ =	shalt  }
0x5f: {  	_ =	shalt  }
0x60: {  	_ =	shalt  }
0x61: {  	_ =	shalt  }
0x62: {  	_ =	shalt  }
0x63: {  	_ =	shalt  }
0x64: {  	_ =	shalt  }
0x65: {  	_ =	shalt  }
0x66: {  	_ =	shalt  }
0x67: {  	_ =	shalt  }
0x68: {  	_ =	shalt  }
0x69: {  	_ =	shalt  }
0x6a: {  	_ =	shalt  }
0x6b: {  	_ =	shalt  }
0x6c: {  	_ =	shalt  }
0x6d: {  	_ =	shalt  }
0x6e: {  	_ =	shalt  }
0x6f: {  	_ =	shalt  }
0x70: {  	_ =	shalt  }
0x71: {  	_ =	shalt  }
0x72: {  	_ =	shalt  }
0x73: {  	_ =	shalt  }
0x74: {  	_ =	shalt  }
0x75: {  	_ =	shalt  }
0x76: {  	_ =	shalt  }
0x77: {  	_ =	shalt  }
0x78: {  	_ =	shalt  }
0x79: {  	_ =	shalt  }
0x7a: {  	_ =	shalt  }
0x7b: {  	_ =	shalt  }
0x7c: {  	_ =	shalt  }
0x7d: {  	_ =	shalt  }
0x7e: {  	_ =	shalt  }
0x7f: {  	_ =	shalt  }
0x80: {  	_ =	shalt  }
0x81: {  	_ =	shalt  }
0x82: {  	_ =	shalt  }
0x83: {  	_ =	shalt  }
0x84: {  	_ =	shalt  }
0x85: {  	_ =	shalt  }
0x86: {  	_ =	shalt  }
0x87: {  	_ =	shalt  }
.Lfunc_end0:
.L_simem_size_0:
called_computation_lowered:
.L_overlay_start_0:
0x88: {  	s2 =	sld [smem:$0x3FD9]  }
0x89: {  	s3 =	sld [smem:$0x3FFE];
	_ =	sdelay $0x1  }
0x8a: {  	s1 =	srdreg.scid  }
0x8b: {  	s0 =	sand.u32 $0x1, s1  }
0x8c: {  	s17 =	sshll.u32 s0, $0xA;
	s2 =	sadd.s32 s3, s2  }
0x8d: {  	s2 =	sadd.s32 s2, s17  }
0x8e: {  	[smem:$0x3FC2] =	sst s2  }
0x8f: {  	_ = 	snop  }
0x90: {  	s2 =	sld [smem:$0x3FD0];
	(tm) =	ssettm $0x1  }
0x91: {  	s18 =	sld [smem:$0x3FFB];
	_ =	sdelay $0x3  }
0x92: {  	_ =	strace s18  }
0x93: {  	s3 =	sld [smem:$0x3FFC];
	_ =	sdelay $0x3  }
0x94: {  	_ =	strace s3  }
0x95: {  	s3 =	sld [smem:$0x3FFD];
	_ =	sdelay $0x3  }
0x96: {  	_ =	strace s3  }
0x97: {  	_ =	strace $0x8FFFFFFF  }
0x98: {  	s19 =	sld [smem:$0x3FDB];
	_ =	sdelay $0x1  }
0x99: {  	s4 =	simm.s32 $_scs_section_size  }
0x9a: {  	s5 =	simm.s32 $_size__tile_overlayer_lowered;
	s6 =	simm.s32 $_tile_overlayer_lowered  }
0x9b: {  	s22 =	simm.s32 $0x1BFF;
	s21 =	sshll.u32 s6, $0x1;
	s3 =	sadd.s32 s4, s19  }
0x9c: {  	s7 =	simm.s32 $0x0;
	s20 =	sshll.u32 s5, $0x1;
	s5 =	sadd.s32 s21, s3  }
0x9d: {  	[timem:s7], [sflag:s22] =	dma.local [hbm:s5], s20  }
0x9e: {  	_ =	swait.ge [sflag:s22], s20  }
0x9f: {  	s4 =	ssub.s32 $0x0, s20;
	[sflag:s22] =	ssyncset.done $0x0  }
0xa0: {  	[sflag:s22] =	ssyncadd.s32 s4;
	_ =	sdelay $0x1  }
0xa1: {  	s23 =	simm.s32 $0x1B8B  }
0xa2: {  	_ =	swait.ge [sflag:s23], $0x1  }
0xa3: {  	[sflag:s23] =	ssyncset.done $0x0  }
0xa4: {  	s25 =	simm.s32 $0x1B8E;
	s24 =	sld [smem:$0x3FFE];
	[sflag:s23] =	ssyncadd.s32 $0xFFFFFFFF  }
0xa5: {  	s26 =	simm.s32 $execute0_lowered;
	[smem:$0x3FD2] =	sst s25  }
0xa6: {  	s5 =	sshll.u32 s26, $0x1;
	_ =	strace $0x80000046;
	[dreg:$0x1] =	wrdreg $0xFFFFFFFF  }
0xa7: {  	s28 =	simm.s32 $_size_execute0_lowered;
	s3 =	sadd.s32 s3, s5;
	[dreg:$0x0] =	wrdreg $0x0  }
0xa8: {  	s5 =	sshll.u32 s28, $0x1;
	[dreg:$0x2] =	wrdreg s3  }
0xa9: {  	[dreg:$0x3] =	wrdreg s5  }
0xaa: {  	[dreg:$0x4] =	wrdreg $0xC0  }
0xab: {  	_ =	task [dreg:s7], $0x5FFFF  }
0xac: {  	[dreg:$0x1] =	wrdreg $0xFFFFFFFF  }
0xad: {  	[dreg:$0x0] =	wrdreg $0x60  }
0xae: {  	[dreg:$0x2] =	wrdreg s24  }
0xaf: {  	[dreg:$0x3] =	wrdreg s2  }
0xb0: {  	[dreg:$0x4] =	wrdreg $0x0  }
0xb1: {  	[dreg:$0x5] =	wrdreg $0x9  }
0xb2: {  	_ =	task.clear_ibuf [dreg:s7], $0x6FFFF;
	_ =	strace $0x90000046  }
0xb3: {  	s29 =	simm.s32 $0x9;
	_ =	strace $0x80000048  }
0xb4: {  	_ =	swait.ge [sflag:s29], $0x1  }
0xb5: {  	[sflag:s29] =	ssyncadd.s32 $0xFFFFFFFF  }
0xb6: {  	_ =	strace $0x90000048  }
0xb7: {  	_ =	sfence  }
0xb8: {  	s30 =	sld [smem:$0x0];
	_ =	sdelay $0x2  }
0xb9: {  	s31 =	sshll.u32 s1, $0xD;
	s1 =	sshrl.u32 s1, $0x2  }
0xba: {  	s3 =	sand.u32 $0x4000, s31;
	s1 =	sadd.s32 s1, s30  }
0xbb: {  	s0 =	sor.u32 s3, s0;
	s1 =	sshll.u32 s1, $0x11  }
0xbc: {  	s0 =	sor.u32 s1, s0  }
0xbd: {  	s0 =	sadd.s32 $0x8F2B, s0  }
0xbe: {  	[sflag:s0] =	ssyncadd.remote.s32 $0x1  }
0xbf: {  	_ =	sfence.sel $0xFFFF  }
0xc0: {  	[dreg:$0x0] =	wrdreg $0xFFFFFFFF;
	(pc) =	sbr.abs _section_cstart, $3  }
0xc1: {  	[dreg:$0x1] =	wrdreg $0xFFFFFFFF  }
0xc2: {  	_ =	task.clear_ibuf [dreg:s7], $0x2FFFF;
	_ =	strace $0x9FFFFFFF  }
0xc3: {  	(tm) =	ssettm $0x7FFFFFFF  }
tec
execute0_lowered:
.L_overlay_start_1:
0x0: {  	(tag) =	ssettag $0x1  }
0x1: {  	s4 =	rddreg [dreg:$0x0]  }
0x2: {  	s0 =	srdreg.scid;
	s6 =	rddreg [dreg:$0x1]  }
0x3: {  	s2 =	rddreg [dreg:$0x2];
	s3 =	simm.s32 $0x0;
	s11 =	simm.s32 $0x50  }
0x4: {  	s12 =	simm.s32 $0x2990;
	s13 =	simm.s32 $0x1;
	s16 =	simm.s32 $0x0  }
0x5: {  	s5 =	sand.u32 $0x1, s0;
	s0 =	stileid.u32;
	[smem:$0x7FF] =	sst s3  }
0x6: {  	s1 =	sshll.u32 s5, $0x4;
	s8 =	smul.u32 $0x280, s0;
	s9 =	ssub.s32 $0x2, s5  }
0x7: {  	s5 =	smul.u32 $0x2800, s5;
	s14 =	sshll.u32 s0, $0x6;
	s7 =	sor.u32 s0, s1  }
0x8: {  	s1 =	rddreg [dreg:$0x3];
	_ =	strace $0x80000047;
	s7 =	smul.u32 $0x2710, s7  }
0x9: {  	s10 =	sshrl.u32 s9, $0x1;
	s14 =	sor.u32 $0x1C02, s14;
	s30 =	sadd.s32 s8, s5  }
0xa: {  	s9 =	ssub.s32 s9, s10;
	s31 =	sshrl.u32 s30, $0x3;
	s7 =	sshrl.u32 s7, $0x3  }
0xb: {  	s10 =	simm.s32 $0x280;
	s6 =	sadd.s32 s6, s31;
	s7 =	sadd.s32 s4, s7  }
0xc: {  	s4 =	sadd.s32 s8, s2;
	s8 =	simm.s32 $0x29E0;
	s5 =	sadd.s32 $0xCC40, s7  }
0xd: {  	v0 =	vimm.f32 $0.0e+00;
	v1 =	vimm.f32 $1.000000000e+00;
	s7 =	smax.u32 s9, $0x1;
	s9 =	simm.s32 $0x2;
	s15 =	sshrl.u32 s4, $0x3  }
.LBB2_1:
0xe: {  	[tilespmem:$0x29E0] =	vst v0  }
0xf: {  	[tilespmem:$0x29F0] =	vst v0  }
0x10: {  	[tilespmem:$0x2A00] =	vst v0  }
0x11: {  	[tilespmem:$0x2A10] =	vst v0  }
0x12: {  	[tilespmem:$0x2A20] =	vst v0  }
0x13: {  	[tilespmem:$0x2A30] =	vst v0  }
0x14: {  	[tilespmem:$0x2A40] =	vst v0  }
0x15: {  	[tilespmem:$0x2A50] =	vst v0  }
0x16: {  	[tilespmem:$0x2A60] =	vst v0  }
0x17: {  	[tilespmem:$0x2A70] =	vst v0  }
0x18: {  	[tilespmem:$0x2A80] =	vst v0  }
0x19: {  	[tilespmem:$0x2A90] =	vst v0  }
0x1a: {  	[tilespmem:$0x2AA0] =	vst v0  }
0x1b: {  	[tilespmem:$0x2AB0] =	vst v0  }
0x1c: {  	[tilespmem:$0x2AC0] =	vst v0  }
0x1d: {  	[tilespmem:$0x2AD0] =	vst v0  }
0x1e: {  	[tilespmem:$0x2AE0] =	vst v0  }
0x1f: {  	[tilespmem:$0x2AF0] =	vst v0  }
0x20: {  	[tilespmem:$0x2B00] =	vst v0  }
0x21: {  	[tilespmem:$0x2B10] =	vst v0  }
0x22: {  	[tilespmem:$0x2B20] =	vst v0  }
0x23: {  	[tilespmem:$0x2B30] =	vst v0  }
0x24: {  	[tilespmem:$0x2B40] =	vst v0  }
0x25: {  	[tilespmem:$0x2B50] =	vst v0  }
0x26: {  	[tilespmem:$0x2B60] =	vst v0  }
0x27: {  	[tilespmem:$0x2B70] =	vst v0  }
0x28: {  	[tilespmem:$0x2B80] =	vst v0  }
0x29: {  	[tilespmem:$0x2B90] =	vst v0  }
0x2a: {  	[tilespmem:$0x2BA0] =	vst v0  }
0x2b: {  	[tilespmem:$0x2BB0] =	vst v0  }
0x2c: {  	[tilespmem:$0x2BC0] =	vst v0  }
0x2d: {  	[tilespmem:$0x2BD0] =	vst v0  }
0x2e: {  	[tilespmem:$0x2BE0] =	vst v0  }
0x2f: {  	[tilespmem:$0x2BF0] =	vst v0  }
0x30: {  	[tilespmem:$0x2C00] =	vst v0  }
0x31: {  	[tilespmem:$0x2C10] =	vst v0  }
0x32: {  	[tilespmem:$0x2C20] =	vst v0  }
0x33: {  	[tilespmem:$0x2C30] =	vst v0  }
0x34: {  	[tilespmem:$0x2C40] =	vst v0  }
0x35: {  	[tilespmem:$0x2C50] =	vst v0  }
0x36: {  	[spmem:s4] =	stream.linear.scatter [tilespmem:s8], [sflag:$0x2], $0x280, $0x38;
	[tilespmem:$0x2C60] =	vst v63  }
0x37: {  	_ =	swait.ge [sflag:s9], $0x280  }
0x38: {  	[sflag:s9] =	ssyncset.done $0x0  }
0x39: {  	[sflag:s9] =	ssyncadd.s32 $0xFFFFFD80  }
0x3a: {  	[tilespmem:$0x2990] =	vst v1  }
0x3b: {  	[tilespmem:$0x29A0] =	vst v1  }
0x3c: {  	[tilespmem:$0x29B0] =	vst v1  }
0x3d: {  	[tilespmem:$0x29C0] =	vst v1  }
0x3e: {  	[tilespmem:$0x29D0] =	vst v1  }
0x3f: {  	[tilespmem:s10], [sflag:$0x2] =	stream.linear.gather [hbm4b:s5+s3], $0x2710, $0x38;
	[tilespmem:$0x2C60] =	vst v63  }
0x40: {  	_ =	swait.ge [sflag:s9], $0x2710  }
0x41: {  	[sflag:s9] =	ssyncset.done $0x0  }
0x42: {  	[sflag:s9] =	ssyncadd.s32 $0xFFFFD8F0  }
0x43: {  	s17 =	simm.s32 $0x280;
	[bflag:$0x0] =	sbarrier.arrive $0xFFFF  }
0x44: {  	[spmem:s2] =	stream.indirect.scatter.add.f32 [tilespmem:s12], [sflag:$0x1], $0x1, s17, s11, $0xb8;
	[tilespmem:$0x2C60] =	vst v63  }
0x45: {  	s28 =	simm.s32 $0x2D0  }
0x46: {  	[spmem:s2] =	stream.indirect.scatter.add.f32 [tilespmem:s12], [sflag:$0x1], $0x1, s28, s11, $0xb8;
	[tilespmem:$0x2C60] =	vst v63  }
0x47: {  	s29 =	simm.s32 $0x320  }
0x48: {  	[spmem:s2] =	stream.indirect.scatter.add.f32 [tilespmem:s12], [sflag:$0x1], $0x1, s29, s11, $0xb8;
	[tilespmem:$0x2C60] =	vst v63  }
0x49: {  	s30 =	simm.s32 $0x370  }
0x4a: {  	[spmem:s2] =	stream.indirect.scatter.add.f32 [tilespmem:s12], [sflag:$0x1], $0x1, s30, s11, $0xb8;
	[tilespmem:$0x2C60] =	vst v63  }
0x4b: {  	s31 =	simm.s32 $0x3C0  }
0x4c: {  	[spmem:s2] =	stream.indirect.scatter.add.f32 [tilespmem:s12], [sflag:$0x1], $0x1, s31, s11, $0xb8;
	[tilespmem:$0x2C60] =	vst v63  }
0x4d: {  	_ =	swait.ge [sflag:s13], $0x50  }
0x4e: {  	[sflag:s13] =	ssyncset.done $0x0  }
0x4f: {  	[sflag:s13] =	ssyncadd.s32 $0xFFFFFFB0  }
0x50: {  	_ =	swait.ge [sflag:s13], $0x50  }
0x51: {  	[sflag:s13] =	ssyncset.done $0x0  }
0x52: {  	[sflag:s13] =	ssyncadd.s32 $0xFFFFFFB0  }
0x53: {  	_ =	swait.ge [sflag:s13], $0x50  }
0x54: {  	[sflag:s13] =	ssyncset.done $0x0  }
0x55: {  	[sflag:s13] =	ssyncadd.s32 $0xFFFFFFB0  }
0x56: {  	_ =	swait.ge [sflag:s13], $0x50  }
0x57: {  	[sflag:s13] =	ssyncset.done $0x0  }
0x58: {  	[sflag:s13] =	ssyncadd.s32 $0xFFFFFFB0  }
0x59: {  	_ =	swait.ge [sflag:s13], $0x50  }
0x5a: {  	s18 =	simm.s32 $0xC80;
	s17 =	simm.s32 $0x190;
	[sflag:s13] =	ssyncset.done $0x0  }
.LBB2_2:
0x5b: {  	s19 =	sadd.s32 $0x280, s17  }
0x5c: {  	[sflag:s13] =	ssyncadd.s32 $0xFFFFFFB0;
	s20 =	smov.u32 s18;
	s21 =	sadd.s32 $0x640, s18  }
0x5d: {  	[spmem:s2] =	stream.indirect.scatter.add.f32 [tilespmem:s12], [sflag:$0x1], $0x1, s19, s11, $0xb8;
	[tilespmem:$0x2C60] =	vst v63  }
0x5e: {  	p0 =	sne.s32 s18, $0x9600;
	s18 =	sadd.s32 $0x2D0, s17  }
0x5f: {  	[spmem:s2] =	stream.indirect.scatter.add.f32 [tilespmem:s12], [sflag:$0x1], $0x1, s18, s11, $0xb8;
	[tilespmem:$0x2C60] =	vst v63  }
0x60: {  	s18 =	sadd.s32 $0x320, s17  }
0x61: {  	[spmem:s2] =	stream.indirect.scatter.add.f32 [tilespmem:s12], [sflag:$0x1], $0x1, s18, s11, $0xb8;
	[tilespmem:$0x2C60] =	vst v63  }
0x62: {  	s18 =	sadd.s32 $0x370, s17  }
0x63: {  	[spmem:s2] =	stream.indirect.scatter.add.f32 [tilespmem:s12], [sflag:$0x1], $0x1, s18, s11, $0xb8;
	[tilespmem:$0x2C60] =	vst v63  }
0x64: {  	s17 =	sadd.s32 $0x3C0, s17  }
0x65: {  	[spmem:s2] =	stream.indirect.scatter.add.f32 [tilespmem:s12], [sflag:$0x1], $0x1, s17, s11, $0xb8;
	[tilespmem:$0x2C60] =	vst v63  }
0x66: {  	_ =	swait.ge [sflag:s13], $0x50  }
0x67: {  	[sflag:s13] =	ssyncset.done $0x0  }
0x68: {  	[sflag:s13] =	ssyncadd.s32 $0xFFFFFFB0  }
0x69: {  	_ =	swait.ge [sflag:s13], $0x50  }
0x6a: {  	[sflag:s13] =	ssyncset.done $0x0  }
0x6b: {  	[sflag:s13] =	ssyncadd.s32 $0xFFFFFFB0  }
0x6c: {  	_ =	swait.ge [sflag:s13], $0x50  }
0x6d: {  	[sflag:s13] =	ssyncset.done $0x0  }
0x6e: {  	[sflag:s13] =	ssyncadd.s32 $0xFFFFFFB0  }
.Ltmp0:
0x6f: {  	_ =	swait.ge [sflag:s13], $0x50;
	(pc) =	sbr.rel @p0 .LBB2_2-.Ltmp0, $4  }
0x70: {  	[sflag:s13] =	ssyncset.done $0x0  }
0x71: {  	[sflag:s13] =	ssyncadd.s32 $0xFFFFFFB0  }
0x72: {  	_ =	swait.ge [sflag:s13], $0x50  }
0x73: {  	s18 =	smov.u32 s21;
	s17 =	sshra.s32 s20, $0x2;
	[sflag:s13] =	ssyncset.done $0x0  }
0x74: {  	s18 =	sadd.s32 $0x280, s17;
	[sflag:s13] =	ssyncadd.s32 $0xFFFFFFB0  }
0x75: {  	[spmem:s2] =	stream.indirect.scatter.add.f32 [tilespmem:s12], [sflag:$0x1], $0x1, s18, s11, $0xb8;
	[tilespmem:$0x2C60] =	vst v63  }
0x76: {  	s28 =	sadd.s32 $0x2D0, s17  }
0x77: {  	[spmem:s2] =	stream.indirect.scatter.add.f32 [tilespmem:s12], [sflag:$0x1], $0x1, s28, s11, $0xb8;
	[tilespmem:$0x2C60] =	vst v63  }
0x78: {  	s29 =	sadd.s32 $0x320, s17  }
0x79: {  	[spmem:s2] =	stream.indirect.scatter.add.f32 [tilespmem:s12], [sflag:$0x1], $0x1, s29, s11, $0xb8;
	[tilespmem:$0x2C60] =	vst v63  }
0x7a: {  	s30 =	sadd.s32 $0x370, s17  }
0x7b: {  	[spmem:s2] =	stream.indirect.scatter.add.f32 [tilespmem:s12], [sflag:$0x1], $0x1, s30, s11, $0xb8;
	[tilespmem:$0x2C60] =	vst v63  }
0x7c: {  	s31 =	sadd.s32 $0x3C0, s17  }
0x7d: {  	[spmem:s2] =	stream.indirect.scatter.add.f32 [tilespmem:s12], [sflag:$0x1], $0x1, s31, s11, $0xb8;
	[tilespmem:$0x2C60] =	vst v63  }
0x7e: {  	_ =	swait.ge [sflag:s13], $0x50  }
0x7f: {  	[sflag:s13] =	ssyncset.done $0x0  }
0x80: {  	[sflag:s13] =	ssyncadd.s32 $0xFFFFFFB0  }
0x81: {  	_ =	swait.ge [sflag:s13], $0x50  }
0x82: {  	[sflag:s13] =	ssyncset.done $0x0  }
0x83: {  	[sflag:s13] =	ssyncadd.s32 $0xFFFFFFB0  }
0x84: {  	_ =	swait.ge [sflag:s13], $0x50  }
0x85: {  	[sflag:s13] =	ssyncset.done $0x0  }
0x86: {  	[sflag:s13] =	ssyncadd.s32 $0xFFFFFFB0  }
0x87: {  	_ =	swait.ge [sflag:s13], $0x50  }
0x88: {  	[sflag:s13] =	ssyncset.done $0x0  }
0x89: {  	[sflag:s13] =	ssyncadd.s32 $0xFFFFFFB0  }
0x8a: {  	_ =	swait.ge [sflag:s13], $0x50  }
0x8b: {  	s16 =	sadd.s32 $0x1, s16;
	[sflag:s13] =	ssyncset.done $0x0  }
0x8c: {  	p0 =	sne.s32 s16, s7;
	[sflag:s13] =	ssyncadd.s32 $0xFFFFFFB0  }
.Ltmp1:
0x8d: {  	[bflag:$0x0] =	sbarrier.arrive $0xFFFF;
	(pc) =	sbr.rel @p0 .LBB2_1-.Ltmp1, $4  }
0x8e: {  	[hbm:s6], [sflag:s14] =	dma.local [spmem:s15], $0x50  }
0x8f: {  	_ =	swait.ge [sflag:s9], $0x50  }
0x90: {  	[sflag:s9] =	ssyncset.done $0x0  }
0x91: {  	[sflag:s9] =	ssyncadd.s32 $0xFFFFFFB0  }
0x92: {  	_ =	sfence.sel $0x180000  }
0x93: {  	[bflag:$0x0] =	sbarrier.arrive $0xFFFF  }
0x94: {  	p0 =	sne.s32 s0, $0x0;
	_ =	strace $0x90000047  }
0x95: {  	s0 =	sadd.s32 @!p0 $0x100000, s1;
	[bflag:$0x2] =	sbarrier.arrive $0xFFFF  }
0x96: {  	[sflag:s0] =	ssyncadd.tile.s32 @!p0 $0x1;
	_ =	shalt  }
.Lfunc_end2:
_tile_overlayer_lowered:
.L_overlay_start_2:
0x97: {  	(tag) =	ssettag $0x2  }
0x98: {  	s0 =	rddreg [dreg:$0x0];
	s2 =	stileid.u32  }
0x99: {  	s1 =	rddreg [dreg:$0x1];
	p0 =	sne.s32 s2, $0x0  }
0x9a: {  	s3 =	rddreg [dreg:$0x2];
	[bflag:$0x3] =	sbarrier.arrive $0xFFFF;
	s2 =	simm.s32 @!p0 $0x1C02  }
0x9b: {  	[timem:s3], [sflag:s2] =	dma.local @!p0 [hbm:s0], s1  }
0x9c: {  	s0 =	simm.s32 @!p0 $0x2  }
0x9d: {  	_ =	swait.ge @!p0 [sflag:s0], s1  }
0x9e: {  	s1 =	ssub.s32 @!p0 $0x0, s1;
	[sflag:s0] =	ssyncset.done @!p0 $0x0  }
0x9f: {  	[sflag:s0] =	ssyncadd.s32 @!p0 s1  }
0xa0: {  	[bflag:$0x3] =	sbarrier.arrive $0xFFFF  }
0xa1: {  	_ =	shalt  }

</sc_bundles>
